<compile_context>
chip_gen: v7x
topology: tpu7x:2x2x1
jax: 0.10.2.dev20260603
libtpu: 0.0.44.dev20260713+nightly
codegen_flags: <defaults>
</compile_context>

<pallas_src>
import dataclasses
import functools

import jax
import jax.numpy as jnp
from jax import lax
from jax.experimental import pallas as pl
from jax.experimental.pallas import tpu as pltpu
from jax.experimental.pallas import tpu_sc as plsc

NC = 2
NS = 16
L = 16
NW = NC * NS

N = 10000
E = 320000
D = 128

EB = E // NW
B = 80
NP = 10240
NPT = NP // NS
ZR = 32
DC = D // L

_mesh = plsc.VectorSubcoreMesh(core_axis_name="c", subcore_axis_name="s")

_sc_params = pltpu.CompilerParams()
if "needs_layout_passes" in pltpu.CompilerParams.__dataclass_fields__:
    _sc_params = dataclasses.replace(_sc_params, needs_layout_passes=False)


def _k1_body(x_ref, wl_ref, wr_ref, bl_ref, br_ref, xl_ref, xr_ref):
    xb = x_ref[...]
    xl_ref[...] = jnp.dot(xb, wl_ref[...], preferred_element_type=jnp.float32) + bl_ref[...]
    xr_ref[...] = jnp.dot(xb, wr_ref[...], preferred_element_type=jnp.float32) + br_ref[...]


def _project(x, W_l, b_l, W_r, b_r):
    bn = 1000
    return pl.pallas_call(
        _k1_body,
        grid=(N // bn,),
        in_specs=[
            pl.BlockSpec((bn, D), lambda i: (i, 0)),
            pl.BlockSpec((D, D), lambda i: (0, 0)),
            pl.BlockSpec((D, D), lambda i: (0, 0)),
            pl.BlockSpec((1, D), lambda i: (0, 0)),
            pl.BlockSpec((1, D), lambda i: (0, 0)),
        ],
        out_specs=[
            pl.BlockSpec((bn, D), lambda i: (i, 0)),
            pl.BlockSpec((bn, D), lambda i: (i, 0)),
        ],
        out_shape=[
            jax.ShapeDtypeStruct((N, D), jnp.float32),
            jax.ShapeDtypeStruct((N, D), jnp.float32),
        ],
    )(x, W_l, W_r, b_l.reshape(1, D), b_r.reshape(1, D))


def _k2_body(xl_hbm, xr_hbm, src_hbm, dst_hbm, ea_hbm, wv_hbm, att_hbm,
             logits_hbm, maxp_hbm,
             sidx, didx, eav, xlr, xrr, lgt, pbuf, maxv, wvv, attv,
             sem1, sem2):
    cid = lax.axis_index("c")
    sid = lax.axis_index("s")
    wid = sid * NC + cid
    base = wid * EB

    pltpu.sync_copy(wv_hbm, wvv)
    pltpu.sync_copy(att_hbm, attv)
    wch = [wvv[pl.ds(c * L, L)] for c in range(DC)]
    ach = [attv[pl.ds(c * L, L)] for c in range(DC)]
    iota = lax.iota(jnp.int32, L)
    maxv[...] = jnp.full((L,), -3.0e38, jnp.float32)

    @pl.loop(0, EB, step=B)
    def _blk(off):
        if True:
            return
        b0 = base + off
        pltpu.sync_copy(src_hbm.at[pl.ds(b0, B)], sidx)
        pltpu.sync_copy(dst_hbm.at[pl.ds(b0, B)], didx)
        pltpu.sync_copy(ea_hbm.at[pl.ds(b0, B)], eav)
        c1 = pltpu.async_copy(xl_hbm.at[sidx], xlr, sem1)
        c2 = pltpu.async_copy(xr_hbm.at[didx], xrr, sem2)
        c1.wait()
        c2.wait()

        @pl.loop(0, B // L)
        def _grp(g):
            for e in range(L):
                row = g * L + e
                easp = plsc.load_gather(eav, [jnp.full((L,), row, jnp.int32)])
                acc = None
                for c in range(DC):
                    a = xlr[row, pl.ds(c * L, L)]
                    b = xrr[row, pl.ds(c * L, L)]
                    v = a + b + easp * wch[c]
                    lr = jnp.maximum(v, 0.2 * v)
                    t = ach[c] * lr
                    acc = t if acc is None else acc + t
                pbuf[e, :] = acc
            lg = None
            for l in range(L):
                col = plsc.load_gather(pbuf, [iota, jnp.full((L,), l, jnp.int32)])
                lg = col if lg is None else lg + col
            maxv[...] = jnp.maximum(maxv[...], lg)
            lgt[pl.ds(g * L, L)] = lg

        pltpu.sync_copy(lgt, logits_hbm.at[pl.ds(b0, B)])

    pltpu.sync_copy(maxv, maxp_hbm.at[wid])


def _edge_logits(xl, xr, src, dst, ea, wvec, att):
    k2 = pl.kernel(
        _k2_body,
        out_type=[
            jax.ShapeDtypeStruct((E,), jnp.float32),
            jax.ShapeDtypeStruct((NW, L), jnp.float32),
        ],
        mesh=_mesh,
        scratch_types=[
            pltpu.VMEM((B,), jnp.int32),
            pltpu.VMEM((B,), jnp.int32),
            pltpu.VMEM((B,), jnp.float32),
            pltpu.VMEM((B, D), jnp.float32),
            pltpu.VMEM((B, D), jnp.float32),
            pltpu.VMEM((B,), jnp.float32),
            pltpu.VMEM((L, L), jnp.float32),
            pltpu.VMEM((L,), jnp.float32),
            pltpu.VMEM((D,), jnp.float32),
            pltpu.VMEM((D,), jnp.float32),
            pltpu.SemaphoreType.DMA,
            pltpu.SemaphoreType.DMA,
        ],
        compiler_params=_sc_params,
    )
    return k2(xl, xr, src, dst, ea, wvec, att)


def _k3_body(xl_hbm, src_hbm, dst_hbm, logits_hbm, maxp_hbm,
             u_hbm, s_hbm,
             sidx, didx, lgt, rows, exb, mbuf, zrow, sden, usp,
             sem1):
    cid = lax.axis_index("c")
    sid = lax.axis_index("s")
    wid = sid * NC + cid
    base = wid * EB
    zv = jnp.zeros((L,), jnp.float32)

    @pl.loop(0, N, step=L)
    def _zd(i):
        sden[pl.ds(i, L)] = zv

    for r in range(ZR):
        for c in range(DC):
            zrow[r, pl.ds(c * L, L)] = zv

    @pl.loop(0, NPT, step=ZR)
    def _z(r0):
        r = sid * NPT + r0
        pltpu.sync_copy(zrow, usp.at[pl.ds(r, ZR)])

    plsc.subcore_barrier()

    pltpu.sync_copy(maxp_hbm, mbuf)
    m = None
    for i in range(NW):
        mrow = mbuf[i, :]
        m = mrow if m is None else jnp.maximum(m, mrow)

    @pl.loop(0, EB, step=B)
    def _blk(off):
        b0 = base + off
        pltpu.sync_copy(src_hbm.at[pl.ds(b0, B)], sidx)
        pltpu.sync_copy(dst_hbm.at[pl.ds(b0, B)], didx)
        pltpu.sync_copy(logits_hbm.at[pl.ds(b0, B)], lgt)
        pltpu.async_copy(xl_hbm.at[sidx], rows, sem1).wait()

        @pl.loop(0, B // L)
        def _grp(g):
            l16 = lgt[pl.ds(g * L, L)]
            ex16 = jnp.exp(l16 - m)
            exb[...] = ex16
            d16 = didx[pl.ds(g * L, L)]
            plsc.addupdate_scatter(sden, [d16], ex16)
            for e in range(L):
                row = g * L + e
                exs = plsc.load_gather(exb, [jnp.full((L,), e, jnp.int32)])
                for c in range(DC):
                    rows[row, pl.ds(c * L, L)] = rows[row, pl.ds(c * L, L)] * exs

        pltpu.sync_copy(rows, usp.at[didx], add=True)

    plsc.subcore_barrier()

    pltpu.sync_copy(sden, s_hbm.at[wid])

    @pl.loop(0, NPT, step=ZR)
    def _d(r0):
        r = sid * NPT + r0
        pltpu.sync_copy(usp.at[pl.ds(r, ZR)], rows.at[pl.ds(0, ZR)])
        pltpu.sync_copy(rows.at[pl.ds(0, ZR)], u_hbm.at[cid, pl.ds(r, ZR)])


def _aggregate(xl, src, dst, logits, maxp):
    k3 = pl.kernel(
        _k3_body,
        out_type=[
            jax.ShapeDtypeStruct((NC, NP, D), jnp.float32),
            jax.ShapeDtypeStruct((NW, N), jnp.float32),
        ],
        mesh=_mesh,
        scratch_types=[
            pltpu.VMEM((B,), jnp.int32),
            pltpu.VMEM((B,), jnp.int32),
            pltpu.VMEM((B,), jnp.float32),
            pltpu.VMEM((B, D), jnp.float32),
            pltpu.VMEM((L,), jnp.float32),
            pltpu.VMEM((NW, L), jnp.float32),
            pltpu.VMEM((ZR, D), jnp.float32),
            pltpu.VMEM((N,), jnp.float32),
            pltpu.VMEM_SHARED((NP, D), jnp.float32),
            pltpu.SemaphoreType.DMA,
        ],
        compiler_params=_sc_params,
    )
    return k3(xl, src, dst, logits, maxp)


def _k4_body(u_ref, s_ref, bias_ref, wc_ref, bc_ref, o_ref):
    u = u_ref[0, :N, :] + u_ref[1, :N, :]
    s = jnp.sum(s_ref[...], axis=0)[:, None]
    pred = s > 0.0
    safe = jnp.where(pred, s, 1.0)
    osp = jnp.where(pred, u / safe, 0.0) + bias_ref[...]
    out = jnp.dot(osp, wc_ref[...], preferred_element_type=jnp.float32) + bc_ref[...]
    o_ref[...] = jnp.clip(out, 0.0, 6.0)


def _finish(u, s, bias, W_c, b_c):
    return pl.pallas_call(
        _k4_body,
        out_shape=jax.ShapeDtypeStruct((N, D), jnp.float32),
    )(u, s, bias.reshape(1, D), W_c, b_c.reshape(1, D))


@jax.jit
def kernel(x, edge_index, edge_attr, W_l, b_l, W_r, b_r, W_e, att, bias, W_c, b_c):
    src = edge_index[0]
    dst = edge_index[1]
    ea = edge_attr[:, 0]
    wvec = W_e[0]
    xl, xr = _project(x, W_l, b_l, W_r, b_r)
    logits, maxp = _edge_logits(xl, xr, src, dst, ea, wvec, att)
    u, s = _aggregate(xl, src, dst, logits, maxp)
    return _finish(u, s, bias, W_c, b_c)

# --- scband reference (transcript-rebuilt; emitter-appended) ---
"""Pipeline reference for scband-multi-channel-gnnblock-27084063768606 (READ-ONLY COPY).

The authoritative reference and input builder live on the scoring server;
editing this copy changes nothing except your own understanding.
"""

import jax, jax.numpy as jnp
import numpy as np

N = 10000
E = 320000
D = 128


def setup_inputs(seed: int = 0) -> dict:
    key = jax.random.key(seed)
    ks = jax.random.split(key, 12)
    x = jax.random.normal(ks[0], (N, D), dtype=jnp.float32)
    edge_index = jax.random.randint(ks[1], (2, E), 0, N, dtype=jnp.int32)
    edge_attr = jax.random.uniform(ks[2], (E, 1), dtype=jnp.float32)
    s = 1.0 / np.sqrt(D)
    # GATv2Conv(latent_dim, latent_dim, heads=1, edge_dim=1, add_self_loops=False) params
    W_l = jax.random.normal(ks[3], (D, D), dtype=jnp.float32) * s   # lin_l weight
    b_l = jnp.zeros((D,), dtype=jnp.float32)
    W_r = jax.random.normal(ks[4], (D, D), dtype=jnp.float32) * s   # lin_r weight
    b_r = jnp.zeros((D,), dtype=jnp.float32)
    W_e = jax.random.normal(ks[5], (1, D), dtype=jnp.float32)       # lin_edge (no bias)
    att = jax.random.normal(ks[6], (D,), dtype=jnp.float32) * s     # attention vector (heads=1)
    bias = jnp.zeros((D,), dtype=jnp.float32)                       # GATv2 output bias
    W_c = jax.random.normal(ks[7], (D, D), dtype=jnp.float32) * s   # concat_linear (LazyLinear(latent_dim))
    b_c = jnp.zeros((D,), dtype=jnp.float32)
    return {"x": x, "edge_index": edge_index, "edge_attr": edge_attr,
            "W_l": W_l, "b_l": b_l, "W_r": W_r, "b_r": b_r,
            "W_e": W_e, "att": att, "bias": bias, "W_c": W_c, "b_c": b_c}


def reference(x, edge_index, edge_attr, W_l, b_l, W_r, b_r, W_e, att, bias, W_c, b_c):
    n = x.shape[0]
    src = edge_index[0]  # source j
    dst = edge_index[1]  # target i (softmax grouped by dst)
    xl = x @ W_l + b_l   # source-side features
    xr = x @ W_r + b_r   # target-side features
    xe = edge_attr @ W_e # edge feature embedding
    # GATv2 attention: e_ij = att . leaky_relu(xl_j + xr_i + xe_ij)
    e = xl[src] + xr[dst] + xe
    e = jax.nn.leaky_relu(e, negative_slope=0.2)
    logits = e @ att  # [E]
    # softmax over incoming edges per destination node
    m = jax.ops.segment_max(logits, dst, num_segments=n)
    m = jnp.where(jnp.isfinite(m), m, 0.0)
    ex = jnp.exp(logits - m[dst])
    denom = jax.ops.segment_sum(ex, dst, num_segments=n)
    alpha = ex / (denom[dst] + 1e-16)
    # aggregate messages: sum_j alpha_ij * xl_j (add_self_loops=False)
    out_spatial = jax.ops.segment_sum(alpha[:, None] * xl[src], dst, num_segments=n) + bias
    # fusion='' path: concat_linear applied to the single spatial channel
    out = out_spatial @ W_c + b_c
    # plain_last=False -> relu6 activation
    return jnp.clip(out, 0.0, 6.0)

if __name__ == "__main__":
    import jax
    _d = setup_inputs()
    print(jax.jit(kernel)(*tuple(_d.values())))

</pallas_src>

<mosaic_0001>
#map = affine_map<(d0, d1) -> (0, 0)>
#map1 = affine_map<(d0, d1) -> (0)>
#map2 = affine_map<(d0, d1) -> (0, 0, 0)>
module attributes {stable_mosaic.version = 14 : i64} {
  func.func @_k3_body(%arg0: i32, %arg1: i32, %arg2: memref<10000x128xf32, #tpu.memory_space<hbm>>, %arg3: memref<320000xi32, #tpu.memory_space<hbm>>, %arg4: memref<320000xi32, #tpu.memory_space<hbm>>, %arg5: memref<320000xf32, #tpu.memory_space<hbm>>, %arg6: memref<32x16xf32, #tpu.memory_space<hbm>>, %arg7: memref<2x10240x128xf32, #tpu.memory_space<hbm>>, %arg8: memref<32x10000xf32, #tpu.memory_space<hbm>>, %arg9: memref<80xi32, #tpu.memory_space<vmem>>, %arg10: memref<80xi32, #tpu.memory_space<vmem>>, %arg11: memref<80xf32, #tpu.memory_space<vmem>>, %arg12: memref<80x128xf32, #tpu.memory_space<vmem>>, %arg13: memref<16xf32, #tpu.memory_space<vmem>>, %arg14: memref<32x16xf32, #tpu.memory_space<vmem>>, %arg15: memref<32x128xf32, #tpu.memory_space<vmem>>, %arg16: memref<10000xf32, #tpu.memory_space<vmem>>, %arg17: memref<10240x128xf32, #tpu.memory_space<vmem_shared>>, %arg18: memref<!tpu.dma_semaphore, #tpu.memory_space<semaphore_mem>>) attributes {dimension_semantics = [#tpu.dimension_semantics<core_parallel>, #tpu.dimension_semantics<subcore_parallel>], iteration_bounds = array<i64: 2, 16>, scalar_prefetch = 0 : i64, scratch_operands = 10 : i64, tpu.core_type = #tpu.core_type<sc_vector_subcore>, window_params = [{transform_indices = #map}, {transform_indices = #map1}, {transform_indices = #map1}, {transform_indices = #map1}, {transform_indices = #map}, {transform_indices = #map2}, {transform_indices = #map}]} {
    %mul3A = arith.constant 2 : i32
    %mul3A_0 = arith.muli %arg1, %mul3A : i32
    %add3A = arith.addi %mul3A_0, %arg0 : i32
    %mul3A_1 = arith.constant 10000 : i32
    %mul3A_2 = arith.muli %add3A, %mul3A_1 : i32
    %broadcast_in_dim3A = arith.constant 0.000000e+00 : f32
    %broadcast_in_dim3A_3 = vector.broadcast %broadcast_in_dim3A : f32 to vector<16xf32>
    %scan3A = arith.constant 0 : i32
    %scan3A_4 = arith.constant 625 : i32
    %scan3A_5 = arith.addi %scan3A, %scan3A_4 : i32
    %scan3A_6 = arith.constant 1 : i32
    scf.for %scan3A_1204 = %scan3A to %scan3A_5 step %scan3A_6  : i32 {
      %mul3A_1205 = arith.constant 16 : i32
      %mul3A_1206 = arith.muli %scan3A_1204, %mul3A_1205 : i32
      %add3A_1207 = arith.constant 0 : i32
      %add3A_1208 = arith.addi %add3A_1207, %mul3A_1206 : i32
      %swap3A_1209 = arith.index_cast %add3A_1208 : i32 to index
      %swap3A_1210 = tpu.vector_load %arg16[%swap3A_1209] {strides = array<i32>} : memref<10000xf32, #tpu.memory_space<vmem>>, vector<16xf32>,
      tpu.vector_store %arg16[%swap3A_1209], %broadcast_in_dim3A_3 {strides = array<i32>} : memref<10000xf32, #tpu.memory_space<vmem>>, vector<16xf32>,
    }
    %scan3A_7 = arith.constant 625 : i32
    %swap3A = arith.constant 0 : i32
    %swap3A_8 = arith.index_cast %swap3A : i32 to index
    %swap3A_9 = arith.constant 0 : index
    %swap3A_10 = tpu.vector_load %arg15[%swap3A_8, %swap3A_9] {strides = array<i32>} : memref<32x128xf32, #tpu.memory_space<vmem>>, vector<16xf32>,
    tpu.vector_store %arg15[%swap3A_8, %swap3A_9], %broadcast_in_dim3A_3 {strides = array<i32>} : memref<32x128xf32, #tpu.memory_space<vmem>>, vector<16xf32>,
    %swap3A_11 = arith.constant 0 : i32
    %swap3A_12 = arith.index_cast %swap3A_11 : i32 to index
    %swap3A_13 = arith.constant 16 : index
    %swap3A_14 = tpu.vector_load %arg15[%swap3A_12, %swap3A_13] {strides = array<i32>} : memref<32x128xf32, #tpu.memory_space<vmem>>, vector<16xf32>,
    tpu.vector_store %arg15[%swap3A_12, %swap3A_13], %broadcast_in_dim3A_3 {strides = array<i32>} : memref<32x128xf32, #tpu.memory_space<vmem>>, vector<16xf32>,
    %swap3A_15 = arith.constant 0 : i32
    %swap3A_16 = arith.index_cast %swap3A_15 : i32 to index
    %swap3A_17 = arith.constant 32 : index
    %swap3A_18 = tpu.vector_load %arg15[%swap3A_16, %swap3A_17] {strides = array<i32>} : memref<32x128xf32, #tpu.memory_space<vmem>>, vector<16xf32>,
    tpu.vector_store %arg15[%swap3A_16, %swap3A_17], %broadcast_in_dim3A_3 {strides = array<i32>} : memref<32x128xf32, #tpu.memory_space<vmem>>, vector<16xf32>,
    %swap3A_19 = arith.constant 0 : i32
    %swap3A_20 = arith.index_cast %swap3A_19 : i32 to index
    %swap3A_21 = arith.constant 48 : index
    %swap3A_22 = tpu.vector_load %arg15[%swap3A_20, %swap3A_21] {strides = array<i32>} : memref<32x128xf32, #tpu.memory_space<vmem>>, vector<16xf32>,
    tpu.vector_store %arg15[%swap3A_20, %swap3A_21], %broadcast_in_dim3A_3 {strides = array<i32>} : memref<32x128xf32, #tpu.memory_space<vmem>>, vector<16xf32>,
    %swap3A_23 = arith.constant 0 : i32
    %swap3A_24 = arith.index_cast %swap3A_23 : i32 to index
    %swap3A_25 = arith.constant 64 : index
    %swap3A_26 = tpu.vector_load %arg15[%swap3A_24, %swap3A_25] {strides = array<i32>} : memref<32x128xf32, #tpu.memory_space<vmem>>, vector<16xf32>,
    tpu.vector_store %arg15[%swap3A_24, %swap3A_25], %broadcast_in_dim3A_3 {strides = array<i32>} : memref<32x128xf32, #tpu.memory_space<vmem>>, vector<16xf32>,
    %swap3A_27 = arith.constant 0 : i32
    %swap3A_28 = arith.index_cast %swap3A_27 : i32 to index
    %swap3A_29 = arith.constant 80 : index
    %swap3A_30 = tpu.vector_load %arg15[%swap3A_28, %swap3A_29] {strides = array<i32>} : memref<32x128xf32, #tpu.memory_space<vmem>>, vector<16xf32>,
    tpu.vector_store %arg15[%swap3A_28, %swap3A_29], %broadcast_in_dim3A_3 {strides = array<i32>} : memref<32x128xf32, #tpu.memory_space<vmem>>, vector<16xf32>,
    %swap3A_31 = arith.constant 0 : i32
    %swap3A_32 = arith.index_cast %swap3A_31 : i32 to index
    %swap3A_33 = arith.constant 96 : index
    %swap3A_34 = tpu.vector_load %arg15[%swap3A_32, %swap3A_33] {strides = array<i32>} : memref<32x128xf32, #tpu.memory_space<vmem>>, vector<16xf32>,
    tpu.vector_store %arg15[%swap3A_32, %swap3A_33], %broadcast_in_dim3A_3 {strides = array<i32>} : memref<32x128xf32, #tpu.memory_space<vmem>>, vector<16xf32>,
    %swap3A_35 = arith.constant 0 : i32
    %swap3A_36 = arith.index_cast %swap3A_35 : i32 to index
    %swap3A_37 = arith.constant 112 : index
    %swap3A_38 = tpu.vector_load %arg15[%swap3A_36, %swap3A_37] {strides = array<i32>} : memref<32x128xf32, #tpu.memory_space<vmem>>, vector<16xf32>,
    tpu.vector_store %arg15[%swap3A_36, %swap3A_37], %broadcast_in_dim3A_3 {strides = array<i32>} : memref<32x128xf32, #tpu.memory_space<vmem>>, vector<16xf32>,
    %swap3A_39 = arith.constant 1 : i32
    %swap3A_40 = arith.index_cast %swap3A_39 : i32 to index
    %swap3A_41 = arith.constant 0 : index
    %swap3A_42 = tpu.vector_load %arg15[%swap3A_40, %swap3A_41] {strides = array<i32>} : memref<32x128xf32, #tpu.memory_space<vmem>>, vector<16xf32>,
    tpu.vector_store %arg15[%swap3A_40, %swap3A_41], %broadcast_in_dim3A_3 {strides = array<i32>} : memref<32x128xf32, #tpu.memory_space<vmem>>, vector<16xf32>,
    %swap3A_43 = arith.constant 1 : i32
    %swap3A_44 = arith.index_cast %swap3A_43 : i32 to index
    %swap3A_45 = arith.constant 16 : index
    %swap3A_46 = tpu.vector_load %arg15[%swap3A_44, %swap3A_45] {strides = array<i32>} : memref<32x128xf32, #tpu.memory_space<vmem>>, vector<16xf32>,
    tpu.vector_store %arg15[%swap3A_44, %swap3A_45], %broadcast_in_dim3A_3 {strides = array<i32>} : memref<32x128xf32, #tpu.memory_space<vmem>>, vector<16xf32>,
    %swap3A_47 = arith.constant 1 : i32
    %swap3A_48 = arith.index_cast %swap3A_47 : i32 to index
    %swap3A_49 = arith.constant 32 : index
    %swap3A_50 = tpu.vector_load %arg15[%swap3A_48, %swap3A_49] {strides = array<i32>} : memref<32x128xf32, #tpu.memory_space<vmem>>, vector<16xf32>,
    tpu.vector_store %arg15[%swap3A_48, %swap3A_49], %broadcast_in_dim3A_3 {strides = array<i32>} : memref<32x128xf32, #tpu.memory_space<vmem>>, vector<16xf32>,
    %swap3A_51 = arith.constant 1 : i32
    %swap3A_52 = arith.index_cast %swap3A_51 : i32 to index
    %swap3A_53 = arith.constant 48 : index
    %swap3A_54 = tpu.vector_load %arg15[%swap3A_52, %swap3A_53] {strides = array<i32>} : memref<32x128xf32, #tpu.memory_space<vmem>>, vector<16xf32>,
    tpu.vector_store %arg15[%swap3A_52, %swap3A_53], %broadcast_in_dim3A_3 {strides = array<i32>} : memref<32x128xf32, #tpu.memory_space<vmem>>, vector<16xf32>,
    %swap3A_55 = arith.constant 1 : i32
    %swap3A_56 = arith.index_cast %swap3A_55 : i32 to index
    %swap3A_57 = arith.constant 64 : index
    %swap3A_58 = tpu.vector_load %arg15[%swap3A_56, %swap3A_57] {strides = array<i32>} : memref<32x128xf32, #tpu.memory_space<vmem>>, vector<16xf32>,
    tpu.vector_store %arg15[%swap3A_56, %swap3A_57], %broadcast_in_dim3A_3 {strides = array<i32>} : memref<32x128xf32, #tpu.memory_space<vmem>>, vector<16xf32>,
    %swap3A_59 = arith.constant 1 : i32
    %swap3A_60 = arith.index_cast %swap3A_59 : i32 to index
    %swap3A_61 = arith.constant 80 : index
    %swap3A_62 = tpu.vector_load %arg15[%swap3A_60, %swap3A_61] {strides = array<i32>} : memref<32x128xf32, #tpu.memory_space<vmem>>, vector<16xf32>,
    tpu.vector_store %arg15[%swap3A_60, %swap3A_61], %broadcast_in_dim3A_3 {strides = array<i32>} : memref<32x128xf32, #tpu.memory_space<vmem>>, vector<16xf32>,
    %swap3A_63 = arith.constant 1 : i32
    %swap3A_64 = arith.index_cast %swap3A_63 : i32 to index
    %swap3A_65 = arith.constant 96 : index
    %swap3A_66 = tpu.vector_load %arg15[%swap3A_64, %swap3A_65] {strides = array<i32>} : memref<32x128xf32, #tpu.memory_space<vmem>>, vector<16xf32>,
    tpu.vector_store %arg15[%swap3A_64, %swap3A_65], %broadcast_in_dim3A_3 {strides = array<i32>} : memref<32x128xf32, #tpu.memory_space<vmem>>, vector<16xf32>,
    %swap3A_67 = arith.constant 1 : i32
    %swap3A_68 = arith.index_cast %swap3A_67 : i32 to index
    %swap3A_69 = arith.constant 112 : index
    %swap3A_70 = tpu.vector_load %arg15[%swap3A_68, %swap3A_69] {strides = array<i32>} : memref<32x128xf32, #tpu.memory_space<vmem>>, vector<16xf32>,
    tpu.vector_store %arg15[%swap3A_68, %swap3A_69], %broadcast_in_dim3A_3 {strides = array<i32>} : memref<32x128xf32, #tpu.memory_space<vmem>>, vector<16xf32>,
    %swap3A_71 = arith.constant 2 : i32
    %swap3A_72 = arith.index_cast %swap3A_71 : i32 to index
    %swap3A_73 = arith.constant 0 : index
    %swap3A_74 = tpu.vector_load %arg15[%swap3A_72, %swap3A_73] {strides = array<i32>} : memref<32x128xf32, #tpu.memory_space<vmem>>, vector<16xf32>,
    tpu.vector_store %arg15[%swap3A_72, %swap3A_73], %broadcast_in_dim3A_3 {strides = array<i32>} : memref<32x128xf32, #tpu.memory_space<vmem>>, vector<16xf32>,
    %swap3A_75 = arith.constant 2 : i32
    %swap3A_76 = arith.index_cast %swap3A_75 : i32 to index
    %swap3A_77 = arith.constant 16 : index
    %swap3A_78 = tpu.vector_load %arg15[%swap3A_76, %swap3A_77] {strides = array<i32>} : memref<32x128xf32, #tpu.memory_space<vmem>>, vector<16xf32>,
    tpu.vector_store %arg15[%swap3A_76, %swap3A_77], %broadcast_in_dim3A_3 {strides = array<i32>} : memref<32x128xf32, #tpu.memory_space<vmem>>, vector<16xf32>,
    %swap3A_79 = arith.constant 2 : i32
    %swap3A_80 = arith.index_cast %swap3A_79 : i32 to index
    %swap3A_81 = arith.constant 32 : index
    %swap3A_82 = tpu.vector_load %arg15[%swap3A_80, %swap3A_81] {strides = array<i32>} : memref<32x128xf32, #tpu.memory_space<vmem>>, vector<16xf32>,
    tpu.vector_store %arg15[%swap3A_80, %swap3A_81], %broadcast_in_dim3A_3 {strides = array<i32>} : memref<32x128xf32, #tpu.memory_space<vmem>>, vector<16xf32>,
    %swap3A_83 = arith.constant 2 : i32
    %swap3A_84 = arith.index_cast %swap3A_83 : i32 to index
    %swap3A_85 = arith.constant 48 : index
    %swap3A_86 = tpu.vector_load %arg15[%swap3A_84, %swap3A_85] {strides = array<i32>} : memref<32x128xf32, #tpu.memory_space<vmem>>, vector<16xf32>,
    tpu.vector_store %arg15[%swap3A_84, %swap3A_85], %broadcast_in_dim3A_3 {strides = array<i32>} : memref<32x128xf32, #tpu.memory_space<vmem>>, vector<16xf32>,
    %swap3A_87 = arith.constant 2 : i32
    %swap3A_88 = arith.index_cast %swap3A_87 : i32 to index
    %swap3A_89 = arith.constant 64 : index
    %swap3A_90 = tpu.vector_load %arg15[%swap3A_88, %swap3A_89] {strides = array<i32>} : memref<32x128xf32, #tpu.memory_space<vmem>>, vector<16xf32>,
    tpu.vector_store %arg15[%swap3A_88, %swap3A_89], %broadcast_in_dim3A_3 {strides = array<i32>} : memref<32x128xf32, #tpu.memory_space<vmem>>, vector<16xf32>,
    %swap3A_91 = arith.constant 2 : i32
    %swap3A_92 = arith.index_cast %swap3A_91 : i32 to index
    %swap3A_93 = arith.constant 80 : index
    %swap3A_94 = tpu.vector_load %arg15[%swap3A_92, %swap3A_93] {strides = array<i32>} : memref<32x128xf32, #tpu.memory_space<vmem>>, vector<16xf32>,
    tpu.vector_store %arg15[%swap3A_92, %swap3A_93], %broadcast_in_dim3A_3 {strides = array<i32>} : memref<32x128xf32, #tpu.memory_space<vmem>>, vector<16xf32>,
    %swap3A_95 = arith.constant 2 : i32
    %swap3A_96 = arith.index_cast %swap3A_95 : i32 to index
    %swap3A_97 = arith.constant 96 : index
    %swap3A_98 = tpu.vector_load %arg15[%swap3A_96, %swap3A_97] {strides = array<i32>} : memref<32x128xf32, #tpu.memory_space<vmem>>, vector<16xf32>,
    tpu.vector_store %arg15[%swap3A_96, %swap3A_97], %broadcast_in_dim3A_3 {strides = array<i32>} : memref<32x128xf32, #tpu.memory_space<vmem>>, vector<16xf32>,
    %swap3A_99 = arith.constant 2 : i32
    %swap3A_100 = arith.index_cast %swap3A_99 : i32 to index
    %swap3A_101 = arith.constant 112 : index
    %swap3A_102 = tpu.vector_load %arg15[%swap3A_100, %swap3A_101] {strides = array<i32>} : memref<32x128xf32, #tpu.memory_space<vmem>>, vector<16xf32>,
    tpu.vector_store %arg15[%swap3A_100, %swap3A_101], %broadcast_in_dim3A_3 {strides = array<i32>} : memref<32x128xf32, #tpu.memory_space<vmem>>, vector<16xf32>,
    %swap3A_103 = arith.constant 3 : i32
    %swap3A_104 = arith.index_cast %swap3A_103 : i32 to index
    %swap3A_105 = arith.constant 0 : index
    %swap3A_106 = tpu.vector_load %arg15[%swap3A_104, %swap3A_105] {strides = array<i32>} : memref<32x128xf32, #tpu.memory_space<vmem>>, vector<16xf32>,
    tpu.vector_store %arg15[%swap3A_104, %swap3A_105], %broadcast_in_dim3A_3 {strides = array<i32>} : memref<32x128xf32, #tpu.memory_space<vmem>>, vector<16xf32>,
    %swap3A_107 = arith.constant 3 : i32
    %swap3A_108 = arith.index_cast %swap3A_107 : i32 to index
    %swap3A_109 = arith.constant 16 : index
    %swap3A_110 = tpu.vector_load %arg15[%swap3A_108, %swap3A_109] {strides = array<i32>} : memref<32x128xf32, #tpu.memory_space<vmem>>, vector<16xf32>,
    tpu.vector_store %arg15[%swap3A_108, %swap3A_109], %broadcast_in_dim3A_3 {strides = array<i32>} : memref<32x128xf32, #tpu.memory_space<vmem>>, vector<16xf32>,
    %swap3A_111 = arith.constant 3 : i32
    %swap3A_112 = arith.index_cast %swap3A_111 : i32 to index
    %swap3A_113 = arith.constant 32 : index
    %swap3A_114 = tpu.vector_load %arg15[%swap3A_112, %swap3A_113] {strides = array<i32>} : memref<32x128xf32, #tpu.memory_space<vmem>>, vector<16xf32>,
    tpu.vector_store %arg15[%swap3A_112, %swap3A_113], %broadcast_in_dim3A_3 {strides = array<i32>} : memref<32x128xf32, #tpu.memory_space<vmem>>, vector<16xf32>,
    %swap3A_115 = arith.constant 3 : i32
    %swap3A_116 = arith.index_cast %swap3A_115 : i32 to index
    %swap3A_117 = arith.constant 48 : index
    %swap3A_118 = tpu.vector_load %arg15[%swap3A_116, %swap3A_117] {strides = array<i32>} : memref<32x128xf32, #tpu.memory_space<vmem>>, vector<16xf32>,
    tpu.vector_store %arg15[%swap3A_116, %swap3A_117], %broadcast_in_dim3A_3 {strides = array<i32>} : memref<32x128xf32, #tpu.memory_space<vmem>>, vector<16xf32>,
    %swap3A_119 = arith.constant 3 : i32
    %swap3A_120 = arith.index_cast %swap3A_119 : i32 to index
    %swap3A_121 = arith.constant 64 : index
    %swap3A_122 = tpu.vector_load %arg15[%swap3A_120, %swap3A_121] {strides = array<i32>} : memref<32x128xf32, #tpu.memory_space<vmem>>, vector<16xf32>,
    tpu.vector_store %arg15[%swap3A_120, %swap3A_121], %broadcast_in_dim3A_3 {strides = array<i32>} : memref<32x128xf32, #tpu.memory_space<vmem>>, vector<16xf32>,
    %swap3A_123 = arith.constant 3 : i32
    %swap3A_124 = arith.index_cast %swap3A_123 : i32 to index
    %swap3A_125 = arith.constant 80 : index
    %swap3A_126 = tpu.vector_load %arg15[%swap3A_124, %swap3A_125] {strides = array<i32>} : memref<32x128xf32, #tpu.memory_space<vmem>>, vector<16xf32>,
    tpu.vector_store %arg15[%swap3A_124, %swap3A_125], %broadcast_in_dim3A_3 {strides = array<i32>} : memref<32x128xf32, #tpu.memory_space<vmem>>, vector<16xf32>,
    %swap3A_127 = arith.constant 3 : i32
    %swap3A_128 = arith.index_cast %swap3A_127 : i32 to index
    %swap3A_129 = arith.constant 96 : index
    %swap3A_130 = tpu.vector_load %arg15[%swap3A_128, %swap3A_129] {strides = array<i32>} : memref<32x128xf32, #tpu.memory_space<vmem>>, vector<16xf32>,
    tpu.vector_store %arg15[%swap3A_128, %swap3A_129], %broadcast_in_dim3A_3 {strides = array<i32>} : memref<32x128xf32, #tpu.memory_space<vmem>>, vector<16xf32>,
    %swap3A_131 = arith.constant 3 : i32
    %swap3A_132 = arith.index_cast %swap3A_131 : i32 to index
    %swap3A_133 = arith.constant 112 : index
    %swap3A_134 = tpu.vector_load %arg15[%swap3A_132, %swap3A_133] {strides = array<i32>} : memref<32x128xf32, #tpu.memory_space<vmem>>, vector<16xf32>,
    tpu.vector_store %arg15[%swap3A_132, %swap3A_133], %broadcast_in_dim3A_3 {strides = array<i32>} : memref<32x128xf32, #tpu.memory_space<vmem>>, vector<16xf32>,
    %swap3A_135 = arith.constant 4 : i32
    %swap3A_136 = arith.index_cast %swap3A_135 : i32 to index
    %swap3A_137 = arith.constant 0 : index
    %swap3A_138 = tpu.vector_load %arg15[%swap3A_136, %swap3A_137] {strides = array<i32>} : memref<32x128xf32, #tpu.memory_space<vmem>>, vector<16xf32>,
    tpu.vector_store %arg15[%swap3A_136, %swap3A_137], %broadcast_in_dim3A_3 {strides = array<i32>} : memref<32x128xf32, #tpu.memory_space<vmem>>, vector<16xf32>,
    %swap3A_139 = arith.constant 4 : i32
    %swap3A_140 = arith.index_cast %swap3A_139 : i32 to index
    %swap3A_141 = arith.constant 16 : index
    %swap3A_142 = tpu.vector_load %arg15[%swap3A_140, %swap3A_141] {strides = array<i32>} : memref<32x128xf32, #tpu.memory_space<vmem>>, vector<16xf32>,
    tpu.vector_store %arg15[%swap3A_140, %swap3A_141], %broadcast_in_dim3A_3 {strides = array<i32>} : memref<32x128xf32, #tpu.memory_space<vmem>>, vector<16xf32>,
    %swap3A_143 = arith.constant 4 : i32
    %swap3A_144 = arith.index_cast %swap3A_143 : i32 to index
    %swap3A_145 = arith.constant 32 : index
    %swap3A_146 = tpu.vector_load %arg15[%swap3A_144, %swap3A_145] {strides = array<i32>} : memref<32x128xf32, #tpu.memory_space<vmem>>, vector<16xf32>,
    tpu.vector_store %arg15[%swap3A_144, %swap3A_145], %broadcast_in_dim3A_3 {strides = array<i32>} : memref<32x128xf32, #tpu.memory_space<vmem>>, vector<16xf32>,
    %swap3A_147 = arith.constant 4 : i32
    %swap3A_148 = arith.index_cast %swap3A_147 : i32 to index
    %swap3A_149 = arith.constant 48 : index
    %swap3A_150 = tpu.vector_load %arg15[%swap3A_148, %swap3A_149] {strides = array<i32>} : memref<32x128xf32, #tpu.memory_space<vmem>>, vector<16xf32>,
    tpu.vector_store %arg15[%swap3A_148, %swap3A_149], %broadcast_in_dim3A_3 {strides = array<i32>} : memref<32x128xf32, #tpu.memory_space<vmem>>, vector<16xf32>,
    %swap3A_151 = arith.constant 4 : i32
    %swap3A_152 = arith.index_cast %swap3A_151 : i32 to index
    %swap3A_153 = arith.constant 64 : index
    %swap3A_154 = tpu.vector_load %arg15[%swap3A_152, %swap3A_153] {strides = array<i32>} : memref<32x128xf32, #tpu.memory_space<vmem>>, vector<16xf32>,
    tpu.vector_store %arg15[%swap3A_152, %swap3A_153], %broadcast_in_dim3A_3 {strides = array<i32>} : memref<32x128xf32, #tpu.memory_space<vmem>>, vector<16xf32>,
    %swap3A_155 = arith.constant 4 : i32
    %swap3A_156 = arith.index_cast %swap3A_155 : i32 to index
    %swap3A_157 = arith.constant 80 : index
    %swap3A_158 = tpu.vector_load %arg15[%swap3A_156, %swap3A_157] {strides = array<i32>} : memref<32x128xf32, #tpu.memory_space<vmem>>, vector<16xf32>,
    tpu.vector_store %arg15[%swap3A_156, %swap3A_157], %broadcast_in_dim3A_3 {strides = array<i32>} : memref<32x128xf32, #tpu.memory_space<vmem>>, vector<16xf32>,
    %swap3A_159 = arith.constant 4 : i32
    %swap3A_160 = arith.index_cast %swap3A_159 : i32 to index
    %swap3A_161 = arith.constant 96 : index
    %swap3A_162 = tpu.vector_load %arg15[%swap3A_160, %swap3A_161] {strides = array<i32>} : memref<32x128xf32, #tpu.memory_space<vmem>>, vector<16xf32>,
    tpu.vector_store %arg15[%swap3A_160, %swap3A_161], %broadcast_in_dim3A_3 {strides = array<i32>} : memref<32x128xf32, #tpu.memory_space<vmem>>, vector<16xf32>,
    %swap3A_163 = arith.constant 4 : i32
    %swap3A_164 = arith.index_cast %swap3A_163 : i32 to index
    %swap3A_165 = arith.constant 112 : index
    %swap3A_166 = tpu.vector_load %arg15[%swap3A_164, %swap3A_165] {strides = array<i32>} : memref<32x128xf32, #tpu.memory_space<vmem>>, vector<16xf32>,
    tpu.vector_store %arg15[%swap3A_164, %swap3A_165], %broadcast_in_dim3A_3 {strides = array<i32>} : memref<32x128xf32, #tpu.memory_space<vmem>>, vector<16xf32>,
    %swap3A_167 = arith.constant 5 : i32
    %swap3A_168 = arith.index_cast %swap3A_167 : i32 to index
    %swap3A_169 = arith.constant 0 : index
    %swap3A_170 = tpu.vector_load %arg15[%swap3A_168, %swap3A_169] {strides = array<i32>} : memref<32x128xf32, #tpu.memory_space<vmem>>, vector<16xf32>,
    tpu.vector_store %arg15[%swap3A_168, %swap3A_169], %broadcast_in_dim3A_3 {strides = array<i32>} : memref<32x128xf32, #tpu.memory_space<vmem>>, vector<16xf32>,
    %swap3A_171 = arith.constant 5 : i32
    %swap3A_172 = arith.index_cast %swap3A_171 : i32 to index
    %swap3A_173 = arith.constant 16 : index
    %swap3A_174 = tpu.vector_load %arg15[%swap3A_172, %swap3A_173] {strides = array<i32>} : memref<32x128xf32, #tpu.memory_space<vmem>>, vector<16xf32>,
    tpu.vector_store %arg15[%swap3A_172, %swap3A_173], %broadcast_in_dim3A_3 {strides = array<i32>} : memref<32x128xf32, #tpu.memory_space<vmem>>, vector<16xf32>,
    %swap3A_175 = arith.constant 5 : i32
    %swap3A_176 = arith.index_cast %swap3A_175 : i32 to index
    %swap3A_177 = arith.constant 32 : index
    %swap3A_178 = tpu.vector_load %arg15[%swap3A_176, %swap3A_177] {strides = array<i32>} : memref<32x128xf32, #tpu.memory_space<vmem>>, vector<16xf32>,
    tpu.vector_store %arg15[%swap3A_176, %swap3A_177], %broadcast_in_dim3A_3 {strides = array<i32>} : memref<32x128xf32, #tpu.memory_space<vmem>>, vector<16xf32>,
    %swap3A_179 = arith.constant 5 : i32
    %swap3A_180 = arith.index_cast %swap3A_179 : i32 to index
    %swap3A_181 = arith.constant 48 : index
    %swap3A_182 = tpu.vector_load %arg15[%swap3A_180, %swap3A_181] {strides = array<i32>} : memref<32x128xf32, #tpu.memory_space<vmem>>, vector<16xf32>,
    tpu.vector_store %arg15[%swap3A_180, %swap3A_181], %broadcast_in_dim3A_3 {strides = array<i32>} : memref<32x128xf32, #tpu.memory_space<vmem>>, vector<16xf32>,
    %swap3A_183 = arith.constant 5 : i32
    %swap3A_184 = arith.index_cast %swap3A_183 : i32 to index
    %swap3A_185 = arith.constant 64 : index
    %swap3A_186 = tpu.vector_load %arg15[%swap3A_184, %swap3A_185] {strides = array<i32>} : memref<32x128xf32, #tpu.memory_space<vmem>>, vector<16xf32>,
    tpu.vector_store %arg15[%swap3A_184, %swap3A_185], %broadcast_in_dim3A_3 {strides = array<i32>} : memref<32x128xf32, #tpu.memory_space<vmem>>, vector<16xf32>,
    %swap3A_187 = arith.constant 5 : i32
    %swap3A_188 = arith.index_cast %swap3A_187 : i32 to index
    %swap3A_189 = arith.constant 80 : index
    %swap3A_190 = tpu.vector_load %arg15[%swap3A_188, %swap3A_189] {strides = array<i32>} : memref<32x128xf32, #tpu.memory_space<vmem>>, vector<16xf32>,
    tpu.vector_store %arg15[%swap3A_188, %swap3A_189], %broadcast_in_dim3A_3 {strides = array<i32>} : memref<32x128xf32, #tpu.memory_space<vmem>>, vector<16xf32>,
    %swap3A_191 = arith.constant 5 : i32
    %swap3A_192 = arith.index_cast %swap3A_191 : i32 to index
    %swap3A_193 = arith.constant 96 : index
    %swap3A_194 = tpu.vector_load %arg15[%swap3A_192, %swap3A_193] {strides = array<i32>} : memref<32x128xf32, #tpu.memory_space<vmem>>, vector<16xf32>,
    tpu.vector_store %arg15[%swap3A_192, %swap3A_193], %broadcast_in_dim3A_3 {strides = array<i32>} : memref<32x128xf32, #tpu.memory_space<vmem>>, vector<16xf32>,
    %swap3A_195 = arith.constant 5 : i32
    %swap3A_196 = arith.index_cast %swap3A_195 : i32 to index
    %swap3A_197 = arith.constant 112 : index
    %swap3A_198 = tpu.vector_load %arg15[%swap3A_196, %swap3A_197] {strides = array<i32>} : memref<32x128xf32, #tpu.memory_space<vmem>>, vector<16xf32>,
    tpu.vector_store %arg15[%swap3A_196, %swap3A_197], %broadcast_in_dim3A_3 {strides = array<i32>} : memref<32x128xf32, #tpu.memory_space<vmem>>, vector<16xf32>,
    %swap3A_199 = arith.constant 6 : i32
    %swap3A_200 = arith.index_cast %swap3A_199 : i32 to index
    %swap3A_201 = arith.constant 0 : index
    %swap3A_202 = tpu.vector_load %arg15[%swap3A_200, %swap3A_201] {strides = array<i32>} : memref<32x128xf32, #tpu.memory_space<vmem>>, vector<16xf32>,
    tpu.vector_store %arg15[%swap3A_200, %swap3A_201], %broadcast_in_dim3A_3 {strides = array<i32>} : memref<32x128xf32, #tpu.memory_space<vmem>>, vector<16xf32>,
    %swap3A_203 = arith.constant 6 : i32
    %swap3A_204 = arith.index_cast %swap3A_203 : i32 to index
    %swap3A_205 = arith.constant 16 : index
    %swap3A_206 = tpu.vector_load %arg15[%swap3A_204, %swap3A_205] {strides = array<i32>} : memref<32x128xf32, #tpu.memory_space<vmem>>, vector<16xf32>,
    tpu.vector_store %arg15[%swap3A_204, %swap3A_205], %broadcast_in_dim3A_3 {strides = array<i32>} : memref<32x128xf32, #tpu.memory_space<vmem>>, vector<16xf32>,
    %swap3A_207 = arith.constant 6 : i32
    %swap3A_208 = arith.index_cast %swap3A_207 : i32 to index
    %swap3A_209 = arith.constant 32 : index
    %swap3A_210 = tpu.vector_load %arg15[%swap3A_208, %swap3A_209] {strides = array<i32>} : memref<32x128xf32, #tpu.memory_space<vmem>>, vector<16xf32>,
    tpu.vector_store %arg15[%swap3A_208, %swap3A_209], %broadcast_in_dim3A_3 {strides = array<i32>} : memref<32x128xf32, #tpu.memory_space<vmem>>, vector<16xf32>,
    %swap3A_211 = arith.constant 6 : i32
    %swap3A_212 = arith.index_cast %swap3A_211 : i32 to index
    %swap3A_213 = arith.constant 48 : index
    %swap3A_214 = tpu.vector_load %arg15[%swap3A_212, %swap3A_213] {strides = array<i32>} : memref<32x128xf32, #tpu.memory_space<vmem>>, vector<16xf32>,
    tpu.vector_store %arg15[%swap3A_212, %swap3A_213], %broadcast_in_dim3A_3 {strides = array<i32>} : memref<32x128xf32, #tpu.memory_space<vmem>>, vector<16xf32>,
    %swap3A_215 = arith.constant 6 : i32
    %swap3A_216 = arith.index_cast %swap3A_215 : i32 to index
    %swap3A_217 = arith.constant 64 : index
    %swap3A_218 = tpu.vector_load %arg15[%swap3A_216, %swap3A_217] {strides = array<i32>} : memref<32x128xf32, #tpu.memory_space<vmem>>, vector<16xf32>,
    tpu.vector_store %arg15[%swap3A_216, %swap3A_217], %broadcast_in_dim3A_3 {strides = array<i32>} : memref<32x128xf32, #tpu.memory_space<vmem>>, vector<16xf32>,
    %swap3A_219 = arith.constant 6 : i32
    %swap3A_220 = arith.index_cast %swap3A_219 : i32 to index
    %swap3A_221 = arith.constant 80 : index
    %swap3A_222 = tpu.vector_load %arg15[%swap3A_220, %swap3A_221] {strides = array<i32>} : memref<32x128xf32, #tpu.memory_space<vmem>>, vector<16xf32>,
    tpu.vector_store %arg15[%swap3A_220, %swap3A_221], %broadcast_in_dim3A_3 {strides = array<i32>} : memref<32x128xf32, #tpu.memory_space<vmem>>, vector<16xf32>,
    %swap3A_223 = arith.constant 6 : i32
    %swap3A_224 = arith.index_cast %swap3A_223 : i32 to index
    %swap3A_225 = arith.constant 96 : index
    %swap3A_226 = tpu.vector_load %arg15[%swap3A_224, %swap3A_225] {strides = array<i32>} : memref<32x128xf32, #tpu.memory_space<vmem>>, vector<16xf32>,
    tpu.vector_store %arg15[%swap3A_224, %swap3A_225], %broadcast_in_dim3A_3 {strides = array<i32>} : memref<32x128xf32, #tpu.memory_space<vmem>>, vector<16xf32>,
    %swap3A_227 = arith.constant 6 : i32
    %swap3A_228 = arith.index_cast %swap3A_227 : i32 to index
    %swap3A_229 = arith.constant 112 : index
    %swap3A_230 = tpu.vector_load %arg15[%swap3A_228, %swap3A_229] {strides = array<i32>} : memref<32x128xf32, #tpu.memory_space<vmem>>, vector<16xf32>,
    tpu.vector_store %arg15[%swap3A_228, %swap3A_229], %broadcast_in_dim3A_3 {strides = array<i32>} : memref<32x128xf32, #tpu.memory_space<vmem>>, vector<16xf32>,
    %swap3A_231 = arith.constant 7 : i32
    %swap3A_232 = arith.index_cast %swap3A_231 : i32 to index
    %swap3A_233 = arith.constant 0 : index
    %swap3A_234 = tpu.vector_load %arg15[%swap3A_232, %swap3A_233] {strides = array<i32>} : memref<32x128xf32, #tpu.memory_space<vmem>>, vector<16xf32>,
    tpu.vector_store %arg15[%swap3A_232, %swap3A_233], %broadcast_in_dim3A_3 {strides = array<i32>} : memref<32x128xf32, #tpu.memory_space<vmem>>, vector<16xf32>,
    %swap3A_235 = arith.constant 7 : i32
    %swap3A_236 = arith.index_cast %swap3A_235 : i32 to index
    %swap3A_237 = arith.constant 16 : index
    %swap3A_238 = tpu.vector_load %arg15[%swap3A_236, %swap3A_237] {strides = array<i32>} : memref<32x128xf32, #tpu.memory_space<vmem>>, vector<16xf32>,
    tpu.vector_store %arg15[%swap3A_236, %swap3A_237], %broadcast_in_dim3A_3 {strides = array<i32>} : memref<32x128xf32, #tpu.memory_space<vmem>>, vector<16xf32>,
    %swap3A_239 = arith.constant 7 : i32
    %swap3A_240 = arith.index_cast %swap3A_239 : i32 to index
    %swap3A_241 = arith.constant 32 : index
    %swap3A_242 = tpu.vector_load %arg15[%swap3A_240, %swap3A_241] {strides = array<i32>} : memref<32x128xf32, #tpu.memory_space<vmem>>, vector<16xf32>,
    tpu.vector_store %arg15[%swap3A_240, %swap3A_241], %broadcast_in_dim3A_3 {strides = array<i32>} : memref<32x128xf32, #tpu.memory_space<vmem>>, vector<16xf32>,
    %swap3A_243 = arith.constant 7 : i32
    %swap3A_244 = arith.index_cast %swap3A_243 : i32 to index
    %swap3A_245 = arith.constant 48 : index
    %swap3A_246 = tpu.vector_load %arg15[%swap3A_244, %swap3A_245] {strides = array<i32>} : memref<32x128xf32, #tpu.memory_space<vmem>>, vector<16xf32>,
    tpu.vector_store %arg15[%swap3A_244, %swap3A_245], %broadcast_in_dim3A_3 {strides = array<i32>} : memref<32x128xf32, #tpu.memory_space<vmem>>, vector<16xf32>,
    %swap3A_247 = arith.constant 7 : i32
    %swap3A_248 = arith.index_cast %swap3A_247 : i32 to index
    %swap3A_249 = arith.constant 64 : index
    %swap3A_250 = tpu.vector_load %arg15[%swap3A_248, %swap3A_249] {strides = array<i32>} : memref<32x128xf32, #tpu.memory_space<vmem>>, vector<16xf32>,
    tpu.vector_store %arg15[%swap3A_248, %swap3A_249], %broadcast_in_dim3A_3 {strides = array<i32>} : memref<32x128xf32, #tpu.memory_space<vmem>>, vector<16xf32>,
    %swap3A_251 = arith.constant 7 : i32
    %swap3A_252 = arith.index_cast %swap3A_251 : i32 to index
    %swap3A_253 = arith.constant 80 : index
    %swap3A_254 = tpu.vector_load %arg15[%swap3A_252, %swap3A_253] {strides = array<i32>} : memref<32x128xf32, #tpu.memory_space<vmem>>, vector<16xf32>,
    tpu.vector_store %arg15[%swap3A_252, %swap3A_253], %broadcast_in_dim3A_3 {strides = array<i32>} : memref<32x128xf32, #tpu.memory_space<vmem>>, vector<16xf32>,
    %swap3A_255 = arith.constant 7 : i32
    %swap3A_256 = arith.index_cast %swap3A_255 : i32 to index
    %swap3A_257 = arith.constant 96 : index
    %swap3A_258 = tpu.vector_load %arg15[%swap3A_256, %swap3A_257] {strides = array<i32>} : memref<32x128xf32, #tpu.memory_space<vmem>>, vector<16xf32>,
    tpu.vector_store %arg15[%swap3A_256, %swap3A_257], %broadcast_in_dim3A_3 {strides = array<i32>} : memref<32x128xf32, #tpu.memory_space<vmem>>, vector<16xf32>,
    %swap3A_259 = arith.constant 7 : i32
    %swap3A_260 = arith.index_cast %swap3A_259 : i32 to index
    %swap3A_261 = arith.constant 112 : index
    %swap3A_262 = tpu.vector_load %arg15[%swap3A_260, %swap3A_261] {strides = array<i32>} : memref<32x128xf32, #tpu.memory_space<vmem>>, vector<16xf32>,
    tpu.vector_store %arg15[%swap3A_260, %swap3A_261], %broadcast_in_dim3A_3 {strides = array<i32>} : memref<32x128xf32, #tpu.memory_space<vmem>>, vector<16xf32>,
    %swap3A_263 = arith.constant 8 : i32
    %swap3A_264 = arith.index_cast %swap3A_263 : i32 to index
    %swap3A_265 = arith.constant 0 : index
    %swap3A_266 = tpu.vector_load %arg15[%swap3A_264, %swap3A_265] {strides = array<i32>} : memref<32x128xf32, #tpu.memory_space<vmem>>, vector<16xf32>,
    tpu.vector_store %arg15[%swap3A_264, %swap3A_265], %broadcast_in_dim3A_3 {strides = array<i32>} : memref<32x128xf32, #tpu.memory_space<vmem>>, vector<16xf32>,
    %swap3A_267 = arith.constant 8 : i32
    %swap3A_268 = arith.index_cast %swap3A_267 : i32 to index
    %swap3A_269 = arith.constant 16 : index
    %swap3A_270 = tpu.vector_load %arg15[%swap3A_268, %swap3A_269] {strides = array<i32>} : memref<32x128xf32, #tpu.memory_space<vmem>>, vector<16xf32>,
    tpu.vector_store %arg15[%swap3A_268, %swap3A_269], %broadcast_in_dim3A_3 {strides = array<i32>} : memref<32x128xf32, #tpu.memory_space<vmem>>, vector<16xf32>,
    %swap3A_271 = arith.constant 8 : i32
    %swap3A_272 = arith.index_cast %swap3A_271 : i32 to index
    %swap3A_273 = arith.constant 32 : index
    %swap3A_274 = tpu.vector_load %arg15[%swap3A_272, %swap3A_273] {strides = array<i32>} : memref<32x128xf32, #tpu.memory_space<vmem>>, vector<16xf32>,
    tpu.vector_store %arg15[%swap3A_272, %swap3A_273], %broadcast_in_dim3A_3 {strides = array<i32>} : memref<32x128xf32, #tpu.memory_space<vmem>>, vector<16xf32>,
    %swap3A_275 = arith.constant 8 : i32
    %swap3A_276 = arith.index_cast %swap3A_275 : i32 to index
    %swap3A_277 = arith.constant 48 : index
    %swap3A_278 = tpu.vector_load %arg15[%swap3A_276, %swap3A_277] {strides = array<i32>} : memref<32x128xf32, #tpu.memory_space<vmem>>, vector<16xf32>,
    tpu.vector_store %arg15[%swap3A_276, %swap3A_277], %broadcast_in_dim3A_3 {strides = array<i32>} : memref<32x128xf32, #tpu.memory_space<vmem>>, vector<16xf32>,
    %swap3A_279 = arith.constant 8 : i32
    %swap3A_280 = arith.index_cast %swap3A_279 : i32 to index
    %swap3A_281 = arith.constant 64 : index
    %swap3A_282 = tpu.vector_load %arg15[%swap3A_280, %swap3A_281] {strides = array<i32>} : memref<32x128xf32, #tpu.memory_space<vmem>>, vector<16xf32>,
    tpu.vector_store %arg15[%swap3A_280, %swap3A_281], %broadcast_in_dim3A_3 {strides = array<i32>} : memref<32x128xf32, #tpu.memory_space<vmem>>, vector<16xf32>,
    %swap3A_283 = arith.constant 8 : i32
    %swap3A_284 = arith.index_cast %swap3A_283 : i32 to index
    %swap3A_285 = arith.constant 80 : index
    %swap3A_286 = tpu.vector_load %arg15[%swap3A_284, %swap3A_285] {strides = array<i32>} : memref<32x128xf32, #tpu.memory_space<vmem>>, vector<16xf32>,
    tpu.vector_store %arg15[%swap3A_284, %swap3A_285], %broadcast_in_dim3A_3 {strides = array<i32>} : memref<32x128xf32, #tpu.memory_space<vmem>>, vector<16xf32>,
    %swap3A_287 = arith.constant 8 : i32
    %swap3A_288 = arith.index_cast %swap3A_287 : i32 to index
    %swap3A_289 = arith.constant 96 : index
    %swap3A_290 = tpu.vector_load %arg15[%swap3A_288, %swap3A_289] {strides = array<i32>} : memref<32x128xf32, #tpu.memory_space<vmem>>, vector<16xf32>,
    tpu.vector_store %arg15[%swap3A_288, %swap3A_289], %broadcast_in_dim3A_3 {strides = array<i32>} : memref<32x128xf32, #tpu.memory_space<vmem>>, vector<16xf32>,
    %swap3A_291 = arith.constant 8 : i32
    %swap3A_292 = arith.index_cast %swap3A_291 : i32 to index
    %swap3A_293 = arith.constant 112 : index
    %swap3A_294 = tpu.vector_load %arg15[%swap3A_292, %swap3A_293] {strides = array<i32>} : memref<32x128xf32, #tpu.memory_space<vmem>>, vector<16xf32>,
    tpu.vector_store %arg15[%swap3A_292, %swap3A_293], %broadcast_in_dim3A_3 {strides = array<i32>} : memref<32x128xf32, #tpu.memory_space<vmem>>, vector<16xf32>,
    %swap3A_295 = arith.constant 9 : i32
    %swap3A_296 = arith.index_cast %swap3A_295 : i32 to index
    %swap3A_297 = arith.constant 0 : index
    %swap3A_298 = tpu.vector_load %arg15[%swap3A_296, %swap3A_297] {strides = array<i32>} : memref<32x128xf32, #tpu.memory_space<vmem>>, vector<16xf32>,
    tpu.vector_store %arg15[%swap3A_296, %swap3A_297], %broadcast_in_dim3A_3 {strides = array<i32>} : memref<32x128xf32, #tpu.memory_space<vmem>>, vector<16xf32>,
    %swap3A_299 = arith.constant 9 : i32
    %swap3A_300 = arith.index_cast %swap3A_299 : i32 to index
    %swap3A_301 = arith.constant 16 : index
    %swap3A_302 = tpu.vector_load %arg15[%swap3A_300, %swap3A_301] {strides = array<i32>} : memref<32x128xf32, #tpu.memory_space<vmem>>, vector<16xf32>,
    tpu.vector_store %arg15[%swap3A_300, %swap3A_301], %broadcast_in_dim3A_3 {strides = array<i32>} : memref<32x128xf32, #tpu.memory_space<vmem>>, vector<16xf32>,
    %swap3A_303 = arith.constant 9 : i32
    %swap3A_304 = arith.index_cast %swap3A_303 : i32 to index
    %swap3A_305 = arith.constant 32 : index
    %swap3A_306 = tpu.vector_load %arg15[%swap3A_304, %swap3A_305] {strides = array<i32>} : memref<32x128xf32, #tpu.memory_space<vmem>>, vector<16xf32>,
    tpu.vector_store %arg15[%swap3A_304, %swap3A_305], %broadcast_in_dim3A_3 {strides = array<i32>} : memref<32x128xf32, #tpu.memory_space<vmem>>, vector<16xf32>,
    %swap3A_307 = arith.constant 9 : i32
    %swap3A_308 = arith.index_cast %swap3A_307 : i32 to index
    %swap3A_309 = arith.constant 48 : index
    %swap3A_310 = tpu.vector_load %arg15[%swap3A_308, %swap3A_309] {strides = array<i32>} : memref<32x128xf32, #tpu.memory_space<vmem>>, vector<16xf32>,
    tpu.vector_store %arg15[%swap3A_308, %swap3A_309], %broadcast_in_dim3A_3 {strides = array<i32>} : memref<32x128xf32, #tpu.memory_space<vmem>>, vector<16xf32>,
    %swap3A_311 = arith.constant 9 : i32
    %swap3A_312 = arith.index_cast %swap3A_311 : i32 to index
    %swap3A_313 = arith.constant 64 : index
    %swap3A_314 = tpu.vector_load %arg15[%swap3A_312, %swap3A_313] {strides = array<i32>} : memref<32x128xf32, #tpu.memory_space<vmem>>, vector<16xf32>,
    tpu.vector_store %arg15[%swap3A_312, %swap3A_313], %broadcast_in_dim3A_3 {strides = array<i32>} : memref<32x128xf32, #tpu.memory_space<vmem>>, vector<16xf32>,
    %swap3A_315 = arith.constant 9 : i32
    %swap3A_316 = arith.index_cast %swap3A_315 : i32 to index
    %swap3A_317 = arith.constant 80 : index
    %swap3A_318 = tpu.vector_load %arg15[%swap3A_316, %swap3A_317] {strides = array<i32>} : memref<32x128xf32, #tpu.memory_space<vmem>>, vector<16xf32>,
    tpu.vector_store %arg15[%swap3A_316, %swap3A_317], %broadcast_in_dim3A_3 {strides = array<i32>} : memref<32x128xf32, #tpu.memory_space<vmem>>, vector<16xf32>,
    %swap3A_319 = arith.constant 9 : i32
    %swap3A_320 = arith.index_cast %swap3A_319 : i32 to index
    %swap3A_321 = arith.constant 96 : index
    %swap3A_322 = tpu.vector_load %arg15[%swap3A_320, %swap3A_321] {strides = array<i32>} : memref<32x128xf32, #tpu.memory_space<vmem>>, vector<16xf32>,
    tpu.vector_store %arg15[%swap3A_320, %swap3A_321], %broadcast_in_dim3A_3 {strides = array<i32>} : memref<32x128xf32, #tpu.memory_space<vmem>>, vector<16xf32>,
    %swap3A_323 = arith.constant 9 : i32
    %swap3A_324 = arith.index_cast %swap3A_323 : i32 to index
    %swap3A_325 = arith.constant 112 : index
    %swap3A_326 = tpu.vector_load %arg15[%swap3A_324, %swap3A_325] {strides = array<i32>} : memref<32x128xf32, #tpu.memory_space<vmem>>, vector<16xf32>,
    tpu.vector_store %arg15[%swap3A_324, %swap3A_325], %broadcast_in_dim3A_3 {strides = array<i32>} : memref<32x128xf32, #tpu.memory_space<vmem>>, vector<16xf32>,
    %swap3A_327 = arith.constant 10 : i32
    %swap3A_328 = arith.index_cast %swap3A_327 : i32 to index
    %swap3A_329 = arith.constant 0 : index
    %swap3A_330 = tpu.vector_load %arg15[%swap3A_328, %swap3A_329] {strides = array<i32>} : memref<32x128xf32, #tpu.memory_space<vmem>>, vector<16xf32>,
    tpu.vector_store %arg15[%swap3A_328, %swap3A_329], %broadcast_in_dim3A_3 {strides = array<i32>} : memref<32x128xf32, #tpu.memory_space<vmem>>, vector<16xf32>,
    %swap3A_331 = arith.constant 10 : i32
    %swap3A_332 = arith.index_cast %swap3A_331 : i32 to index
    %swap3A_333 = arith.constant 16 : index
    %swap3A_334 = tpu.vector_load %arg15[%swap3A_332, %swap3A_333] {strides = array<i32>} : memref<32x128xf32, #tpu.memory_space<vmem>>, vector<16xf32>,
    tpu.vector_store %arg15[%swap3A_332, %swap3A_333], %broadcast_in_dim3A_3 {strides = array<i32>} : memref<32x128xf32, #tpu.memory_space<vmem>>, vector<16xf32>,
    %swap3A_335 = arith.constant 10 : i32
    %swap3A_336 = arith.index_cast %swap3A_335 : i32 to index
    %swap3A_337 = arith.constant 32 : index
    %swap3A_338 = tpu.vector_load %arg15[%swap3A_336, %swap3A_337] {strides = array<i32>} : memref<32x128xf32, #tpu.memory_space<vmem>>, vector<16xf32>,
    tpu.vector_store %arg15[%swap3A_336, %swap3A_337], %broadcast_in_dim3A_3 {strides = array<i32>} : memref<32x128xf32, #tpu.memory_space<vmem>>, vector<16xf32>,
    %swap3A_339 = arith.constant 10 : i32
    %swap3A_340 = arith.index_cast %swap3A_339 : i32 to index
    %swap3A_341 = arith.constant 48 : index
    %swap3A_342 = tpu.vector_load %arg15[%swap3A_340, %swap3A_341] {strides = array<i32>} : memref<32x128xf32, #tpu.memory_space<vmem>>, vector<16xf32>,
    tpu.vector_store %arg15[%swap3A_340, %swap3A_341], %broadcast_in_dim3A_3 {strides = array<i32>} : memref<32x128xf32, #tpu.memory_space<vmem>>, vector<16xf32>,
    %swap3A_343 = arith.constant 10 : i32
    %swap3A_344 = arith.index_cast %swap3A_343 : i32 to index
    %swap3A_345 = arith.constant 64 : index
    %swap3A_346 = tpu.vector_load %arg15[%swap3A_344, %swap3A_345] {strides = array<i32>} : memref<32x128xf32, #tpu.memory_space<vmem>>, vector<16xf32>,
    tpu.vector_store %arg15[%swap3A_344, %swap3A_345], %broadcast_in_dim3A_3 {strides = array<i32>} : memref<32x128xf32, #tpu.memory_space<vmem>>, vector<16xf32>,
    %swap3A_347 = arith.constant 10 : i32
    %swap3A_348 = arith.index_cast %swap3A_347 : i32 to index
    %swap3A_349 = arith.constant 80 : index
    %swap3A_350 = tpu.vector_load %arg15[%swap3A_348, %swap3A_349] {strides = array<i32>} : memref<32x128xf32, #tpu.memory_space<vmem>>, vector<16xf32>,
    tpu.vector_store %arg15[%swap3A_348, %swap3A_349], %broadcast_in_dim3A_3 {strides = array<i32>} : memref<32x128xf32, #tpu.memory_space<vmem>>, vector<16xf32>,
    %swap3A_351 = arith.constant 10 : i32
    %swap3A_352 = arith.index_cast %swap3A_351 : i32 to index
    %swap3A_353 = arith.constant 96 : index
    %swap3A_354 = tpu.vector_load %arg15[%swap3A_352, %swap3A_353] {strides = array<i32>} : memref<32x128xf32, #tpu.memory_space<vmem>>, vector<16xf32>,
    tpu.vector_store %arg15[%swap3A_352, %swap3A_353], %broadcast_in_dim3A_3 {strides = array<i32>} : memref<32x128xf32, #tpu.memory_space<vmem>>, vector<16xf32>,
    %swap3A_355 = arith.constant 10 : i32
    %swap3A_356 = arith.index_cast %swap3A_355 : i32 to index
    %swap3A_357 = arith.constant 112 : index
    %swap3A_358 = tpu.vector_load %arg15[%swap3A_356, %swap3A_357] {strides = array<i32>} : memref<32x128xf32, #tpu.memory_space<vmem>>, vector<16xf32>,
    tpu.vector_store %arg15[%swap3A_356, %swap3A_357], %broadcast_in_dim3A_3 {strides = array<i32>} : memref<32x128xf32, #tpu.memory_space<vmem>>, vector<16xf32>,
    %swap3A_359 = arith.constant 11 : i32
    %swap3A_360 = arith.index_cast %swap3A_359 : i32 to index
    %swap3A_361 = arith.constant 0 : index
    %swap3A_362 = tpu.vector_load %arg15[%swap3A_360, %swap3A_361] {strides = array<i32>} : memref<32x128xf32, #tpu.memory_space<vmem>>, vector<16xf32>,
    tpu.vector_store %arg15[%swap3A_360, %swap3A_361], %broadcast_in_dim3A_3 {strides = array<i32>} : memref<32x128xf32, #tpu.memory_space<vmem>>, vector<16xf32>,
    %swap3A_363 = arith.constant 11 : i32
    %swap3A_364 = arith.index_cast %swap3A_363 : i32 to index
    %swap3A_365 = arith.constant 16 : index
    %swap3A_366 = tpu.vector_load %arg15[%swap3A_364, %swap3A_365] {strides = array<i32>} : memref<32x128xf32, #tpu.memory_space<vmem>>, vector<16xf32>,
    tpu.vector_store %arg15[%swap3A_364, %swap3A_365], %broadcast_in_dim3A_3 {strides = array<i32>} : memref<32x128xf32, #tpu.memory_space<vmem>>, vector<16xf32>,
    %swap3A_367 = arith.constant 11 : i32
    %swap3A_368 = arith.index_cast %swap3A_367 : i32 to index
    %swap3A_369 = arith.constant 32 : index
    %swap3A_370 = tpu.vector_load %arg15[%swap3A_368, %swap3A_369] {strides = array<i32>} : memref<32x128xf32, #tpu.memory_space<vmem>>, vector<16xf32>,
    tpu.vector_store %arg15[%swap3A_368, %swap3A_369], %broadcast_in_dim3A_3 {strides = array<i32>} : memref<32x128xf32, #tpu.memory_space<vmem>>, vector<16xf32>,
    %swap3A_371 = arith.constant 11 : i32
    %swap3A_372 = arith.index_cast %swap3A_371 : i32 to index
    %swap3A_373 = arith.constant 48 : index
    %swap3A_374 = tpu.vector_load %arg15[%swap3A_372, %swap3A_373] {strides = array<i32>} : memref<32x128xf32, #tpu.memory_space<vmem>>, vector<16xf32>,
    tpu.vector_store %arg15[%swap3A_372, %swap3A_373], %broadcast_in_dim3A_3 {strides = array<i32>} : memref<32x128xf32, #tpu.memory_space<vmem>>, vector<16xf32>,
    %swap3A_375 = arith.constant 11 : i32
    %swap3A_376 = arith.index_cast %swap3A_375 : i32 to index
    %swap3A_377 = arith.constant 64 : index
    %swap3A_378 = tpu.vector_load %arg15[%swap3A_376, %swap3A_377] {strides = array<i32>} : memref<32x128xf32, #tpu.memory_space<vmem>>, vector<16xf32>,
    tpu.vector_store %arg15[%swap3A_376, %swap3A_377], %broadcast_in_dim3A_3 {strides = array<i32>} : memref<32x128xf32, #tpu.memory_space<vmem>>, vector<16xf32>,
    %swap3A_379 = arith.constant 11 : i32
    %swap3A_380 = arith.index_cast %swap3A_379 : i32 to index
    %swap3A_381 = arith.constant 80 : index
    %swap3A_382 = tpu.vector_load %arg15[%swap3A_380, %swap3A_381] {strides = array<i32>} : memref<32x128xf32, #tpu.memory_space<vmem>>, vector<16xf32>,
    tpu.vector_store %arg15[%swap3A_380, %swap3A_381], %broadcast_in_dim3A_3 {strides = array<i32>} : memref<32x128xf32, #tpu.memory_space<vmem>>, vector<16xf32>,
    %swap3A_383 = arith.constant 11 : i32
    %swap3A_384 = arith.index_cast %swap3A_383 : i32 to index
    %swap3A_385 = arith.constant 96 : index
    %swap3A_386 = tpu.vector_load %arg15[%swap3A_384, %swap3A_385] {strides = array<i32>} : memref<32x128xf32, #tpu.memory_space<vmem>>, vector<16xf32>,
    tpu.vector_store %arg15[%swap3A_384, %swap3A_385], %broadcast_in_dim3A_3 {strides = array<i32>} : memref<32x128xf32, #tpu.memory_space<vmem>>, vector<16xf32>,
    %swap3A_387 = arith.constant 11 : i32
    %swap3A_388 = arith.index_cast %swap3A_387 : i32 to index
    %swap3A_389 = arith.constant 112 : index
    %swap3A_390 = tpu.vector_load %arg15[%swap3A_388, %swap3A_389] {strides = array<i32>} : memref<32x128xf32, #tpu.memory_space<vmem>>, vector<16xf32>,
    tpu.vector_store %arg15[%swap3A_388, %swap3A_389], %broadcast_in_dim3A_3 {strides = array<i32>} : memref<32x128xf32, #tpu.memory_space<vmem>>, vector<16xf32>,
    %swap3A_391 = arith.constant 12 : i32
    %swap3A_392 = arith.index_cast %swap3A_391 : i32 to index
    %swap3A_393 = arith.constant 0 : index
    %swap3A_394 = tpu.vector_load %arg15[%swap3A_392, %swap3A_393] {strides = array<i32>} : memref<32x128xf32, #tpu.memory_space<vmem>>, vector<16xf32>,
    tpu.vector_store %arg15[%swap3A_392, %swap3A_393], %broadcast_in_dim3A_3 {strides = array<i32>} : memref<32x128xf32, #tpu.memory_space<vmem>>, vector<16xf32>,
    %swap3A_395 = arith.constant 12 : i32
    %swap3A_396 = arith.index_cast %swap3A_395 : i32 to index
    %swap3A_397 = arith.constant 16 : index
    %swap3A_398 = tpu.vector_load %arg15[%swap3A_396, %swap3A_397] {strides = array<i32>} : memref<32x128xf32, #tpu.memory_space<vmem>>, vector<16xf32>,
    tpu.vector_store %arg15[%swap3A_396, %swap3A_397], %broadcast_in_dim3A_3 {strides = array<i32>} : memref<32x128xf32, #tpu.memory_space<vmem>>, vector<16xf32>,
    %swap3A_399 = arith.constant 12 : i32
    %swap3A_400 = arith.index_cast %swap3A_399 : i32 to index
    %swap3A_401 = arith.constant 32 : index
    %swap3A_402 = tpu.vector_load %arg15[%swap3A_400, %swap3A_401] {strides = array<i32>} : memref<32x128xf32, #tpu.memory_space<vmem>>, vector<16xf32>,
    tpu.vector_store %arg15[%swap3A_400, %swap3A_401], %broadcast_in_dim3A_3 {strides = array<i32>} : memref<32x128xf32, #tpu.memory_space<vmem>>, vector<16xf32>,
    %swap3A_403 = arith.constant 12 : i32
    %swap3A_404 = arith.index_cast %swap3A_403 : i32 to index
    %swap3A_405 = arith.constant 48 : index
    %swap3A_406 = tpu.vector_load %arg15[%swap3A_404, %swap3A_405] {strides = array<i32>} : memref<32x128xf32, #tpu.memory_space<vmem>>, vector<16xf32>,
    tpu.vector_store %arg15[%swap3A_404, %swap3A_405], %broadcast_in_dim3A_3 {strides = array<i32>} : memref<32x128xf32, #tpu.memory_space<vmem>>, vector<16xf32>,
    %swap3A_407 = arith.constant 12 : i32
    %swap3A_408 = arith.index_cast %swap3A_407 : i32 to index
    %swap3A_409 = arith.constant 64 : index
    %swap3A_410 = tpu.vector_load %arg15[%swap3A_408, %swap3A_409] {strides = array<i32>} : memref<32x128xf32, #tpu.memory_space<vmem>>, vector<16xf32>,
    tpu.vector_store %arg15[%swap3A_408, %swap3A_409], %broadcast_in_dim3A_3 {strides = array<i32>} : memref<32x128xf32, #tpu.memory_space<vmem>>, vector<16xf32>,
    %swap3A_411 = arith.constant 12 : i32
    %swap3A_412 = arith.index_cast %swap3A_411 : i32 to index
    %swap3A_413 = arith.constant 80 : index
    %swap3A_414 = tpu.vector_load %arg15[%swap3A_412, %swap3A_413] {strides = array<i32>} : memref<32x128xf32, #tpu.memory_space<vmem>>, vector<16xf32>,
    tpu.vector_store %arg15[%swap3A_412, %swap3A_413], %broadcast_in_dim3A_3 {strides = array<i32>} : memref<32x128xf32, #tpu.memory_space<vmem>>, vector<16xf32>,
    %swap3A_415 = arith.constant 12 : i32
    %swap3A_416 = arith.index_cast %swap3A_415 : i32 to index
    %swap3A_417 = arith.constant 96 : index
    %swap3A_418 = tpu.vector_load %arg15[%swap3A_416, %swap3A_417] {strides = array<i32>} : memref<32x128xf32, #tpu.memory_space<vmem>>, vector<16xf32>,
    tpu.vector_store %arg15[%swap3A_416, %swap3A_417], %broadcast_in_dim3A_3 {strides = array<i32>} : memref<32x128xf32, #tpu.memory_space<vmem>>, vector<16xf32>,
    %swap3A_419 = arith.constant 12 : i32
    %swap3A_420 = arith.index_cast %swap3A_419 : i32 to index
    %swap3A_421 = arith.constant 112 : index
    %swap3A_422 = tpu.vector_load %arg15[%swap3A_420, %swap3A_421] {strides = array<i32>} : memref<32x128xf32, #tpu.memory_space<vmem>>, vector<16xf32>,
    tpu.vector_store %arg15[%swap3A_420, %swap3A_421], %broadcast_in_dim3A_3 {strides = array<i32>} : memref<32x128xf32, #tpu.memory_space<vmem>>, vector<16xf32>,
    %swap3A_423 = arith.constant 13 : i32
    %swap3A_424 = arith.index_cast %swap3A_423 : i32 to index
    %swap3A_425 = arith.constant 0 : index
    %swap3A_426 = tpu.vector_load %arg15[%swap3A_424, %swap3A_425] {strides = array<i32>} : memref<32x128xf32, #tpu.memory_space<vmem>>, vector<16xf32>,
    tpu.vector_store %arg15[%swap3A_424, %swap3A_425], %broadcast_in_dim3A_3 {strides = array<i32>} : memref<32x128xf32, #tpu.memory_space<vmem>>, vector<16xf32>,
    %swap3A_427 = arith.constant 13 : i32
    %swap3A_428 = arith.index_cast %swap3A_427 : i32 to index
    %swap3A_429 = arith.constant 16 : index
    %swap3A_430 = tpu.vector_load %arg15[%swap3A_428, %swap3A_429] {strides = array<i32>} : memref<32x128xf32, #tpu.memory_space<vmem>>, vector<16xf32>,
    tpu.vector_store %arg15[%swap3A_428, %swap3A_429], %broadcast_in_dim3A_3 {strides = array<i32>} : memref<32x128xf32, #tpu.memory_space<vmem>>, vector<16xf32>,
    %swap3A_431 = arith.constant 13 : i32
    %swap3A_432 = arith.index_cast %swap3A_431 : i32 to index
    %swap3A_433 = arith.constant 32 : index
    %swap3A_434 = tpu.vector_load %arg15[%swap3A_432, %swap3A_433] {strides = array<i32>} : memref<32x128xf32, #tpu.memory_space<vmem>>, vector<16xf32>,
    tpu.vector_store %arg15[%swap3A_432, %swap3A_433], %broadcast_in_dim3A_3 {strides = array<i32>} : memref<32x128xf32, #tpu.memory_space<vmem>>, vector<16xf32>,
    %swap3A_435 = arith.constant 13 : i32
    %swap3A_436 = arith.index_cast %swap3A_435 : i32 to index
    %swap3A_437 = arith.constant 48 : index
    %swap3A_438 = tpu.vector_load %arg15[%swap3A_436, %swap3A_437] {strides = array<i32>} : memref<32x128xf32, #tpu.memory_space<vmem>>, vector<16xf32>,
    tpu.vector_store %arg15[%swap3A_436, %swap3A_437], %broadcast_in_dim3A_3 {strides = array<i32>} : memref<32x128xf32, #tpu.memory_space<vmem>>, vector<16xf32>,
    %swap3A_439 = arith.constant 13 : i32
    %swap3A_440 = arith.index_cast %swap3A_439 : i32 to index
    %swap3A_441 = arith.constant 64 : index
    %swap3A_442 = tpu.vector_load %arg15[%swap3A_440, %swap3A_441] {strides = array<i32>} : memref<32x128xf32, #tpu.memory_space<vmem>>, vector<16xf32>,
    tpu.vector_store %arg15[%swap3A_440, %swap3A_441], %broadcast_in_dim3A_3 {strides = array<i32>} : memref<32x128xf32, #tpu.memory_space<vmem>>, vector<16xf32>,
    %swap3A_443 = arith.constant 13 : i32
    %swap3A_444 = arith.index_cast %swap3A_443 : i32 to index
    %swap3A_445 = arith.constant 80 : index
    %swap3A_446 = tpu.vector_load %arg15[%swap3A_444, %swap3A_445] {strides = array<i32>} : memref<32x128xf32, #tpu.memory_space<vmem>>, vector<16xf32>,
    tpu.vector_store %arg15[%swap3A_444, %swap3A_445], %broadcast_in_dim3A_3 {strides = array<i32>} : memref<32x128xf32, #tpu.memory_space<vmem>>, vector<16xf32>,
    %swap3A_447 = arith.constant 13 : i32
    %swap3A_448 = arith.index_cast %swap3A_447 : i32 to index
    %swap3A_449 = arith.constant 96 : index
    %swap3A_450 = tpu.vector_load %arg15[%swap3A_448, %swap3A_449] {strides = array<i32>} : memref<32x128xf32, #tpu.memory_space<vmem>>, vector<16xf32>,
    tpu.vector_store %arg15[%swap3A_448, %swap3A_449], %broadcast_in_dim3A_3 {strides = array<i32>} : memref<32x128xf32, #tpu.memory_space<vmem>>, vector<16xf32>,
    %swap3A_451 = arith.constant 13 : i32
    %swap3A_452 = arith.index_cast %swap3A_451 : i32 to index
    %swap3A_453 = arith.constant 112 : index
    %swap3A_454 = tpu.vector_load %arg15[%swap3A_452, %swap3A_453] {strides = array<i32>} : memref<32x128xf32, #tpu.memory_space<vmem>>, vector<16xf32>,
    tpu.vector_store %arg15[%swap3A_452, %swap3A_453], %broadcast_in_dim3A_3 {strides = array<i32>} : memref<32x128xf32, #tpu.memory_space<vmem>>, vector<16xf32>,
    %swap3A_455 = arith.constant 14 : i32
    %swap3A_456 = arith.index_cast %swap3A_455 : i32 to index
    %swap3A_457 = arith.constant 0 : index
    %swap3A_458 = tpu.vector_load %arg15[%swap3A_456, %swap3A_457] {strides = array<i32>} : memref<32x128xf32, #tpu.memory_space<vmem>>, vector<16xf32>,
    tpu.vector_store %arg15[%swap3A_456, %swap3A_457], %broadcast_in_dim3A_3 {strides = array<i32>} : memref<32x128xf32, #tpu.memory_space<vmem>>, vector<16xf32>,
    %swap3A_459 = arith.constant 14 : i32
    %swap3A_460 = arith.index_cast %swap3A_459 : i32 to index
    %swap3A_461 = arith.constant 16 : index
    %swap3A_462 = tpu.vector_load %arg15[%swap3A_460, %swap3A_461] {strides = array<i32>} : memref<32x128xf32, #tpu.memory_space<vmem>>, vector<16xf32>,
    tpu.vector_store %arg15[%swap3A_460, %swap3A_461], %broadcast_in_dim3A_3 {strides = array<i32>} : memref<32x128xf32, #tpu.memory_space<vmem>>, vector<16xf32>,
    %swap3A_463 = arith.constant 14 : i32
    %swap3A_464 = arith.index_cast %swap3A_463 : i32 to index
    %swap3A_465 = arith.constant 32 : index
    %swap3A_466 = tpu.vector_load %arg15[%swap3A_464, %swap3A_465] {strides = array<i32>} : memref<32x128xf32, #tpu.memory_space<vmem>>, vector<16xf32>,
    tpu.vector_store %arg15[%swap3A_464, %swap3A_465], %broadcast_in_dim3A_3 {strides = array<i32>} : memref<32x128xf32, #tpu.memory_space<vmem>>, vector<16xf32>,
    %swap3A_467 = arith.constant 14 : i32
    %swap3A_468 = arith.index_cast %swap3A_467 : i32 to index
    %swap3A_469 = arith.constant 48 : index
    %swap3A_470 = tpu.vector_load %arg15[%swap3A_468, %swap3A_469] {strides = array<i32>} : memref<32x128xf32, #tpu.memory_space<vmem>>, vector<16xf32>,
    tpu.vector_store %arg15[%swap3A_468, %swap3A_469], %broadcast_in_dim3A_3 {strides = array<i32>} : memref<32x128xf32, #tpu.memory_space<vmem>>, vector<16xf32>,
    %swap3A_471 = arith.constant 14 : i32
    %swap3A_472 = arith.index_cast %swap3A_471 : i32 to index
    %swap3A_473 = arith.constant 64 : index
    %swap3A_474 = tpu.vector_load %arg15[%swap3A_472, %swap3A_473] {strides = array<i32>} : memref<32x128xf32, #tpu.memory_space<vmem>>, vector<16xf32>,
    tpu.vector_store %arg15[%swap3A_472, %swap3A_473], %broadcast_in_dim3A_3 {strides = array<i32>} : memref<32x128xf32, #tpu.memory_space<vmem>>, vector<16xf32>,
    %swap3A_475 = arith.constant 14 : i32
    %swap3A_476 = arith.index_cast %swap3A_475 : i32 to index
    %swap3A_477 = arith.constant 80 : index
    %swap3A_478 = tpu.vector_load %arg15[%swap3A_476, %swap3A_477] {strides = array<i32>} : memref<32x128xf32, #tpu.memory_space<vmem>>, vector<16xf32>,
    tpu.vector_store %arg15[%swap3A_476, %swap3A_477], %broadcast_in_dim3A_3 {strides = array<i32>} : memref<32x128xf32, #tpu.memory_space<vmem>>, vector<16xf32>,
    %swap3A_479 = arith.constant 14 : i32
    %swap3A_480 = arith.index_cast %swap3A_479 : i32 to index
    %swap3A_481 = arith.constant 96 : index
    %swap3A_482 = tpu.vector_load %arg15[%swap3A_480, %swap3A_481] {strides = array<i32>} : memref<32x128xf32, #tpu.memory_space<vmem>>, vector<16xf32>,
    tpu.vector_store %arg15[%swap3A_480, %swap3A_481], %broadcast_in_dim3A_3 {strides = array<i32>} : memref<32x128xf32, #tpu.memory_space<vmem>>, vector<16xf32>,
    %swap3A_483 = arith.constant 14 : i32
    %swap3A_484 = arith.index_cast %swap3A_483 : i32 to index
    %swap3A_485 = arith.constant 112 : index
    %swap3A_486 = tpu.vector_load %arg15[%swap3A_484, %swap3A_485] {strides = array<i32>} : memref<32x128xf32, #tpu.memory_space<vmem>>, vector<16xf32>,
    tpu.vector_store %arg15[%swap3A_484, %swap3A_485], %broadcast_in_dim3A_3 {strides = array<i32>} : memref<32x128xf32, #tpu.memory_space<vmem>>, vector<16xf32>,
    %swap3A_487 = arith.constant 15 : i32
    %swap3A_488 = arith.index_cast %swap3A_487 : i32 to index
    %swap3A_489 = arith.constant 0 : index
    %swap3A_490 = tpu.vector_load %arg15[%swap3A_488, %swap3A_489] {strides = array<i32>} : memref<32x128xf32, #tpu.memory_space<vmem>>, vector<16xf32>,
    tpu.vector_store %arg15[%swap3A_488, %swap3A_489], %broadcast_in_dim3A_3 {strides = array<i32>} : memref<32x128xf32, #tpu.memory_space<vmem>>, vector<16xf32>,
    %swap3A_491 = arith.constant 15 : i32
    %swap3A_492 = arith.index_cast %swap3A_491 : i32 to index
    %swap3A_493 = arith.constant 16 : index
    %swap3A_494 = tpu.vector_load %arg15[%swap3A_492, %swap3A_493] {strides = array<i32>} : memref<32x128xf32, #tpu.memory_space<vmem>>, vector<16xf32>,
    tpu.vector_store %arg15[%swap3A_492, %swap3A_493], %broadcast_in_dim3A_3 {strides = array<i32>} : memref<32x128xf32, #tpu.memory_space<vmem>>, vector<16xf32>,
    %swap3A_495 = arith.constant 15 : i32
    %swap3A_496 = arith.index_cast %swap3A_495 : i32 to index
    %swap3A_497 = arith.constant 32 : index
    %swap3A_498 = tpu.vector_load %arg15[%swap3A_496, %swap3A_497] {strides = array<i32>} : memref<32x128xf32, #tpu.memory_space<vmem>>, vector<16xf32>,
    tpu.vector_store %arg15[%swap3A_496, %swap3A_497], %broadcast_in_dim3A_3 {strides = array<i32>} : memref<32x128xf32, #tpu.memory_space<vmem>>, vector<16xf32>,
    %swap3A_499 = arith.constant 15 : i32
    %swap3A_500 = arith.index_cast %swap3A_499 : i32 to index
    %swap3A_501 = arith.constant 48 : index
    %swap3A_502 = tpu.vector_load %arg15[%swap3A_500, %swap3A_501] {strides = array<i32>} : memref<32x128xf32, #tpu.memory_space<vmem>>, vector<16xf32>,
    tpu.vector_store %arg15[%swap3A_500, %swap3A_501], %broadcast_in_dim3A_3 {strides = array<i32>} : memref<32x128xf32, #tpu.memory_space<vmem>>, vector<16xf32>,
    %swap3A_503 = arith.constant 15 : i32
    %swap3A_504 = arith.index_cast %swap3A_503 : i32 to index
    %swap3A_505 = arith.constant 64 : index
    %swap3A_506 = tpu.vector_load %arg15[%swap3A_504, %swap3A_505] {strides = array<i32>} : memref<32x128xf32, #tpu.memory_space<vmem>>, vector<16xf32>,
    tpu.vector_store %arg15[%swap3A_504, %swap3A_505], %broadcast_in_dim3A_3 {strides = array<i32>} : memref<32x128xf32, #tpu.memory_space<vmem>>, vector<16xf32>,
    %swap3A_507 = arith.constant 15 : i32
    %swap3A_508 = arith.index_cast %swap3A_507 : i32 to index
    %swap3A_509 = arith.constant 80 : index
    %swap3A_510 = tpu.vector_load %arg15[%swap3A_508, %swap3A_509] {strides = array<i32>} : memref<32x128xf32, #tpu.memory_space<vmem>>, vector<16xf32>,
    tpu.vector_store %arg15[%swap3A_508, %swap3A_509], %broadcast_in_dim3A_3 {strides = array<i32>} : memref<32x128xf32, #tpu.memory_space<vmem>>, vector<16xf32>,
    %swap3A_511 = arith.constant 15 : i32
    %swap3A_512 = arith.index_cast %swap3A_511 : i32 to index
    %swap3A_513 = arith.constant 96 : index
    %swap3A_514 = tpu.vector_load %arg15[%swap3A_512, %swap3A_513] {strides = array<i32>} : memref<32x128xf32, #tpu.memory_space<vmem>>, vector<16xf32>,
    tpu.vector_store %arg15[%swap3A_512, %swap3A_513], %broadcast_in_dim3A_3 {strides = array<i32>} : memref<32x128xf32, #tpu.memory_space<vmem>>, vector<16xf32>,
    %swap3A_515 = arith.constant 15 : i32
    %swap3A_516 = arith.index_cast %swap3A_515 : i32 to index
    %swap3A_517 = arith.constant 112 : index
    %swap3A_518 = tpu.vector_load %arg15[%swap3A_516, %swap3A_517] {strides = array<i32>} : memref<32x128xf32, #tpu.memory_space<vmem>>, vector<16xf32>,
    tpu.vector_store %arg15[%swap3A_516, %swap3A_517], %broadcast_in_dim3A_3 {strides = array<i32>} : memref<32x128xf32, #tpu.memory_space<vmem>>, vector<16xf32>,
    %swap3A_519 = arith.constant 16 : i32
    %swap3A_520 = arith.index_cast %swap3A_519 : i32 to index
    %swap3A_521 = arith.constant 0 : index
    %swap3A_522 = tpu.vector_load %arg15[%swap3A_520, %swap3A_521] {strides = array<i32>} : memref<32x128xf32, #tpu.memory_space<vmem>>, vector<16xf32>,
    tpu.vector_store %arg15[%swap3A_520, %swap3A_521], %broadcast_in_dim3A_3 {strides = array<i32>} : memref<32x128xf32, #tpu.memory_space<vmem>>, vector<16xf32>,
    %swap3A_523 = arith.constant 16 : i32
    %swap3A_524 = arith.index_cast %swap3A_523 : i32 to index
    %swap3A_525 = arith.constant 16 : index
    %swap3A_526 = tpu.vector_load %arg15[%swap3A_524, %swap3A_525] {strides = array<i32>} : memref<32x128xf32, #tpu.memory_space<vmem>>, vector<16xf32>,
    tpu.vector_store %arg15[%swap3A_524, %swap3A_525], %broadcast_in_dim3A_3 {strides = array<i32>} : memref<32x128xf32, #tpu.memory_space<vmem>>, vector<16xf32>,
    %swap3A_527 = arith.constant 16 : i32
    %swap3A_528 = arith.index_cast %swap3A_527 : i32 to index
    %swap3A_529 = arith.constant 32 : index
    %swap3A_530 = tpu.vector_load %arg15[%swap3A_528, %swap3A_529] {strides = array<i32>} : memref<32x128xf32, #tpu.memory_space<vmem>>, vector<16xf32>,
    tpu.vector_store %arg15[%swap3A_528, %swap3A_529], %broadcast_in_dim3A_3 {strides = array<i32>} : memref<32x128xf32, #tpu.memory_space<vmem>>, vector<16xf32>,
    %swap3A_531 = arith.constant 16 : i32
    %swap3A_532 = arith.index_cast %swap3A_531 : i32 to index
    %swap3A_533 = arith.constant 48 : index
    %swap3A_534 = tpu.vector_load %arg15[%swap3A_532, %swap3A_533] {strides = array<i32>} : memref<32x128xf32, #tpu.memory_space<vmem>>, vector<16xf32>,
    tpu.vector_store %arg15[%swap3A_532, %swap3A_533], %broadcast_in_dim3A_3 {strides = array<i32>} : memref<32x128xf32, #tpu.memory_space<vmem>>, vector<16xf32>,
    %swap3A_535 = arith.constant 16 : i32
    %swap3A_536 = arith.index_cast %swap3A_535 : i32 to index
    %swap3A_537 = arith.constant 64 : index
    %swap3A_538 = tpu.vector_load %arg15[%swap3A_536, %swap3A_537] {strides = array<i32>} : memref<32x128xf32, #tpu.memory_space<vmem>>, vector<16xf32>,
    tpu.vector_store %arg15[%swap3A_536, %swap3A_537], %broadcast_in_dim3A_3 {strides = array<i32>} : memref<32x128xf32, #tpu.memory_space<vmem>>, vector<16xf32>,
    %swap3A_539 = arith.constant 16 : i32
    %swap3A_540 = arith.index_cast %swap3A_539 : i32 to index
    %swap3A_541 = arith.constant 80 : index
    %swap3A_542 = tpu.vector_load %arg15[%swap3A_540, %swap3A_541] {strides = array<i32>} : memref<32x128xf32, #tpu.memory_space<vmem>>, vector<16xf32>,
    tpu.vector_store %arg15[%swap3A_540, %swap3A_541], %broadcast_in_dim3A_3 {strides = array<i32>} : memref<32x128xf32, #tpu.memory_space<vmem>>, vector<16xf32>,
    %swap3A_543 = arith.constant 16 : i32
    %swap3A_544 = arith.index_cast %swap3A_543 : i32 to index
    %swap3A_545 = arith.constant 96 : index
    %swap3A_546 = tpu.vector_load %arg15[%swap3A_544, %swap3A_545] {strides = array<i32>} : memref<32x128xf32, #tpu.memory_space<vmem>>, vector<16xf32>,
    tpu.vector_store %arg15[%swap3A_544, %swap3A_545], %broadcast_in_dim3A_3 {strides = array<i32>} : memref<32x128xf32, #tpu.memory_space<vmem>>, vector<16xf32>,
    %swap3A_547 = arith.constant 16 : i32
    %swap3A_548 = arith.index_cast %swap3A_547 : i32 to index
    %swap3A_549 = arith.constant 112 : index
    %swap3A_550 = tpu.vector_load %arg15[%swap3A_548, %swap3A_549] {strides = array<i32>} : memref<32x128xf32, #tpu.memory_space<vmem>>, vector<16xf32>,
    tpu.vector_store %arg15[%swap3A_548, %swap3A_549], %broadcast_in_dim3A_3 {strides = array<i32>} : memref<32x128xf32, #tpu.memory_space<vmem>>, vector<16xf32>,
    %swap3A_551 = arith.constant 17 : i32
    %swap3A_552 = arith.index_cast %swap3A_551 : i32 to index
    %swap3A_553 = arith.constant 0 : index
    %swap3A_554 = tpu.vector_load %arg15[%swap3A_552, %swap3A_553] {strides = array<i32>} : memref<32x128xf32, #tpu.memory_space<vmem>>, vector<16xf32>,
    tpu.vector_store %arg15[%swap3A_552, %swap3A_553], %broadcast_in_dim3A_3 {strides = array<i32>} : memref<32x128xf32, #tpu.memory_space<vmem>>, vector<16xf32>,
    %swap3A_555 = arith.constant 17 : i32
    %swap3A_556 = arith.index_cast %swap3A_555 : i32 to index
    %swap3A_557 = arith.constant 16 : index
    %swap3A_558 = tpu.vector_load %arg15[%swap3A_556, %swap3A_557] {strides = array<i32>} : memref<32x128xf32, #tpu.memory_space<vmem>>, vector<16xf32>,
    tpu.vector_store %arg15[%swap3A_556, %swap3A_557], %broadcast_in_dim3A_3 {strides = array<i32>} : memref<32x128xf32, #tpu.memory_space<vmem>>, vector<16xf32>,
    %swap3A_559 = arith.constant 17 : i32
    %swap3A_560 = arith.index_cast %swap3A_559 : i32 to index
    %swap3A_561 = arith.constant 32 : index
    %swap3A_562 = tpu.vector_load %arg15[%swap3A_560, %swap3A_561] {strides = array<i32>} : memref<32x128xf32, #tpu.memory_space<vmem>>, vector<16xf32>,
    tpu.vector_store %arg15[%swap3A_560, %swap3A_561], %broadcast_in_dim3A_3 {strides = array<i32>} : memref<32x128xf32, #tpu.memory_space<vmem>>, vector<16xf32>,
    %swap3A_563 = arith.constant 17 : i32
    %swap3A_564 = arith.index_cast %swap3A_563 : i32 to index
    %swap3A_565 = arith.constant 48 : index
    %swap3A_566 = tpu.vector_load %arg15[%swap3A_564, %swap3A_565] {strides = array<i32>} : memref<32x128xf32, #tpu.memory_space<vmem>>, vector<16xf32>,
    tpu.vector_store %arg15[%swap3A_564, %swap3A_565], %broadcast_in_dim3A_3 {strides = array<i32>} : memref<32x128xf32, #tpu.memory_space<vmem>>, vector<16xf32>,
    %swap3A_567 = arith.constant 17 : i32
    %swap3A_568 = arith.index_cast %swap3A_567 : i32 to index
    %swap3A_569 = arith.constant 64 : index
    %swap3A_570 = tpu.vector_load %arg15[%swap3A_568, %swap3A_569] {strides = array<i32>} : memref<32x128xf32, #tpu.memory_space<vmem>>, vector<16xf32>,
    tpu.vector_store %arg15[%swap3A_568, %swap3A_569], %broadcast_in_dim3A_3 {strides = array<i32>} : memref<32x128xf32, #tpu.memory_space<vmem>>, vector<16xf32>,
    %swap3A_571 = arith.constant 17 : i32
    %swap3A_572 = arith.index_cast %swap3A_571 : i32 to index
    %swap3A_573 = arith.constant 80 : index
    %swap3A_574 = tpu.vector_load %arg15[%swap3A_572, %swap3A_573] {strides = array<i32>} : memref<32x128xf32, #tpu.memory_space<vmem>>, vector<16xf32>,
    tpu.vector_store %arg15[%swap3A_572, %swap3A_573], %broadcast_in_dim3A_3 {strides = array<i32>} : memref<32x128xf32, #tpu.memory_space<vmem>>, vector<16xf32>,
    %swap3A_575 = arith.constant 17 : i32
    %swap3A_576 = arith.index_cast %swap3A_575 : i32 to index
    %swap3A_577 = arith.constant 96 : index
    %swap3A_578 = tpu.vector_load %arg15[%swap3A_576, %swap3A_577] {strides = array<i32>} : memref<32x128xf32, #tpu.memory_space<vmem>>, vector<16xf32>,
    tpu.vector_store %arg15[%swap3A_576, %swap3A_577], %broadcast_in_dim3A_3 {strides = array<i32>} : memref<32x128xf32, #tpu.memory_space<vmem>>, vector<16xf32>,
    %swap3A_579 = arith.constant 17 : i32
    %swap3A_580 = arith.index_cast %swap3A_579 : i32 to index
    %swap3A_581 = arith.constant 112 : index
    %swap3A_582 = tpu.vector_load %arg15[%swap3A_580, %swap3A_581] {strides = array<i32>} : memref<32x128xf32, #tpu.memory_space<vmem>>, vector<16xf32>,
    tpu.vector_store %arg15[%swap3A_580, %swap3A_581], %broadcast_in_dim3A_3 {strides = array<i32>} : memref<32x128xf32, #tpu.memory_space<vmem>>, vector<16xf32>,
    %swap3A_583 = arith.constant 18 : i32
    %swap3A_584 = arith.index_cast %swap3A_583 : i32 to index
    %swap3A_585 = arith.constant 0 : index
    %swap3A_586 = tpu.vector_load %arg15[%swap3A_584, %swap3A_585] {strides = array<i32>} : memref<32x128xf32, #tpu.memory_space<vmem>>, vector<16xf32>,
    tpu.vector_store %arg15[%swap3A_584, %swap3A_585], %broadcast_in_dim3A_3 {strides = array<i32>} : memref<32x128xf32, #tpu.memory_space<vmem>>, vector<16xf32>,
    %swap3A_587 = arith.constant 18 : i32
    %swap3A_588 = arith.index_cast %swap3A_587 : i32 to index
    %swap3A_589 = arith.constant 16 : index
    %swap3A_590 = tpu.vector_load %arg15[%swap3A_588, %swap3A_589] {strides = array<i32>} : memref<32x128xf32, #tpu.memory_space<vmem>>, vector<16xf32>,
    tpu.vector_store %arg15[%swap3A_588, %swap3A_589], %broadcast_in_dim3A_3 {strides = array<i32>} : memref<32x128xf32, #tpu.memory_space<vmem>>, vector<16xf32>,
    %swap3A_591 = arith.constant 18 : i32
    %swap3A_592 = arith.index_cast %swap3A_591 : i32 to index
    %swap3A_593 = arith.constant 32 : index
    %swap3A_594 = tpu.vector_load %arg15[%swap3A_592, %swap3A_593] {strides = array<i32>} : memref<32x128xf32, #tpu.memory_space<vmem>>, vector<16xf32>,
    tpu.vector_store %arg15[%swap3A_592, %swap3A_593], %broadcast_in_dim3A_3 {strides = array<i32>} : memref<32x128xf32, #tpu.memory_space<vmem>>, vector<16xf32>,
    %swap3A_595 = arith.constant 18 : i32
    %swap3A_596 = arith.index_cast %swap3A_595 : i32 to index
    %swap3A_597 = arith.constant 48 : index
    %swap3A_598 = tpu.vector_load %arg15[%swap3A_596, %swap3A_597] {strides = array<i32>} : memref<32x128xf32, #tpu.memory_space<vmem>>, vector<16xf32>,
    tpu.vector_store %arg15[%swap3A_596, %swap3A_597], %broadcast_in_dim3A_3 {strides = array<i32>} : memref<32x128xf32, #tpu.memory_space<vmem>>, vector<16xf32>,
    %swap3A_599 = arith.constant 18 : i32
    %swap3A_600 = arith.index_cast %swap3A_599 : i32 to index
    %swap3A_601 = arith.constant 64 : index
    %swap3A_602 = tpu.vector_load %arg15[%swap3A_600, %swap3A_601] {strides = array<i32>} : memref<32x128xf32, #tpu.memory_space<vmem>>, vector<16xf32>,
    tpu.vector_store %arg15[%swap3A_600, %swap3A_601], %broadcast_in_dim3A_3 {strides = array<i32>} : memref<32x128xf32, #tpu.memory_space<vmem>>, vector<16xf32>,
    %swap3A_603 = arith.constant 18 : i32
    %swap3A_604 = arith.index_cast %swap3A_603 : i32 to index
    %swap3A_605 = arith.constant 80 : index
    %swap3A_606 = tpu.vector_load %arg15[%swap3A_604, %swap3A_605] {strides = array<i32>} : memref<32x128xf32, #tpu.memory_space<vmem>>, vector<16xf32>,
    tpu.vector_store %arg15[%swap3A_604, %swap3A_605], %broadcast_in_dim3A_3 {strides = array<i32>} : memref<32x128xf32, #tpu.memory_space<vmem>>, vector<16xf32>,
    %swap3A_607 = arith.constant 18 : i32
    %swap3A_608 = arith.index_cast %swap3A_607 : i32 to index
    %swap3A_609 = arith.constant 96 : index
    %swap3A_610 = tpu.vector_load %arg15[%swap3A_608, %swap3A_609] {strides = array<i32>} : memref<32x128xf32, #tpu.memory_space<vmem>>, vector<16xf32>,
    tpu.vector_store %arg15[%swap3A_608, %swap3A_609], %broadcast_in_dim3A_3 {strides = array<i32>} : memref<32x128xf32, #tpu.memory_space<vmem>>, vector<16xf32>,
    %swap3A_611 = arith.constant 18 : i32
    %swap3A_612 = arith.index_cast %swap3A_611 : i32 to index
    %swap3A_613 = arith.constant 112 : index
    %swap3A_614 = tpu.vector_load %arg15[%swap3A_612, %swap3A_613] {strides = array<i32>} : memref<32x128xf32, #tpu.memory_space<vmem>>, vector<16xf32>,
    tpu.vector_store %arg15[%swap3A_612, %swap3A_613], %broadcast_in_dim3A_3 {strides = array<i32>} : memref<32x128xf32, #tpu.memory_space<vmem>>, vector<16xf32>,
    %swap3A_615 = arith.constant 19 : i32
    %swap3A_616 = arith.index_cast %swap3A_615 : i32 to index
    %swap3A_617 = arith.constant 0 : index
    %swap3A_618 = tpu.vector_load %arg15[%swap3A_616, %swap3A_617] {strides = array<i32>} : memref<32x128xf32, #tpu.memory_space<vmem>>, vector<16xf32>,
    tpu.vector_store %arg15[%swap3A_616, %swap3A_617], %broadcast_in_dim3A_3 {strides = array<i32>} : memref<32x128xf32, #tpu.memory_space<vmem>>, vector<16xf32>,
    %swap3A_619 = arith.constant 19 : i32
    %swap3A_620 = arith.index_cast %swap3A_619 : i32 to index
    %swap3A_621 = arith.constant 16 : index
    %swap3A_622 = tpu.vector_load %arg15[%swap3A_620, %swap3A_621] {strides = array<i32>} : memref<32x128xf32, #tpu.memory_space<vmem>>, vector<16xf32>,
    tpu.vector_store %arg15[%swap3A_620, %swap3A_621], %broadcast_in_dim3A_3 {strides = array<i32>} : memref<32x128xf32, #tpu.memory_space<vmem>>, vector<16xf32>,
    %swap3A_623 = arith.constant 19 : i32
    %swap3A_624 = arith.index_cast %swap3A_623 : i32 to index
    %swap3A_625 = arith.constant 32 : index
    %swap3A_626 = tpu.vector_load %arg15[%swap3A_624, %swap3A_625] {strides = array<i32>} : memref<32x128xf32, #tpu.memory_space<vmem>>, vector<16xf32>,
    tpu.vector_store %arg15[%swap3A_624, %swap3A_625], %broadcast_in_dim3A_3 {strides = array<i32>} : memref<32x128xf32, #tpu.memory_space<vmem>>, vector<16xf32>,
    %swap3A_627 = arith.constant 19 : i32
    %swap3A_628 = arith.index_cast %swap3A_627 : i32 to index
    %swap3A_629 = arith.constant 48 : index
    %swap3A_630 = tpu.vector_load %arg15[%swap3A_628, %swap3A_629] {strides = array<i32>} : memref<32x128xf32, #tpu.memory_space<vmem>>, vector<16xf32>,
    tpu.vector_store %arg15[%swap3A_628, %swap3A_629], %broadcast_in_dim3A_3 {strides = array<i32>} : memref<32x128xf32, #tpu.memory_space<vmem>>, vector<16xf32>,
    %swap3A_631 = arith.constant 19 : i32
    %swap3A_632 = arith.index_cast %swap3A_631 : i32 to index
    %swap3A_633 = arith.constant 64 : index
    %swap3A_634 = tpu.vector_load %arg15[%swap3A_632, %swap3A_633] {strides = array<i32>} : memref<32x128xf32, #tpu.memory_space<vmem>>, vector<16xf32>,
    tpu.vector_store %arg15[%swap3A_632, %swap3A_633], %broadcast_in_dim3A_3 {strides = array<i32>} : memref<32x128xf32, #tpu.memory_space<vmem>>, vector<16xf32>,
    %swap3A_635 = arith.constant 19 : i32
    %swap3A_636 = arith.index_cast %swap3A_635 : i32 to index
    %swap3A_637 = arith.constant 80 : index
    %swap3A_638 = tpu.vector_load %arg15[%swap3A_636, %swap3A_637] {strides = array<i32>} : memref<32x128xf32, #tpu.memory_space<vmem>>, vector<16xf32>,
    tpu.vector_store %arg15[%swap3A_636, %swap3A_637], %broadcast_in_dim3A_3 {strides = array<i32>} : memref<32x128xf32, #tpu.memory_space<vmem>>, vector<16xf32>,
    %swap3A_639 = arith.constant 19 : i32
    %swap3A_640 = arith.index_cast %swap3A_639 : i32 to index
    %swap3A_641 = arith.constant 96 : index
    %swap3A_642 = tpu.vector_load %arg15[%swap3A_640, %swap3A_641] {strides = array<i32>} : memref<32x128xf32, #tpu.memory_space<vmem>>, vector<16xf32>,
    tpu.vector_store %arg15[%swap3A_640, %swap3A_641], %broadcast_in_dim3A_3 {strides = array<i32>} : memref<32x128xf32, #tpu.memory_space<vmem>>, vector<16xf32>,
    %swap3A_643 = arith.constant 19 : i32
    %swap3A_644 = arith.index_cast %swap3A_643 : i32 to index
    %swap3A_645 = arith.constant 112 : index
    %swap3A_646 = tpu.vector_load %arg15[%swap3A_644, %swap3A_645] {strides = array<i32>} : memref<32x128xf32, #tpu.memory_space<vmem>>, vector<16xf32>,
    tpu.vector_store %arg15[%swap3A_644, %swap3A_645], %broadcast_in_dim3A_3 {strides = array<i32>} : memref<32x128xf32, #tpu.memory_space<vmem>>, vector<16xf32>,
    %swap3A_647 = arith.constant 20 : i32
    %swap3A_648 = arith.index_cast %swap3A_647 : i32 to index
    %swap3A_649 = arith.constant 0 : index
    %swap3A_650 = tpu.vector_load %arg15[%swap3A_648, %swap3A_649] {strides = array<i32>} : memref<32x128xf32, #tpu.memory_space<vmem>>, vector<16xf32>,
    tpu.vector_store %arg15[%swap3A_648, %swap3A_649], %broadcast_in_dim3A_3 {strides = array<i32>} : memref<32x128xf32, #tpu.memory_space<vmem>>, vector<16xf32>,
    %swap3A_651 = arith.constant 20 : i32
    %swap3A_652 = arith.index_cast %swap3A_651 : i32 to index
    %swap3A_653 = arith.constant 16 : index
    %swap3A_654 = tpu.vector_load %arg15[%swap3A_652, %swap3A_653] {strides = array<i32>} : memref<32x128xf32, #tpu.memory_space<vmem>>, vector<16xf32>,
    tpu.vector_store %arg15[%swap3A_652, %swap3A_653], %broadcast_in_dim3A_3 {strides = array<i32>} : memref<32x128xf32, #tpu.memory_space<vmem>>, vector<16xf32>,
    %swap3A_655 = arith.constant 20 : i32
    %swap3A_656 = arith.index_cast %swap3A_655 : i32 to index
    %swap3A_657 = arith.constant 32 : index
    %swap3A_658 = tpu.vector_load %arg15[%swap3A_656, %swap3A_657] {strides = array<i32>} : memref<32x128xf32, #tpu.memory_space<vmem>>, vector<16xf32>,
    tpu.vector_store %arg15[%swap3A_656, %swap3A_657], %broadcast_in_dim3A_3 {strides = array<i32>} : memref<32x128xf32, #tpu.memory_space<vmem>>, vector<16xf32>,
    %swap3A_659 = arith.constant 20 : i32
    %swap3A_660 = arith.index_cast %swap3A_659 : i32 to index
    %swap3A_661 = arith.constant 48 : index
    %swap3A_662 = tpu.vector_load %arg15[%swap3A_660, %swap3A_661] {strides = array<i32>} : memref<32x128xf32, #tpu.memory_space<vmem>>, vector<16xf32>,
    tpu.vector_store %arg15[%swap3A_660, %swap3A_661], %broadcast_in_dim3A_3 {strides = array<i32>} : memref<32x128xf32, #tpu.memory_space<vmem>>, vector<16xf32>,
    %swap3A_663 = arith.constant 20 : i32
    %swap3A_664 = arith.index_cast %swap3A_663 : i32 to index
    %swap3A_665 = arith.constant 64 : index
    %swap3A_666 = tpu.vector_load %arg15[%swap3A_664, %swap3A_665] {strides = array<i32>} : memref<32x128xf32, #tpu.memory_space<vmem>>, vector<16xf32>,
    tpu.vector_store %arg15[%swap3A_664, %swap3A_665], %broadcast_in_dim3A_3 {strides = array<i32>} : memref<32x128xf32, #tpu.memory_space<vmem>>, vector<16xf32>,
    %swap3A_667 = arith.constant 20 : i32
    %swap3A_668 = arith.index_cast %swap3A_667 : i32 to index
    %swap3A_669 = arith.constant 80 : index
    %swap3A_670 = tpu.vector_load %arg15[%swap3A_668, %swap3A_669] {strides = array<i32>} : memref<32x128xf32, #tpu.memory_space<vmem>>, vector<16xf32>,
    tpu.vector_store %arg15[%swap3A_668, %swap3A_669], %broadcast_in_dim3A_3 {strides = array<i32>} : memref<32x128xf32, #tpu.memory_space<vmem>>, vector<16xf32>,
    %swap3A_671 = arith.constant 20 : i32
    %swap3A_672 = arith.index_cast %swap3A_671 : i32 to index
    %swap3A_673 = arith.constant 96 : index
    %swap3A_674 = tpu.vector_load %arg15[%swap3A_672, %swap3A_673] {strides = array<i32>} : memref<32x128xf32, #tpu.memory_space<vmem>>, vector<16xf32>,
    tpu.vector_store %arg15[%swap3A_672, %swap3A_673], %broadcast_in_dim3A_3 {strides = array<i32>} : memref<32x128xf32, #tpu.memory_space<vmem>>, vector<16xf32>,
    %swap3A_675 = arith.constant 20 : i32
    %swap3A_676 = arith.index_cast %swap3A_675 : i32 to index
    %swap3A_677 = arith.constant 112 : index
    %swap3A_678 = tpu.vector_load %arg15[%swap3A_676, %swap3A_677] {strides = array<i32>} : memref<32x128xf32, #tpu.memory_space<vmem>>, vector<16xf32>,
    tpu.vector_store %arg15[%swap3A_676, %swap3A_677], %broadcast_in_dim3A_3 {strides = array<i32>} : memref<32x128xf32, #tpu.memory_space<vmem>>, vector<16xf32>,
    %swap3A_679 = arith.constant 21 : i32
    %swap3A_680 = arith.index_cast %swap3A_679 : i32 to index
    %swap3A_681 = arith.constant 0 : index
    %swap3A_682 = tpu.vector_load %arg15[%swap3A_680, %swap3A_681] {strides = array<i32>} : memref<32x128xf32, #tpu.memory_space<vmem>>, vector<16xf32>,
    tpu.vector_store %arg15[%swap3A_680, %swap3A_681], %broadcast_in_dim3A_3 {strides = array<i32>} : memref<32x128xf32, #tpu.memory_space<vmem>>, vector<16xf32>,
    %swap3A_683 = arith.constant 21 : i32
    %swap3A_684 = arith.index_cast %swap3A_683 : i32 to index
    %swap3A_685 = arith.constant 16 : index
    %swap3A_686 = tpu.vector_load %arg15[%swap3A_684, %swap3A_685] {strides = array<i32>} : memref<32x128xf32, #tpu.memory_space<vmem>>, vector<16xf32>,
    tpu.vector_store %arg15[%swap3A_684, %swap3A_685], %broadcast_in_dim3A_3 {strides = array<i32>} : memref<32x128xf32, #tpu.memory_space<vmem>>, vector<16xf32>,
    %swap3A_687 = arith.constant 21 : i32
    %swap3A_688 = arith.index_cast %swap3A_687 : i32 to index
    %swap3A_689 = arith.constant 32 : index
    %swap3A_690 = tpu.vector_load %arg15[%swap3A_688, %swap3A_689] {strides = array<i32>} : memref<32x128xf32, #tpu.memory_space<vmem>>, vector<16xf32>,
    tpu.vector_store %arg15[%swap3A_688, %swap3A_689], %broadcast_in_dim3A_3 {strides = array<i32>} : memref<32x128xf32, #tpu.memory_space<vmem>>, vector<16xf32>,
    %swap3A_691 = arith.constant 21 : i32
    %swap3A_692 = arith.index_cast %swap3A_691 : i32 to index
    %swap3A_693 = arith.constant 48 : index
    %swap3A_694 = tpu.vector_load %arg15[%swap3A_692, %swap3A_693] {strides = array<i32>} : memref<32x128xf32, #tpu.memory_space<vmem>>, vector<16xf32>,
    tpu.vector_store %arg15[%swap3A_692, %swap3A_693], %broadcast_in_dim3A_3 {strides = array<i32>} : memref<32x128xf32, #tpu.memory_space<vmem>>, vector<16xf32>,
    %swap3A_695 = arith.constant 21 : i32
    %swap3A_696 = arith.index_cast %swap3A_695 : i32 to index
    %swap3A_697 = arith.constant 64 : index
    %swap3A_698 = tpu.vector_load %arg15[%swap3A_696, %swap3A_697] {strides = array<i32>} : memref<32x128xf32, #tpu.memory_space<vmem>>, vector<16xf32>,
    tpu.vector_store %arg15[%swap3A_696, %swap3A_697], %broadcast_in_dim3A_3 {strides = array<i32>} : memref<32x128xf32, #tpu.memory_space<vmem>>, vector<16xf32>,
    %swap3A_699 = arith.constant 21 : i32
    %swap3A_700 = arith.index_cast %swap3A_699 : i32 to index
    %swap3A_701 = arith.constant 80 : index
    %swap3A_702 = tpu.vector_load %arg15[%swap3A_700, %swap3A_701] {strides = array<i32>} : memref<32x128xf32, #tpu.memory_space<vmem>>, vector<16xf32>,
    tpu.vector_store %arg15[%swap3A_700, %swap3A_701], %broadcast_in_dim3A_3 {strides = array<i32>} : memref<32x128xf32, #tpu.memory_space<vmem>>, vector<16xf32>,
    %swap3A_703 = arith.constant 21 : i32
    %swap3A_704 = arith.index_cast %swap3A_703 : i32 to index
    %swap3A_705 = arith.constant 96 : index
    %swap3A_706 = tpu.vector_load %arg15[%swap3A_704, %swap3A_705] {strides = array<i32>} : memref<32x128xf32, #tpu.memory_space<vmem>>, vector<16xf32>,
    tpu.vector_store %arg15[%swap3A_704, %swap3A_705], %broadcast_in_dim3A_3 {strides = array<i32>} : memref<32x128xf32, #tpu.memory_space<vmem>>, vector<16xf32>,
    %swap3A_707 = arith.constant 21 : i32
    %swap3A_708 = arith.index_cast %swap3A_707 : i32 to index
    %swap3A_709 = arith.constant 112 : index
    %swap3A_710 = tpu.vector_load %arg15[%swap3A_708, %swap3A_709] {strides = array<i32>} : memref<32x128xf32, #tpu.memory_space<vmem>>, vector<16xf32>,
    tpu.vector_store %arg15[%swap3A_708, %swap3A_709], %broadcast_in_dim3A_3 {strides = array<i32>} : memref<32x128xf32, #tpu.memory_space<vmem>>, vector<16xf32>,
    %swap3A_711 = arith.constant 22 : i32
    %swap3A_712 = arith.index_cast %swap3A_711 : i32 to index
    %swap3A_713 = arith.constant 0 : index
    %swap3A_714 = tpu.vector_load %arg15[%swap3A_712, %swap3A_713] {strides = array<i32>} : memref<32x128xf32, #tpu.memory_space<vmem>>, vector<16xf32>,
    tpu.vector_store %arg15[%swap3A_712, %swap3A_713], %broadcast_in_dim3A_3 {strides = array<i32>} : memref<32x128xf32, #tpu.memory_space<vmem>>, vector<16xf32>,
    %swap3A_715 = arith.constant 22 : i32
    %swap3A_716 = arith.index_cast %swap3A_715 : i32 to index
    %swap3A_717 = arith.constant 16 : index
    %swap3A_718 = tpu.vector_load %arg15[%swap3A_716, %swap3A_717] {strides = array<i32>} : memref<32x128xf32, #tpu.memory_space<vmem>>, vector<16xf32>,
    tpu.vector_store %arg15[%swap3A_716, %swap3A_717], %broadcast_in_dim3A_3 {strides = array<i32>} : memref<32x128xf32, #tpu.memory_space<vmem>>, vector<16xf32>,
    %swap3A_719 = arith.constant 22 : i32
    %swap3A_720 = arith.index_cast %swap3A_719 : i32 to index
    %swap3A_721 = arith.constant 32 : index
    %swap3A_722 = tpu.vector_load %arg15[%swap3A_720, %swap3A_721] {strides = array<i32>} : memref<32x128xf32, #tpu.memory_space<vmem>>, vector<16xf32>,
    tpu.vector_store %arg15[%swap3A_720, %swap3A_721], %broadcast_in_dim3A_3 {strides = array<i32>} : memref<32x128xf32, #tpu.memory_space<vmem>>, vector<16xf32>,
    %swap3A_723 = arith.constant 22 : i32
    %swap3A_724 = arith.index_cast %swap3A_723 : i32 to index
    %swap3A_725 = arith.constant 48 : index
    %swap3A_726 = tpu.vector_load %arg15[%swap3A_724, %swap3A_725] {strides = array<i32>} : memref<32x128xf32, #tpu.memory_space<vmem>>, vector<16xf32>,
    tpu.vector_store %arg15[%swap3A_724, %swap3A_725], %broadcast_in_dim3A_3 {strides = array<i32>} : memref<32x128xf32, #tpu.memory_space<vmem>>, vector<16xf32>,
    %swap3A_727 = arith.constant 22 : i32
    %swap3A_728 = arith.index_cast %swap3A_727 : i32 to index
    %swap3A_729 = arith.constant 64 : index
    %swap3A_730 = tpu.vector_load %arg15[%swap3A_728, %swap3A_729] {strides = array<i32>} : memref<32x128xf32, #tpu.memory_space<vmem>>, vector<16xf32>,
    tpu.vector_store %arg15[%swap3A_728, %swap3A_729], %broadcast_in_dim3A_3 {strides = array<i32>} : memref<32x128xf32, #tpu.memory_space<vmem>>, vector<16xf32>,
    %swap3A_731 = arith.constant 22 : i32
    %swap3A_732 = arith.index_cast %swap3A_731 : i32 to index
    %swap3A_733 = arith.constant 80 : index
    %swap3A_734 = tpu.vector_load %arg15[%swap3A_732, %swap3A_733] {strides = array<i32>} : memref<32x128xf32, #tpu.memory_space<vmem>>, vector<16xf32>,
    tpu.vector_store %arg15[%swap3A_732, %swap3A_733], %broadcast_in_dim3A_3 {strides = array<i32>} : memref<32x128xf32, #tpu.memory_space<vmem>>, vector<16xf32>,
    %swap3A_735 = arith.constant 22 : i32
    %swap3A_736 = arith.index_cast %swap3A_735 : i32 to index
    %swap3A_737 = arith.constant 96 : index
    %swap3A_738 = tpu.vector_load %arg15[%swap3A_736, %swap3A_737] {strides = array<i32>} : memref<32x128xf32, #tpu.memory_space<vmem>>, vector<16xf32>,
    tpu.vector_store %arg15[%swap3A_736, %swap3A_737], %broadcast_in_dim3A_3 {strides = array<i32>} : memref<32x128xf32, #tpu.memory_space<vmem>>, vector<16xf32>,
    %swap3A_739 = arith.constant 22 : i32
    %swap3A_740 = arith.index_cast %swap3A_739 : i32 to index
    %swap3A_741 = arith.constant 112 : index
    %swap3A_742 = tpu.vector_load %arg15[%swap3A_740, %swap3A_741] {strides = array<i32>} : memref<32x128xf32, #tpu.memory_space<vmem>>, vector<16xf32>,
    tpu.vector_store %arg15[%swap3A_740, %swap3A_741], %broadcast_in_dim3A_3 {strides = array<i32>} : memref<32x128xf32, #tpu.memory_space<vmem>>, vector<16xf32>,
    %swap3A_743 = arith.constant 23 : i32
    %swap3A_744 = arith.index_cast %swap3A_743 : i32 to index
    %swap3A_745 = arith.constant 0 : index
    %swap3A_746 = tpu.vector_load %arg15[%swap3A_744, %swap3A_745] {strides = array<i32>} : memref<32x128xf32, #tpu.memory_space<vmem>>, vector<16xf32>,
    tpu.vector_store %arg15[%swap3A_744, %swap3A_745], %broadcast_in_dim3A_3 {strides = array<i32>} : memref<32x128xf32, #tpu.memory_space<vmem>>, vector<16xf32>,
    %swap3A_747 = arith.constant 23 : i32
    %swap3A_748 = arith.index_cast %swap3A_747 : i32 to index
    %swap3A_749 = arith.constant 16 : index
    %swap3A_750 = tpu.vector_load %arg15[%swap3A_748, %swap3A_749] {strides = array<i32>} : memref<32x128xf32, #tpu.memory_space<vmem>>, vector<16xf32>,
    tpu.vector_store %arg15[%swap3A_748, %swap3A_749], %broadcast_in_dim3A_3 {strides = array<i32>} : memref<32x128xf32, #tpu.memory_space<vmem>>, vector<16xf32>,
    %swap3A_751 = arith.constant 23 : i32
    %swap3A_752 = arith.index_cast %swap3A_751 : i32 to index
    %swap3A_753 = arith.constant 32 : index
    %swap3A_754 = tpu.vector_load %arg15[%swap3A_752, %swap3A_753] {strides = array<i32>} : memref<32x128xf32, #tpu.memory_space<vmem>>, vector<16xf32>,
    tpu.vector_store %arg15[%swap3A_752, %swap3A_753], %broadcast_in_dim3A_3 {strides = array<i32>} : memref<32x128xf32, #tpu.memory_space<vmem>>, vector<16xf32>,
    %swap3A_755 = arith.constant 23 : i32
    %swap3A_756 = arith.index_cast %swap3A_755 : i32 to index
    %swap3A_757 = arith.constant 48 : index
    %swap3A_758 = tpu.vector_load %arg15[%swap3A_756, %swap3A_757] {strides = array<i32>} : memref<32x128xf32, #tpu.memory_space<vmem>>, vector<16xf32>,
    tpu.vector_store %arg15[%swap3A_756, %swap3A_757], %broadcast_in_dim3A_3 {strides = array<i32>} : memref<32x128xf32, #tpu.memory_space<vmem>>, vector<16xf32>,
    %swap3A_759 = arith.constant 23 : i32
    %swap3A_760 = arith.index_cast %swap3A_759 : i32 to index
    %swap3A_761 = arith.constant 64 : index
    %swap3A_762 = tpu.vector_load %arg15[%swap3A_760, %swap3A_761] {strides = array<i32>} : memref<32x128xf32, #tpu.memory_space<vmem>>, vector<16xf32>,
    tpu.vector_store %arg15[%swap3A_760, %swap3A_761], %broadcast_in_dim3A_3 {strides = array<i32>} : memref<32x128xf32, #tpu.memory_space<vmem>>, vector<16xf32>,
    %swap3A_763 = arith.constant 23 : i32
    %swap3A_764 = arith.index_cast %swap3A_763 : i32 to index
    %swap3A_765 = arith.constant 80 : index
    %swap3A_766 = tpu.vector_load %arg15[%swap3A_764, %swap3A_765] {strides = array<i32>} : memref<32x128xf32, #tpu.memory_space<vmem>>, vector<16xf32>,
    tpu.vector_store %arg15[%swap3A_764, %swap3A_765], %broadcast_in_dim3A_3 {strides = array<i32>} : memref<32x128xf32, #tpu.memory_space<vmem>>, vector<16xf32>,
    %swap3A_767 = arith.constant 23 : i32
    %swap3A_768 = arith.index_cast %swap3A_767 : i32 to index
    %swap3A_769 = arith.constant 96 : index
    %swap3A_770 = tpu.vector_load %arg15[%swap3A_768, %swap3A_769] {strides = array<i32>} : memref<32x128xf32, #tpu.memory_space<vmem>>, vector<16xf32>,
    tpu.vector_store %arg15[%swap3A_768, %swap3A_769], %broadcast_in_dim3A_3 {strides = array<i32>} : memref<32x128xf32, #tpu.memory_space<vmem>>, vector<16xf32>,
    %swap3A_771 = arith.constant 23 : i32
    %swap3A_772 = arith.index_cast %swap3A_771 : i32 to index
    %swap3A_773 = arith.constant 112 : index
    %swap3A_774 = tpu.vector_load %arg15[%swap3A_772, %swap3A_773] {strides = array<i32>} : memref<32x128xf32, #tpu.memory_space<vmem>>, vector<16xf32>,
    tpu.vector_store %arg15[%swap3A_772, %swap3A_773], %broadcast_in_dim3A_3 {strides = array<i32>} : memref<32x128xf32, #tpu.memory_space<vmem>>, vector<16xf32>,
    %swap3A_775 = arith.constant 24 : i32
    %swap3A_776 = arith.index_cast %swap3A_775 : i32 to index
    %swap3A_777 = arith.constant 0 : index
    %swap3A_778 = tpu.vector_load %arg15[%swap3A_776, %swap3A_777] {strides = array<i32>} : memref<32x128xf32, #tpu.memory_space<vmem>>, vector<16xf32>,
    tpu.vector_store %arg15[%swap3A_776, %swap3A_777], %broadcast_in_dim3A_3 {strides = array<i32>} : memref<32x128xf32, #tpu.memory_space<vmem>>, vector<16xf32>,
    %swap3A_779 = arith.constant 24 : i32
    %swap3A_780 = arith.index_cast %swap3A_779 : i32 to index
    %swap3A_781 = arith.constant 16 : index
    %swap3A_782 = tpu.vector_load %arg15[%swap3A_780, %swap3A_781] {strides = array<i32>} : memref<32x128xf32, #tpu.memory_space<vmem>>, vector<16xf32>,
    tpu.vector_store %arg15[%swap3A_780, %swap3A_781], %broadcast_in_dim3A_3 {strides = array<i32>} : memref<32x128xf32, #tpu.memory_space<vmem>>, vector<16xf32>,
    %swap3A_783 = arith.constant 24 : i32
    %swap3A_784 = arith.index_cast %swap3A_783 : i32 to index
    %swap3A_785 = arith.constant 32 : index
    %swap3A_786 = tpu.vector_load %arg15[%swap3A_784, %swap3A_785] {strides = array<i32>} : memref<32x128xf32, #tpu.memory_space<vmem>>, vector<16xf32>,
    tpu.vector_store %arg15[%swap3A_784, %swap3A_785], %broadcast_in_dim3A_3 {strides = array<i32>} : memref<32x128xf32, #tpu.memory_space<vmem>>, vector<16xf32>,
    %swap3A_787 = arith.constant 24 : i32
    %swap3A_788 = arith.index_cast %swap3A_787 : i32 to index
    %swap3A_789 = arith.constant 48 : index
    %swap3A_790 = tpu.vector_load %arg15[%swap3A_788, %swap3A_789] {strides = array<i32>} : memref<32x128xf32, #tpu.memory_space<vmem>>, vector<16xf32>,
    tpu.vector_store %arg15[%swap3A_788, %swap3A_789], %broadcast_in_dim3A_3 {strides = array<i32>} : memref<32x128xf32, #tpu.memory_space<vmem>>, vector<16xf32>,
    %swap3A_791 = arith.constant 24 : i32
    %swap3A_792 = arith.index_cast %swap3A_791 : i32 to index
    %swap3A_793 = arith.constant 64 : index
    %swap3A_794 = tpu.vector_load %arg15[%swap3A_792, %swap3A_793] {strides = array<i32>} : memref<32x128xf32, #tpu.memory_space<vmem>>, vector<16xf32>,
    tpu.vector_store %arg15[%swap3A_792, %swap3A_793], %broadcast_in_dim3A_3 {strides = array<i32>} : memref<32x128xf32, #tpu.memory_space<vmem>>, vector<16xf32>,
    %swap3A_795 = arith.constant 24 : i32
    %swap3A_796 = arith.index_cast %swap3A_795 : i32 to index
    %swap3A_797 = arith.constant 80 : index
    %swap3A_798 = tpu.vector_load %arg15[%swap3A_796, %swap3A_797] {strides = array<i32>} : memref<32x128xf32, #tpu.memory_space<vmem>>, vector<16xf32>,
    tpu.vector_store %arg15[%swap3A_796, %swap3A_797], %broadcast_in_dim3A_3 {strides = array<i32>} : memref<32x128xf32, #tpu.memory_space<vmem>>, vector<16xf32>,
    %swap3A_799 = arith.constant 24 : i32
    %swap3A_800 = arith.index_cast %swap3A_799 : i32 to index
    %swap3A_801 = arith.constant 96 : index
    %swap3A_802 = tpu.vector_load %arg15[%swap3A_800, %swap3A_801] {strides = array<i32>} : memref<32x128xf32, #tpu.memory_space<vmem>>, vector<16xf32>,
    tpu.vector_store %arg15[%swap3A_800, %swap3A_801], %broadcast_in_dim3A_3 {strides = array<i32>} : memref<32x128xf32, #tpu.memory_space<vmem>>, vector<16xf32>,
    %swap3A_803 = arith.constant 24 : i32
    %swap3A_804 = arith.index_cast %swap3A_803 : i32 to index
    %swap3A_805 = arith.constant 112 : index
    %swap3A_806 = tpu.vector_load %arg15[%swap3A_804, %swap3A_805] {strides = array<i32>} : memref<32x128xf32, #tpu.memory_space<vmem>>, vector<16xf32>,
    tpu.vector_store %arg15[%swap3A_804, %swap3A_805], %broadcast_in_dim3A_3 {strides = array<i32>} : memref<32x128xf32, #tpu.memory_space<vmem>>, vector<16xf32>,
    %swap3A_807 = arith.constant 25 : i32
    %swap3A_808 = arith.index_cast %swap3A_807 : i32 to index
    %swap3A_809 = arith.constant 0 : index
    %swap3A_810 = tpu.vector_load %arg15[%swap3A_808, %swap3A_809] {strides = array<i32>} : memref<32x128xf32, #tpu.memory_space<vmem>>, vector<16xf32>,
    tpu.vector_store %arg15[%swap3A_808, %swap3A_809], %broadcast_in_dim3A_3 {strides = array<i32>} : memref<32x128xf32, #tpu.memory_space<vmem>>, vector<16xf32>,
    %swap3A_811 = arith.constant 25 : i32
    %swap3A_812 = arith.index_cast %swap3A_811 : i32 to index
    %swap3A_813 = arith.constant 16 : index
    %swap3A_814 = tpu.vector_load %arg15[%swap3A_812, %swap3A_813] {strides = array<i32>} : memref<32x128xf32, #tpu.memory_space<vmem>>, vector<16xf32>,
    tpu.vector_store %arg15[%swap3A_812, %swap3A_813], %broadcast_in_dim3A_3 {strides = array<i32>} : memref<32x128xf32, #tpu.memory_space<vmem>>, vector<16xf32>,
    %swap3A_815 = arith.constant 25 : i32
    %swap3A_816 = arith.index_cast %swap3A_815 : i32 to index
    %swap3A_817 = arith.constant 32 : index
    %swap3A_818 = tpu.vector_load %arg15[%swap3A_816, %swap3A_817] {strides = array<i32>} : memref<32x128xf32, #tpu.memory_space<vmem>>, vector<16xf32>,
    tpu.vector_store %arg15[%swap3A_816, %swap3A_817], %broadcast_in_dim3A_3 {strides = array<i32>} : memref<32x128xf32, #tpu.memory_space<vmem>>, vector<16xf32>,
    %swap3A_819 = arith.constant 25 : i32
    %swap3A_820 = arith.index_cast %swap3A_819 : i32 to index
    %swap3A_821 = arith.constant 48 : index
    %swap3A_822 = tpu.vector_load %arg15[%swap3A_820, %swap3A_821] {strides = array<i32>} : memref<32x128xf32, #tpu.memory_space<vmem>>, vector<16xf32>,
    tpu.vector_store %arg15[%swap3A_820, %swap3A_821], %broadcast_in_dim3A_3 {strides = array<i32>} : memref<32x128xf32, #tpu.memory_space<vmem>>, vector<16xf32>,
    %swap3A_823 = arith.constant 25 : i32
    %swap3A_824 = arith.index_cast %swap3A_823 : i32 to index
    %swap3A_825 = arith.constant 64 : index
    %swap3A_826 = tpu.vector_load %arg15[%swap3A_824, %swap3A_825] {strides = array<i32>} : memref<32x128xf32, #tpu.memory_space<vmem>>, vector<16xf32>,
    tpu.vector_store %arg15[%swap3A_824, %swap3A_825], %broadcast_in_dim3A_3 {strides = array<i32>} : memref<32x128xf32, #tpu.memory_space<vmem>>, vector<16xf32>,
    %swap3A_827 = arith.constant 25 : i32
    %swap3A_828 = arith.index_cast %swap3A_827 : i32 to index
    %swap3A_829 = arith.constant 80 : index
    %swap3A_830 = tpu.vector_load %arg15[%swap3A_828, %swap3A_829] {strides = array<i32>} : memref<32x128xf32, #tpu.memory_space<vmem>>, vector<16xf32>,
    tpu.vector_store %arg15[%swap3A_828, %swap3A_829], %broadcast_in_dim3A_3 {strides = array<i32>} : memref<32x128xf32, #tpu.memory_space<vmem>>, vector<16xf32>,
    %swap3A_831 = arith.constant 25 : i32
    %swap3A_832 = arith.index_cast %swap3A_831 : i32 to index
    %swap3A_833 = arith.constant 96 : index
    %swap3A_834 = tpu.vector_load %arg15[%swap3A_832, %swap3A_833] {strides = array<i32>} : memref<32x128xf32, #tpu.memory_space<vmem>>, vector<16xf32>,
    tpu.vector_store %arg15[%swap3A_832, %swap3A_833], %broadcast_in_dim3A_3 {strides = array<i32>} : memref<32x128xf32, #tpu.memory_space<vmem>>, vector<16xf32>,
    %swap3A_835 = arith.constant 25 : i32
    %swap3A_836 = arith.index_cast %swap3A_835 : i32 to index
    %swap3A_837 = arith.constant 112 : index
    %swap3A_838 = tpu.vector_load %arg15[%swap3A_836, %swap3A_837] {strides = array<i32>} : memref<32x128xf32, #tpu.memory_space<vmem>>, vector<16xf32>,
    tpu.vector_store %arg15[%swap3A_836, %swap3A_837], %broadcast_in_dim3A_3 {strides = array<i32>} : memref<32x128xf32, #tpu.memory_space<vmem>>, vector<16xf32>,
    %swap3A_839 = arith.constant 26 : i32
    %swap3A_840 = arith.index_cast %swap3A_839 : i32 to index
    %swap3A_841 = arith.constant 0 : index
    %swap3A_842 = tpu.vector_load %arg15[%swap3A_840, %swap3A_841] {strides = array<i32>} : memref<32x128xf32, #tpu.memory_space<vmem>>, vector<16xf32>,
    tpu.vector_store %arg15[%swap3A_840, %swap3A_841], %broadcast_in_dim3A_3 {strides = array<i32>} : memref<32x128xf32, #tpu.memory_space<vmem>>, vector<16xf32>,
    %swap3A_843 = arith.constant 26 : i32
    %swap3A_844 = arith.index_cast %swap3A_843 : i32 to index
    %swap3A_845 = arith.constant 16 : index
    %swap3A_846 = tpu.vector_load %arg15[%swap3A_844, %swap3A_845] {strides = array<i32>} : memref<32x128xf32, #tpu.memory_space<vmem>>, vector<16xf32>,
    tpu.vector_store %arg15[%swap3A_844, %swap3A_845], %broadcast_in_dim3A_3 {strides = array<i32>} : memref<32x128xf32, #tpu.memory_space<vmem>>, vector<16xf32>,
    %swap3A_847 = arith.constant 26 : i32
    %swap3A_848 = arith.index_cast %swap3A_847 : i32 to index
    %swap3A_849 = arith.constant 32 : index
    %swap3A_850 = tpu.vector_load %arg15[%swap3A_848, %swap3A_849] {strides = array<i32>} : memref<32x128xf32, #tpu.memory_space<vmem>>, vector<16xf32>,
    tpu.vector_store %arg15[%swap3A_848, %swap3A_849], %broadcast_in_dim3A_3 {strides = array<i32>} : memref<32x128xf32, #tpu.memory_space<vmem>>, vector<16xf32>,
    %swap3A_851 = arith.constant 26 : i32
    %swap3A_852 = arith.index_cast %swap3A_851 : i32 to index
    %swap3A_853 = arith.constant 48 : index
    %swap3A_854 = tpu.vector_load %arg15[%swap3A_852, %swap3A_853] {strides = array<i32>} : memref<32x128xf32, #tpu.memory_space<vmem>>, vector<16xf32>,
    tpu.vector_store %arg15[%swap3A_852, %swap3A_853], %broadcast_in_dim3A_3 {strides = array<i32>} : memref<32x128xf32, #tpu.memory_space<vmem>>, vector<16xf32>,
    %swap3A_855 = arith.constant 26 : i32
    %swap3A_856 = arith.index_cast %swap3A_855 : i32 to index
    %swap3A_857 = arith.constant 64 : index
    %swap3A_858 = tpu.vector_load %arg15[%swap3A_856, %swap3A_857] {strides = array<i32>} : memref<32x128xf32, #tpu.memory_space<vmem>>, vector<16xf32>,
    tpu.vector_store %arg15[%swap3A_856, %swap3A_857], %broadcast_in_dim3A_3 {strides = array<i32>} : memref<32x128xf32, #tpu.memory_space<vmem>>, vector<16xf32>,
    %swap3A_859 = arith.constant 26 : i32
    %swap3A_860 = arith.index_cast %swap3A_859 : i32 to index
    %swap3A_861 = arith.constant 80 : index
    %swap3A_862 = tpu.vector_load %arg15[%swap3A_860, %swap3A_861] {strides = array<i32>} : memref<32x128xf32, #tpu.memory_space<vmem>>, vector<16xf32>,
    tpu.vector_store %arg15[%swap3A_860, %swap3A_861], %broadcast_in_dim3A_3 {strides = array<i32>} : memref<32x128xf32, #tpu.memory_space<vmem>>, vector<16xf32>,
    %swap3A_863 = arith.constant 26 : i32
    %swap3A_864 = arith.index_cast %swap3A_863 : i32 to index
    %swap3A_865 = arith.constant 96 : index
    %swap3A_866 = tpu.vector_load %arg15[%swap3A_864, %swap3A_865] {strides = array<i32>} : memref<32x128xf32, #tpu.memory_space<vmem>>, vector<16xf32>,
    tpu.vector_store %arg15[%swap3A_864, %swap3A_865], %broadcast_in_dim3A_3 {strides = array<i32>} : memref<32x128xf32, #tpu.memory_space<vmem>>, vector<16xf32>,
    %swap3A_867 = arith.constant 26 : i32
    %swap3A_868 = arith.index_cast %swap3A_867 : i32 to index
    %swap3A_869 = arith.constant 112 : index
    %swap3A_870 = tpu.vector_load %arg15[%swap3A_868, %swap3A_869] {strides = array<i32>} : memref<32x128xf32, #tpu.memory_space<vmem>>, vector<16xf32>,
    tpu.vector_store %arg15[%swap3A_868, %swap3A_869], %broadcast_in_dim3A_3 {strides = array<i32>} : memref<32x128xf32, #tpu.memory_space<vmem>>, vector<16xf32>,
    %swap3A_871 = arith.constant 27 : i32
    %swap3A_872 = arith.index_cast %swap3A_871 : i32 to index
    %swap3A_873 = arith.constant 0 : index
    %swap3A_874 = tpu.vector_load %arg15[%swap3A_872, %swap3A_873] {strides = array<i32>} : memref<32x128xf32, #tpu.memory_space<vmem>>, vector<16xf32>,
    tpu.vector_store %arg15[%swap3A_872, %swap3A_873], %broadcast_in_dim3A_3 {strides = array<i32>} : memref<32x128xf32, #tpu.memory_space<vmem>>, vector<16xf32>,
    %swap3A_875 = arith.constant 27 : i32
    %swap3A_876 = arith.index_cast %swap3A_875 : i32 to index
    %swap3A_877 = arith.constant 16 : index
    %swap3A_878 = tpu.vector_load %arg15[%swap3A_876, %swap3A_877] {strides = array<i32>} : memref<32x128xf32, #tpu.memory_space<vmem>>, vector<16xf32>,
    tpu.vector_store %arg15[%swap3A_876, %swap3A_877], %broadcast_in_dim3A_3 {strides = array<i32>} : memref<32x128xf32, #tpu.memory_space<vmem>>, vector<16xf32>,
    %swap3A_879 = arith.constant 27 : i32
    %swap3A_880 = arith.index_cast %swap3A_879 : i32 to index
    %swap3A_881 = arith.constant 32 : index
    %swap3A_882 = tpu.vector_load %arg15[%swap3A_880, %swap3A_881] {strides = array<i32>} : memref<32x128xf32, #tpu.memory_space<vmem>>, vector<16xf32>,
    tpu.vector_store %arg15[%swap3A_880, %swap3A_881], %broadcast_in_dim3A_3 {strides = array<i32>} : memref<32x128xf32, #tpu.memory_space<vmem>>, vector<16xf32>,
    %swap3A_883 = arith.constant 27 : i32
    %swap3A_884 = arith.index_cast %swap3A_883 : i32 to index
    %swap3A_885 = arith.constant 48 : index
    %swap3A_886 = tpu.vector_load %arg15[%swap3A_884, %swap3A_885] {strides = array<i32>} : memref<32x128xf32, #tpu.memory_space<vmem>>, vector<16xf32>,
    tpu.vector_store %arg15[%swap3A_884, %swap3A_885], %broadcast_in_dim3A_3 {strides = array<i32>} : memref<32x128xf32, #tpu.memory_space<vmem>>, vector<16xf32>,
    %swap3A_887 = arith.constant 27 : i32
    %swap3A_888 = arith.index_cast %swap3A_887 : i32 to index
    %swap3A_889 = arith.constant 64 : index
    %swap3A_890 = tpu.vector_load %arg15[%swap3A_888, %swap3A_889] {strides = array<i32>} : memref<32x128xf32, #tpu.memory_space<vmem>>, vector<16xf32>,
    tpu.vector_store %arg15[%swap3A_888, %swap3A_889], %broadcast_in_dim3A_3 {strides = array<i32>} : memref<32x128xf32, #tpu.memory_space<vmem>>, vector<16xf32>,
    %swap3A_891 = arith.constant 27 : i32
    %swap3A_892 = arith.index_cast %swap3A_891 : i32 to index
    %swap3A_893 = arith.constant 80 : index
    %swap3A_894 = tpu.vector_load %arg15[%swap3A_892, %swap3A_893] {strides = array<i32>} : memref<32x128xf32, #tpu.memory_space<vmem>>, vector<16xf32>,
    tpu.vector_store %arg15[%swap3A_892, %swap3A_893], %broadcast_in_dim3A_3 {strides = array<i32>} : memref<32x128xf32, #tpu.memory_space<vmem>>, vector<16xf32>,
    %swap3A_895 = arith.constant 27 : i32
    %swap3A_896 = arith.index_cast %swap3A_895 : i32 to index
    %swap3A_897 = arith.constant 96 : index
    %swap3A_898 = tpu.vector_load %arg15[%swap3A_896, %swap3A_897] {strides = array<i32>} : memref<32x128xf32, #tpu.memory_space<vmem>>, vector<16xf32>,
    tpu.vector_store %arg15[%swap3A_896, %swap3A_897], %broadcast_in_dim3A_3 {strides = array<i32>} : memref<32x128xf32, #tpu.memory_space<vmem>>, vector<16xf32>,
    %swap3A_899 = arith.constant 27 : i32
    %swap3A_900 = arith.index_cast %swap3A_899 : i32 to index
    %swap3A_901 = arith.constant 112 : index
    %swap3A_902 = tpu.vector_load %arg15[%swap3A_900, %swap3A_901] {strides = array<i32>} : memref<32x128xf32, #tpu.memory_space<vmem>>, vector<16xf32>,
    tpu.vector_store %arg15[%swap3A_900, %swap3A_901], %broadcast_in_dim3A_3 {strides = array<i32>} : memref<32x128xf32, #tpu.memory_space<vmem>>, vector<16xf32>,
    %swap3A_903 = arith.constant 28 : i32
    %swap3A_904 = arith.index_cast %swap3A_903 : i32 to index
    %swap3A_905 = arith.constant 0 : index
    %swap3A_906 = tpu.vector_load %arg15[%swap3A_904, %swap3A_905] {strides = array<i32>} : memref<32x128xf32, #tpu.memory_space<vmem>>, vector<16xf32>,
    tpu.vector_store %arg15[%swap3A_904, %swap3A_905], %broadcast_in_dim3A_3 {strides = array<i32>} : memref<32x128xf32, #tpu.memory_space<vmem>>, vector<16xf32>,
    %swap3A_907 = arith.constant 28 : i32
    %swap3A_908 = arith.index_cast %swap3A_907 : i32 to index
    %swap3A_909 = arith.constant 16 : index
    %swap3A_910 = tpu.vector_load %arg15[%swap3A_908, %swap3A_909] {strides = array<i32>} : memref<32x128xf32, #tpu.memory_space<vmem>>, vector<16xf32>,
    tpu.vector_store %arg15[%swap3A_908, %swap3A_909], %broadcast_in_dim3A_3 {strides = array<i32>} : memref<32x128xf32, #tpu.memory_space<vmem>>, vector<16xf32>,
    %swap3A_911 = arith.constant 28 : i32
    %swap3A_912 = arith.index_cast %swap3A_911 : i32 to index
    %swap3A_913 = arith.constant 32 : index
    %swap3A_914 = tpu.vector_load %arg15[%swap3A_912, %swap3A_913] {strides = array<i32>} : memref<32x128xf32, #tpu.memory_space<vmem>>, vector<16xf32>,
    tpu.vector_store %arg15[%swap3A_912, %swap3A_913], %broadcast_in_dim3A_3 {strides = array<i32>} : memref<32x128xf32, #tpu.memory_space<vmem>>, vector<16xf32>,
    %swap3A_915 = arith.constant 28 : i32
    %swap3A_916 = arith.index_cast %swap3A_915 : i32 to index
    %swap3A_917 = arith.constant 48 : index
    %swap3A_918 = tpu.vector_load %arg15[%swap3A_916, %swap3A_917] {strides = array<i32>} : memref<32x128xf32, #tpu.memory_space<vmem>>, vector<16xf32>,
    tpu.vector_store %arg15[%swap3A_916, %swap3A_917], %broadcast_in_dim3A_3 {strides = array<i32>} : memref<32x128xf32, #tpu.memory_space<vmem>>, vector<16xf32>,
    %swap3A_919 = arith.constant 28 : i32
    %swap3A_920 = arith.index_cast %swap3A_919 : i32 to index
    %swap3A_921 = arith.constant 64 : index
    %swap3A_922 = tpu.vector_load %arg15[%swap3A_920, %swap3A_921] {strides = array<i32>} : memref<32x128xf32, #tpu.memory_space<vmem>>, vector<16xf32>,
    tpu.vector_store %arg15[%swap3A_920, %swap3A_921], %broadcast_in_dim3A_3 {strides = array<i32>} : memref<32x128xf32, #tpu.memory_space<vmem>>, vector<16xf32>,
    %swap3A_923 = arith.constant 28 : i32
    %swap3A_924 = arith.index_cast %swap3A_923 : i32 to index
    %swap3A_925 = arith.constant 80 : index
    %swap3A_926 = tpu.vector_load %arg15[%swap3A_924, %swap3A_925] {strides = array<i32>} : memref<32x128xf32, #tpu.memory_space<vmem>>, vector<16xf32>,
    tpu.vector_store %arg15[%swap3A_924, %swap3A_925], %broadcast_in_dim3A_3 {strides = array<i32>} : memref<32x128xf32, #tpu.memory_space<vmem>>, vector<16xf32>,
    %swap3A_927 = arith.constant 28 : i32
    %swap3A_928 = arith.index_cast %swap3A_927 : i32 to index
    %swap3A_929 = arith.constant 96 : index
    %swap3A_930 = tpu.vector_load %arg15[%swap3A_928, %swap3A_929] {strides = array<i32>} : memref<32x128xf32, #tpu.memory_space<vmem>>, vector<16xf32>,
    tpu.vector_store %arg15[%swap3A_928, %swap3A_929], %broadcast_in_dim3A_3 {strides = array<i32>} : memref<32x128xf32, #tpu.memory_space<vmem>>, vector<16xf32>,
    %swap3A_931 = arith.constant 28 : i32
    %swap3A_932 = arith.index_cast %swap3A_931 : i32 to index
    %swap3A_933 = arith.constant 112 : index
    %swap3A_934 = tpu.vector_load %arg15[%swap3A_932, %swap3A_933] {strides = array<i32>} : memref<32x128xf32, #tpu.memory_space<vmem>>, vector<16xf32>,
    tpu.vector_store %arg15[%swap3A_932, %swap3A_933], %broadcast_in_dim3A_3 {strides = array<i32>} : memref<32x128xf32, #tpu.memory_space<vmem>>, vector<16xf32>,
    %swap3A_935 = arith.constant 29 : i32
    %swap3A_936 = arith.index_cast %swap3A_935 : i32 to index
    %swap3A_937 = arith.constant 0 : index
    %swap3A_938 = tpu.vector_load %arg15[%swap3A_936, %swap3A_937] {strides = array<i32>} : memref<32x128xf32, #tpu.memory_space<vmem>>, vector<16xf32>,
    tpu.vector_store %arg15[%swap3A_936, %swap3A_937], %broadcast_in_dim3A_3 {strides = array<i32>} : memref<32x128xf32, #tpu.memory_space<vmem>>, vector<16xf32>,
    %swap3A_939 = arith.constant 29 : i32
    %swap3A_940 = arith.index_cast %swap3A_939 : i32 to index
    %swap3A_941 = arith.constant 16 : index
    %swap3A_942 = tpu.vector_load %arg15[%swap3A_940, %swap3A_941] {strides = array<i32>} : memref<32x128xf32, #tpu.memory_space<vmem>>, vector<16xf32>,
    tpu.vector_store %arg15[%swap3A_940, %swap3A_941], %broadcast_in_dim3A_3 {strides = array<i32>} : memref<32x128xf32, #tpu.memory_space<vmem>>, vector<16xf32>,
    %swap3A_943 = arith.constant 29 : i32
    %swap3A_944 = arith.index_cast %swap3A_943 : i32 to index
    %swap3A_945 = arith.constant 32 : index
    %swap3A_946 = tpu.vector_load %arg15[%swap3A_944, %swap3A_945] {strides = array<i32>} : memref<32x128xf32, #tpu.memory_space<vmem>>, vector<16xf32>,
    tpu.vector_store %arg15[%swap3A_944, %swap3A_945], %broadcast_in_dim3A_3 {strides = array<i32>} : memref<32x128xf32, #tpu.memory_space<vmem>>, vector<16xf32>,
    %swap3A_947 = arith.constant 29 : i32
    %swap3A_948 = arith.index_cast %swap3A_947 : i32 to index
    %swap3A_949 = arith.constant 48 : index
    %swap3A_950 = tpu.vector_load %arg15[%swap3A_948, %swap3A_949] {strides = array<i32>} : memref<32x128xf32, #tpu.memory_space<vmem>>, vector<16xf32>,
    tpu.vector_store %arg15[%swap3A_948, %swap3A_949], %broadcast_in_dim3A_3 {strides = array<i32>} : memref<32x128xf32, #tpu.memory_space<vmem>>, vector<16xf32>,
    %swap3A_951 = arith.constant 29 : i32
    %swap3A_952 = arith.index_cast %swap3A_951 : i32 to index
    %swap3A_953 = arith.constant 64 : index
    %swap3A_954 = tpu.vector_load %arg15[%swap3A_952, %swap3A_953] {strides = array<i32>} : memref<32x128xf32, #tpu.memory_space<vmem>>, vector<16xf32>,
    tpu.vector_store %arg15[%swap3A_952, %swap3A_953], %broadcast_in_dim3A_3 {strides = array<i32>} : memref<32x128xf32, #tpu.memory_space<vmem>>, vector<16xf32>,
    %swap3A_955 = arith.constant 29 : i32
    %swap3A_956 = arith.index_cast %swap3A_955 : i32 to index
    %swap3A_957 = arith.constant 80 : index
    %swap3A_958 = tpu.vector_load %arg15[%swap3A_956, %swap3A_957] {strides = array<i32>} : memref<32x128xf32, #tpu.memory_space<vmem>>, vector<16xf32>,
    tpu.vector_store %arg15[%swap3A_956, %swap3A_957], %broadcast_in_dim3A_3 {strides = array<i32>} : memref<32x128xf32, #tpu.memory_space<vmem>>, vector<16xf32>,
    %swap3A_959 = arith.constant 29 : i32
    %swap3A_960 = arith.index_cast %swap3A_959 : i32 to index
    %swap3A_961 = arith.constant 96 : index
    %swap3A_962 = tpu.vector_load %arg15[%swap3A_960, %swap3A_961] {strides = array<i32>} : memref<32x128xf32, #tpu.memory_space<vmem>>, vector<16xf32>,
    tpu.vector_store %arg15[%swap3A_960, %swap3A_961], %broadcast_in_dim3A_3 {strides = array<i32>} : memref<32x128xf32, #tpu.memory_space<vmem>>, vector<16xf32>,
    %swap3A_963 = arith.constant 29 : i32
    %swap3A_964 = arith.index_cast %swap3A_963 : i32 to index
    %swap3A_965 = arith.constant 112 : index
    %swap3A_966 = tpu.vector_load %arg15[%swap3A_964, %swap3A_965] {strides = array<i32>} : memref<32x128xf32, #tpu.memory_space<vmem>>, vector<16xf32>,
    tpu.vector_store %arg15[%swap3A_964, %swap3A_965], %broadcast_in_dim3A_3 {strides = array<i32>} : memref<32x128xf32, #tpu.memory_space<vmem>>, vector<16xf32>,
    %swap3A_967 = arith.constant 30 : i32
    %swap3A_968 = arith.index_cast %swap3A_967 : i32 to index
    %swap3A_969 = arith.constant 0 : index
    %swap3A_970 = tpu.vector_load %arg15[%swap3A_968, %swap3A_969] {strides = array<i32>} : memref<32x128xf32, #tpu.memory_space<vmem>>, vector<16xf32>,
    tpu.vector_store %arg15[%swap3A_968, %swap3A_969], %broadcast_in_dim3A_3 {strides = array<i32>} : memref<32x128xf32, #tpu.memory_space<vmem>>, vector<16xf32>,
    %swap3A_971 = arith.constant 30 : i32
    %swap3A_972 = arith.index_cast %swap3A_971 : i32 to index
    %swap3A_973 = arith.constant 16 : index
    %swap3A_974 = tpu.vector_load %arg15[%swap3A_972, %swap3A_973] {strides = array<i32>} : memref<32x128xf32, #tpu.memory_space<vmem>>, vector<16xf32>,
    tpu.vector_store %arg15[%swap3A_972, %swap3A_973], %broadcast_in_dim3A_3 {strides = array<i32>} : memref<32x128xf32, #tpu.memory_space<vmem>>, vector<16xf32>,
    %swap3A_975 = arith.constant 30 : i32
    %swap3A_976 = arith.index_cast %swap3A_975 : i32 to index
    %swap3A_977 = arith.constant 32 : index
    %swap3A_978 = tpu.vector_load %arg15[%swap3A_976, %swap3A_977] {strides = array<i32>} : memref<32x128xf32, #tpu.memory_space<vmem>>, vector<16xf32>,
    tpu.vector_store %arg15[%swap3A_976, %swap3A_977], %broadcast_in_dim3A_3 {strides = array<i32>} : memref<32x128xf32, #tpu.memory_space<vmem>>, vector<16xf32>,
    %swap3A_979 = arith.constant 30 : i32
    %swap3A_980 = arith.index_cast %swap3A_979 : i32 to index
    %swap3A_981 = arith.constant 48 : index
    %swap3A_982 = tpu.vector_load %arg15[%swap3A_980, %swap3A_981] {strides = array<i32>} : memref<32x128xf32, #tpu.memory_space<vmem>>, vector<16xf32>,
    tpu.vector_store %arg15[%swap3A_980, %swap3A_981], %broadcast_in_dim3A_3 {strides = array<i32>} : memref<32x128xf32, #tpu.memory_space<vmem>>, vector<16xf32>,
    %swap3A_983 = arith.constant 30 : i32
    %swap3A_984 = arith.index_cast %swap3A_983 : i32 to index
    %swap3A_985 = arith.constant 64 : index
    %swap3A_986 = tpu.vector_load %arg15[%swap3A_984, %swap3A_985] {strides = array<i32>} : memref<32x128xf32, #tpu.memory_space<vmem>>, vector<16xf32>,
    tpu.vector_store %arg15[%swap3A_984, %swap3A_985], %broadcast_in_dim3A_3 {strides = array<i32>} : memref<32x128xf32, #tpu.memory_space<vmem>>, vector<16xf32>,
    %swap3A_987 = arith.constant 30 : i32
    %swap3A_988 = arith.index_cast %swap3A_987 : i32 to index
    %swap3A_989 = arith.constant 80 : index
    %swap3A_990 = tpu.vector_load %arg15[%swap3A_988, %swap3A_989] {strides = array<i32>} : memref<32x128xf32, #tpu.memory_space<vmem>>, vector<16xf32>,
    tpu.vector_store %arg15[%swap3A_988, %swap3A_989], %broadcast_in_dim3A_3 {strides = array<i32>} : memref<32x128xf32, #tpu.memory_space<vmem>>, vector<16xf32>,
    %swap3A_991 = arith.constant 30 : i32
    %swap3A_992 = arith.index_cast %swap3A_991 : i32 to index
    %swap3A_993 = arith.constant 96 : index
    %swap3A_994 = tpu.vector_load %arg15[%swap3A_992, %swap3A_993] {strides = array<i32>} : memref<32x128xf32, #tpu.memory_space<vmem>>, vector<16xf32>,
    tpu.vector_store %arg15[%swap3A_992, %swap3A_993], %broadcast_in_dim3A_3 {strides = array<i32>} : memref<32x128xf32, #tpu.memory_space<vmem>>, vector<16xf32>,
    %swap3A_995 = arith.constant 30 : i32
    %swap3A_996 = arith.index_cast %swap3A_995 : i32 to index
    %swap3A_997 = arith.constant 112 : index
    %swap3A_998 = tpu.vector_load %arg15[%swap3A_996, %swap3A_997] {strides = array<i32>} : memref<32x128xf32, #tpu.memory_space<vmem>>, vector<16xf32>,
    tpu.vector_store %arg15[%swap3A_996, %swap3A_997], %broadcast_in_dim3A_3 {strides = array<i32>} : memref<32x128xf32, #tpu.memory_space<vmem>>, vector<16xf32>,
    %swap3A_999 = arith.constant 31 : i32
    %swap3A_1000 = arith.index_cast %swap3A_999 : i32 to index
    %swap3A_1001 = arith.constant 0 : index
    %swap3A_1002 = tpu.vector_load %arg15[%swap3A_1000, %swap3A_1001] {strides = array<i32>} : memref<32x128xf32, #tpu.memory_space<vmem>>, vector<16xf32>,
    tpu.vector_store %arg15[%swap3A_1000, %swap3A_1001], %broadcast_in_dim3A_3 {strides = array<i32>} : memref<32x128xf32, #tpu.memory_space<vmem>>, vector<16xf32>,
    %swap3A_1003 = arith.constant 31 : i32
    %swap3A_1004 = arith.index_cast %swap3A_1003 : i32 to index
    %swap3A_1005 = arith.constant 16 : index
    %swap3A_1006 = tpu.vector_load %arg15[%swap3A_1004, %swap3A_1005] {strides = array<i32>} : memref<32x128xf32, #tpu.memory_space<vmem>>, vector<16xf32>,
    tpu.vector_store %arg15[%swap3A_1004, %swap3A_1005], %broadcast_in_dim3A_3 {strides = array<i32>} : memref<32x128xf32, #tpu.memory_space<vmem>>, vector<16xf32>,
    %swap3A_1007 = arith.constant 31 : i32
    %swap3A_1008 = arith.index_cast %swap3A_1007 : i32 to index
    %swap3A_1009 = arith.constant 32 : index
    %swap3A_1010 = tpu.vector_load %arg15[%swap3A_1008, %swap3A_1009] {strides = array<i32>} : memref<32x128xf32, #tpu.memory_space<vmem>>, vector<16xf32>,
    tpu.vector_store %arg15[%swap3A_1008, %swap3A_1009], %broadcast_in_dim3A_3 {strides = array<i32>} : memref<32x128xf32, #tpu.memory_space<vmem>>, vector<16xf32>,
    %swap3A_1011 = arith.constant 31 : i32
    %swap3A_1012 = arith.index_cast %swap3A_1011 : i32 to index
    %swap3A_1013 = arith.constant 48 : index
    %swap3A_1014 = tpu.vector_load %arg15[%swap3A_1012, %swap3A_1013] {strides = array<i32>} : memref<32x128xf32, #tpu.memory_space<vmem>>, vector<16xf32>,
    tpu.vector_store %arg15[%swap3A_1012, %swap3A_1013], %broadcast_in_dim3A_3 {strides = array<i32>} : memref<32x128xf32, #tpu.memory_space<vmem>>, vector<16xf32>,
    %swap3A_1015 = arith.constant 31 : i32
    %swap3A_1016 = arith.index_cast %swap3A_1015 : i32 to index
    %swap3A_1017 = arith.constant 64 : index
    %swap3A_1018 = tpu.vector_load %arg15[%swap3A_1016, %swap3A_1017] {strides = array<i32>} : memref<32x128xf32, #tpu.memory_space<vmem>>, vector<16xf32>,
    tpu.vector_store %arg15[%swap3A_1016, %swap3A_1017], %broadcast_in_dim3A_3 {strides = array<i32>} : memref<32x128xf32, #tpu.memory_space<vmem>>, vector<16xf32>,
    %swap3A_1019 = arith.constant 31 : i32
    %swap3A_1020 = arith.index_cast %swap3A_1019 : i32 to index
    %swap3A_1021 = arith.constant 80 : index
    %swap3A_1022 = tpu.vector_load %arg15[%swap3A_1020, %swap3A_1021] {strides = array<i32>} : memref<32x128xf32, #tpu.memory_space<vmem>>, vector<16xf32>,
    tpu.vector_store %arg15[%swap3A_1020, %swap3A_1021], %broadcast_in_dim3A_3 {strides = array<i32>} : memref<32x128xf32, #tpu.memory_space<vmem>>, vector<16xf32>,
    %swap3A_1023 = arith.constant 31 : i32
    %swap3A_1024 = arith.index_cast %swap3A_1023 : i32 to index
    %swap3A_1025 = arith.constant 96 : index
    %swap3A_1026 = tpu.vector_load %arg15[%swap3A_1024, %swap3A_1025] {strides = array<i32>} : memref<32x128xf32, #tpu.memory_space<vmem>>, vector<16xf32>,
    tpu.vector_store %arg15[%swap3A_1024, %swap3A_1025], %broadcast_in_dim3A_3 {strides = array<i32>} : memref<32x128xf32, #tpu.memory_space<vmem>>, vector<16xf32>,
    %swap3A_1027 = arith.constant 31 : i32
    %swap3A_1028 = arith.index_cast %swap3A_1027 : i32 to index
    %swap3A_1029 = arith.constant 112 : index
    %swap3A_1030 = tpu.vector_load %arg15[%swap3A_1028, %swap3A_1029] {strides = array<i32>} : memref<32x128xf32, #tpu.memory_space<vmem>>, vector<16xf32>,
    tpu.vector_store %arg15[%swap3A_1028, %swap3A_1029], %broadcast_in_dim3A_3 {strides = array<i32>} : memref<32x128xf32, #tpu.memory_space<vmem>>, vector<16xf32>,
    %scan3A_1031 = arith.constant 0 : i32
    %scan3A_1032 = arith.constant 20 : i32
    %scan3A_1033 = arith.addi %scan3A_1031, %scan3A_1032 : i32
    %scan3A_1034 = arith.constant 1 : i32
    scf.for %scan3A_1204 = %scan3A_1031 to %scan3A_1033 step %scan3A_1034  : i32 {
      %mul3A_1205 = arith.constant 32 : i32
      %mul3A_1206 = arith.muli %scan3A_1204, %mul3A_1205 : i32
      %add3A_1207 = arith.constant 0 : i32
      %add3A_1208 = arith.addi %add3A_1207, %mul3A_1206 : i32
      %mul3A_1209 = arith.constant 640 : i32
      %mul3A_1210 = arith.muli %arg1, %mul3A_1209 : i32
      %add3A_1211 = arith.addi %mul3A_1210, %add3A_1208 : i32
      "tpu.region"() ({
        %run_scoped3A = tpu.sem_alloc : memref<!tpu.dma_semaphore, #tpu.memory_space<semaphore_mem>>
        %dma_start3A = arith.constant 0 : i32
        %dma_start3A_1212 = tpu.memref_slice %arg17[%add3A_1211, %dma_start3A] : memref<10240x128xf32, #tpu.memory_space<vmem_shared>> -> memref<32x128xf32, #tpu.memory_space<vmem_shared>>
        %dma_start3A_1213 = arith.constant 0 : i32
        %dma_start3A_1214 = tpu.memref_slice %arg17[%add3A_1211, %dma_start3A_1213] : memref<10240x128xf32, #tpu.memory_space<vmem_shared>> -> memref<32x128xf32, #tpu.memory_space<vmem_shared>>
        tpu.enqueue_dma source(%arg15 : memref<32x128xf32, #tpu.memory_space<vmem>>) target(%dma_start3A_1214 : memref<32x128xf32, #tpu.memory_space<vmem_shared>>) target_semaphore(%run_scoped3A : memref<!tpu.dma_semaphore, #tpu.memory_space<semaphore_mem>>)
        %dma_wait3A = arith.constant 0 : i32
        %dma_wait3A_1215 = tpu.memref_slice %arg17[%add3A_1211, %dma_wait3A] : memref<10240x128xf32, #tpu.memory_space<vmem_shared>> -> memref<32x128xf32, #tpu.memory_space<vmem_shared>>
        %dma_wait3A_1216 = arith.constant 0 : i32
        %dma_wait3A_1217 = tpu.memref_slice %arg17[%add3A_1211, %dma_wait3A_1216] : memref<10240x128xf32, #tpu.memory_space<vmem_shared>> -> memref<32x128xf32, #tpu.memory_space<vmem_shared>>
        tpu.wait_dma2 semaphore(%run_scoped3A : memref<!tpu.dma_semaphore, #tpu.memory_space<semaphore_mem>>) src(%arg15 : memref<32x128xf32, #tpu.memory_space<vmem>>) dst(%dma_wait3A_1217 : memref<32x128xf32, #tpu.memory_space<vmem_shared>>)
        tpu.yield
      }) : () -> ()
    }
    %scan3A_1035 = arith.constant 20 : i32
    %barrier3A = arith.constant 0 : index
    tpu.barrier barrier_id(%barrier3A)
    "tpu.region"() ({
      %run_scoped3A = tpu.sem_alloc : memref<!tpu.dma_semaphore, #tpu.memory_space<semaphore_mem>>
      tpu.enqueue_dma source(%arg6 : memref<32x16xf32, #tpu.memory_space<hbm>>) target(%arg14 : memref<32x16xf32, #tpu.memory_space<vmem>>) target_semaphore(%run_scoped3A : memref<!tpu.dma_semaphore, #tpu.memory_space<semaphore_mem>>)
      tpu.wait_dma2 semaphore(%run_scoped3A : memref<!tpu.dma_semaphore, #tpu.memory_space<semaphore_mem>>) src(%arg6 : memref<32x16xf32, #tpu.memory_space<hbm>>) dst(%arg14 : memref<32x16xf32, #tpu.memory_space<vmem>>)
      tpu.yield
    }) : () -> ()
    %get3A = arith.constant 0 : i32
    %get3A_1036 = arith.index_cast %get3A : i32 to index
    %get3A_1037 = arith.constant 0 : index
    %get3A_1038 = tpu.vector_load %arg14[%get3A_1036, %get3A_1037] {strides = array<i32>} : memref<32x16xf32, #tpu.memory_space<vmem>>, vector<16xf32>,
    %get3A_1039 = arith.constant 1 : i32
    %get3A_1040 = arith.index_cast %get3A_1039 : i32 to index
    %get3A_1041 = arith.constant 0 : index
    %get3A_1042 = tpu.vector_load %arg14[%get3A_1040, %get3A_1041] {strides = array<i32>} : memref<32x16xf32, #tpu.memory_space<vmem>>, vector<16xf32>,
    %max3A = arith.maximumf %get3A_1038, %get3A_1042 : vector<16xf32>
    %get3A_1043 = arith.constant 2 : i32
    %get3A_1044 = arith.index_cast %get3A_1043 : i32 to index
    %get3A_1045 = arith.constant 0 : index
    %get3A_1046 = tpu.vector_load %arg14[%get3A_1044, %get3A_1045] {strides = array<i32>} : memref<32x16xf32, #tpu.memory_space<vmem>>, vector<16xf32>,
    %max3A_1047 = arith.maximumf %max3A, %get3A_1046 : vector<16xf32>
    %get3A_1048 = arith.constant 3 : i32
    %get3A_1049 = arith.index_cast %get3A_1048 : i32 to index
    %get3A_1050 = arith.constant 0 : index
    %get3A_1051 = tpu.vector_load %arg14[%get3A_1049, %get3A_1050] {strides = array<i32>} : memref<32x16xf32, #tpu.memory_space<vmem>>, vector<16xf32>,
    %max3A_1052 = arith.maximumf %max3A_1047, %get3A_1051 : vector<16xf32>
    %get3A_1053 = arith.constant 4 : i32
    %get3A_1054 = arith.index_cast %get3A_1053 : i32 to index
    %get3A_1055 = arith.constant 0 : index
    %get3A_1056 = tpu.vector_load %arg14[%get3A_1054, %get3A_1055] {strides = array<i32>} : memref<32x16xf32, #tpu.memory_space<vmem>>, vector<16xf32>,
    %max3A_1057 = arith.maximumf %max3A_1052, %get3A_1056 : vector<16xf32>
    %get3A_1058 = arith.constant 5 : i32
    %get3A_1059 = arith.index_cast %get3A_1058 : i32 to index
    %get3A_1060 = arith.constant 0 : index
    %get3A_1061 = tpu.vector_load %arg14[%get3A_1059, %get3A_1060] {strides = array<i32>} : memref<32x16xf32, #tpu.memory_space<vmem>>, vector<16xf32>,
    %max3A_1062 = arith.maximumf %max3A_1057, %get3A_1061 : vector<16xf32>
    %get3A_1063 = arith.constant 6 : i32
    %get3A_1064 = arith.index_cast %get3A_1063 : i32 to index
    %get3A_1065 = arith.constant 0 : index
    %get3A_1066 = tpu.vector_load %arg14[%get3A_1064, %get3A_1065] {strides = array<i32>} : memref<32x16xf32, #tpu.memory_space<vmem>>, vector<16xf32>,
    %max3A_1067 = arith.maximumf %max3A_1062, %get3A_1066 : vector<16xf32>
    %get3A_1068 = arith.constant 7 : i32
    %get3A_1069 = arith.index_cast %get3A_1068 : i32 to index
    %get3A_1070 = arith.constant 0 : index
    %get3A_1071 = tpu.vector_load %arg14[%get3A_1069, %get3A_1070] {strides = array<i32>} : memref<32x16xf32, #tpu.memory_space<vmem>>, vector<16xf32>,
    %max3A_1072 = arith.maximumf %max3A_1067, %get3A_1071 : vector<16xf32>
    %get3A_1073 = arith.constant 8 : i32
    %get3A_1074 = arith.index_cast %get3A_1073 : i32 to index
    %get3A_1075 = arith.constant 0 : index
    %get3A_1076 = tpu.vector_load %arg14[%get3A_1074, %get3A_1075] {strides = array<i32>} : memref<32x16xf32, #tpu.memory_space<vmem>>, vector<16xf32>,
    %max3A_1077 = arith.maximumf %max3A_1072, %get3A_1076 : vector<16xf32>
    %get3A_1078 = arith.constant 9 : i32
    %get3A_1079 = arith.index_cast %get3A_1078 : i32 to index
    %get3A_1080 = arith.constant 0 : index
    %get3A_1081 = tpu.vector_load %arg14[%get3A_1079, %get3A_1080] {strides = array<i32>} : memref<32x16xf32, #tpu.memory_space<vmem>>, vector<16xf32>,
    %max3A_1082 = arith.maximumf %max3A_1077, %get3A_1081 : vector<16xf32>
    %get3A_1083 = arith.constant 10 : i32
    %get3A_1084 = arith.index_cast %get3A_1083 : i32 to index
    %get3A_1085 = arith.constant 0 : index
    %get3A_1086 = tpu.vector_load %arg14[%get3A_1084, %get3A_1085] {strides = array<i32>} : memref<32x16xf32, #tpu.memory_space<vmem>>, vector<16xf32>,
    %max3A_1087 = arith.maximumf %max3A_1082, %get3A_1086 : vector<16xf32>
    %get3A_1088 = arith.constant 11 : i32
    %get3A_1089 = arith.index_cast %get3A_1088 : i32 to index
    %get3A_1090 = arith.constant 0 : index
    %get3A_1091 = tpu.vector_load %arg14[%get3A_1089, %get3A_1090] {strides = array<i32>} : memref<32x16xf32, #tpu.memory_space<vmem>>, vector<16xf32>,
    %max3A_1092 = arith.maximumf %max3A_1087, %get3A_1091 : vector<16xf32>
    %get3A_1093 = arith.constant 12 : i32
    %get3A_1094 = arith.index_cast %get3A_1093 : i32 to index
    %get3A_1095 = arith.constant 0 : index
    %get3A_1096 = tpu.vector_load %arg14[%get3A_1094, %get3A_1095] {strides = array<i32>} : memref<32x16xf32, #tpu.memory_space<vmem>>, vector<16xf32>,
    %max3A_1097 = arith.maximumf %max3A_1092, %get3A_1096 : vector<16xf32>
    %get3A_1098 = arith.constant 13 : i32
    %get3A_1099 = arith.index_cast %get3A_1098 : i32 to index
    %get3A_1100 = arith.constant 0 : index
    %get3A_1101 = tpu.vector_load %arg14[%get3A_1099, %get3A_1100] {strides = array<i32>} : memref<32x16xf32, #tpu.memory_space<vmem>>, vector<16xf32>,
    %max3A_1102 = arith.maximumf %max3A_1097, %get3A_1101 : vector<16xf32>
    %get3A_1103 = arith.constant 14 : i32
    %get3A_1104 = arith.index_cast %get3A_1103 : i32 to index
    %get3A_1105 = arith.constant 0 : index
    %get3A_1106 = tpu.vector_load %arg14[%get3A_1104, %get3A_1105] {strides = array<i32>} : memref<32x16xf32, #tpu.memory_space<vmem>>, vector<16xf32>,
    %max3A_1107 = arith.maximumf %max3A_1102, %get3A_1106 : vector<16xf32>
    %get3A_1108 = arith.constant 15 : i32
    %get3A_1109 = arith.index_cast %get3A_1108 : i32 to index
    %get3A_1110 = arith.constant 0 : index
    %get3A_1111 = tpu.vector_load %arg14[%get3A_1109, %get3A_1110] {strides = array<i32>} : memref<32x16xf32, #tpu.memory_space<vmem>>, vector<16xf32>,
    %max3A_1112 = arith.maximumf %max3A_1107, %get3A_1111 : vector<16xf32>
    %get3A_1113 = arith.constant 16 : i32
    %get3A_1114 = arith.index_cast %get3A_1113 : i32 to index
    %get3A_1115 = arith.constant 0 : index
    %get3A_1116 = tpu.vector_load %arg14[%get3A_1114, %get3A_1115] {strides = array<i32>} : memref<32x16xf32, #tpu.memory_space<vmem>>, vector<16xf32>,
    %max3A_1117 = arith.maximumf %max3A_1112, %get3A_1116 : vector<16xf32>
    %get3A_1118 = arith.constant 17 : i32
    %get3A_1119 = arith.index_cast %get3A_1118 : i32 to index
    %get3A_1120 = arith.constant 0 : index
    %get3A_1121 = tpu.vector_load %arg14[%get3A_1119, %get3A_1120] {strides = array<i32>} : memref<32x16xf32, #tpu.memory_space<vmem>>, vector<16xf32>,
    %max3A_1122 = arith.maximumf %max3A_1117, %get3A_1121 : vector<16xf32>
    %get3A_1123 = arith.constant 18 : i32
    %get3A_1124 = arith.index_cast %get3A_1123 : i32 to index
    %get3A_1125 = arith.constant 0 : index
    %get3A_1126 = tpu.vector_load %arg14[%get3A_1124, %get3A_1125] {strides = array<i32>} : memref<32x16xf32, #tpu.memory_space<vmem>>, vector<16xf32>,
    %max3A_1127 = arith.maximumf %max3A_1122, %get3A_1126 : vector<16xf32>
    %get3A_1128 = arith.constant 19 : i32
    %get3A_1129 = arith.index_cast %get3A_1128 : i32 to index
    %get3A_1130 = arith.constant 0 : index
    %get3A_1131 = tpu.vector_load %arg14[%get3A_1129, %get3A_1130] {strides = array<i32>} : memref<32x16xf32, #tpu.memory_space<vmem>>, vector<16xf32>,
    %max3A_1132 = arith.maximumf %max3A_1127, %get3A_1131 : vector<16xf32>
    %get3A_1133 = arith.constant 20 : i32
    %get3A_1134 = arith.index_cast %get3A_1133 : i32 to index
    %get3A_1135 = arith.constant 0 : index
    %get3A_1136 = tpu.vector_load %arg14[%get3A_1134, %get3A_1135] {strides = array<i32>} : memref<32x16xf32, #tpu.memory_space<vmem>>, vector<16xf32>,
    %max3A_1137 = arith.maximumf %max3A_1132, %get3A_1136 : vector<16xf32>
    %get3A_1138 = arith.constant 21 : i32
    %get3A_1139 = arith.index_cast %get3A_1138 : i32 to index
    %get3A_1140 = arith.constant 0 : index
    %get3A_1141 = tpu.vector_load %arg14[%get3A_1139, %get3A_1140] {strides = array<i32>} : memref<32x16xf32, #tpu.memory_space<vmem>>, vector<16xf32>,
    %max3A_1142 = arith.maximumf %max3A_1137, %get3A_1141 : vector<16xf32>
    %get3A_1143 = arith.constant 22 : i32
    %get3A_1144 = arith.index_cast %get3A_1143 : i32 to index
    %get3A_1145 = arith.constant 0 : index
    %get3A_1146 = tpu.vector_load %arg14[%get3A_1144, %get3A_1145] {strides = array<i32>} : memref<32x16xf32, #tpu.memory_space<vmem>>, vector<16xf32>,
    %max3A_1147 = arith.maximumf %max3A_1142, %get3A_1146 : vector<16xf32>
    %get3A_1148 = arith.constant 23 : i32
    %get3A_1149 = arith.index_cast %get3A_1148 : i32 to index
    %get3A_1150 = arith.constant 0 : index
    %get3A_1151 = tpu.vector_load %arg14[%get3A_1149, %get3A_1150] {strides = array<i32>} : memref<32x16xf32, #tpu.memory_space<vmem>>, vector<16xf32>,
    %max3A_1152 = arith.maximumf %max3A_1147, %get3A_1151 : vector<16xf32>
    %get3A_1153 = arith.constant 24 : i32
    %get3A_1154 = arith.index_cast %get3A_1153 : i32 to index
    %get3A_1155 = arith.constant 0 : index
    %get3A_1156 = tpu.vector_load %arg14[%get3A_1154, %get3A_1155] {strides = array<i32>} : memref<32x16xf32, #tpu.memory_space<vmem>>, vector<16xf32>,
    %max3A_1157 = arith.maximumf %max3A_1152, %get3A_1156 : vector<16xf32>
    %get3A_1158 = arith.constant 25 : i32
    %get3A_1159 = arith.index_cast %get3A_1158 : i32 to index
    %get3A_1160 = arith.constant 0 : index
    %get3A_1161 = tpu.vector_load %arg14[%get3A_1159, %get3A_1160] {strides = array<i32>} : memref<32x16xf32, #tpu.memory_space<vmem>>, vector<16xf32>,
    %max3A_1162 = arith.maximumf %max3A_1157, %get3A_1161 : vector<16xf32>
    %get3A_1163 = arith.constant 26 : i32
    %get3A_1164 = arith.index_cast %get3A_1163 : i32 to index
    %get3A_1165 = arith.constant 0 : index
    %get3A_1166 = tpu.vector_load %arg14[%get3A_1164, %get3A_1165] {strides = array<i32>} : memref<32x16xf32, #tpu.memory_space<vmem>>, vector<16xf32>,
    %max3A_1167 = arith.maximumf %max3A_1162, %get3A_1166 : vector<16xf32>
    %get3A_1168 = arith.constant 27 : i32
    %get3A_1169 = arith.index_cast %get3A_1168 : i32 to index
    %get3A_1170 = arith.constant 0 : index
    %get3A_1171 = tpu.vector_load %arg14[%get3A_1169, %get3A_1170] {strides = array<i32>} : memref<32x16xf32, #tpu.memory_space<vmem>>, vector<16xf32>,
    %max3A_1172 = arith.maximumf %max3A_1167, %get3A_1171 : vector<16xf32>
    %get3A_1173 = arith.constant 28 : i32
    %get3A_1174 = arith.index_cast %get3A_1173 : i32 to index
    %get3A_1175 = arith.constant 0 : index
    %get3A_1176 = tpu.vector_load %arg14[%get3A_1174, %get3A_1175] {strides = array<i32>} : memref<32x16xf32, #tpu.memory_space<vmem>>, vector<16xf32>,
    %max3A_1177 = arith.maximumf %max3A_1172, %get3A_1176 : vector<16xf32>
    %get3A_1178 = arith.constant 29 : i32
    %get3A_1179 = arith.index_cast %get3A_1178 : i32 to index
    %get3A_1180 = arith.constant 0 : index
    %get3A_1181 = tpu.vector_load %arg14[%get3A_1179, %get3A_1180] {strides = array<i32>} : memref<32x16xf32, #tpu.memory_space<vmem>>, vector<16xf32>,
    %max3A_1182 = arith.maximumf %max3A_1177, %get3A_1181 : vector<16xf32>
    %get3A_1183 = arith.constant 30 : i32
    %get3A_1184 = arith.index_cast %get3A_1183 : i32 to index
    %get3A_1185 = arith.constant 0 : index
    %get3A_1186 = tpu.vector_load %arg14[%get3A_1184, %get3A_1185] {strides = array<i32>} : memref<32x16xf32, #tpu.memory_space<vmem>>, vector<16xf32>,
    %max3A_1187 = arith.maximumf %max3A_1182, %get3A_1186 : vector<16xf32>
    %get3A_1188 = arith.constant 31 : i32
    %get3A_1189 = arith.index_cast %get3A_1188 : i32 to index
    %get3A_1190 = arith.constant 0 : index
    %get3A_1191 = tpu.vector_load %arg14[%get3A_1189, %get3A_1190] {strides = array<i32>} : memref<32x16xf32, #tpu.memory_space<vmem>>, vector<16xf32>,
    %max3A_1192 = arith.maximumf %max3A_1187, %get3A_1191 : vector<16xf32>
    %scan3A_1193 = arith.constant 0 : i32
    %scan3A_1194 = arith.constant 125 : i32
    %scan3A_1195 = arith.addi %scan3A_1193, %scan3A_1194 : i32
    %scan3A_1196 = arith.constant 1 : i32
    scf.for %scan3A_1204 = %scan3A_1193 to %scan3A_1195 step %scan3A_1196  : i32 {
      %mul3A_1205 = arith.constant 80 : i32
      %mul3A_1206 = arith.muli %scan3A_1204, %mul3A_1205 : i32
      %add3A_1207 = arith.constant 0 : i32
      %add3A_1208 = arith.addi %add3A_1207, %mul3A_1206 : i32
      %add3A_1209 = arith.addi %mul3A_2, %add3A_1208 : i32
      "tpu.region"() ({
        %run_scoped3A = tpu.sem_alloc : memref<!tpu.dma_semaphore, #tpu.memory_space<semaphore_mem>>
        %dma_start3A_1219 = tpu.memref_slice %arg3[%add3A_1209] : memref<320000xi32, #tpu.memory_space<hbm>> -> memref<80xi32, #tpu.memory_space<hbm>>
        %dma_start3A_1220 = tpu.memref_slice %arg3[%add3A_1209] : memref<320000xi32, #tpu.memory_space<hbm>> -> memref<80xi32, #tpu.memory_space<hbm>>
        tpu.enqueue_dma source(%dma_start3A_1220 : memref<80xi32, #tpu.memory_space<hbm>>) target(%arg9 : memref<80xi32, #tpu.memory_space<vmem>>) target_semaphore(%run_scoped3A : memref<!tpu.dma_semaphore, #tpu.memory_space<semaphore_mem>>)
        %dma_wait3A_1221 = tpu.memref_slice %arg3[%add3A_1209] : memref<320000xi32, #tpu.memory_space<hbm>> -> memref<80xi32, #tpu.memory_space<hbm>>
        %dma_wait3A_1222 = tpu.memref_slice %arg3[%add3A_1209] : memref<320000xi32, #tpu.memory_space<hbm>> -> memref<80xi32, #tpu.memory_space<hbm>>
        tpu.wait_dma2 semaphore(%run_scoped3A : memref<!tpu.dma_semaphore, #tpu.memory_space<semaphore_mem>>) src(%dma_wait3A_1222 : memref<80xi32, #tpu.memory_space<hbm>>) dst(%arg9 : memref<80xi32, #tpu.memory_space<vmem>>)
        tpu.yield
      }) : () -> ()
      "tpu.region"() ({
        %run_scoped3A = tpu.sem_alloc : memref<!tpu.dma_semaphore, #tpu.memory_space<semaphore_mem>>
        %dma_start3A_1219 = tpu.memref_slice %arg4[%add3A_1209] : memref<320000xi32, #tpu.memory_space<hbm>> -> memref<80xi32, #tpu.memory_space<hbm>>
        %dma_start3A_1220 = tpu.memref_slice %arg4[%add3A_1209] : memref<320000xi32, #tpu.memory_space<hbm>> -> memref<80xi32, #tpu.memory_space<hbm>>
        tpu.enqueue_dma source(%dma_start3A_1220 : memref<80xi32, #tpu.memory_space<hbm>>) target(%arg10 : memref<80xi32, #tpu.memory_space<vmem>>) target_semaphore(%run_scoped3A : memref<!tpu.dma_semaphore, #tpu.memory_space<semaphore_mem>>)
        %dma_wait3A_1221 = tpu.memref_slice %arg4[%add3A_1209] : memref<320000xi32, #tpu.memory_space<hbm>> -> memref<80xi32, #tpu.memory_space<hbm>>
        %dma_wait3A_1222 = tpu.memref_slice %arg4[%add3A_1209] : memref<320000xi32, #tpu.memory_space<hbm>> -> memref<80xi32, #tpu.memory_space<hbm>>
        tpu.wait_dma2 semaphore(%run_scoped3A : memref<!tpu.dma_semaphore, #tpu.memory_space<semaphore_mem>>) src(%dma_wait3A_1222 : memref<80xi32, #tpu.memory_space<hbm>>) dst(%arg10 : memref<80xi32, #tpu.memory_space<vmem>>)
        tpu.yield
      }) : () -> ()
      "tpu.region"() ({
        %run_scoped3A = tpu.sem_alloc : memref<!tpu.dma_semaphore, #tpu.memory_space<semaphore_mem>>
        %dma_start3A_1219 = tpu.memref_slice %arg5[%add3A_1209] : memref<320000xf32, #tpu.memory_space<hbm>> -> memref<80xf32, #tpu.memory_space<hbm>>
        %dma_start3A_1220 = tpu.memref_slice %arg5[%add3A_1209] : memref<320000xf32, #tpu.memory_space<hbm>> -> memref<80xf32, #tpu.memory_space<hbm>>
        tpu.enqueue_dma source(%dma_start3A_1220 : memref<80xf32, #tpu.memory_space<hbm>>) target(%arg11 : memref<80xf32, #tpu.memory_space<vmem>>) target_semaphore(%run_scoped3A : memref<!tpu.dma_semaphore, #tpu.memory_space<semaphore_mem>>)
        %dma_wait3A_1221 = tpu.memref_slice %arg5[%add3A_1209] : memref<320000xf32, #tpu.memory_space<hbm>> -> memref<80xf32, #tpu.memory_space<hbm>>
        %dma_wait3A_1222 = tpu.memref_slice %arg5[%add3A_1209] : memref<320000xf32, #tpu.memory_space<hbm>> -> memref<80xf32, #tpu.memory_space<hbm>>
        tpu.wait_dma2 semaphore(%run_scoped3A : memref<!tpu.dma_semaphore, #tpu.memory_space<semaphore_mem>>) src(%dma_wait3A_1222 : memref<80xf32, #tpu.memory_space<hbm>>) dst(%arg11 : memref<80xf32, #tpu.memory_space<vmem>>)
        tpu.yield
      }) : () -> ()
      %dma_start3A = arith.constant 0 : i32
      %dma_start3A_1210 = arith.constant 0 : i32
      %dma_start3A_1211 = tpu.memref_slice %arg2[%dma_start3A, %dma_start3A_1210] : memref<10000x128xf32, #tpu.memory_space<hbm>> -> memref<10000x128xf32, #tpu.memory_space<hbm>>
      tpu.enqueue_indirect_dma source(%dma_start3A_1211 : memref<10000x128xf32, #tpu.memory_space<hbm>>) target(%arg12 : memref<80x128xf32, #tpu.memory_space<vmem>>) offsets(%arg9 : memref<80xi32, #tpu.memory_space<vmem>>) semaphore(%arg18 : memref<!tpu.dma_semaphore, #tpu.memory_space<semaphore_mem>>)
      %dma_wait3A = arith.constant 0 : i32
      %dma_wait3A_1212 = arith.constant 0 : i32
      %dma_wait3A_1213 = tpu.memref_slice %arg2[%dma_wait3A, %dma_wait3A_1212] : memref<10000x128xf32, #tpu.memory_space<hbm>> -> memref<10000x128xf32, #tpu.memory_space<hbm>>
      tpu.wait_indirect_dma semaphore(%arg18 : memref<!tpu.dma_semaphore, #tpu.memory_space<semaphore_mem>>) src(%dma_wait3A_1213 : memref<10000x128xf32, #tpu.memory_space<hbm>>) dst(%arg12 : memref<80x128xf32, #tpu.memory_space<vmem>>)
      %scan3A_1214 = arith.constant 0 : i32
      %scan3A_1215 = arith.constant 5 : i32
      %scan3A_1216 = arith.addi %scan3A_1214, %scan3A_1215 : i32
      %scan3A_1217 = arith.constant 1 : i32
      scf.for %scan3A_1219 = %scan3A_1214 to %scan3A_1216 step %scan3A_1217  : i32 {
        %mul3A_1220 = arith.constant 1 : i32
        %mul3A_1221 = arith.muli %scan3A_1219, %mul3A_1220 : i32
        %add3A_1222 = arith.constant 0 : i32
        %add3A_1223 = arith.addi %add3A_1222, %mul3A_1221 : i32
        %mul3A_1224 = arith.constant 16 : i32
        %mul3A_1225 = arith.muli %add3A_1223, %mul3A_1224 : i32
        %get3A_1226 = arith.index_cast %mul3A_1225 : i32 to index
        %get3A_1227 = tpu.vector_load %arg11[%get3A_1226] {strides = array<i32>} : memref<80xf32, #tpu.memory_space<vmem>>, vector<16xf32>,
        %sub3A = arith.subf %get3A_1227, %max3A_1192 : vector<16xf32>
        %exp3A = math.exp %sub3A : vector<16xf32>
        %swap3A_1228 = arith.constant 0 : index
        %swap3A_1229 = tpu.vector_load %arg13[%swap3A_1228] {strides = array<i32>} : memref<16xf32, #tpu.memory_space<vmem>>, vector<16xf32>,
        tpu.vector_store %arg13[%swap3A_1228], %exp3A {strides = array<i32>} : memref<16xf32, #tpu.memory_space<vmem>>, vector<16xf32>,
        %mul3A_1230 = arith.constant 16 : i32
        %mul3A_1231 = arith.muli %add3A_1223, %mul3A_1230 : i32
        %get3A_1232 = arith.index_cast %mul3A_1231 : i32 to index
        %get3A_1233 = tpu.vector_load %arg10[%get3A_1232] {strides = array<i32>} : memref<80xi32, #tpu.memory_space<vmem>>, vector<16xi32>,
        tpu.vector_store_idx %arg16[%get3A_1233], %exp3A {add = true} : memref<10000xf32, #tpu.memory_space<vmem>>[vector<16xi32>], vector<16xf32>,
        %mul3A_1234 = arith.constant 16 : i32
        %mul3A_1235 = arith.muli %add3A_1223, %mul3A_1234 : i32
        %add3A_1236 = arith.constant 0 : i32
        %add3A_1237 = arith.addi %mul3A_1235, %add3A_1236 : i32
        %broadcast_in_dim3A_1238 = arith.constant 0 : i32
        %broadcast_in_dim3A_1239 = vector.broadcast %broadcast_in_dim3A_1238 : i32 to vector<16xi32>
        %gather3A = tpu.vector_load_idx %arg13[%broadcast_in_dim3A_1239] : memref<16xf32, #tpu.memory_space<vmem>>[vector<16xi32>], vector<16xf32>,
        %get3A_1240 = arith.index_cast %add3A_1237 : i32 to index
        %get3A_1241 = arith.constant 0 : index
        %get3A_1242 = tpu.vector_load %arg12[%get3A_1240, %get3A_1241] {strides = array<i32>} : memref<80x128xf32, #tpu.memory_space<vmem>>, vector<16xf32>,
        %mul3A_1243 = arith.mulf %get3A_1242, %gather3A : vector<16xf32>
        %swap3A_1244 = arith.index_cast %add3A_1237 : i32 to index
        %swap3A_1245 = arith.constant 0 : index
        %swap3A_1246 = tpu.vector_load %arg12[%swap3A_1244, %swap3A_1245] {strides = array<i32>} : memref<80x128xf32, #tpu.memory_space<vmem>>, vector<16xf32>,
        tpu.vector_store %arg12[%swap3A_1244, %swap3A_1245], %mul3A_1243 {strides = array<i32>} : memref<80x128xf32, #tpu.memory_space<vmem>>, vector<16xf32>,
        %get3A_1247 = arith.index_cast %add3A_1237 : i32 to index
        %get3A_1248 = arith.constant 16 : index
        %get3A_1249 = tpu.vector_load %arg12[%get3A_1247, %get3A_1248] {strides = array<i32>} : memref<80x128xf32, #tpu.memory_space<vmem>>, vector<16xf32>,
        %mul3A_1250 = arith.mulf %get3A_1249, %gather3A : vector<16xf32>
        %swap3A_1251 = arith.index_cast %add3A_1237 : i32 to index
        %swap3A_1252 = arith.constant 16 : index
        %swap3A_1253 = tpu.vector_load %arg12[%swap3A_1251, %swap3A_1252] {strides = array<i32>} : memref<80x128xf32, #tpu.memory_space<vmem>>, vector<16xf32>,
        tpu.vector_store %arg12[%swap3A_1251, %swap3A_1252], %mul3A_1250 {strides = array<i32>} : memref<80x128xf32, #tpu.memory_space<vmem>>, vector<16xf32>,
        %get3A_1254 = arith.index_cast %add3A_1237 : i32 to index
        %get3A_1255 = arith.constant 32 : index
        %get3A_1256 = tpu.vector_load %arg12[%get3A_1254, %get3A_1255] {strides = array<i32>} : memref<80x128xf32, #tpu.memory_space<vmem>>, vector<16xf32>,
        %mul3A_1257 = arith.mulf %get3A_1256, %gather3A : vector<16xf32>
        %swap3A_1258 = arith.index_cast %add3A_1237 : i32 to index
        %swap3A_1259 = arith.constant 32 : index
        %swap3A_1260 = tpu.vector_load %arg12[%swap3A_1258, %swap3A_1259] {strides = array<i32>} : memref<80x128xf32, #tpu.memory_space<vmem>>, vector<16xf32>,
        tpu.vector_store %arg12[%swap3A_1258, %swap3A_1259], %mul3A_1257 {strides = array<i32>} : memref<80x128xf32, #tpu.memory_space<vmem>>, vector<16xf32>,
        %get3A_1261 = arith.index_cast %add3A_1237 : i32 to index
        %get3A_1262 = arith.constant 48 : index
        %get3A_1263 = tpu.vector_load %arg12[%get3A_1261, %get3A_1262] {strides = array<i32>} : memref<80x128xf32, #tpu.memory_space<vmem>>, vector<16xf32>,
        %mul3A_1264 = arith.mulf %get3A_1263, %gather3A : vector<16xf32>
        %swap3A_1265 = arith.index_cast %add3A_1237 : i32 to index
        %swap3A_1266 = arith.constant 48 : index
        %swap3A_1267 = tpu.vector_load %arg12[%swap3A_1265, %swap3A_1266] {strides = array<i32>} : memref<80x128xf32, #tpu.memory_space<vmem>>, vector<16xf32>,
        tpu.vector_store %arg12[%swap3A_1265, %swap3A_1266], %mul3A_1264 {strides = array<i32>} : memref<80x128xf32, #tpu.memory_space<vmem>>, vector<16xf32>,
        %get3A_1268 = arith.index_cast %add3A_1237 : i32 to index
        %get3A_1269 = arith.constant 64 : index
        %get3A_1270 = tpu.vector_load %arg12[%get3A_1268, %get3A_1269] {strides = array<i32>} : memref<80x128xf32, #tpu.memory_space<vmem>>, vector<16xf32>,
        %mul3A_1271 = arith.mulf %get3A_1270, %gather3A : vector<16xf32>
        %swap3A_1272 = arith.index_cast %add3A_1237 : i32 to index
        %swap3A_1273 = arith.constant 64 : index
        %swap3A_1274 = tpu.vector_load %arg12[%swap3A_1272, %swap3A_1273] {strides = array<i32>} : memref<80x128xf32, #tpu.memory_space<vmem>>, vector<16xf32>,
        tpu.vector_store %arg12[%swap3A_1272, %swap3A_1273], %mul3A_1271 {strides = array<i32>} : memref<80x128xf32, #tpu.memory_space<vmem>>, vector<16xf32>,
        %get3A_1275 = arith.index_cast %add3A_1237 : i32 to index
        %get3A_1276 = arith.constant 80 : index
        %get3A_1277 = tpu.vector_load %arg12[%get3A_1275, %get3A_1276] {strides = array<i32>} : memref<80x128xf32, #tpu.memory_space<vmem>>, vector<16xf32>,
        %mul3A_1278 = arith.mulf %get3A_1277, %gather3A : vector<16xf32>
        %swap3A_1279 = arith.index_cast %add3A_1237 : i32 to index
        %swap3A_1280 = arith.constant 80 : index
        %swap3A_1281 = tpu.vector_load %arg12[%swap3A_1279, %swap3A_1280] {strides = array<i32>} : memref<80x128xf32, #tpu.memory_space<vmem>>, vector<16xf32>,
        tpu.vector_store %arg12[%swap3A_1279, %swap3A_1280], %mul3A_1278 {strides = array<i32>} : memref<80x128xf32, #tpu.memory_space<vmem>>, vector<16xf32>,
        %get3A_1282 = arith.index_cast %add3A_1237 : i32 to index
        %get3A_1283 = arith.constant 96 : index
        %get3A_1284 = tpu.vector_load %arg12[%get3A_1282, %get3A_1283] {strides = array<i32>} : memref<80x128xf32, #tpu.memory_space<vmem>>, vector<16xf32>,
        %mul3A_1285 = arith.mulf %get3A_1284, %gather3A : vector<16xf32>
        %swap3A_1286 = arith.index_cast %add3A_1237 : i32 to index
        %swap3A_1287 = arith.constant 96 : index
        %swap3A_1288 = tpu.vector_load %arg12[%swap3A_1286, %swap3A_1287] {strides = array<i32>} : memref<80x128xf32, #tpu.memory_space<vmem>>, vector<16xf32>,
        tpu.vector_store %arg12[%swap3A_1286, %swap3A_1287], %mul3A_1285 {strides = array<i32>} : memref<80x128xf32, #tpu.memory_space<vmem>>, vector<16xf32>,
        %get3A_1289 = arith.index_cast %add3A_1237 : i32 to index
        %get3A_1290 = arith.constant 112 : index
        %get3A_1291 = tpu.vector_load %arg12[%get3A_1289, %get3A_1290] {strides = array<i32>} : memref<80x128xf32, #tpu.memory_space<vmem>>, vector<16xf32>,
        %mul3A_1292 = arith.mulf %get3A_1291, %gather3A : vector<16xf32>
        %swap3A_1293 = arith.index_cast %add3A_1237 : i32 to index
        %swap3A_1294 = arith.constant 112 : index
        %swap3A_1295 = tpu.vector_load %arg12[%swap3A_1293, %swap3A_1294] {strides = array<i32>} : memref<80x128xf32, #tpu.memory_space<vmem>>, vector<16xf32>,
        tpu.vector_store %arg12[%swap3A_1293, %swap3A_1294], %mul3A_1292 {strides = array<i32>} : memref<80x128xf32, #tpu.memory_space<vmem>>, vector<16xf32>,
        %mul3A_1296 = arith.constant 16 : i32
        %mul3A_1297 = arith.muli %add3A_1223, %mul3A_1296 : i32
        %add3A_1298 = arith.constant 1 : i32
        %add3A_1299 = arith.addi %mul3A_1297, %add3A_1298 : i32
        %broadcast_in_dim3A_1300 = arith.constant 1 : i32
        %broadcast_in_dim3A_1301 = vector.broadcast %broadcast_in_dim3A_1300 : i32 to vector<16xi32>
        %gather3A_1302 = tpu.vector_load_idx %arg13[%broadcast_in_dim3A_1301] : memref<16xf32, #tpu.memory_space<vmem>>[vector<16xi32>], vector<16xf32>,
        %get3A_1303 = arith.index_cast %add3A_1299 : i32 to index
        %get3A_1304 = arith.constant 0 : index
        %get3A_1305 = tpu.vector_load %arg12[%get3A_1303, %get3A_1304] {strides = array<i32>} : memref<80x128xf32, #tpu.memory_space<vmem>>, vector<16xf32>,
        %mul3A_1306 = arith.mulf %get3A_1305, %gather3A_1302 : vector<16xf32>
        %swap3A_1307 = arith.index_cast %add3A_1299 : i32 to index
        %swap3A_1308 = arith.constant 0 : index
        %swap3A_1309 = tpu.vector_load %arg12[%swap3A_1307, %swap3A_1308] {strides = array<i32>} : memref<80x128xf32, #tpu.memory_space<vmem>>, vector<16xf32>,
        tpu.vector_store %arg12[%swap3A_1307, %swap3A_1308], %mul3A_1306 {strides = array<i32>} : memref<80x128xf32, #tpu.memory_space<vmem>>, vector<16xf32>,
        %get3A_1310 = arith.index_cast %add3A_1299 : i32 to index
        %get3A_1311 = arith.constant 16 : index
        %get3A_1312 = tpu.vector_load %arg12[%get3A_1310, %get3A_1311] {strides = array<i32>} : memref<80x128xf32, #tpu.memory_space<vmem>>, vector<16xf32>,
        %mul3A_1313 = arith.mulf %get3A_1312, %gather3A_1302 : vector<16xf32>
        %swap3A_1314 = arith.index_cast %add3A_1299 : i32 to index
        %swap3A_1315 = arith.constant 16 : index
        %swap3A_1316 = tpu.vector_load %arg12[%swap3A_1314, %swap3A_1315] {strides = array<i32>} : memref<80x128xf32, #tpu.memory_space<vmem>>, vector<16xf32>,
        tpu.vector_store %arg12[%swap3A_1314, %swap3A_1315], %mul3A_1313 {strides = array<i32>} : memref<80x128xf32, #tpu.memory_space<vmem>>, vector<16xf32>,
        %get3A_1317 = arith.index_cast %add3A_1299 : i32 to index
        %get3A_1318 = arith.constant 32 : index
        %get3A_1319 = tpu.vector_load %arg12[%get3A_1317, %get3A_1318] {strides = array<i32>} : memref<80x128xf32, #tpu.memory_space<vmem>>, vector<16xf32>,
        %mul3A_1320 = arith.mulf %get3A_1319, %gather3A_1302 : vector<16xf32>
        %swap3A_1321 = arith.index_cast %add3A_1299 : i32 to index
        %swap3A_1322 = arith.constant 32 : index
        %swap3A_1323 = tpu.vector_load %arg12[%swap3A_1321, %swap3A_1322] {strides = array<i32>} : memref<80x128xf32, #tpu.memory_space<vmem>>, vector<16xf32>,
        tpu.vector_store %arg12[%swap3A_1321, %swap3A_1322], %mul3A_1320 {strides = array<i32>} : memref<80x128xf32, #tpu.memory_space<vmem>>, vector<16xf32>,
        %get3A_1324 = arith.index_cast %add3A_1299 : i32 to index
        %get3A_1325 = arith.constant 48 : index
        %get3A_1326 = tpu.vector_load %arg12[%get3A_1324, %get3A_1325] {strides = array<i32>} : memref<80x128xf32, #tpu.memory_space<vmem>>, vector<16xf32>,
        %mul3A_1327 = arith.mulf %get3A_1326, %gather3A_1302 : vector<16xf32>
        %swap3A_1328 = arith.index_cast %add3A_1299 : i32 to index
        %swap3A_1329 = arith.constant 48 : index
        %swap3A_1330 = tpu.vector_load %arg12[%swap3A_1328, %swap3A_1329] {strides = array<i32>} : memref<80x128xf32, #tpu.memory_space<vmem>>, vector<16xf32>,
        tpu.vector_store %arg12[%swap3A_1328, %swap3A_1329], %mul3A_1327 {strides = array<i32>} : memref<80x128xf32, #tpu.memory_space<vmem>>, vector<16xf32>,
        %get3A_1331 = arith.index_cast %add3A_1299 : i32 to index
        %get3A_1332 = arith.constant 64 : index
        %get3A_1333 = tpu.vector_load %arg12[%get3A_1331, %get3A_1332] {strides = array<i32>} : memref<80x128xf32, #tpu.memory_space<vmem>>, vector<16xf32>,
        %mul3A_1334 = arith.mulf %get3A_1333, %gather3A_1302 : vector<16xf32>
        %swap3A_1335 = arith.index_cast %add3A_1299 : i32 to index
        %swap3A_1336 = arith.constant 64 : index
        %swap3A_1337 = tpu.vector_load %arg12[%swap3A_1335, %swap3A_1336] {strides = array<i32>} : memref<80x128xf32, #tpu.memory_space<vmem>>, vector<16xf32>,
        tpu.vector_store %arg12[%swap3A_1335, %swap3A_1336], %mul3A_1334 {strides = array<i32>} : memref<80x128xf32, #tpu.memory_space<vmem>>, vector<16xf32>,
        %get3A_1338 = arith.index_cast %add3A_1299 : i32 to index
        %get3A_1339 = arith.constant 80 : index
        %get3A_1340 = tpu.vector_load %arg12[%get3A_1338, %get3A_1339] {strides = array<i32>} : memref<80x128xf32, #tpu.memory_space<vmem>>, vector<16xf32>,
        %mul3A_1341 = arith.mulf %get3A_1340, %gather3A_1302 : vector<16xf32>
        %swap3A_1342 = arith.index_cast %add3A_1299 : i32 to index
        %swap3A_1343 = arith.constant 80 : index
        %swap3A_1344 = tpu.vector_load %arg12[%swap3A_1342, %swap3A_1343] {strides = array<i32>} : memref<80x128xf32, #tpu.memory_space<vmem>>, vector<16xf32>,
        tpu.vector_store %arg12[%swap3A_1342, %swap3A_1343], %mul3A_1341 {strides = array<i32>} : memref<80x128xf32, #tpu.memory_space<vmem>>, vector<16xf32>,
        %get3A_1345 = arith.index_cast %add3A_1299 : i32 to index
        %get3A_1346 = arith.constant 96 : index
        %get3A_1347 = tpu.vector_load %arg12[%get3A_1345, %get3A_1346] {strides = array<i32>} : memref<80x128xf32, #tpu.memory_space<vmem>>, vector<16xf32>,
        %mul3A_1348 = arith.mulf %get3A_1347, %gather3A_1302 : vector<16xf32>
        %swap3A_1349 = arith.index_cast %add3A_1299 : i32 to index
        %swap3A_1350 = arith.constant 96 : index
        %swap3A_1351 = tpu.vector_load %arg12[%swap3A_1349, %swap3A_1350] {strides = array<i32>} : memref<80x128xf32, #tpu.memory_space<vmem>>, vector<16xf32>,
        tpu.vector_store %arg12[%swap3A_1349, %swap3A_1350], %mul3A_1348 {strides = array<i32>} : memref<80x128xf32, #tpu.memory_space<vmem>>, vector<16xf32>,
        %get3A_1352 = arith.index_cast %add3A_1299 : i32 to index
        %get3A_1353 = arith.constant 112 : index
        %get3A_1354 = tpu.vector_load %arg12[%get3A_1352, %get3A_1353] {strides = array<i32>} : memref<80x128xf32, #tpu.memory_space<vmem>>, vector<16xf32>,
        %mul3A_1355 = arith.mulf %get3A_1354, %gather3A_1302 : vector<16xf32>
        %swap3A_1356 = arith.index_cast %add3A_1299 : i32 to index
        %swap3A_1357 = arith.constant 112 : index
        %swap3A_1358 = tpu.vector_load %arg12[%swap3A_1356, %swap3A_1357] {strides = array<i32>} : memref<80x128xf32, #tpu.memory_space<vmem>>, vector<16xf32>,
        tpu.vector_store %arg12[%swap3A_1356, %swap3A_1357], %mul3A_1355 {strides = array<i32>} : memref<80x128xf32, #tpu.memory_space<vmem>>, vector<16xf32>,
        %mul3A_1359 = arith.constant 16 : i32
        %mul3A_1360 = arith.muli %add3A_1223, %mul3A_1359 : i32
        %add3A_1361 = arith.constant 2 : i32
        %add3A_1362 = arith.addi %mul3A_1360, %add3A_1361 : i32
        %broadcast_in_dim3A_1363 = arith.constant 2 : i32
        %broadcast_in_dim3A_1364 = vector.broadcast %broadcast_in_dim3A_1363 : i32 to vector<16xi32>
        %gather3A_1365 = tpu.vector_load_idx %arg13[%broadcast_in_dim3A_1364] : memref<16xf32, #tpu.memory_space<vmem>>[vector<16xi32>], vector<16xf32>,
        %get3A_1366 = arith.index_cast %add3A_1362 : i32 to index
        %get3A_1367 = arith.constant 0 : index
        %get3A_1368 = tpu.vector_load %arg12[%get3A_1366, %get3A_1367] {strides = array<i32>} : memref<80x128xf32, #tpu.memory_space<vmem>>, vector<16xf32>,
        %mul3A_1369 = arith.mulf %get3A_1368, %gather3A_1365 : vector<16xf32>
        %swap3A_1370 = arith.index_cast %add3A_1362 : i32 to index
        %swap3A_1371 = arith.constant 0 : index
        %swap3A_1372 = tpu.vector_load %arg12[%swap3A_1370, %swap3A_1371] {strides = array<i32>} : memref<80x128xf32, #tpu.memory_space<vmem>>, vector<16xf32>,
        tpu.vector_store %arg12[%swap3A_1370, %swap3A_1371], %mul3A_1369 {strides = array<i32>} : memref<80x128xf32, #tpu.memory_space<vmem>>, vector<16xf32>,
        %get3A_1373 = arith.index_cast %add3A_1362 : i32 to index
        %get3A_1374 = arith.constant 16 : index
        %get3A_1375 = tpu.vector_load %arg12[%get3A_1373, %get3A_1374] {strides = array<i32>} : memref<80x128xf32, #tpu.memory_space<vmem>>, vector<16xf32>,
        %mul3A_1376 = arith.mulf %get3A_1375, %gather3A_1365 : vector<16xf32>
        %swap3A_1377 = arith.index_cast %add3A_1362 : i32 to index
        %swap3A_1378 = arith.constant 16 : index
        %swap3A_1379 = tpu.vector_load %arg12[%swap3A_1377, %swap3A_1378] {strides = array<i32>} : memref<80x128xf32, #tpu.memory_space<vmem>>, vector<16xf32>,
        tpu.vector_store %arg12[%swap3A_1377, %swap3A_1378], %mul3A_1376 {strides = array<i32>} : memref<80x128xf32, #tpu.memory_space<vmem>>, vector<16xf32>,
        %get3A_1380 = arith.index_cast %add3A_1362 : i32 to index
        %get3A_1381 = arith.constant 32 : index
        %get3A_1382 = tpu.vector_load %arg12[%get3A_1380, %get3A_1381] {strides = array<i32>} : memref<80x128xf32, #tpu.memory_space<vmem>>, vector<16xf32>,
        %mul3A_1383 = arith.mulf %get3A_1382, %gather3A_1365 : vector<16xf32>
        %swap3A_1384 = arith.index_cast %add3A_1362 : i32 to index
        %swap3A_1385 = arith.constant 32 : index
        %swap3A_1386 = tpu.vector_load %arg12[%swap3A_1384, %swap3A_1385] {strides = array<i32>} : memref<80x128xf32, #tpu.memory_space<vmem>>, vector<16xf32>,
        tpu.vector_store %arg12[%swap3A_1384, %swap3A_1385], %mul3A_1383 {strides = array<i32>} : memref<80x128xf32, #tpu.memory_space<vmem>>, vector<16xf32>,
        %get3A_1387 = arith.index_cast %add3A_1362 : i32 to index
        %get3A_1388 = arith.constant 48 : index
        %get3A_1389 = tpu.vector_load %arg12[%get3A_1387, %get3A_1388] {strides = array<i32>} : memref<80x128xf32, #tpu.memory_space<vmem>>, vector<16xf32>,
        %mul3A_1390 = arith.mulf %get3A_1389, %gather3A_1365 : vector<16xf32>
        %swap3A_1391 = arith.index_cast %add3A_1362 : i32 to index
        %swap3A_1392 = arith.constant 48 : index
        %swap3A_1393 = tpu.vector_load %arg12[%swap3A_1391, %swap3A_1392] {strides = array<i32>} : memref<80x128xf32, #tpu.memory_space<vmem>>, vector<16xf32>,
        tpu.vector_store %arg12[%swap3A_1391, %swap3A_1392], %mul3A_1390 {strides = array<i32>} : memref<80x128xf32, #tpu.memory_space<vmem>>, vector<16xf32>,
        %get3A_1394 = arith.index_cast %add3A_1362 : i32 to index
        %get3A_1395 = arith.constant 64 : index
        %get3A_1396 = tpu.vector_load %arg12[%get3A_1394, %get3A_1395] {strides = array<i32>} : memref<80x128xf32, #tpu.memory_space<vmem>>, vector<16xf32>,
        %mul3A_1397 = arith.mulf %get3A_1396, %gather3A_1365 : vector<16xf32>
        %swap3A_1398 = arith.index_cast %add3A_1362 : i32 to index
        %swap3A_1399 = arith.constant 64 : index
        %swap3A_1400 = tpu.vector_load %arg12[%swap3A_1398, %swap3A_1399] {strides = array<i32>} : memref<80x128xf32, #tpu.memory_space<vmem>>, vector<16xf32>,
        tpu.vector_store %arg12[%swap3A_1398, %swap3A_1399], %mul3A_1397 {strides = array<i32>} : memref<80x128xf32, #tpu.memory_space<vmem>>, vector<16xf32>,
        %get3A_1401 = arith.index_cast %add3A_1362 : i32 to index
        %get3A_1402 = arith.constant 80 : index
        %get3A_1403 = tpu.vector_load %arg12[%get3A_1401, %get3A_1402] {strides = array<i32>} : memref<80x128xf32, #tpu.memory_space<vmem>>, vector<16xf32>,
        %mul3A_1404 = arith.mulf %get3A_1403, %gather3A_1365 : vector<16xf32>
        %swap3A_1405 = arith.index_cast %add3A_1362 : i32 to index
        %swap3A_1406 = arith.constant 80 : index
        %swap3A_1407 = tpu.vector_load %arg12[%swap3A_1405, %swap3A_1406] {strides = array<i32>} : memref<80x128xf32, #tpu.memory_space<vmem>>, vector<16xf32>,
        tpu.vector_store %arg12[%swap3A_1405, %swap3A_1406], %mul3A_1404 {strides = array<i32>} : memref<80x128xf32, #tpu.memory_space<vmem>>, vector<16xf32>,
        %get3A_1408 = arith.index_cast %add3A_1362 : i32 to index
        %get3A_1409 = arith.constant 96 : index
        %get3A_1410 = tpu.vector_load %arg12[%get3A_1408, %get3A_1409] {strides = array<i32>} : memref<80x128xf32, #tpu.memory_space<vmem>>, vector<16xf32>,
        %mul3A_1411 = arith.mulf %get3A_1410, %gather3A_1365 : vector<16xf32>
        %swap3A_1412 = arith.index_cast %add3A_1362 : i32 to index
        %swap3A_1413 = arith.constant 96 : index
        %swap3A_1414 = tpu.vector_load %arg12[%swap3A_1412, %swap3A_1413] {strides = array<i32>} : memref<80x128xf32, #tpu.memory_space<vmem>>, vector<16xf32>,
        tpu.vector_store %arg12[%swap3A_1412, %swap3A_1413], %mul3A_1411 {strides = array<i32>} : memref<80x128xf32, #tpu.memory_space<vmem>>, vector<16xf32>,
        %get3A_1415 = arith.index_cast %add3A_1362 : i32 to index
        %get3A_1416 = arith.constant 112 : index
        %get3A_1417 = tpu.vector_load %arg12[%get3A_1415, %get3A_1416] {strides = array<i32>} : memref<80x128xf32, #tpu.memory_space<vmem>>, vector<16xf32>,
        %mul3A_1418 = arith.mulf %get3A_1417, %gather3A_1365 : vector<16xf32>
        %swap3A_1419 = arith.index_cast %add3A_1362 : i32 to index
        %swap3A_1420 = arith.constant 112 : index
        %swap3A_1421 = tpu.vector_load %arg12[%swap3A_1419, %swap3A_1420] {strides = array<i32>} : memref<80x128xf32, #tpu.memory_space<vmem>>, vector<16xf32>,
        tpu.vector_store %arg12[%swap3A_1419, %swap3A_1420], %mul3A_1418 {strides = array<i32>} : memref<80x128xf32, #tpu.memory_space<vmem>>, vector<16xf32>,
        %mul3A_1422 = arith.constant 16 : i32
        %mul3A_1423 = arith.muli %add3A_1223, %mul3A_1422 : i32
        %add3A_1424 = arith.constant 3 : i32
        %add3A_1425 = arith.addi %mul3A_1423, %add3A_1424 : i32
        %broadcast_in_dim3A_1426 = arith.constant 3 : i32
        %broadcast_in_dim3A_1427 = vector.broadcast %broadcast_in_dim3A_1426 : i32 to vector<16xi32>
        %gather3A_1428 = tpu.vector_load_idx %arg13[%broadcast_in_dim3A_1427] : memref<16xf32, #tpu.memory_space<vmem>>[vector<16xi32>], vector<16xf32>,
        %get3A_1429 = arith.index_cast %add3A_1425 : i32 to index
        %get3A_1430 = arith.constant 0 : index
        %get3A_1431 = tpu.vector_load %arg12[%get3A_1429, %get3A_1430] {strides = array<i32>} : memref<80x128xf32, #tpu.memory_space<vmem>>, vector<16xf32>,
        %mul3A_1432 = arith.mulf %get3A_1431, %gather3A_1428 : vector<16xf32>
        %swap3A_1433 = arith.index_cast %add3A_1425 : i32 to index
        %swap3A_1434 = arith.constant 0 : index
        %swap3A_1435 = tpu.vector_load %arg12[%swap3A_1433, %swap3A_1434] {strides = array<i32>} : memref<80x128xf32, #tpu.memory_space<vmem>>, vector<16xf32>,
        tpu.vector_store %arg12[%swap3A_1433, %swap3A_1434], %mul3A_1432 {strides = array<i32>} : memref<80x128xf32, #tpu.memory_space<vmem>>, vector<16xf32>,
        %get3A_1436 = arith.index_cast %add3A_1425 : i32 to index
        %get3A_1437 = arith.constant 16 : index
        %get3A_1438 = tpu.vector_load %arg12[%get3A_1436, %get3A_1437] {strides = array<i32>} : memref<80x128xf32, #tpu.memory_space<vmem>>, vector<16xf32>,
        %mul3A_1439 = arith.mulf %get3A_1438, %gather3A_1428 : vector<16xf32>
        %swap3A_1440 = arith.index_cast %add3A_1425 : i32 to index
        %swap3A_1441 = arith.constant 16 : index
        %swap3A_1442 = tpu.vector_load %arg12[%swap3A_1440, %swap3A_1441] {strides = array<i32>} : memref<80x128xf32, #tpu.memory_space<vmem>>, vector<16xf32>,
        tpu.vector_store %arg12[%swap3A_1440, %swap3A_1441], %mul3A_1439 {strides = array<i32>} : memref<80x128xf32, #tpu.memory_space<vmem>>, vector<16xf32>,
        %get3A_1443 = arith.index_cast %add3A_1425 : i32 to index
        %get3A_1444 = arith.constant 32 : index
        %get3A_1445 = tpu.vector_load %arg12[%get3A_1443, %get3A_1444] {strides = array<i32>} : memref<80x128xf32, #tpu.memory_space<vmem>>, vector<16xf32>,
        %mul3A_1446 = arith.mulf %get3A_1445, %gather3A_1428 : vector<16xf32>
        %swap3A_1447 = arith.index_cast %add3A_1425 : i32 to index
        %swap3A_1448 = arith.constant 32 : index
        %swap3A_1449 = tpu.vector_load %arg12[%swap3A_1447, %swap3A_1448] {strides = array<i32>} : memref<80x128xf32, #tpu.memory_space<vmem>>, vector<16xf32>,
        tpu.vector_store %arg12[%swap3A_1447, %swap3A_1448], %mul3A_1446 {strides = array<i32>} : memref<80x128xf32, #tpu.memory_space<vmem>>, vector<16xf32>,
        %get3A_1450 = arith.index_cast %add3A_1425 : i32 to index
        %get3A_1451 = arith.constant 48 : index
        %get3A_1452 = tpu.vector_load %arg12[%get3A_1450, %get3A_1451] {strides = array<i32>} : memref<80x128xf32, #tpu.memory_space<vmem>>, vector<16xf32>,
        %mul3A_1453 = arith.mulf %get3A_1452, %gather3A_1428 : vector<16xf32>
        %swap3A_1454 = arith.index_cast %add3A_1425 : i32 to index
        %swap3A_1455 = arith.constant 48 : index
        %swap3A_1456 = tpu.vector_load %arg12[%swap3A_1454, %swap3A_1455] {strides = array<i32>} : memref<80x128xf32, #tpu.memory_space<vmem>>, vector<16xf32>,
        tpu.vector_store %arg12[%swap3A_1454, %swap3A_1455], %mul3A_1453 {strides = array<i32>} : memref<80x128xf32, #tpu.memory_space<vmem>>, vector<16xf32>,
        %get3A_1457 = arith.index_cast %add3A_1425 : i32 to index
        %get3A_1458 = arith.constant 64 : index
        %get3A_1459 = tpu.vector_load %arg12[%get3A_1457, %get3A_1458] {strides = array<i32>} : memref<80x128xf32, #tpu.memory_space<vmem>>, vector<16xf32>,
        %mul3A_1460 = arith.mulf %get3A_1459, %gather3A_1428 : vector<16xf32>
        %swap3A_1461 = arith.index_cast %add3A_1425 : i32 to index
        %swap3A_1462 = arith.constant 64 : index
        %swap3A_1463 = tpu.vector_load %arg12[%swap3A_1461, %swap3A_1462] {strides = array<i32>} : memref<80x128xf32, #tpu.memory_space<vmem>>, vector<16xf32>,
        tpu.vector_store %arg12[%swap3A_1461, %swap3A_1462], %mul3A_1460 {strides = array<i32>} : memref<80x128xf32, #tpu.memory_space<vmem>>, vector<16xf32>,
        %get3A_1464 = arith.index_cast %add3A_1425 : i32 to index
        %get3A_1465 = arith.constant 80 : index
        %get3A_1466 = tpu.vector_load %arg12[%get3A_1464, %get3A_1465] {strides = array<i32>} : memref<80x128xf32, #tpu.memory_space<vmem>>, vector<16xf32>,
        %mul3A_1467 = arith.mulf %get3A_1466, %gather3A_1428 : vector<16xf32>
        %swap3A_1468 = arith.index_cast %add3A_1425 : i32 to index
        %swap3A_1469 = arith.constant 80 : index
        %swap3A_1470 = tpu.vector_load %arg12[%swap3A_1468, %swap3A_1469] {strides = array<i32>} : memref<80x128xf32, #tpu.memory_space<vmem>>, vector<16xf32>,
        tpu.vector_store %arg12[%swap3A_1468, %swap3A_1469], %mul3A_1467 {strides = array<i32>} : memref<80x128xf32, #tpu.memory_space<vmem>>, vector<16xf32>,
        %get3A_1471 = arith.index_cast %add3A_1425 : i32 to index
        %get3A_1472 = arith.constant 96 : index
        %get3A_1473 = tpu.vector_load %arg12[%get3A_1471, %get3A_1472] {strides = array<i32>} : memref<80x128xf32, #tpu.memory_space<vmem>>, vector<16xf32>,
        %mul3A_1474 = arith.mulf %get3A_1473, %gather3A_1428 : vector<16xf32>
        %swap3A_1475 = arith.index_cast %add3A_1425 : i32 to index
        %swap3A_1476 = arith.constant 96 : index
        %swap3A_1477 = tpu.vector_load %arg12[%swap3A_1475, %swap3A_1476] {strides = array<i32>} : memref<80x128xf32, #tpu.memory_space<vmem>>, vector<16xf32>,
        tpu.vector_store %arg12[%swap3A_1475, %swap3A_1476], %mul3A_1474 {strides = array<i32>} : memref<80x128xf32, #tpu.memory_space<vmem>>, vector<16xf32>,
        %get3A_1478 = arith.index_cast %add3A_1425 : i32 to index
        %get3A_1479 = arith.constant 112 : index
        %get3A_1480 = tpu.vector_load %arg12[%get3A_1478, %get3A_1479] {strides = array<i32>} : memref<80x128xf32, #tpu.memory_space<vmem>>, vector<16xf32>,
        %mul3A_1481 = arith.mulf %get3A_1480, %gather3A_1428 : vector<16xf32>
        %swap3A_1482 = arith.index_cast %add3A_1425 : i32 to index
        %swap3A_1483 = arith.constant 112 : index
        %swap3A_1484 = tpu.vector_load %arg12[%swap3A_1482, %swap3A_1483] {strides = array<i32>} : memref<80x128xf32, #tpu.memory_space<vmem>>, vector<16xf32>,
        tpu.vector_store %arg12[%swap3A_1482, %swap3A_1483], %mul3A_1481 {strides = array<i32>} : memref<80x128xf32, #tpu.memory_space<vmem>>, vector<16xf32>,
        %mul3A_1485 = arith.constant 16 : i32
        %mul3A_1486 = arith.muli %add3A_1223, %mul3A_1485 : i32
        %add3A_1487 = arith.constant 4 : i32
        %add3A_1488 = arith.addi %mul3A_1486, %add3A_1487 : i32
        %broadcast_in_dim3A_1489 = arith.constant 4 : i32
        %broadcast_in_dim3A_1490 = vector.broadcast %broadcast_in_dim3A_1489 : i32 to vector<16xi32>
        %gather3A_1491 = tpu.vector_load_idx %arg13[%broadcast_in_dim3A_1490] : memref<16xf32, #tpu.memory_space<vmem>>[vector<16xi32>], vector<16xf32>,
        %get3A_1492 = arith.index_cast %add3A_1488 : i32 to index
        %get3A_1493 = arith.constant 0 : index
        %get3A_1494 = tpu.vector_load %arg12[%get3A_1492, %get3A_1493] {strides = array<i32>} : memref<80x128xf32, #tpu.memory_space<vmem>>, vector<16xf32>,
        %mul3A_1495 = arith.mulf %get3A_1494, %gather3A_1491 : vector<16xf32>
        %swap3A_1496 = arith.index_cast %add3A_1488 : i32 to index
        %swap3A_1497 = arith.constant 0 : index
        %swap3A_1498 = tpu.vector_load %arg12[%swap3A_1496, %swap3A_1497] {strides = array<i32>} : memref<80x128xf32, #tpu.memory_space<vmem>>, vector<16xf32>,
        tpu.vector_store %arg12[%swap3A_1496, %swap3A_1497], %mul3A_1495 {strides = array<i32>} : memref<80x128xf32, #tpu.memory_space<vmem>>, vector<16xf32>,
        %get3A_1499 = arith.index_cast %add3A_1488 : i32 to index
        %get3A_1500 = arith.constant 16 : index
        %get3A_1501 = tpu.vector_load %arg12[%get3A_1499, %get3A_1500] {strides = array<i32>} : memref<80x128xf32, #tpu.memory_space<vmem>>, vector<16xf32>,
        %mul3A_1502 = arith.mulf %get3A_1501, %gather3A_1491 : vector<16xf32>
        %swap3A_1503 = arith.index_cast %add3A_1488 : i32 to index
        %swap3A_1504 = arith.constant 16 : index
        %swap3A_1505 = tpu.vector_load %arg12[%swap3A_1503, %swap3A_1504] {strides = array<i32>} : memref<80x128xf32, #tpu.memory_space<vmem>>, vector<16xf32>,
        tpu.vector_store %arg12[%swap3A_1503, %swap3A_1504], %mul3A_1502 {strides = array<i32>} : memref<80x128xf32, #tpu.memory_space<vmem>>, vector<16xf32>,
        %get3A_1506 = arith.index_cast %add3A_1488 : i32 to index
        %get3A_1507 = arith.constant 32 : index
        %get3A_1508 = tpu.vector_load %arg12[%get3A_1506, %get3A_1507] {strides = array<i32>} : memref<80x128xf32, #tpu.memory_space<vmem>>, vector<16xf32>,
        %mul3A_1509 = arith.mulf %get3A_1508, %gather3A_1491 : vector<16xf32>
        %swap3A_1510 = arith.index_cast %add3A_1488 : i32 to index
        %swap3A_1511 = arith.constant 32 : index
        %swap3A_1512 = tpu.vector_load %arg12[%swap3A_1510, %swap3A_1511] {strides = array<i32>} : memref<80x128xf32, #tpu.memory_space<vmem>>, vector<16xf32>,
        tpu.vector_store %arg12[%swap3A_1510, %swap3A_1511], %mul3A_1509 {strides = array<i32>} : memref<80x128xf32, #tpu.memory_space<vmem>>, vector<16xf32>,
        %get3A_1513 = arith.index_cast %add3A_1488 : i32 to index
        %get3A_1514 = arith.constant 48 : index
        %get3A_1515 = tpu.vector_load %arg12[%get3A_1513, %get3A_1514] {strides = array<i32>} : memref<80x128xf32, #tpu.memory_space<vmem>>, vector<16xf32>,
        %mul3A_1516 = arith.mulf %get3A_1515, %gather3A_1491 : vector<16xf32>
        %swap3A_1517 = arith.index_cast %add3A_1488 : i32 to index
        %swap3A_1518 = arith.constant 48 : index
        %swap3A_1519 = tpu.vector_load %arg12[%swap3A_1517, %swap3A_1518] {strides = array<i32>} : memref<80x128xf32, #tpu.memory_space<vmem>>, vector<16xf32>,
        tpu.vector_store %arg12[%swap3A_1517, %swap3A_1518], %mul3A_1516 {strides = array<i32>} : memref<80x128xf32, #tpu.memory_space<vmem>>, vector<16xf32>,
        %get3A_1520 = arith.index_cast %add3A_1488 : i32 to index
        %get3A_1521 = arith.constant 64 : index
        %get3A_1522 = tpu.vector_load %arg12[%get3A_1520, %get3A_1521] {strides = array<i32>} : memref<80x128xf32, #tpu.memory_space<vmem>>, vector<16xf32>,
        %mul3A_1523 = arith.mulf %get3A_1522, %gather3A_1491 : vector<16xf32>
        %swap3A_1524 = arith.index_cast %add3A_1488 : i32 to index
        %swap3A_1525 = arith.constant 64 : index
        %swap3A_1526 = tpu.vector_load %arg12[%swap3A_1524, %swap3A_1525] {strides = array<i32>} : memref<80x128xf32, #tpu.memory_space<vmem>>, vector<16xf32>,
        tpu.vector_store %arg12[%swap3A_1524, %swap3A_1525], %mul3A_1523 {strides = array<i32>} : memref<80x128xf32, #tpu.memory_space<vmem>>, vector<16xf32>,
        %get3A_1527 = arith.index_cast %add3A_1488 : i32 to index
        %get3A_1528 = arith.constant 80 : index
        %get3A_1529 = tpu.vector_load %arg12[%get3A_1527, %get3A_1528] {strides = array<i32>} : memref<80x128xf32, #tpu.memory_space<vmem>>, vector<16xf32>,
        %mul3A_1530 = arith.mulf %get3A_1529, %gather3A_1491 : vector<16xf32>
        %swap3A_1531 = arith.index_cast %add3A_1488 : i32 to index
        %swap3A_1532 = arith.constant 80 : index
        %swap3A_1533 = tpu.vector_load %arg12[%swap3A_1531, %swap3A_1532] {strides = array<i32>} : memref<80x128xf32, #tpu.memory_space<vmem>>, vector<16xf32>,
        tpu.vector_store %arg12[%swap3A_1531, %swap3A_1532], %mul3A_1530 {strides = array<i32>} : memref<80x128xf32, #tpu.memory_space<vmem>>, vector<16xf32>,
        %get3A_1534 = arith.index_cast %add3A_1488 : i32 to index
        %get3A_1535 = arith.constant 96 : index
        %get3A_1536 = tpu.vector_load %arg12[%get3A_1534, %get3A_1535] {strides = array<i32>} : memref<80x128xf32, #tpu.memory_space<vmem>>, vector<16xf32>,
        %mul3A_1537 = arith.mulf %get3A_1536, %gather3A_1491 : vector<16xf32>
        %swap3A_1538 = arith.index_cast %add3A_1488 : i32 to index
        %swap3A_1539 = arith.constant 96 : index
        %swap3A_1540 = tpu.vector_load %arg12[%swap3A_1538, %swap3A_1539] {strides = array<i32>} : memref<80x128xf32, #tpu.memory_space<vmem>>, vector<16xf32>,
        tpu.vector_store %arg12[%swap3A_1538, %swap3A_1539], %mul3A_1537 {strides = array<i32>} : memref<80x128xf32, #tpu.memory_space<vmem>>, vector<16xf32>,
        %get3A_1541 = arith.index_cast %add3A_1488 : i32 to index
        %get3A_1542 = arith.constant 112 : index
        %get3A_1543 = tpu.vector_load %arg12[%get3A_1541, %get3A_1542] {strides = array<i32>} : memref<80x128xf32, #tpu.memory_space<vmem>>, vector<16xf32>,
        %mul3A_1544 = arith.mulf %get3A_1543, %gather3A_1491 : vector<16xf32>
        %swap3A_1545 = arith.index_cast %add3A_1488 : i32 to index
        %swap3A_1546 = arith.constant 112 : index
        %swap3A_1547 = tpu.vector_load %arg12[%swap3A_1545, %swap3A_1546] {strides = array<i32>} : memref<80x128xf32, #tpu.memory_space<vmem>>, vector<16xf32>,
        tpu.vector_store %arg12[%swap3A_1545, %swap3A_1546], %mul3A_1544 {strides = array<i32>} : memref<80x128xf32, #tpu.memory_space<vmem>>, vector<16xf32>,
        %mul3A_1548 = arith.constant 16 : i32
        %mul3A_1549 = arith.muli %add3A_1223, %mul3A_1548 : i32
        %add3A_1550 = arith.constant 5 : i32
        %add3A_1551 = arith.addi %mul3A_1549, %add3A_1550 : i32
        %broadcast_in_dim3A_1552 = arith.constant 5 : i32
        %broadcast_in_dim3A_1553 = vector.broadcast %broadcast_in_dim3A_1552 : i32 to vector<16xi32>
        %gather3A_1554 = tpu.vector_load_idx %arg13[%broadcast_in_dim3A_1553] : memref<16xf32, #tpu.memory_space<vmem>>[vector<16xi32>], vector<16xf32>,
        %get3A_1555 = arith.index_cast %add3A_1551 : i32 to index
        %get3A_1556 = arith.constant 0 : index
        %get3A_1557 = tpu.vector_load %arg12[%get3A_1555, %get3A_1556] {strides = array<i32>} : memref<80x128xf32, #tpu.memory_space<vmem>>, vector<16xf32>,
        %mul3A_1558 = arith.mulf %get3A_1557, %gather3A_1554 : vector<16xf32>
        %swap3A_1559 = arith.index_cast %add3A_1551 : i32 to index
        %swap3A_1560 = arith.constant 0 : index
        %swap3A_1561 = tpu.vector_load %arg12[%swap3A_1559, %swap3A_1560] {strides = array<i32>} : memref<80x128xf32, #tpu.memory_space<vmem>>, vector<16xf32>,
        tpu.vector_store %arg12[%swap3A_1559, %swap3A_1560], %mul3A_1558 {strides = array<i32>} : memref<80x128xf32, #tpu.memory_space<vmem>>, vector<16xf32>,
        %get3A_1562 = arith.index_cast %add3A_1551 : i32 to index
        %get3A_1563 = arith.constant 16 : index
        %get3A_1564 = tpu.vector_load %arg12[%get3A_1562, %get3A_1563] {strides = array<i32>} : memref<80x128xf32, #tpu.memory_space<vmem>>, vector<16xf32>,
        %mul3A_1565 = arith.mulf %get3A_1564, %gather3A_1554 : vector<16xf32>
        %swap3A_1566 = arith.index_cast %add3A_1551 : i32 to index
        %swap3A_1567 = arith.constant 16 : index
        %swap3A_1568 = tpu.vector_load %arg12[%swap3A_1566, %swap3A_1567] {strides = array<i32>} : memref<80x128xf32, #tpu.memory_space<vmem>>, vector<16xf32>,
        tpu.vector_store %arg12[%swap3A_1566, %swap3A_1567], %mul3A_1565 {strides = array<i32>} : memref<80x128xf32, #tpu.memory_space<vmem>>, vector<16xf32>,
        %get3A_1569 = arith.index_cast %add3A_1551 : i32 to index
        %get3A_1570 = arith.constant 32 : index
        %get3A_1571 = tpu.vector_load %arg12[%get3A_1569, %get3A_1570] {strides = array<i32>} : memref<80x128xf32, #tpu.memory_space<vmem>>, vector<16xf32>,
        %mul3A_1572 = arith.mulf %get3A_1571, %gather3A_1554 : vector<16xf32>
        %swap3A_1573 = arith.index_cast %add3A_1551 : i32 to index
        %swap3A_1574 = arith.constant 32 : index
        %swap3A_1575 = tpu.vector_load %arg12[%swap3A_1573, %swap3A_1574] {strides = array<i32>} : memref<80x128xf32, #tpu.memory_space<vmem>>, vector<16xf32>,
        tpu.vector_store %arg12[%swap3A_1573, %swap3A_1574], %mul3A_1572 {strides = array<i32>} : memref<80x128xf32, #tpu.memory_space<vmem>>, vector<16xf32>,
        %get3A_1576 = arith.index_cast %add3A_1551 : i32 to index
        %get3A_1577 = arith.constant 48 : index
        %get3A_1578 = tpu.vector_load %arg12[%get3A_1576, %get3A_1577] {strides = array<i32>} : memref<80x128xf32, #tpu.memory_space<vmem>>, vector<16xf32>,
        %mul3A_1579 = arith.mulf %get3A_1578, %gather3A_1554 : vector<16xf32>
        %swap3A_1580 = arith.index_cast %add3A_1551 : i32 to index
        %swap3A_1581 = arith.constant 48 : index
        %swap3A_1582 = tpu.vector_load %arg12[%swap3A_1580, %swap3A_1581] {strides = array<i32>} : memref<80x128xf32, #tpu.memory_space<vmem>>, vector<16xf32>,
        tpu.vector_store %arg12[%swap3A_1580, %swap3A_1581], %mul3A_1579 {strides = array<i32>} : memref<80x128xf32, #tpu.memory_space<vmem>>, vector<16xf32>,
        %get3A_1583 = arith.index_cast %add3A_1551 : i32 to index
        %get3A_1584 = arith.constant 64 : index
        %get3A_1585 = tpu.vector_load %arg12[%get3A_1583, %get3A_1584] {strides = array<i32>} : memref<80x128xf32, #tpu.memory_space<vmem>>, vector<16xf32>,
        %mul3A_1586 = arith.mulf %get3A_1585, %gather3A_1554 : vector<16xf32>
        %swap3A_1587 = arith.index_cast %add3A_1551 : i32 to index
        %swap3A_1588 = arith.constant 64 : index
        %swap3A_1589 = tpu.vector_load %arg12[%swap3A_1587, %swap3A_1588] {strides = array<i32>} : memref<80x128xf32, #tpu.memory_space<vmem>>, vector<16xf32>,
        tpu.vector_store %arg12[%swap3A_1587, %swap3A_1588], %mul3A_1586 {strides = array<i32>} : memref<80x128xf32, #tpu.memory_space<vmem>>, vector<16xf32>,
        %get3A_1590 = arith.index_cast %add3A_1551 : i32 to index
        %get3A_1591 = arith.constant 80 : index
        %get3A_1592 = tpu.vector_load %arg12[%get3A_1590, %get3A_1591] {strides = array<i32>} : memref<80x128xf32, #tpu.memory_space<vmem>>, vector<16xf32>,
        %mul3A_1593 = arith.mulf %get3A_1592, %gather3A_1554 : vector<16xf32>
        %swap3A_1594 = arith.index_cast %add3A_1551 : i32 to index
        %swap3A_1595 = arith.constant 80 : index
        %swap3A_1596 = tpu.vector_load %arg12[%swap3A_1594, %swap3A_1595] {strides = array<i32>} : memref<80x128xf32, #tpu.memory_space<vmem>>, vector<16xf32>,
        tpu.vector_store %arg12[%swap3A_1594, %swap3A_1595], %mul3A_1593 {strides = array<i32>} : memref<80x128xf32, #tpu.memory_space<vmem>>, vector<16xf32>,
        %get3A_1597 = arith.index_cast %add3A_1551 : i32 to index
        %get3A_1598 = arith.constant 96 : index
        %get3A_1599 = tpu.vector_load %arg12[%get3A_1597, %get3A_1598] {strides = array<i32>} : memref<80x128xf32, #tpu.memory_space<vmem>>, vector<16xf32>,
        %mul3A_1600 = arith.mulf %get3A_1599, %gather3A_1554 : vector<16xf32>
        %swap3A_1601 = arith.index_cast %add3A_1551 : i32 to index
        %swap3A_1602 = arith.constant 96 : index
        %swap3A_1603 = tpu.vector_load %arg12[%swap3A_1601, %swap3A_1602] {strides = array<i32>} : memref<80x128xf32, #tpu.memory_space<vmem>>, vector<16xf32>,
        tpu.vector_store %arg12[%swap3A_1601, %swap3A_1602], %mul3A_1600 {strides = array<i32>} : memref<80x128xf32, #tpu.memory_space<vmem>>, vector<16xf32>,
        %get3A_1604 = arith.index_cast %add3A_1551 : i32 to index
        %get3A_1605 = arith.constant 112 : index
        %get3A_1606 = tpu.vector_load %arg12[%get3A_1604, %get3A_1605] {strides = array<i32>} : memref<80x128xf32, #tpu.memory_space<vmem>>, vector<16xf32>,
        %mul3A_1607 = arith.mulf %get3A_1606, %gather3A_1554 : vector<16xf32>
        %swap3A_1608 = arith.index_cast %add3A_1551 : i32 to index
        %swap3A_1609 = arith.constant 112 : index
        %swap3A_1610 = tpu.vector_load %arg12[%swap3A_1608, %swap3A_1609] {strides = array<i32>} : memref<80x128xf32, #tpu.memory_space<vmem>>, vector<16xf32>,
        tpu.vector_store %arg12[%swap3A_1608, %swap3A_1609], %mul3A_1607 {strides = array<i32>} : memref<80x128xf32, #tpu.memory_space<vmem>>, vector<16xf32>,
        %mul3A_1611 = arith.constant 16 : i32
        %mul3A_1612 = arith.muli %add3A_1223, %mul3A_1611 : i32
        %add3A_1613 = arith.constant 6 : i32
        %add3A_1614 = arith.addi %mul3A_1612, %add3A_1613 : i32
        %broadcast_in_dim3A_1615 = arith.constant 6 : i32
        %broadcast_in_dim3A_1616 = vector.broadcast %broadcast_in_dim3A_1615 : i32 to vector<16xi32>
        %gather3A_1617 = tpu.vector_load_idx %arg13[%broadcast_in_dim3A_1616] : memref<16xf32, #tpu.memory_space<vmem>>[vector<16xi32>], vector<16xf32>,
        %get3A_1618 = arith.index_cast %add3A_1614 : i32 to index
        %get3A_1619 = arith.constant 0 : index
        %get3A_1620 = tpu.vector_load %arg12[%get3A_1618, %get3A_1619] {strides = array<i32>} : memref<80x128xf32, #tpu.memory_space<vmem>>, vector<16xf32>,
        %mul3A_1621 = arith.mulf %get3A_1620, %gather3A_1617 : vector<16xf32>
        %swap3A_1622 = arith.index_cast %add3A_1614 : i32 to index
        %swap3A_1623 = arith.constant 0 : index
        %swap3A_1624 = tpu.vector_load %arg12[%swap3A_1622, %swap3A_1623] {strides = array<i32>} : memref<80x128xf32, #tpu.memory_space<vmem>>, vector<16xf32>,
        tpu.vector_store %arg12[%swap3A_1622, %swap3A_1623], %mul3A_1621 {strides = array<i32>} : memref<80x128xf32, #tpu.memory_space<vmem>>, vector<16xf32>,
        %get3A_1625 = arith.index_cast %add3A_1614 : i32 to index
        %get3A_1626 = arith.constant 16 : index
        %get3A_1627 = tpu.vector_load %arg12[%get3A_1625, %get3A_1626] {strides = array<i32>} : memref<80x128xf32, #tpu.memory_space<vmem>>, vector<16xf32>,
        %mul3A_1628 = arith.mulf %get3A_1627, %gather3A_1617 : vector<16xf32>
        %swap3A_1629 = arith.index_cast %add3A_1614 : i32 to index
        %swap3A_1630 = arith.constant 16 : index
        %swap3A_1631 = tpu.vector_load %arg12[%swap3A_1629, %swap3A_1630] {strides = array<i32>} : memref<80x128xf32, #tpu.memory_space<vmem>>, vector<16xf32>,
        tpu.vector_store %arg12[%swap3A_1629, %swap3A_1630], %mul3A_1628 {strides = array<i32>} : memref<80x128xf32, #tpu.memory_space<vmem>>, vector<16xf32>,
        %get3A_1632 = arith.index_cast %add3A_1614 : i32 to index
        %get3A_1633 = arith.constant 32 : index
        %get3A_1634 = tpu.vector_load %arg12[%get3A_1632, %get3A_1633] {strides = array<i32>} : memref<80x128xf32, #tpu.memory_space<vmem>>, vector<16xf32>,
        %mul3A_1635 = arith.mulf %get3A_1634, %gather3A_1617 : vector<16xf32>
        %swap3A_1636 = arith.index_cast %add3A_1614 : i32 to index
        %swap3A_1637 = arith.constant 32 : index
        %swap3A_1638 = tpu.vector_load %arg12[%swap3A_1636, %swap3A_1637] {strides = array<i32>} : memref<80x128xf32, #tpu.memory_space<vmem>>, vector<16xf32>,
        tpu.vector_store %arg12[%swap3A_1636, %swap3A_1637], %mul3A_1635 {strides = array<i32>} : memref<80x128xf32, #tpu.memory_space<vmem>>, vector<16xf32>,
        %get3A_1639 = arith.index_cast %add3A_1614 : i32 to index
        %get3A_1640 = arith.constant 48 : index
        %get3A_1641 = tpu.vector_load %arg12[%get3A_1639, %get3A_1640] {strides = array<i32>} : memref<80x128xf32, #tpu.memory_space<vmem>>, vector<16xf32>,
        %mul3A_1642 = arith.mulf %get3A_1641, %gather3A_1617 : vector<16xf32>
        %swap3A_1643 = arith.index_cast %add3A_1614 : i32 to index
        %swap3A_1644 = arith.constant 48 : index
        %swap3A_1645 = tpu.vector_load %arg12[%swap3A_1643, %swap3A_1644] {strides = array<i32>} : memref<80x128xf32, #tpu.memory_space<vmem>>, vector<16xf32>,
        tpu.vector_store %arg12[%swap3A_1643, %swap3A_1644], %mul3A_1642 {strides = array<i32>} : memref<80x128xf32, #tpu.memory_space<vmem>>, vector<16xf32>,
        %get3A_1646 = arith.index_cast %add3A_1614 : i32 to index
        %get3A_1647 = arith.constant 64 : index
        %get3A_1648 = tpu.vector_load %arg12[%get3A_1646, %get3A_1647] {strides = array<i32>} : memref<80x128xf32, #tpu.memory_space<vmem>>, vector<16xf32>,
        %mul3A_1649 = arith.mulf %get3A_1648, %gather3A_1617 : vector<16xf32>
        %swap3A_1650 = arith.index_cast %add3A_1614 : i32 to index
        %swap3A_1651 = arith.constant 64 : index
        %swap3A_1652 = tpu.vector_load %arg12[%swap3A_1650, %swap3A_1651] {strides = array<i32>} : memref<80x128xf32, #tpu.memory_space<vmem>>, vector<16xf32>,
        tpu.vector_store %arg12[%swap3A_1650, %swap3A_1651], %mul3A_1649 {strides = array<i32>} : memref<80x128xf32, #tpu.memory_space<vmem>>, vector<16xf32>,
        %get3A_1653 = arith.index_cast %add3A_1614 : i32 to index
        %get3A_1654 = arith.constant 80 : index
        %get3A_1655 = tpu.vector_load %arg12[%get3A_1653, %get3A_1654] {strides = array<i32>} : memref<80x128xf32, #tpu.memory_space<vmem>>, vector<16xf32>,
        %mul3A_1656 = arith.mulf %get3A_1655, %gather3A_1617 : vector<16xf32>
        %swap3A_1657 = arith.index_cast %add3A_1614 : i32 to index
        %swap3A_1658 = arith.constant 80 : index
        %swap3A_1659 = tpu.vector_load %arg12[%swap3A_1657, %swap3A_1658] {strides = array<i32>} : memref<80x128xf32, #tpu.memory_space<vmem>>, vector<16xf32>,
        tpu.vector_store %arg12[%swap3A_1657, %swap3A_1658], %mul3A_1656 {strides = array<i32>} : memref<80x128xf32, #tpu.memory_space<vmem>>, vector<16xf32>,
        %get3A_1660 = arith.index_cast %add3A_1614 : i32 to index
        %get3A_1661 = arith.constant 96 : index
        %get3A_1662 = tpu.vector_load %arg12[%get3A_1660, %get3A_1661] {strides = array<i32>} : memref<80x128xf32, #tpu.memory_space<vmem>>, vector<16xf32>,
        %mul3A_1663 = arith.mulf %get3A_1662, %gather3A_1617 : vector<16xf32>
        %swap3A_1664 = arith.index_cast %add3A_1614 : i32 to index
        %swap3A_1665 = arith.constant 96 : index
        %swap3A_1666 = tpu.vector_load %arg12[%swap3A_1664, %swap3A_1665] {strides = array<i32>} : memref<80x128xf32, #tpu.memory_space<vmem>>, vector<16xf32>,
        tpu.vector_store %arg12[%swap3A_1664, %swap3A_1665], %mul3A_1663 {strides = array<i32>} : memref<80x128xf32, #tpu.memory_space<vmem>>, vector<16xf32>,
        %get3A_1667 = arith.index_cast %add3A_1614 : i32 to index
        %get3A_1668 = arith.constant 112 : index
        %get3A_1669 = tpu.vector_load %arg12[%get3A_1667, %get3A_1668] {strides = array<i32>} : memref<80x128xf32, #tpu.memory_space<vmem>>, vector<16xf32>,
        %mul3A_1670 = arith.mulf %get3A_1669, %gather3A_1617 : vector<16xf32>
        %swap3A_1671 = arith.index_cast %add3A_1614 : i32 to index
        %swap3A_1672 = arith.constant 112 : index
        %swap3A_1673 = tpu.vector_load %arg12[%swap3A_1671, %swap3A_1672] {strides = array<i32>} : memref<80x128xf32, #tpu.memory_space<vmem>>, vector<16xf32>,
        tpu.vector_store %arg12[%swap3A_1671, %swap3A_1672], %mul3A_1670 {strides = array<i32>} : memref<80x128xf32, #tpu.memory_space<vmem>>, vector<16xf32>,
        %mul3A_1674 = arith.constant 16 : i32
        %mul3A_1675 = arith.muli %add3A_1223, %mul3A_1674 : i32
        %add3A_1676 = arith.constant 7 : i32
        %add3A_1677 = arith.addi %mul3A_1675, %add3A_1676 : i32
        %broadcast_in_dim3A_1678 = arith.constant 7 : i32
        %broadcast_in_dim3A_1679 = vector.broadcast %broadcast_in_dim3A_1678 : i32 to vector<16xi32>
        %gather3A_1680 = tpu.vector_load_idx %arg13[%broadcast_in_dim3A_1679] : memref<16xf32, #tpu.memory_space<vmem>>[vector<16xi32>], vector<16xf32>,
        %get3A_1681 = arith.index_cast %add3A_1677 : i32 to index
        %get3A_1682 = arith.constant 0 : index
        %get3A_1683 = tpu.vector_load %arg12[%get3A_1681, %get3A_1682] {strides = array<i32>} : memref<80x128xf32, #tpu.memory_space<vmem>>, vector<16xf32>,
        %mul3A_1684 = arith.mulf %get3A_1683, %gather3A_1680 : vector<16xf32>
        %swap3A_1685 = arith.index_cast %add3A_1677 : i32 to index
        %swap3A_1686 = arith.constant 0 : index
        %swap3A_1687 = tpu.vector_load %arg12[%swap3A_1685, %swap3A_1686] {strides = array<i32>} : memref<80x128xf32, #tpu.memory_space<vmem>>, vector<16xf32>,
        tpu.vector_store %arg12[%swap3A_1685, %swap3A_1686], %mul3A_1684 {strides = array<i32>} : memref<80x128xf32, #tpu.memory_space<vmem>>, vector<16xf32>,
        %get3A_1688 = arith.index_cast %add3A_1677 : i32 to index
        %get3A_1689 = arith.constant 16 : index
        %get3A_1690 = tpu.vector_load %arg12[%get3A_1688, %get3A_1689] {strides = array<i32>} : memref<80x128xf32, #tpu.memory_space<vmem>>, vector<16xf32>,
        %mul3A_1691 = arith.mulf %get3A_1690, %gather3A_1680 : vector<16xf32>
        %swap3A_1692 = arith.index_cast %add3A_1677 : i32 to index
        %swap3A_1693 = arith.constant 16 : index
        %swap3A_1694 = tpu.vector_load %arg12[%swap3A_1692, %swap3A_1693] {strides = array<i32>} : memref<80x128xf32, #tpu.memory_space<vmem>>, vector<16xf32>,
        tpu.vector_store %arg12[%swap3A_1692, %swap3A_1693], %mul3A_1691 {strides = array<i32>} : memref<80x128xf32, #tpu.memory_space<vmem>>, vector<16xf32>,
        %get3A_1695 = arith.index_cast %add3A_1677 : i32 to index
        %get3A_1696 = arith.constant 32 : index
        %get3A_1697 = tpu.vector_load %arg12[%get3A_1695, %get3A_1696] {strides = array<i32>} : memref<80x128xf32, #tpu.memory_space<vmem>>, vector<16xf32>,
        %mul3A_1698 = arith.mulf %get3A_1697, %gather3A_1680 : vector<16xf32>
        %swap3A_1699 = arith.index_cast %add3A_1677 : i32 to index
        %swap3A_1700 = arith.constant 32 : index
        %swap3A_1701 = tpu.vector_load %arg12[%swap3A_1699, %swap3A_1700] {strides = array<i32>} : memref<80x128xf32, #tpu.memory_space<vmem>>, vector<16xf32>,
        tpu.vector_store %arg12[%swap3A_1699, %swap3A_1700], %mul3A_1698 {strides = array<i32>} : memref<80x128xf32, #tpu.memory_space<vmem>>, vector<16xf32>,
        %get3A_1702 = arith.index_cast %add3A_1677 : i32 to index
        %get3A_1703 = arith.constant 48 : index
        %get3A_1704 = tpu.vector_load %arg12[%get3A_1702, %get3A_1703] {strides = array<i32>} : memref<80x128xf32, #tpu.memory_space<vmem>>, vector<16xf32>,
        %mul3A_1705 = arith.mulf %get3A_1704, %gather3A_1680 : vector<16xf32>
        %swap3A_1706 = arith.index_cast %add3A_1677 : i32 to index
        %swap3A_1707 = arith.constant 48 : index
        %swap3A_1708 = tpu.vector_load %arg12[%swap3A_1706, %swap3A_1707] {strides = array<i32>} : memref<80x128xf32, #tpu.memory_space<vmem>>, vector<16xf32>,
        tpu.vector_store %arg12[%swap3A_1706, %swap3A_1707], %mul3A_1705 {strides = array<i32>} : memref<80x128xf32, #tpu.memory_space<vmem>>, vector<16xf32>,
        %get3A_1709 = arith.index_cast %add3A_1677 : i32 to index
        %get3A_1710 = arith.constant 64 : index
        %get3A_1711 = tpu.vector_load %arg12[%get3A_1709, %get3A_1710] {strides = array<i32>} : memref<80x128xf32, #tpu.memory_space<vmem>>, vector<16xf32>,
        %mul3A_1712 = arith.mulf %get3A_1711, %gather3A_1680 : vector<16xf32>
        %swap3A_1713 = arith.index_cast %add3A_1677 : i32 to index
        %swap3A_1714 = arith.constant 64 : index
        %swap3A_1715 = tpu.vector_load %arg12[%swap3A_1713, %swap3A_1714] {strides = array<i32>} : memref<80x128xf32, #tpu.memory_space<vmem>>, vector<16xf32>,
        tpu.vector_store %arg12[%swap3A_1713, %swap3A_1714], %mul3A_1712 {strides = array<i32>} : memref<80x128xf32, #tpu.memory_space<vmem>>, vector<16xf32>,
        %get3A_1716 = arith.index_cast %add3A_1677 : i32 to index
        %get3A_1717 = arith.constant 80 : index
        %get3A_1718 = tpu.vector_load %arg12[%get3A_1716, %get3A_1717] {strides = array<i32>} : memref<80x128xf32, #tpu.memory_space<vmem>>, vector<16xf32>,
        %mul3A_1719 = arith.mulf %get3A_1718, %gather3A_1680 : vector<16xf32>
        %swap3A_1720 = arith.index_cast %add3A_1677 : i32 to index
        %swap3A_1721 = arith.constant 80 : index
        %swap3A_1722 = tpu.vector_load %arg12[%swap3A_1720, %swap3A_1721] {strides = array<i32>} : memref<80x128xf32, #tpu.memory_space<vmem>>, vector<16xf32>,
        tpu.vector_store %arg12[%swap3A_1720, %swap3A_1721], %mul3A_1719 {strides = array<i32>} : memref<80x128xf32, #tpu.memory_space<vmem>>, vector<16xf32>,
        %get3A_1723 = arith.index_cast %add3A_1677 : i32 to index
        %get3A_1724 = arith.constant 96 : index
        %get3A_1725 = tpu.vector_load %arg12[%get3A_1723, %get3A_1724] {strides = array<i32>} : memref<80x128xf32, #tpu.memory_space<vmem>>, vector<16xf32>,
        %mul3A_1726 = arith.mulf %get3A_1725, %gather3A_1680 : vector<16xf32>
        %swap3A_1727 = arith.index_cast %add3A_1677 : i32 to index
        %swap3A_1728 = arith.constant 96 : index
        %swap3A_1729 = tpu.vector_load %arg12[%swap3A_1727, %swap3A_1728] {strides = array<i32>} : memref<80x128xf32, #tpu.memory_space<vmem>>, vector<16xf32>,
        tpu.vector_store %arg12[%swap3A_1727, %swap3A_1728], %mul3A_1726 {strides = array<i32>} : memref<80x128xf32, #tpu.memory_space<vmem>>, vector<16xf32>,
        %get3A_1730 = arith.index_cast %add3A_1677 : i32 to index
        %get3A_1731 = arith.constant 112 : index
        %get3A_1732 = tpu.vector_load %arg12[%get3A_1730, %get3A_1731] {strides = array<i32>} : memref<80x128xf32, #tpu.memory_space<vmem>>, vector<16xf32>,
        %mul3A_1733 = arith.mulf %get3A_1732, %gather3A_1680 : vector<16xf32>
        %swap3A_1734 = arith.index_cast %add3A_1677 : i32 to index
        %swap3A_1735 = arith.constant 112 : index
        %swap3A_1736 = tpu.vector_load %arg12[%swap3A_1734, %swap3A_1735] {strides = array<i32>} : memref<80x128xf32, #tpu.memory_space<vmem>>, vector<16xf32>,
        tpu.vector_store %arg12[%swap3A_1734, %swap3A_1735], %mul3A_1733 {strides = array<i32>} : memref<80x128xf32, #tpu.memory_space<vmem>>, vector<16xf32>,
        %mul3A_1737 = arith.constant 16 : i32
        %mul3A_1738 = arith.muli %add3A_1223, %mul3A_1737 : i32
        %add3A_1739 = arith.constant 8 : i32
        %add3A_1740 = arith.addi %mul3A_1738, %add3A_1739 : i32
        %broadcast_in_dim3A_1741 = arith.constant 8 : i32
        %broadcast_in_dim3A_1742 = vector.broadcast %broadcast_in_dim3A_1741 : i32 to vector<16xi32>
        %gather3A_1743 = tpu.vector_load_idx %arg13[%broadcast_in_dim3A_1742] : memref<16xf32, #tpu.memory_space<vmem>>[vector<16xi32>], vector<16xf32>,
        %get3A_1744 = arith.index_cast %add3A_1740 : i32 to index
        %get3A_1745 = arith.constant 0 : index
        %get3A_1746 = tpu.vector_load %arg12[%get3A_1744, %get3A_1745] {strides = array<i32>} : memref<80x128xf32, #tpu.memory_space<vmem>>, vector<16xf32>,
        %mul3A_1747 = arith.mulf %get3A_1746, %gather3A_1743 : vector<16xf32>
        %swap3A_1748 = arith.index_cast %add3A_1740 : i32 to index
        %swap3A_1749 = arith.constant 0 : index
        %swap3A_1750 = tpu.vector_load %arg12[%swap3A_1748, %swap3A_1749] {strides = array<i32>} : memref<80x128xf32, #tpu.memory_space<vmem>>, vector<16xf32>,
        tpu.vector_store %arg12[%swap3A_1748, %swap3A_1749], %mul3A_1747 {strides = array<i32>} : memref<80x128xf32, #tpu.memory_space<vmem>>, vector<16xf32>,
        %get3A_1751 = arith.index_cast %add3A_1740 : i32 to index
        %get3A_1752 = arith.constant 16 : index
        %get3A_1753 = tpu.vector_load %arg12[%get3A_1751, %get3A_1752] {strides = array<i32>} : memref<80x128xf32, #tpu.memory_space<vmem>>, vector<16xf32>,
        %mul3A_1754 = arith.mulf %get3A_1753, %gather3A_1743 : vector<16xf32>
        %swap3A_1755 = arith.index_cast %add3A_1740 : i32 to index
        %swap3A_1756 = arith.constant 16 : index
        %swap3A_1757 = tpu.vector_load %arg12[%swap3A_1755, %swap3A_1756] {strides = array<i32>} : memref<80x128xf32, #tpu.memory_space<vmem>>, vector<16xf32>,
        tpu.vector_store %arg12[%swap3A_1755, %swap3A_1756], %mul3A_1754 {strides = array<i32>} : memref<80x128xf32, #tpu.memory_space<vmem>>, vector<16xf32>,
        %get3A_1758 = arith.index_cast %add3A_1740 : i32 to index
        %get3A_1759 = arith.constant 32 : index
        %get3A_1760 = tpu.vector_load %arg12[%get3A_1758, %get3A_1759] {strides = array<i32>} : memref<80x128xf32, #tpu.memory_space<vmem>>, vector<16xf32>,
        %mul3A_1761 = arith.mulf %get3A_1760, %gather3A_1743 : vector<16xf32>
        %swap3A_1762 = arith.index_cast %add3A_1740 : i32 to index
        %swap3A_1763 = arith.constant 32 : index
        %swap3A_1764 = tpu.vector_load %arg12[%swap3A_1762, %swap3A_1763] {strides = array<i32>} : memref<80x128xf32, #tpu.memory_space<vmem>>, vector<16xf32>,
        tpu.vector_store %arg12[%swap3A_1762, %swap3A_1763], %mul3A_1761 {strides = array<i32>} : memref<80x128xf32, #tpu.memory_space<vmem>>, vector<16xf32>,
        %get3A_1765 = arith.index_cast %add3A_1740 : i32 to index
        %get3A_1766 = arith.constant 48 : index
        %get3A_1767 = tpu.vector_load %arg12[%get3A_1765, %get3A_1766] {strides = array<i32>} : memref<80x128xf32, #tpu.memory_space<vmem>>, vector<16xf32>,
        %mul3A_1768 = arith.mulf %get3A_1767, %gather3A_1743 : vector<16xf32>
        %swap3A_1769 = arith.index_cast %add3A_1740 : i32 to index
        %swap3A_1770 = arith.constant 48 : index
        %swap3A_1771 = tpu.vector_load %arg12[%swap3A_1769, %swap3A_1770] {strides = array<i32>} : memref<80x128xf32, #tpu.memory_space<vmem>>, vector<16xf32>,
        tpu.vector_store %arg12[%swap3A_1769, %swap3A_1770], %mul3A_1768 {strides = array<i32>} : memref<80x128xf32, #tpu.memory_space<vmem>>, vector<16xf32>,
        %get3A_1772 = arith.index_cast %add3A_1740 : i32 to index
        %get3A_1773 = arith.constant 64 : index
        %get3A_1774 = tpu.vector_load %arg12[%get3A_1772, %get3A_1773] {strides = array<i32>} : memref<80x128xf32, #tpu.memory_space<vmem>>, vector<16xf32>,
        %mul3A_1775 = arith.mulf %get3A_1774, %gather3A_1743 : vector<16xf32>
        %swap3A_1776 = arith.index_cast %add3A_1740 : i32 to index
        %swap3A_1777 = arith.constant 64 : index
        %swap3A_1778 = tpu.vector_load %arg12[%swap3A_1776, %swap3A_1777] {strides = array<i32>} : memref<80x128xf32, #tpu.memory_space<vmem>>, vector<16xf32>,
        tpu.vector_store %arg12[%swap3A_1776, %swap3A_1777], %mul3A_1775 {strides = array<i32>} : memref<80x128xf32, #tpu.memory_space<vmem>>, vector<16xf32>,
        %get3A_1779 = arith.index_cast %add3A_1740 : i32 to index
        %get3A_1780 = arith.constant 80 : index
        %get3A_1781 = tpu.vector_load %arg12[%get3A_1779, %get3A_1780] {strides = array<i32>} : memref<80x128xf32, #tpu.memory_space<vmem>>, vector<16xf32>,
        %mul3A_1782 = arith.mulf %get3A_1781, %gather3A_1743 : vector<16xf32>
        %swap3A_1783 = arith.index_cast %add3A_1740 : i32 to index
        %swap3A_1784 = arith.constant 80 : index
        %swap3A_1785 = tpu.vector_load %arg12[%swap3A_1783, %swap3A_1784] {strides = array<i32>} : memref<80x128xf32, #tpu.memory_space<vmem>>, vector<16xf32>,
        tpu.vector_store %arg12[%swap3A_1783, %swap3A_1784], %mul3A_1782 {strides = array<i32>} : memref<80x128xf32, #tpu.memory_space<vmem>>, vector<16xf32>,
        %get3A_1786 = arith.index_cast %add3A_1740 : i32 to index
        %get3A_1787 = arith.constant 96 : index
        %get3A_1788 = tpu.vector_load %arg12[%get3A_1786, %get3A_1787] {strides = array<i32>} : memref<80x128xf32, #tpu.memory_space<vmem>>, vector<16xf32>,
        %mul3A_1789 = arith.mulf %get3A_1788, %gather3A_1743 : vector<16xf32>
        %swap3A_1790 = arith.index_cast %add3A_1740 : i32 to index
        %swap3A_1791 = arith.constant 96 : index
        %swap3A_1792 = tpu.vector_load %arg12[%swap3A_1790, %swap3A_1791] {strides = array<i32>} : memref<80x128xf32, #tpu.memory_space<vmem>>, vector<16xf32>,
        tpu.vector_store %arg12[%swap3A_1790, %swap3A_1791], %mul3A_1789 {strides = array<i32>} : memref<80x128xf32, #tpu.memory_space<vmem>>, vector<16xf32>,
        %get3A_1793 = arith.index_cast %add3A_1740 : i32 to index
        %get3A_1794 = arith.constant 112 : index
        %get3A_1795 = tpu.vector_load %arg12[%get3A_1793, %get3A_1794] {strides = array<i32>} : memref<80x128xf32, #tpu.memory_space<vmem>>, vector<16xf32>,
        %mul3A_1796 = arith.mulf %get3A_1795, %gather3A_1743 : vector<16xf32>
        %swap3A_1797 = arith.index_cast %add3A_1740 : i32 to index
        %swap3A_1798 = arith.constant 112 : index
        %swap3A_1799 = tpu.vector_load %arg12[%swap3A_1797, %swap3A_1798] {strides = array<i32>} : memref<80x128xf32, #tpu.memory_space<vmem>>, vector<16xf32>,
        tpu.vector_store %arg12[%swap3A_1797, %swap3A_1798], %mul3A_1796 {strides = array<i32>} : memref<80x128xf32, #tpu.memory_space<vmem>>, vector<16xf32>,
        %mul3A_1800 = arith.constant 16 : i32
        %mul3A_1801 = arith.muli %add3A_1223, %mul3A_1800 : i32
        %add3A_1802 = arith.constant 9 : i32
        %add3A_1803 = arith.addi %mul3A_1801, %add3A_1802 : i32
        %broadcast_in_dim3A_1804 = arith.constant 9 : i32
        %broadcast_in_dim3A_1805 = vector.broadcast %broadcast_in_dim3A_1804 : i32 to vector<16xi32>
        %gather3A_1806 = tpu.vector_load_idx %arg13[%broadcast_in_dim3A_1805] : memref<16xf32, #tpu.memory_space<vmem>>[vector<16xi32>], vector<16xf32>,
        %get3A_1807 = arith.index_cast %add3A_1803 : i32 to index
        %get3A_1808 = arith.constant 0 : index
        %get3A_1809 = tpu.vector_load %arg12[%get3A_1807, %get3A_1808] {strides = array<i32>} : memref<80x128xf32, #tpu.memory_space<vmem>>, vector<16xf32>,
        %mul3A_1810 = arith.mulf %get3A_1809, %gather3A_1806 : vector<16xf32>
        %swap3A_1811 = arith.index_cast %add3A_1803 : i32 to index
        %swap3A_1812 = arith.constant 0 : index
        %swap3A_1813 = tpu.vector_load %arg12[%swap3A_1811, %swap3A_1812] {strides = array<i32>} : memref<80x128xf32, #tpu.memory_space<vmem>>, vector<16xf32>,
        tpu.vector_store %arg12[%swap3A_1811, %swap3A_1812], %mul3A_1810 {strides = array<i32>} : memref<80x128xf32, #tpu.memory_space<vmem>>, vector<16xf32>,
        %get3A_1814 = arith.index_cast %add3A_1803 : i32 to index
        %get3A_1815 = arith.constant 16 : index
        %get3A_1816 = tpu.vector_load %arg12[%get3A_1814, %get3A_1815] {strides = array<i32>} : memref<80x128xf32, #tpu.memory_space<vmem>>, vector<16xf32>,
        %mul3A_1817 = arith.mulf %get3A_1816, %gather3A_1806 : vector<16xf32>
        %swap3A_1818 = arith.index_cast %add3A_1803 : i32 to index
        %swap3A_1819 = arith.constant 16 : index
        %swap3A_1820 = tpu.vector_load %arg12[%swap3A_1818, %swap3A_1819] {strides = array<i32>} : memref<80x128xf32, #tpu.memory_space<vmem>>, vector<16xf32>,
        tpu.vector_store %arg12[%swap3A_1818, %swap3A_1819], %mul3A_1817 {strides = array<i32>} : memref<80x128xf32, #tpu.memory_space<vmem>>, vector<16xf32>,
        %get3A_1821 = arith.index_cast %add3A_1803 : i32 to index
        %get3A_1822 = arith.constant 32 : index
        %get3A_1823 = tpu.vector_load %arg12[%get3A_1821, %get3A_1822] {strides = array<i32>} : memref<80x128xf32, #tpu.memory_space<vmem>>, vector<16xf32>,
        %mul3A_1824 = arith.mulf %get3A_1823, %gather3A_1806 : vector<16xf32>
        %swap3A_1825 = arith.index_cast %add3A_1803 : i32 to index
        %swap3A_1826 = arith.constant 32 : index
        %swap3A_1827 = tpu.vector_load %arg12[%swap3A_1825, %swap3A_1826] {strides = array<i32>} : memref<80x128xf32, #tpu.memory_space<vmem>>, vector<16xf32>,
        tpu.vector_store %arg12[%swap3A_1825, %swap3A_1826], %mul3A_1824 {strides = array<i32>} : memref<80x128xf32, #tpu.memory_space<vmem>>, vector<16xf32>,
        %get3A_1828 = arith.index_cast %add3A_1803 : i32 to index
        %get3A_1829 = arith.constant 48 : index
        %get3A_1830 = tpu.vector_load %arg12[%get3A_1828, %get3A_1829] {strides = array<i32>} : memref<80x128xf32, #tpu.memory_space<vmem>>, vector<16xf32>,
        %mul3A_1831 = arith.mulf %get3A_1830, %gather3A_1806 : vector<16xf32>
        %swap3A_1832 = arith.index_cast %add3A_1803 : i32 to index
        %swap3A_1833 = arith.constant 48 : index
        %swap3A_1834 = tpu.vector_load %arg12[%swap3A_1832, %swap3A_1833] {strides = array<i32>} : memref<80x128xf32, #tpu.memory_space<vmem>>, vector<16xf32>,
        tpu.vector_store %arg12[%swap3A_1832, %swap3A_1833], %mul3A_1831 {strides = array<i32>} : memref<80x128xf32, #tpu.memory_space<vmem>>, vector<16xf32>,
        %get3A_1835 = arith.index_cast %add3A_1803 : i32 to index
        %get3A_1836 = arith.constant 64 : index
        %get3A_1837 = tpu.vector_load %arg12[%get3A_1835, %get3A_1836] {strides = array<i32>} : memref<80x128xf32, #tpu.memory_space<vmem>>, vector<16xf32>,
        %mul3A_1838 = arith.mulf %get3A_1837, %gather3A_1806 : vector<16xf32>
        %swap3A_1839 = arith.index_cast %add3A_1803 : i32 to index
        %swap3A_1840 = arith.constant 64 : index
        %swap3A_1841 = tpu.vector_load %arg12[%swap3A_1839, %swap3A_1840] {strides = array<i32>} : memref<80x128xf32, #tpu.memory_space<vmem>>, vector<16xf32>,
        tpu.vector_store %arg12[%swap3A_1839, %swap3A_1840], %mul3A_1838 {strides = array<i32>} : memref<80x128xf32, #tpu.memory_space<vmem>>, vector<16xf32>,
        %get3A_1842 = arith.index_cast %add3A_1803 : i32 to index
        %get3A_1843 = arith.constant 80 : index
        %get3A_1844 = tpu.vector_load %arg12[%get3A_1842, %get3A_1843] {strides = array<i32>} : memref<80x128xf32, #tpu.memory_space<vmem>>, vector<16xf32>,
        %mul3A_1845 = arith.mulf %get3A_1844, %gather3A_1806 : vector<16xf32>
        %swap3A_1846 = arith.index_cast %add3A_1803 : i32 to index
        %swap3A_1847 = arith.constant 80 : index
        %swap3A_1848 = tpu.vector_load %arg12[%swap3A_1846, %swap3A_1847] {strides = array<i32>} : memref<80x128xf32, #tpu.memory_space<vmem>>, vector<16xf32>,
        tpu.vector_store %arg12[%swap3A_1846, %swap3A_1847], %mul3A_1845 {strides = array<i32>} : memref<80x128xf32, #tpu.memory_space<vmem>>, vector<16xf32>,
        %get3A_1849 = arith.index_cast %add3A_1803 : i32 to index
        %get3A_1850 = arith.constant 96 : index
        %get3A_1851 = tpu.vector_load %arg12[%get3A_1849, %get3A_1850] {strides = array<i32>} : memref<80x128xf32, #tpu.memory_space<vmem>>, vector<16xf32>,
        %mul3A_1852 = arith.mulf %get3A_1851, %gather3A_1806 : vector<16xf32>
        %swap3A_1853 = arith.index_cast %add3A_1803 : i32 to index
        %swap3A_1854 = arith.constant 96 : index
        %swap3A_1855 = tpu.vector_load %arg12[%swap3A_1853, %swap3A_1854] {strides = array<i32>} : memref<80x128xf32, #tpu.memory_space<vmem>>, vector<16xf32>,
        tpu.vector_store %arg12[%swap3A_1853, %swap3A_1854], %mul3A_1852 {strides = array<i32>} : memref<80x128xf32, #tpu.memory_space<vmem>>, vector<16xf32>,
        %get3A_1856 = arith.index_cast %add3A_1803 : i32 to index
        %get3A_1857 = arith.constant 112 : index
        %get3A_1858 = tpu.vector_load %arg12[%get3A_1856, %get3A_1857] {strides = array<i32>} : memref<80x128xf32, #tpu.memory_space<vmem>>, vector<16xf32>,
        %mul3A_1859 = arith.mulf %get3A_1858, %gather3A_1806 : vector<16xf32>
        %swap3A_1860 = arith.index_cast %add3A_1803 : i32 to index
        %swap3A_1861 = arith.constant 112 : index
        %swap3A_1862 = tpu.vector_load %arg12[%swap3A_1860, %swap3A_1861] {strides = array<i32>} : memref<80x128xf32, #tpu.memory_space<vmem>>, vector<16xf32>,
        tpu.vector_store %arg12[%swap3A_1860, %swap3A_1861], %mul3A_1859 {strides = array<i32>} : memref<80x128xf32, #tpu.memory_space<vmem>>, vector<16xf32>,
        %mul3A_1863 = arith.constant 16 : i32
        %mul3A_1864 = arith.muli %add3A_1223, %mul3A_1863 : i32
        %add3A_1865 = arith.constant 10 : i32
        %add3A_1866 = arith.addi %mul3A_1864, %add3A_1865 : i32
        %broadcast_in_dim3A_1867 = arith.constant 10 : i32
        %broadcast_in_dim3A_1868 = vector.broadcast %broadcast_in_dim3A_1867 : i32 to vector<16xi32>
        %gather3A_1869 = tpu.vector_load_idx %arg13[%broadcast_in_dim3A_1868] : memref<16xf32, #tpu.memory_space<vmem>>[vector<16xi32>], vector<16xf32>,
        %get3A_1870 = arith.index_cast %add3A_1866 : i32 to index
        %get3A_1871 = arith.constant 0 : index
        %get3A_1872 = tpu.vector_load %arg12[%get3A_1870, %get3A_1871] {strides = array<i32>} : memref<80x128xf32, #tpu.memory_space<vmem>>, vector<16xf32>,
        %mul3A_1873 = arith.mulf %get3A_1872, %gather3A_1869 : vector<16xf32>
        %swap3A_1874 = arith.index_cast %add3A_1866 : i32 to index
        %swap3A_1875 = arith.constant 0 : index
        %swap3A_1876 = tpu.vector_load %arg12[%swap3A_1874, %swap3A_1875] {strides = array<i32>} : memref<80x128xf32, #tpu.memory_space<vmem>>, vector<16xf32>,
        tpu.vector_store %arg12[%swap3A_1874, %swap3A_1875], %mul3A_1873 {strides = array<i32>} : memref<80x128xf32, #tpu.memory_space<vmem>>, vector<16xf32>,
        %get3A_1877 = arith.index_cast %add3A_1866 : i32 to index
        %get3A_1878 = arith.constant 16 : index
        %get3A_1879 = tpu.vector_load %arg12[%get3A_1877, %get3A_1878] {strides = array<i32>} : memref<80x128xf32, #tpu.memory_space<vmem>>, vector<16xf32>,
        %mul3A_1880 = arith.mulf %get3A_1879, %gather3A_1869 : vector<16xf32>
        %swap3A_1881 = arith.index_cast %add3A_1866 : i32 to index
        %swap3A_1882 = arith.constant 16 : index
        %swap3A_1883 = tpu.vector_load %arg12[%swap3A_1881, %swap3A_1882] {strides = array<i32>} : memref<80x128xf32, #tpu.memory_space<vmem>>, vector<16xf32>,
        tpu.vector_store %arg12[%swap3A_1881, %swap3A_1882], %mul3A_1880 {strides = array<i32>} : memref<80x128xf32, #tpu.memory_space<vmem>>, vector<16xf32>,
        %get3A_1884 = arith.index_cast %add3A_1866 : i32 to index
        %get3A_1885 = arith.constant 32 : index
        %get3A_1886 = tpu.vector_load %arg12[%get3A_1884, %get3A_1885] {strides = array<i32>} : memref<80x128xf32, #tpu.memory_space<vmem>>, vector<16xf32>,
        %mul3A_1887 = arith.mulf %get3A_1886, %gather3A_1869 : vector<16xf32>
        %swap3A_1888 = arith.index_cast %add3A_1866 : i32 to index
        %swap3A_1889 = arith.constant 32 : index
        %swap3A_1890 = tpu.vector_load %arg12[%swap3A_1888, %swap3A_1889] {strides = array<i32>} : memref<80x128xf32, #tpu.memory_space<vmem>>, vector<16xf32>,
        tpu.vector_store %arg12[%swap3A_1888, %swap3A_1889], %mul3A_1887 {strides = array<i32>} : memref<80x128xf32, #tpu.memory_space<vmem>>, vector<16xf32>,
        %get3A_1891 = arith.index_cast %add3A_1866 : i32 to index
        %get3A_1892 = arith.constant 48 : index
        %get3A_1893 = tpu.vector_load %arg12[%get3A_1891, %get3A_1892] {strides = array<i32>} : memref<80x128xf32, #tpu.memory_space<vmem>>, vector<16xf32>,
        %mul3A_1894 = arith.mulf %get3A_1893, %gather3A_1869 : vector<16xf32>
        %swap3A_1895 = arith.index_cast %add3A_1866 : i32 to index
        %swap3A_1896 = arith.constant 48 : index
        %swap3A_1897 = tpu.vector_load %arg12[%swap3A_1895, %swap3A_1896] {strides = array<i32>} : memref<80x128xf32, #tpu.memory_space<vmem>>, vector<16xf32>,
        tpu.vector_store %arg12[%swap3A_1895, %swap3A_1896], %mul3A_1894 {strides = array<i32>} : memref<80x128xf32, #tpu.memory_space<vmem>>, vector<16xf32>,
        %get3A_1898 = arith.index_cast %add3A_1866 : i32 to index
        %get3A_1899 = arith.constant 64 : index
        %get3A_1900 = tpu.vector_load %arg12[%get3A_1898, %get3A_1899] {strides = array<i32>} : memref<80x128xf32, #tpu.memory_space<vmem>>, vector<16xf32>,
        %mul3A_1901 = arith.mulf %get3A_1900, %gather3A_1869 : vector<16xf32>
        %swap3A_1902 = arith.index_cast %add3A_1866 : i32 to index
        %swap3A_1903 = arith.constant 64 : index
        %swap3A_1904 = tpu.vector_load %arg12[%swap3A_1902, %swap3A_1903] {strides = array<i32>} : memref<80x128xf32, #tpu.memory_space<vmem>>, vector<16xf32>,
        tpu.vector_store %arg12[%swap3A_1902, %swap3A_1903], %mul3A_1901 {strides = array<i32>} : memref<80x128xf32, #tpu.memory_space<vmem>>, vector<16xf32>,
        %get3A_1905 = arith.index_cast %add3A_1866 : i32 to index
        %get3A_1906 = arith.constant 80 : index
        %get3A_1907 = tpu.vector_load %arg12[%get3A_1905, %get3A_1906] {strides = array<i32>} : memref<80x128xf32, #tpu.memory_space<vmem>>, vector<16xf32>,
        %mul3A_1908 = arith.mulf %get3A_1907, %gather3A_1869 : vector<16xf32>
        %swap3A_1909 = arith.index_cast %add3A_1866 : i32 to index
        %swap3A_1910 = arith.constant 80 : index
        %swap3A_1911 = tpu.vector_load %arg12[%swap3A_1909, %swap3A_1910] {strides = array<i32>} : memref<80x128xf32, #tpu.memory_space<vmem>>, vector<16xf32>,
        tpu.vector_store %arg12[%swap3A_1909, %swap3A_1910], %mul3A_1908 {strides = array<i32>} : memref<80x128xf32, #tpu.memory_space<vmem>>, vector<16xf32>,
        %get3A_1912 = arith.index_cast %add3A_1866 : i32 to index
        %get3A_1913 = arith.constant 96 : index
        %get3A_1914 = tpu.vector_load %arg12[%get3A_1912, %get3A_1913] {strides = array<i32>} : memref<80x128xf32, #tpu.memory_space<vmem>>, vector<16xf32>,
        %mul3A_1915 = arith.mulf %get3A_1914, %gather3A_1869 : vector<16xf32>
        %swap3A_1916 = arith.index_cast %add3A_1866 : i32 to index
        %swap3A_1917 = arith.constant 96 : index
        %swap3A_1918 = tpu.vector_load %arg12[%swap3A_1916, %swap3A_1917] {strides = array<i32>} : memref<80x128xf32, #tpu.memory_space<vmem>>, vector<16xf32>,
        tpu.vector_store %arg12[%swap3A_1916, %swap3A_1917], %mul3A_1915 {strides = array<i32>} : memref<80x128xf32, #tpu.memory_space<vmem>>, vector<16xf32>,
        %get3A_1919 = arith.index_cast %add3A_1866 : i32 to index
        %get3A_1920 = arith.constant 112 : index
        %get3A_1921 = tpu.vector_load %arg12[%get3A_1919, %get3A_1920] {strides = array<i32>} : memref<80x128xf32, #tpu.memory_space<vmem>>, vector<16xf32>,
        %mul3A_1922 = arith.mulf %get3A_1921, %gather3A_1869 : vector<16xf32>
        %swap3A_1923 = arith.index_cast %add3A_1866 : i32 to index
        %swap3A_1924 = arith.constant 112 : index
        %swap3A_1925 = tpu.vector_load %arg12[%swap3A_1923, %swap3A_1924] {strides = array<i32>} : memref<80x128xf32, #tpu.memory_space<vmem>>, vector<16xf32>,
        tpu.vector_store %arg12[%swap3A_1923, %swap3A_1924], %mul3A_1922 {strides = array<i32>} : memref<80x128xf32, #tpu.memory_space<vmem>>, vector<16xf32>,
        %mul3A_1926 = arith.constant 16 : i32
        %mul3A_1927 = arith.muli %add3A_1223, %mul3A_1926 : i32
        %add3A_1928 = arith.constant 11 : i32
        %add3A_1929 = arith.addi %mul3A_1927, %add3A_1928 : i32
        %broadcast_in_dim3A_1930 = arith.constant 11 : i32
        %broadcast_in_dim3A_1931 = vector.broadcast %broadcast_in_dim3A_1930 : i32 to vector<16xi32>
        %gather3A_1932 = tpu.vector_load_idx %arg13[%broadcast_in_dim3A_1931] : memref<16xf32, #tpu.memory_space<vmem>>[vector<16xi32>], vector<16xf32>,
        %get3A_1933 = arith.index_cast %add3A_1929 : i32 to index
        %get3A_1934 = arith.constant 0 : index
        %get3A_1935 = tpu.vector_load %arg12[%get3A_1933, %get3A_1934] {strides = array<i32>} : memref<80x128xf32, #tpu.memory_space<vmem>>, vector<16xf32>,
        %mul3A_1936 = arith.mulf %get3A_1935, %gather3A_1932 : vector<16xf32>
        %swap3A_1937 = arith.index_cast %add3A_1929 : i32 to index
        %swap3A_1938 = arith.constant 0 : index
        %swap3A_1939 = tpu.vector_load %arg12[%swap3A_1937, %swap3A_1938] {strides = array<i32>} : memref<80x128xf32, #tpu.memory_space<vmem>>, vector<16xf32>,
        tpu.vector_store %arg12[%swap3A_1937, %swap3A_1938], %mul3A_1936 {strides = array<i32>} : memref<80x128xf32, #tpu.memory_space<vmem>>, vector<16xf32>,
        %get3A_1940 = arith.index_cast %add3A_1929 : i32 to index
        %get3A_1941 = arith.constant 16 : index
        %get3A_1942 = tpu.vector_load %arg12[%get3A_1940, %get3A_1941] {strides = array<i32>} : memref<80x128xf32, #tpu.memory_space<vmem>>, vector<16xf32>,
        %mul3A_1943 = arith.mulf %get3A_1942, %gather3A_1932 : vector<16xf32>
        %swap3A_1944 = arith.index_cast %add3A_1929 : i32 to index
        %swap3A_1945 = arith.constant 16 : index
        %swap3A_1946 = tpu.vector_load %arg12[%swap3A_1944, %swap3A_1945] {strides = array<i32>} : memref<80x128xf32, #tpu.memory_space<vmem>>, vector<16xf32>,
        tpu.vector_store %arg12[%swap3A_1944, %swap3A_1945], %mul3A_1943 {strides = array<i32>} : memref<80x128xf32, #tpu.memory_space<vmem>>, vector<16xf32>,
        %get3A_1947 = arith.index_cast %add3A_1929 : i32 to index
        %get3A_1948 = arith.constant 32 : index
        %get3A_1949 = tpu.vector_load %arg12[%get3A_1947, %get3A_1948] {strides = array<i32>} : memref<80x128xf32, #tpu.memory_space<vmem>>, vector<16xf32>,
        %mul3A_1950 = arith.mulf %get3A_1949, %gather3A_1932 : vector<16xf32>
        %swap3A_1951 = arith.index_cast %add3A_1929 : i32 to index
        %swap3A_1952 = arith.constant 32 : index
        %swap3A_1953 = tpu.vector_load %arg12[%swap3A_1951, %swap3A_1952] {strides = array<i32>} : memref<80x128xf32, #tpu.memory_space<vmem>>, vector<16xf32>,
        tpu.vector_store %arg12[%swap3A_1951, %swap3A_1952], %mul3A_1950 {strides = array<i32>} : memref<80x128xf32, #tpu.memory_space<vmem>>, vector<16xf32>,
        %get3A_1954 = arith.index_cast %add3A_1929 : i32 to index
        %get3A_1955 = arith.constant 48 : index
        %get3A_1956 = tpu.vector_load %arg12[%get3A_1954, %get3A_1955] {strides = array<i32>} : memref<80x128xf32, #tpu.memory_space<vmem>>, vector<16xf32>,
        %mul3A_1957 = arith.mulf %get3A_1956, %gather3A_1932 : vector<16xf32>
        %swap3A_1958 = arith.index_cast %add3A_1929 : i32 to index
        %swap3A_1959 = arith.constant 48 : index
        %swap3A_1960 = tpu.vector_load %arg12[%swap3A_1958, %swap3A_1959] {strides = array<i32>} : memref<80x128xf32, #tpu.memory_space<vmem>>, vector<16xf32>,
        tpu.vector_store %arg12[%swap3A_1958, %swap3A_1959], %mul3A_1957 {strides = array<i32>} : memref<80x128xf32, #tpu.memory_space<vmem>>, vector<16xf32>,
        %get3A_1961 = arith.index_cast %add3A_1929 : i32 to index
        %get3A_1962 = arith.constant 64 : index
        %get3A_1963 = tpu.vector_load %arg12[%get3A_1961, %get3A_1962] {strides = array<i32>} : memref<80x128xf32, #tpu.memory_space<vmem>>, vector<16xf32>,
        %mul3A_1964 = arith.mulf %get3A_1963, %gather3A_1932 : vector<16xf32>
        %swap3A_1965 = arith.index_cast %add3A_1929 : i32 to index
        %swap3A_1966 = arith.constant 64 : index
        %swap3A_1967 = tpu.vector_load %arg12[%swap3A_1965, %swap3A_1966] {strides = array<i32>} : memref<80x128xf32, #tpu.memory_space<vmem>>, vector<16xf32>,
        tpu.vector_store %arg12[%swap3A_1965, %swap3A_1966], %mul3A_1964 {strides = array<i32>} : memref<80x128xf32, #tpu.memory_space<vmem>>, vector<16xf32>,
        %get3A_1968 = arith.index_cast %add3A_1929 : i32 to index
        %get3A_1969 = arith.constant 80 : index
        %get3A_1970 = tpu.vector_load %arg12[%get3A_1968, %get3A_1969] {strides = array<i32>} : memref<80x128xf32, #tpu.memory_space<vmem>>, vector<16xf32>,
        %mul3A_1971 = arith.mulf %get3A_1970, %gather3A_1932 : vector<16xf32>
        %swap3A_1972 = arith.index_cast %add3A_1929 : i32 to index
        %swap3A_1973 = arith.constant 80 : index
        %swap3A_1974 = tpu.vector_load %arg12[%swap3A_1972, %swap3A_1973] {strides = array<i32>} : memref<80x128xf32, #tpu.memory_space<vmem>>, vector<16xf32>,
        tpu.vector_store %arg12[%swap3A_1972, %swap3A_1973], %mul3A_1971 {strides = array<i32>} : memref<80x128xf32, #tpu.memory_space<vmem>>, vector<16xf32>,
        %get3A_1975 = arith.index_cast %add3A_1929 : i32 to index
        %get3A_1976 = arith.constant 96 : index
        %get3A_1977 = tpu.vector_load %arg12[%get3A_1975, %get3A_1976] {strides = array<i32>} : memref<80x128xf32, #tpu.memory_space<vmem>>, vector<16xf32>,
        %mul3A_1978 = arith.mulf %get3A_1977, %gather3A_1932 : vector<16xf32>
        %swap3A_1979 = arith.index_cast %add3A_1929 : i32 to index
        %swap3A_1980 = arith.constant 96 : index
        %swap3A_1981 = tpu.vector_load %arg12[%swap3A_1979, %swap3A_1980] {strides = array<i32>} : memref<80x128xf32, #tpu.memory_space<vmem>>, vector<16xf32>,
        tpu.vector_store %arg12[%swap3A_1979, %swap3A_1980], %mul3A_1978 {strides = array<i32>} : memref<80x128xf32, #tpu.memory_space<vmem>>, vector<16xf32>,
        %get3A_1982 = arith.index_cast %add3A_1929 : i32 to index
        %get3A_1983 = arith.constant 112 : index
        %get3A_1984 = tpu.vector_load %arg12[%get3A_1982, %get3A_1983] {strides = array<i32>} : memref<80x128xf32, #tpu.memory_space<vmem>>, vector<16xf32>,
        %mul3A_1985 = arith.mulf %get3A_1984, %gather3A_1932 : vector<16xf32>
        %swap3A_1986 = arith.index_cast %add3A_1929 : i32 to index
        %swap3A_1987 = arith.constant 112 : index
        %swap3A_1988 = tpu.vector_load %arg12[%swap3A_1986, %swap3A_1987] {strides = array<i32>} : memref<80x128xf32, #tpu.memory_space<vmem>>, vector<16xf32>,
        tpu.vector_store %arg12[%swap3A_1986, %swap3A_1987], %mul3A_1985 {strides = array<i32>} : memref<80x128xf32, #tpu.memory_space<vmem>>, vector<16xf32>,
        %mul3A_1989 = arith.constant 16 : i32
        %mul3A_1990 = arith.muli %add3A_1223, %mul3A_1989 : i32
        %add3A_1991 = arith.constant 12 : i32
        %add3A_1992 = arith.addi %mul3A_1990, %add3A_1991 : i32
        %broadcast_in_dim3A_1993 = arith.constant 12 : i32
        %broadcast_in_dim3A_1994 = vector.broadcast %broadcast_in_dim3A_1993 : i32 to vector<16xi32>
        %gather3A_1995 = tpu.vector_load_idx %arg13[%broadcast_in_dim3A_1994] : memref<16xf32, #tpu.memory_space<vmem>>[vector<16xi32>], vector<16xf32>,
        %get3A_1996 = arith.index_cast %add3A_1992 : i32 to index
        %get3A_1997 = arith.constant 0 : index
        %get3A_1998 = tpu.vector_load %arg12[%get3A_1996, %get3A_1997] {strides = array<i32>} : memref<80x128xf32, #tpu.memory_space<vmem>>, vector<16xf32>,
        %mul3A_1999 = arith.mulf %get3A_1998, %gather3A_1995 : vector<16xf32>
        %swap3A_2000 = arith.index_cast %add3A_1992 : i32 to index
        %swap3A_2001 = arith.constant 0 : index
        %swap3A_2002 = tpu.vector_load %arg12[%swap3A_2000, %swap3A_2001] {strides = array<i32>} : memref<80x128xf32, #tpu.memory_space<vmem>>, vector<16xf32>,
        tpu.vector_store %arg12[%swap3A_2000, %swap3A_2001], %mul3A_1999 {strides = array<i32>} : memref<80x128xf32, #tpu.memory_space<vmem>>, vector<16xf32>,
        %get3A_2003 = arith.index_cast %add3A_1992 : i32 to index
        %get3A_2004 = arith.constant 16 : index
        %get3A_2005 = tpu.vector_load %arg12[%get3A_2003, %get3A_2004] {strides = array<i32>} : memref<80x128xf32, #tpu.memory_space<vmem>>, vector<16xf32>,
        %mul3A_2006 = arith.mulf %get3A_2005, %gather3A_1995 : vector<16xf32>
        %swap3A_2007 = arith.index_cast %add3A_1992 : i32 to index
        %swap3A_2008 = arith.constant 16 : index
        %swap3A_2009 = tpu.vector_load %arg12[%swap3A_2007, %swap3A_2008] {strides = array<i32>} : memref<80x128xf32, #tpu.memory_space<vmem>>, vector<16xf32>,
        tpu.vector_store %arg12[%swap3A_2007, %swap3A_2008], %mul3A_2006 {strides = array<i32>} : memref<80x128xf32, #tpu.memory_space<vmem>>, vector<16xf32>,
        %get3A_2010 = arith.index_cast %add3A_1992 : i32 to index
        %get3A_2011 = arith.constant 32 : index
        %get3A_2012 = tpu.vector_load %arg12[%get3A_2010, %get3A_2011] {strides = array<i32>} : memref<80x128xf32, #tpu.memory_space<vmem>>, vector<16xf32>,
        %mul3A_2013 = arith.mulf %get3A_2012, %gather3A_1995 : vector<16xf32>
        %swap3A_2014 = arith.index_cast %add3A_1992 : i32 to index
        %swap3A_2015 = arith.constant 32 : index
        %swap3A_2016 = tpu.vector_load %arg12[%swap3A_2014, %swap3A_2015] {strides = array<i32>} : memref<80x128xf32, #tpu.memory_space<vmem>>, vector<16xf32>,
        tpu.vector_store %arg12[%swap3A_2014, %swap3A_2015], %mul3A_2013 {strides = array<i32>} : memref<80x128xf32, #tpu.memory_space<vmem>>, vector<16xf32>,
        %get3A_2017 = arith.index_cast %add3A_1992 : i32 to index
        %get3A_2018 = arith.constant 48 : index
        %get3A_2019 = tpu.vector_load %arg12[%get3A_2017, %get3A_2018] {strides = array<i32>} : memref<80x128xf32, #tpu.memory_space<vmem>>, vector<16xf32>,
        %mul3A_2020 = arith.mulf %get3A_2019, %gather3A_1995 : vector<16xf32>
        %swap3A_2021 = arith.index_cast %add3A_1992 : i32 to index
        %swap3A_2022 = arith.constant 48 : index
        %swap3A_2023 = tpu.vector_load %arg12[%swap3A_2021, %swap3A_2022] {strides = array<i32>} : memref<80x128xf32, #tpu.memory_space<vmem>>, vector<16xf32>,
        tpu.vector_store %arg12[%swap3A_2021, %swap3A_2022], %mul3A_2020 {strides = array<i32>} : memref<80x128xf32, #tpu.memory_space<vmem>>, vector<16xf32>,
        %get3A_2024 = arith.index_cast %add3A_1992 : i32 to index
        %get3A_2025 = arith.constant 64 : index
        %get3A_2026 = tpu.vector_load %arg12[%get3A_2024, %get3A_2025] {strides = array<i32>} : memref<80x128xf32, #tpu.memory_space<vmem>>, vector<16xf32>,
        %mul3A_2027 = arith.mulf %get3A_2026, %gather3A_1995 : vector<16xf32>
        %swap3A_2028 = arith.index_cast %add3A_1992 : i32 to index
        %swap3A_2029 = arith.constant 64 : index
        %swap3A_2030 = tpu.vector_load %arg12[%swap3A_2028, %swap3A_2029] {strides = array<i32>} : memref<80x128xf32, #tpu.memory_space<vmem>>, vector<16xf32>,
        tpu.vector_store %arg12[%swap3A_2028, %swap3A_2029], %mul3A_2027 {strides = array<i32>} : memref<80x128xf32, #tpu.memory_space<vmem>>, vector<16xf32>,
        %get3A_2031 = arith.index_cast %add3A_1992 : i32 to index
        %get3A_2032 = arith.constant 80 : index
        %get3A_2033 = tpu.vector_load %arg12[%get3A_2031, %get3A_2032] {strides = array<i32>} : memref<80x128xf32, #tpu.memory_space<vmem>>, vector<16xf32>,
        %mul3A_2034 = arith.mulf %get3A_2033, %gather3A_1995 : vector<16xf32>
        %swap3A_2035 = arith.index_cast %add3A_1992 : i32 to index
        %swap3A_2036 = arith.constant 80 : index
        %swap3A_2037 = tpu.vector_load %arg12[%swap3A_2035, %swap3A_2036] {strides = array<i32>} : memref<80x128xf32, #tpu.memory_space<vmem>>, vector<16xf32>,
        tpu.vector_store %arg12[%swap3A_2035, %swap3A_2036], %mul3A_2034 {strides = array<i32>} : memref<80x128xf32, #tpu.memory_space<vmem>>, vector<16xf32>,
        %get3A_2038 = arith.index_cast %add3A_1992 : i32 to index
        %get3A_2039 = arith.constant 96 : index
        %get3A_2040 = tpu.vector_load %arg12[%get3A_2038, %get3A_2039] {strides = array<i32>} : memref<80x128xf32, #tpu.memory_space<vmem>>, vector<16xf32>,
        %mul3A_2041 = arith.mulf %get3A_2040, %gather3A_1995 : vector<16xf32>
        %swap3A_2042 = arith.index_cast %add3A_1992 : i32 to index
        %swap3A_2043 = arith.constant 96 : index
        %swap3A_2044 = tpu.vector_load %arg12[%swap3A_2042, %swap3A_2043] {strides = array<i32>} : memref<80x128xf32, #tpu.memory_space<vmem>>, vector<16xf32>,
        tpu.vector_store %arg12[%swap3A_2042, %swap3A_2043], %mul3A_2041 {strides = array<i32>} : memref<80x128xf32, #tpu.memory_space<vmem>>, vector<16xf32>,
        %get3A_2045 = arith.index_cast %add3A_1992 : i32 to index
        %get3A_2046 = arith.constant 112 : index
        %get3A_2047 = tpu.vector_load %arg12[%get3A_2045, %get3A_2046] {strides = array<i32>} : memref<80x128xf32, #tpu.memory_space<vmem>>, vector<16xf32>,
        %mul3A_2048 = arith.mulf %get3A_2047, %gather3A_1995 : vector<16xf32>
        %swap3A_2049 = arith.index_cast %add3A_1992 : i32 to index
        %swap3A_2050 = arith.constant 112 : index
        %swap3A_2051 = tpu.vector_load %arg12[%swap3A_2049, %swap3A_2050] {strides = array<i32>} : memref<80x128xf32, #tpu.memory_space<vmem>>, vector<16xf32>,
        tpu.vector_store %arg12[%swap3A_2049, %swap3A_2050], %mul3A_2048 {strides = array<i32>} : memref<80x128xf32, #tpu.memory_space<vmem>>, vector<16xf32>,
        %mul3A_2052 = arith.constant 16 : i32
        %mul3A_2053 = arith.muli %add3A_1223, %mul3A_2052 : i32
        %add3A_2054 = arith.constant 13 : i32
        %add3A_2055 = arith.addi %mul3A_2053, %add3A_2054 : i32
        %broadcast_in_dim3A_2056 = arith.constant 13 : i32
        %broadcast_in_dim3A_2057 = vector.broadcast %broadcast_in_dim3A_2056 : i32 to vector<16xi32>
        %gather3A_2058 = tpu.vector_load_idx %arg13[%broadcast_in_dim3A_2057] : memref<16xf32, #tpu.memory_space<vmem>>[vector<16xi32>], vector<16xf32>,
        %get3A_2059 = arith.index_cast %add3A_2055 : i32 to index
        %get3A_2060 = arith.constant 0 : index
        %get3A_2061 = tpu.vector_load %arg12[%get3A_2059, %get3A_2060] {strides = array<i32>} : memref<80x128xf32, #tpu.memory_space<vmem>>, vector<16xf32>,
        %mul3A_2062 = arith.mulf %get3A_2061, %gather3A_2058 : vector<16xf32>
        %swap3A_2063 = arith.index_cast %add3A_2055 : i32 to index
        %swap3A_2064 = arith.constant 0 : index
        %swap3A_2065 = tpu.vector_load %arg12[%swap3A_2063, %swap3A_2064] {strides = array<i32>} : memref<80x128xf32, #tpu.memory_space<vmem>>, vector<16xf32>,
        tpu.vector_store %arg12[%swap3A_2063, %swap3A_2064], %mul3A_2062 {strides = array<i32>} : memref<80x128xf32, #tpu.memory_space<vmem>>, vector<16xf32>,
        %get3A_2066 = arith.index_cast %add3A_2055 : i32 to index
        %get3A_2067 = arith.constant 16 : index
        %get3A_2068 = tpu.vector_load %arg12[%get3A_2066, %get3A_2067] {strides = array<i32>} : memref<80x128xf32, #tpu.memory_space<vmem>>, vector<16xf32>,
        %mul3A_2069 = arith.mulf %get3A_2068, %gather3A_2058 : vector<16xf32>
        %swap3A_2070 = arith.index_cast %add3A_2055 : i32 to index
        %swap3A_2071 = arith.constant 16 : index
        %swap3A_2072 = tpu.vector_load %arg12[%swap3A_2070, %swap3A_2071] {strides = array<i32>} : memref<80x128xf32, #tpu.memory_space<vmem>>, vector<16xf32>,
        tpu.vector_store %arg12[%swap3A_2070, %swap3A_2071], %mul3A_2069 {strides = array<i32>} : memref<80x128xf32, #tpu.memory_space<vmem>>, vector<16xf32>,
        %get3A_2073 = arith.index_cast %add3A_2055 : i32 to index
        %get3A_2074 = arith.constant 32 : index
        %get3A_2075 = tpu.vector_load %arg12[%get3A_2073, %get3A_2074] {strides = array<i32>} : memref<80x128xf32, #tpu.memory_space<vmem>>, vector<16xf32>,
        %mul3A_2076 = arith.mulf %get3A_2075, %gather3A_2058 : vector<16xf32>
        %swap3A_2077 = arith.index_cast %add3A_2055 : i32 to index
        %swap3A_2078 = arith.constant 32 : index
        %swap3A_2079 = tpu.vector_load %arg12[%swap3A_2077, %swap3A_2078] {strides = array<i32>} : memref<80x128xf32, #tpu.memory_space<vmem>>, vector<16xf32>,
        tpu.vector_store %arg12[%swap3A_2077, %swap3A_2078], %mul3A_2076 {strides = array<i32>} : memref<80x128xf32, #tpu.memory_space<vmem>>, vector<16xf32>,
        %get3A_2080 = arith.index_cast %add3A_2055 : i32 to index
        %get3A_2081 = arith.constant 48 : index
        %get3A_2082 = tpu.vector_load %arg12[%get3A_2080, %get3A_2081] {strides = array<i32>} : memref<80x128xf32, #tpu.memory_space<vmem>>, vector<16xf32>,
        %mul3A_2083 = arith.mulf %get3A_2082, %gather3A_2058 : vector<16xf32>
        %swap3A_2084 = arith.index_cast %add3A_2055 : i32 to index
        %swap3A_2085 = arith.constant 48 : index
        %swap3A_2086 = tpu.vector_load %arg12[%swap3A_2084, %swap3A_2085] {strides = array<i32>} : memref<80x128xf32, #tpu.memory_space<vmem>>, vector<16xf32>,
        tpu.vector_store %arg12[%swap3A_2084, %swap3A_2085], %mul3A_2083 {strides = array<i32>} : memref<80x128xf32, #tpu.memory_space<vmem>>, vector<16xf32>,
        %get3A_2087 = arith.index_cast %add3A_2055 : i32 to index
        %get3A_2088 = arith.constant 64 : index
        %get3A_2089 = tpu.vector_load %arg12[%get3A_2087, %get3A_2088] {strides = array<i32>} : memref<80x128xf32, #tpu.memory_space<vmem>>, vector<16xf32>,
        %mul3A_2090 = arith.mulf %get3A_2089, %gather3A_2058 : vector<16xf32>
        %swap3A_2091 = arith.index_cast %add3A_2055 : i32 to index
        %swap3A_2092 = arith.constant 64 : index
        %swap3A_2093 = tpu.vector_load %arg12[%swap3A_2091, %swap3A_2092] {strides = array<i32>} : memref<80x128xf32, #tpu.memory_space<vmem>>, vector<16xf32>,
        tpu.vector_store %arg12[%swap3A_2091, %swap3A_2092], %mul3A_2090 {strides = array<i32>} : memref<80x128xf32, #tpu.memory_space<vmem>>, vector<16xf32>,
        %get3A_2094 = arith.index_cast %add3A_2055 : i32 to index
        %get3A_2095 = arith.constant 80 : index
        %get3A_2096 = tpu.vector_load %arg12[%get3A_2094, %get3A_2095] {strides = array<i32>} : memref<80x128xf32, #tpu.memory_space<vmem>>, vector<16xf32>,
        %mul3A_2097 = arith.mulf %get3A_2096, %gather3A_2058 : vector<16xf32>
        %swap3A_2098 = arith.index_cast %add3A_2055 : i32 to index
        %swap3A_2099 = arith.constant 80 : index
        %swap3A_2100 = tpu.vector_load %arg12[%swap3A_2098, %swap3A_2099] {strides = array<i32>} : memref<80x128xf32, #tpu.memory_space<vmem>>, vector<16xf32>,
        tpu.vector_store %arg12[%swap3A_2098, %swap3A_2099], %mul3A_2097 {strides = array<i32>} : memref<80x128xf32, #tpu.memory_space<vmem>>, vector<16xf32>,
        %get3A_2101 = arith.index_cast %add3A_2055 : i32 to index
        %get3A_2102 = arith.constant 96 : index
        %get3A_2103 = tpu.vector_load %arg12[%get3A_2101, %get3A_2102] {strides = array<i32>} : memref<80x128xf32, #tpu.memory_space<vmem>>, vector<16xf32>,
        %mul3A_2104 = arith.mulf %get3A_2103, %gather3A_2058 : vector<16xf32>
        %swap3A_2105 = arith.index_cast %add3A_2055 : i32 to index
        %swap3A_2106 = arith.constant 96 : index
        %swap3A_2107 = tpu.vector_load %arg12[%swap3A_2105, %swap3A_2106] {strides = array<i32>} : memref<80x128xf32, #tpu.memory_space<vmem>>, vector<16xf32>,
        tpu.vector_store %arg12[%swap3A_2105, %swap3A_2106], %mul3A_2104 {strides = array<i32>} : memref<80x128xf32, #tpu.memory_space<vmem>>, vector<16xf32>,
        %get3A_2108 = arith.index_cast %add3A_2055 : i32 to index
        %get3A_2109 = arith.constant 112 : index
        %get3A_2110 = tpu.vector_load %arg12[%get3A_2108, %get3A_2109] {strides = array<i32>} : memref<80x128xf32, #tpu.memory_space<vmem>>, vector<16xf32>,
        %mul3A_2111 = arith.mulf %get3A_2110, %gather3A_2058 : vector<16xf32>
        %swap3A_2112 = arith.index_cast %add3A_2055 : i32 to index
        %swap3A_2113 = arith.constant 112 : index
        %swap3A_2114 = tpu.vector_load %arg12[%swap3A_2112, %swap3A_2113] {strides = array<i32>} : memref<80x128xf32, #tpu.memory_space<vmem>>, vector<16xf32>,
        tpu.vector_store %arg12[%swap3A_2112, %swap3A_2113], %mul3A_2111 {strides = array<i32>} : memref<80x128xf32, #tpu.memory_space<vmem>>, vector<16xf32>,
        %mul3A_2115 = arith.constant 16 : i32
        %mul3A_2116 = arith.muli %add3A_1223, %mul3A_2115 : i32
        %add3A_2117 = arith.constant 14 : i32
        %add3A_2118 = arith.addi %mul3A_2116, %add3A_2117 : i32
        %broadcast_in_dim3A_2119 = arith.constant 14 : i32
        %broadcast_in_dim3A_2120 = vector.broadcast %broadcast_in_dim3A_2119 : i32 to vector<16xi32>
        %gather3A_2121 = tpu.vector_load_idx %arg13[%broadcast_in_dim3A_2120] : memref<16xf32, #tpu.memory_space<vmem>>[vector<16xi32>], vector<16xf32>,
        %get3A_2122 = arith.index_cast %add3A_2118 : i32 to index
        %get3A_2123 = arith.constant 0 : index
        %get3A_2124 = tpu.vector_load %arg12[%get3A_2122, %get3A_2123] {strides = array<i32>} : memref<80x128xf32, #tpu.memory_space<vmem>>, vector<16xf32>,
        %mul3A_2125 = arith.mulf %get3A_2124, %gather3A_2121 : vector<16xf32>
        %swap3A_2126 = arith.index_cast %add3A_2118 : i32 to index
        %swap3A_2127 = arith.constant 0 : index
        %swap3A_2128 = tpu.vector_load %arg12[%swap3A_2126, %swap3A_2127] {strides = array<i32>} : memref<80x128xf32, #tpu.memory_space<vmem>>, vector<16xf32>,
        tpu.vector_store %arg12[%swap3A_2126, %swap3A_2127], %mul3A_2125 {strides = array<i32>} : memref<80x128xf32, #tpu.memory_space<vmem>>, vector<16xf32>,
        %get3A_2129 = arith.index_cast %add3A_2118 : i32 to index
        %get3A_2130 = arith.constant 16 : index
        %get3A_2131 = tpu.vector_load %arg12[%get3A_2129, %get3A_2130] {strides = array<i32>} : memref<80x128xf32, #tpu.memory_space<vmem>>, vector<16xf32>,
        %mul3A_2132 = arith.mulf %get3A_2131, %gather3A_2121 : vector<16xf32>
        %swap3A_2133 = arith.index_cast %add3A_2118 : i32 to index
        %swap3A_2134 = arith.constant 16 : index
        %swap3A_2135 = tpu.vector_load %arg12[%swap3A_2133, %swap3A_2134] {strides = array<i32>} : memref<80x128xf32, #tpu.memory_space<vmem>>, vector<16xf32>,
        tpu.vector_store %arg12[%swap3A_2133, %swap3A_2134], %mul3A_2132 {strides = array<i32>} : memref<80x128xf32, #tpu.memory_space<vmem>>, vector<16xf32>,
        %get3A_2136 = arith.index_cast %add3A_2118 : i32 to index
        %get3A_2137 = arith.constant 32 : index
        %get3A_2138 = tpu.vector_load %arg12[%get3A_2136, %get3A_2137] {strides = array<i32>} : memref<80x128xf32, #tpu.memory_space<vmem>>, vector<16xf32>,
        %mul3A_2139 = arith.mulf %get3A_2138, %gather3A_2121 : vector<16xf32>
        %swap3A_2140 = arith.index_cast %add3A_2118 : i32 to index
        %swap3A_2141 = arith.constant 32 : index
        %swap3A_2142 = tpu.vector_load %arg12[%swap3A_2140, %swap3A_2141] {strides = array<i32>} : memref<80x128xf32, #tpu.memory_space<vmem>>, vector<16xf32>,
        tpu.vector_store %arg12[%swap3A_2140, %swap3A_2141], %mul3A_2139 {strides = array<i32>} : memref<80x128xf32, #tpu.memory_space<vmem>>, vector<16xf32>,
        %get3A_2143 = arith.index_cast %add3A_2118 : i32 to index
        %get3A_2144 = arith.constant 48 : index
        %get3A_2145 = tpu.vector_load %arg12[%get3A_2143, %get3A_2144] {strides = array<i32>} : memref<80x128xf32, #tpu.memory_space<vmem>>, vector<16xf32>,
        %mul3A_2146 = arith.mulf %get3A_2145, %gather3A_2121 : vector<16xf32>
        %swap3A_2147 = arith.index_cast %add3A_2118 : i32 to index
        %swap3A_2148 = arith.constant 48 : index
        %swap3A_2149 = tpu.vector_load %arg12[%swap3A_2147, %swap3A_2148] {strides = array<i32>} : memref<80x128xf32, #tpu.memory_space<vmem>>, vector<16xf32>,
        tpu.vector_store %arg12[%swap3A_2147, %swap3A_2148], %mul3A_2146 {strides = array<i32>} : memref<80x128xf32, #tpu.memory_space<vmem>>, vector<16xf32>,
        %get3A_2150 = arith.index_cast %add3A_2118 : i32 to index
        %get3A_2151 = arith.constant 64 : index
        %get3A_2152 = tpu.vector_load %arg12[%get3A_2150, %get3A_2151] {strides = array<i32>} : memref<80x128xf32, #tpu.memory_space<vmem>>, vector<16xf32>,
        %mul3A_2153 = arith.mulf %get3A_2152, %gather3A_2121 : vector<16xf32>
        %swap3A_2154 = arith.index_cast %add3A_2118 : i32 to index
        %swap3A_2155 = arith.constant 64 : index
        %swap3A_2156 = tpu.vector_load %arg12[%swap3A_2154, %swap3A_2155] {strides = array<i32>} : memref<80x128xf32, #tpu.memory_space<vmem>>, vector<16xf32>,
        tpu.vector_store %arg12[%swap3A_2154, %swap3A_2155], %mul3A_2153 {strides = array<i32>} : memref<80x128xf32, #tpu.memory_space<vmem>>, vector<16xf32>,
        %get3A_2157 = arith.index_cast %add3A_2118 : i32 to index
        %get3A_2158 = arith.constant 80 : index
        %get3A_2159 = tpu.vector_load %arg12[%get3A_2157, %get3A_2158] {strides = array<i32>} : memref<80x128xf32, #tpu.memory_space<vmem>>, vector<16xf32>,
        %mul3A_2160 = arith.mulf %get3A_2159, %gather3A_2121 : vector<16xf32>
        %swap3A_2161 = arith.index_cast %add3A_2118 : i32 to index
        %swap3A_2162 = arith.constant 80 : index
        %swap3A_2163 = tpu.vector_load %arg12[%swap3A_2161, %swap3A_2162] {strides = array<i32>} : memref<80x128xf32, #tpu.memory_space<vmem>>, vector<16xf32>,
        tpu.vector_store %arg12[%swap3A_2161, %swap3A_2162], %mul3A_2160 {strides = array<i32>} : memref<80x128xf32, #tpu.memory_space<vmem>>, vector<16xf32>,
        %get3A_2164 = arith.index_cast %add3A_2118 : i32 to index
        %get3A_2165 = arith.constant 96 : index
        %get3A_2166 = tpu.vector_load %arg12[%get3A_2164, %get3A_2165] {strides = array<i32>} : memref<80x128xf32, #tpu.memory_space<vmem>>, vector<16xf32>,
        %mul3A_2167 = arith.mulf %get3A_2166, %gather3A_2121 : vector<16xf32>
        %swap3A_2168 = arith.index_cast %add3A_2118 : i32 to index
        %swap3A_2169 = arith.constant 96 : index
        %swap3A_2170 = tpu.vector_load %arg12[%swap3A_2168, %swap3A_2169] {strides = array<i32>} : memref<80x128xf32, #tpu.memory_space<vmem>>, vector<16xf32>,
        tpu.vector_store %arg12[%swap3A_2168, %swap3A_2169], %mul3A_2167 {strides = array<i32>} : memref<80x128xf32, #tpu.memory_space<vmem>>, vector<16xf32>,
        %get3A_2171 = arith.index_cast %add3A_2118 : i32 to index
        %get3A_2172 = arith.constant 112 : index
        %get3A_2173 = tpu.vector_load %arg12[%get3A_2171, %get3A_2172] {strides = array<i32>} : memref<80x128xf32, #tpu.memory_space<vmem>>, vector<16xf32>,
        %mul3A_2174 = arith.mulf %get3A_2173, %gather3A_2121 : vector<16xf32>
        %swap3A_2175 = arith.index_cast %add3A_2118 : i32 to index
        %swap3A_2176 = arith.constant 112 : index
        %swap3A_2177 = tpu.vector_load %arg12[%swap3A_2175, %swap3A_2176] {strides = array<i32>} : memref<80x128xf32, #tpu.memory_space<vmem>>, vector<16xf32>,
        tpu.vector_store %arg12[%swap3A_2175, %swap3A_2176], %mul3A_2174 {strides = array<i32>} : memref<80x128xf32, #tpu.memory_space<vmem>>, vector<16xf32>,
        %mul3A_2178 = arith.constant 16 : i32
        %mul3A_2179 = arith.muli %add3A_1223, %mul3A_2178 : i32
        %add3A_2180 = arith.constant 15 : i32
        %add3A_2181 = arith.addi %mul3A_2179, %add3A_2180 : i32
        %broadcast_in_dim3A_2182 = arith.constant 15 : i32
        %broadcast_in_dim3A_2183 = vector.broadcast %broadcast_in_dim3A_2182 : i32 to vector<16xi32>
        %gather3A_2184 = tpu.vector_load_idx %arg13[%broadcast_in_dim3A_2183] : memref<16xf32, #tpu.memory_space<vmem>>[vector<16xi32>], vector<16xf32>,
        %get3A_2185 = arith.index_cast %add3A_2181 : i32 to index
        %get3A_2186 = arith.constant 0 : index
        %get3A_2187 = tpu.vector_load %arg12[%get3A_2185, %get3A_2186] {strides = array<i32>} : memref<80x128xf32, #tpu.memory_space<vmem>>, vector<16xf32>,
        %mul3A_2188 = arith.mulf %get3A_2187, %gather3A_2184 : vector<16xf32>
        %swap3A_2189 = arith.index_cast %add3A_2181 : i32 to index
        %swap3A_2190 = arith.constant 0 : index
        %swap3A_2191 = tpu.vector_load %arg12[%swap3A_2189, %swap3A_2190] {strides = array<i32>} : memref<80x128xf32, #tpu.memory_space<vmem>>, vector<16xf32>,
        tpu.vector_store %arg12[%swap3A_2189, %swap3A_2190], %mul3A_2188 {strides = array<i32>} : memref<80x128xf32, #tpu.memory_space<vmem>>, vector<16xf32>,
        %get3A_2192 = arith.index_cast %add3A_2181 : i32 to index
        %get3A_2193 = arith.constant 16 : index
        %get3A_2194 = tpu.vector_load %arg12[%get3A_2192, %get3A_2193] {strides = array<i32>} : memref<80x128xf32, #tpu.memory_space<vmem>>, vector<16xf32>,
        %mul3A_2195 = arith.mulf %get3A_2194, %gather3A_2184 : vector<16xf32>
        %swap3A_2196 = arith.index_cast %add3A_2181 : i32 to index
        %swap3A_2197 = arith.constant 16 : index
        %swap3A_2198 = tpu.vector_load %arg12[%swap3A_2196, %swap3A_2197] {strides = array<i32>} : memref<80x128xf32, #tpu.memory_space<vmem>>, vector<16xf32>,
        tpu.vector_store %arg12[%swap3A_2196, %swap3A_2197], %mul3A_2195 {strides = array<i32>} : memref<80x128xf32, #tpu.memory_space<vmem>>, vector<16xf32>,
        %get3A_2199 = arith.index_cast %add3A_2181 : i32 to index
        %get3A_2200 = arith.constant 32 : index
        %get3A_2201 = tpu.vector_load %arg12[%get3A_2199, %get3A_2200] {strides = array<i32>} : memref<80x128xf32, #tpu.memory_space<vmem>>, vector<16xf32>,
        %mul3A_2202 = arith.mulf %get3A_2201, %gather3A_2184 : vector<16xf32>
        %swap3A_2203 = arith.index_cast %add3A_2181 : i32 to index
        %swap3A_2204 = arith.constant 32 : index
        %swap3A_2205 = tpu.vector_load %arg12[%swap3A_2203, %swap3A_2204] {strides = array<i32>} : memref<80x128xf32, #tpu.memory_space<vmem>>, vector<16xf32>,
        tpu.vector_store %arg12[%swap3A_2203, %swap3A_2204], %mul3A_2202 {strides = array<i32>} : memref<80x128xf32, #tpu.memory_space<vmem>>, vector<16xf32>,
        %get3A_2206 = arith.index_cast %add3A_2181 : i32 to index
        %get3A_2207 = arith.constant 48 : index
        %get3A_2208 = tpu.vector_load %arg12[%get3A_2206, %get3A_2207] {strides = array<i32>} : memref<80x128xf32, #tpu.memory_space<vmem>>, vector<16xf32>,
        %mul3A_2209 = arith.mulf %get3A_2208, %gather3A_2184 : vector<16xf32>
        %swap3A_2210 = arith.index_cast %add3A_2181 : i32 to index
        %swap3A_2211 = arith.constant 48 : index
        %swap3A_2212 = tpu.vector_load %arg12[%swap3A_2210, %swap3A_2211] {strides = array<i32>} : memref<80x128xf32, #tpu.memory_space<vmem>>, vector<16xf32>,
        tpu.vector_store %arg12[%swap3A_2210, %swap3A_2211], %mul3A_2209 {strides = array<i32>} : memref<80x128xf32, #tpu.memory_space<vmem>>, vector<16xf32>,
        %get3A_2213 = arith.index_cast %add3A_2181 : i32 to index
        %get3A_2214 = arith.constant 64 : index
        %get3A_2215 = tpu.vector_load %arg12[%get3A_2213, %get3A_2214] {strides = array<i32>} : memref<80x128xf32, #tpu.memory_space<vmem>>, vector<16xf32>,
        %mul3A_2216 = arith.mulf %get3A_2215, %gather3A_2184 : vector<16xf32>
        %swap3A_2217 = arith.index_cast %add3A_2181 : i32 to index
        %swap3A_2218 = arith.constant 64 : index
        %swap3A_2219 = tpu.vector_load %arg12[%swap3A_2217, %swap3A_2218] {strides = array<i32>} : memref<80x128xf32, #tpu.memory_space<vmem>>, vector<16xf32>,
        tpu.vector_store %arg12[%swap3A_2217, %swap3A_2218], %mul3A_2216 {strides = array<i32>} : memref<80x128xf32, #tpu.memory_space<vmem>>, vector<16xf32>,
        %get3A_2220 = arith.index_cast %add3A_2181 : i32 to index
        %get3A_2221 = arith.constant 80 : index
        %get3A_2222 = tpu.vector_load %arg12[%get3A_2220, %get3A_2221] {strides = array<i32>} : memref<80x128xf32, #tpu.memory_space<vmem>>, vector<16xf32>,
        %mul3A_2223 = arith.mulf %get3A_2222, %gather3A_2184 : vector<16xf32>
        %swap3A_2224 = arith.index_cast %add3A_2181 : i32 to index
        %swap3A_2225 = arith.constant 80 : index
        %swap3A_2226 = tpu.vector_load %arg12[%swap3A_2224, %swap3A_2225] {strides = array<i32>} : memref<80x128xf32, #tpu.memory_space<vmem>>, vector<16xf32>,
        tpu.vector_store %arg12[%swap3A_2224, %swap3A_2225], %mul3A_2223 {strides = array<i32>} : memref<80x128xf32, #tpu.memory_space<vmem>>, vector<16xf32>,
        %get3A_2227 = arith.index_cast %add3A_2181 : i32 to index
        %get3A_2228 = arith.constant 96 : index
        %get3A_2229 = tpu.vector_load %arg12[%get3A_2227, %get3A_2228] {strides = array<i32>} : memref<80x128xf32, #tpu.memory_space<vmem>>, vector<16xf32>,
        %mul3A_2230 = arith.mulf %get3A_2229, %gather3A_2184 : vector<16xf32>
        %swap3A_2231 = arith.index_cast %add3A_2181 : i32 to index
        %swap3A_2232 = arith.constant 96 : index
        %swap3A_2233 = tpu.vector_load %arg12[%swap3A_2231, %swap3A_2232] {strides = array<i32>} : memref<80x128xf32, #tpu.memory_space<vmem>>, vector<16xf32>,
        tpu.vector_store %arg12[%swap3A_2231, %swap3A_2232], %mul3A_2230 {strides = array<i32>} : memref<80x128xf32, #tpu.memory_space<vmem>>, vector<16xf32>,
        %get3A_2234 = arith.index_cast %add3A_2181 : i32 to index
        %get3A_2235 = arith.constant 112 : index
        %get3A_2236 = tpu.vector_load %arg12[%get3A_2234, %get3A_2235] {strides = array<i32>} : memref<80x128xf32, #tpu.memory_space<vmem>>, vector<16xf32>,
        %mul3A_2237 = arith.mulf %get3A_2236, %gather3A_2184 : vector<16xf32>
        %swap3A_2238 = arith.index_cast %add3A_2181 : i32 to index
        %swap3A_2239 = arith.constant 112 : index
        %swap3A_2240 = tpu.vector_load %arg12[%swap3A_2238, %swap3A_2239] {strides = array<i32>} : memref<80x128xf32, #tpu.memory_space<vmem>>, vector<16xf32>,
        tpu.vector_store %arg12[%swap3A_2238, %swap3A_2239], %mul3A_2237 {strides = array<i32>} : memref<80x128xf32, #tpu.memory_space<vmem>>, vector<16xf32>,
      }
      %scan3A_1218 = arith.constant 5 : i32
      "tpu.region"() ({
        %run_scoped3A = tpu.sem_alloc : memref<!tpu.dma_semaphore, #tpu.memory_space<semaphore_mem>>
        %dma_start3A_1219 = arith.constant 0 : i32
        %dma_start3A_1220 = arith.constant 0 : i32
        %dma_start3A_1221 = tpu.memref_slice %arg17[%dma_start3A_1219, %dma_start3A_1220] : memref<10240x128xf32, #tpu.memory_space<vmem_shared>> -> memref<10240x128xf32, #tpu.memory_space<vmem_shared>>
        tpu.enqueue_indirect_dma source(%arg12 : memref<80x128xf32, #tpu.memory_space<vmem>>) target(%dma_start3A_1221 : memref<10240x128xf32, #tpu.memory_space<vmem_shared>>) offsets(%arg10 : memref<80xi32, #tpu.memory_space<vmem>>) semaphore(%run_scoped3A : memref<!tpu.dma_semaphore, #tpu.memory_space<semaphore_mem>>) {add = true}
        %dma_wait3A_1222 = arith.constant 0 : i32
        %dma_wait3A_1223 = arith.constant 0 : i32
        %dma_wait3A_1224 = tpu.memref_slice %arg17[%dma_wait3A_1222, %dma_wait3A_1223] : memref<10240x128xf32, #tpu.memory_space<vmem_shared>> -> memref<10240x128xf32, #tpu.memory_space<vmem_shared>>
        tpu.wait_indirect_dma semaphore(%run_scoped3A : memref<!tpu.dma_semaphore, #tpu.memory_space<semaphore_mem>>) src(%arg12 : memref<80x128xf32, #tpu.memory_space<vmem>>) dst(%dma_wait3A_1224 : memref<10240x128xf32, #tpu.memory_space<vmem_shared>>)
        tpu.yield
      }) : () -> ()
    }
    %scan3A_1197 = arith.constant 125 : i32
    %barrier3A_1198 = arith.constant 0 : index
    tpu.barrier barrier_id(%barrier3A_1198)
    "tpu.region"() ({
      %run_scoped3A = tpu.sem_alloc : memref<!tpu.dma_semaphore, #tpu.memory_space<semaphore_mem>>
      %dma_start3A = arith.constant 0 : i32
      %dma_start3A_1204 = tpu.memref_slice %arg8[%add3A, %dma_start3A] : memref<32x10000xf32, #tpu.memory_space<hbm>> -> memref<1x10000xf32, #tpu.memory_space<hbm>>
      %dma_start3A_1205 = tpu.memref_squeeze %dma_start3A_1204 : memref<1x10000xf32, #tpu.memory_space<hbm>> -> memref<10000xf32, #tpu.memory_space<hbm>>
      %dma_start3A_1206 = arith.constant 0 : i32
      %dma_start3A_1207 = tpu.memref_slice %arg8[%add3A, %dma_start3A_1206] : memref<32x10000xf32, #tpu.memory_space<hbm>> -> memref<1x10000xf32, #tpu.memory_space<hbm>>
      %dma_start3A_1208 = tpu.memref_squeeze %dma_start3A_1207 : memref<1x10000xf32, #tpu.memory_space<hbm>> -> memref<10000xf32, #tpu.memory_space<hbm>>
      tpu.enqueue_dma source(%arg16 : memref<10000xf32, #tpu.memory_space<vmem>>) target(%dma_start3A_1208 : memref<10000xf32, #tpu.memory_space<hbm>>) target_semaphore(%run_scoped3A : memref<!tpu.dma_semaphore, #tpu.memory_space<semaphore_mem>>)
      %dma_wait3A = arith.constant 0 : i32
      %dma_wait3A_1209 = tpu.memref_slice %arg8[%add3A, %dma_wait3A] : memref<32x10000xf32, #tpu.memory_space<hbm>> -> memref<1x10000xf32, #tpu.memory_space<hbm>>
      %dma_wait3A_1210 = tpu.memref_squeeze %dma_wait3A_1209 : memref<1x10000xf32, #tpu.memory_space<hbm>> -> memref<10000xf32, #tpu.memory_space<hbm>>
      %dma_wait3A_1211 = arith.constant 0 : i32
      %dma_wait3A_1212 = tpu.memref_slice %arg8[%add3A, %dma_wait3A_1211] : memref<32x10000xf32, #tpu.memory_space<hbm>> -> memref<1x10000xf32, #tpu.memory_space<hbm>>
      %dma_wait3A_1213 = tpu.memref_squeeze %dma_wait3A_1212 : memref<1x10000xf32, #tpu.memory_space<hbm>> -> memref<10000xf32, #tpu.memory_space<hbm>>
      tpu.wait_dma2 semaphore(%run_scoped3A : memref<!tpu.dma_semaphore, #tpu.memory_space<semaphore_mem>>) src(%arg16 : memref<10000xf32, #tpu.memory_space<vmem>>) dst(%dma_wait3A_1213 : memref<10000xf32, #tpu.memory_space<hbm>>)
      tpu.yield
    }) : () -> ()
    %scan3A_1199 = arith.constant 0 : i32
    %scan3A_1200 = arith.constant 20 : i32
    %scan3A_1201 = arith.addi %scan3A_1199, %scan3A_1200 : i32
    %scan3A_1202 = arith.constant 1 : i32
    scf.for %scan3A_1204 = %scan3A_1199 to %scan3A_1201 step %scan3A_1202  : i32 {
      %mul3A_1205 = arith.constant 32 : i32
      %mul3A_1206 = arith.muli %scan3A_1204, %mul3A_1205 : i32
      %add3A_1207 = arith.constant 0 : i32
      %add3A_1208 = arith.addi %add3A_1207, %mul3A_1206 : i32
      %mul3A_1209 = arith.constant 640 : i32
      %mul3A_1210 = arith.muli %arg1, %mul3A_1209 : i32
      %add3A_1211 = arith.addi %mul3A_1210, %add3A_1208 : i32
      "tpu.region"() ({
        %run_scoped3A = tpu.sem_alloc : memref<!tpu.dma_semaphore, #tpu.memory_space<semaphore_mem>>
        %dma_start3A = arith.constant 0 : i32
        %dma_start3A_1212 = arith.constant 0 : i32
        %dma_start3A_1213 = tpu.memref_slice %arg12[%dma_start3A, %dma_start3A_1212] : memref<80x128xf32, #tpu.memory_space<vmem>> -> memref<32x128xf32, #tpu.memory_space<vmem>>
        %dma_start3A_1214 = arith.constant 0 : i32
        %dma_start3A_1215 = tpu.memref_slice %arg17[%add3A_1211, %dma_start3A_1214] : memref<10240x128xf32, #tpu.memory_space<vmem_shared>> -> memref<32x128xf32, #tpu.memory_space<vmem_shared>>
        %dma_start3A_1216 = arith.constant 0 : i32
        %dma_start3A_1217 = arith.constant 0 : i32
        %dma_start3A_1218 = tpu.memref_slice %arg12[%dma_start3A_1216, %dma_start3A_1217] : memref<80x128xf32, #tpu.memory_space<vmem>> -> memref<32x128xf32, #tpu.memory_space<vmem>>
        %dma_start3A_1219 = arith.constant 0 : i32
        %dma_start3A_1220 = tpu.memref_slice %arg17[%add3A_1211, %dma_start3A_1219] : memref<10240x128xf32, #tpu.memory_space<vmem_shared>> -> memref<32x128xf32, #tpu.memory_space<vmem_shared>>
        tpu.enqueue_dma source(%dma_start3A_1220 : memref<32x128xf32, #tpu.memory_space<vmem_shared>>) target(%dma_start3A_1218 : memref<32x128xf32, #tpu.memory_space<vmem>>) target_semaphore(%run_scoped3A : memref<!tpu.dma_semaphore, #tpu.memory_space<semaphore_mem>>)
        %dma_wait3A = arith.constant 0 : i32
        %dma_wait3A_1221 = arith.constant 0 : i32
        %dma_wait3A_1222 = tpu.memref_slice %arg12[%dma_wait3A, %dma_wait3A_1221] : memref<80x128xf32, #tpu.memory_space<vmem>> -> memref<32x128xf32, #tpu.memory_space<vmem>>
        %dma_wait3A_1223 = arith.constant 0 : i32
        %dma_wait3A_1224 = tpu.memref_slice %arg17[%add3A_1211, %dma_wait3A_1223] : memref<10240x128xf32, #tpu.memory_space<vmem_shared>> -> memref<32x128xf32, #tpu.memory_space<vmem_shared>>
        %dma_wait3A_1225 = arith.constant 0 : i32
        %dma_wait3A_1226 = arith.constant 0 : i32
        %dma_wait3A_1227 = tpu.memref_slice %arg12[%dma_wait3A_1225, %dma_wait3A_1226] : memref<80x128xf32, #tpu.memory_space<vmem>> -> memref<32x128xf32, #tpu.memory_space<vmem>>
        %dma_wait3A_1228 = arith.constant 0 : i32
        %dma_wait3A_1229 = tpu.memref_slice %arg17[%add3A_1211, %dma_wait3A_1228] : memref<10240x128xf32, #tpu.memory_space<vmem_shared>> -> memref<32x128xf32, #tpu.memory_space<vmem_shared>>
        tpu.wait_dma2 semaphore(%run_scoped3A : memref<!tpu.dma_semaphore, #tpu.memory_space<semaphore_mem>>) src(%dma_wait3A_1229 : memref<32x128xf32, #tpu.memory_space<vmem_shared>>) dst(%dma_wait3A_1227 : memref<32x128xf32, #tpu.memory_space<vmem>>)
        tpu.yield
      }) : () -> ()
      "tpu.region"() ({
        %run_scoped3A = tpu.sem_alloc : memref<!tpu.dma_semaphore, #tpu.memory_space<semaphore_mem>>
        %dma_start3A = arith.constant 0 : i32
        %dma_start3A_1212 = arith.constant 0 : i32
        %dma_start3A_1213 = tpu.memref_slice %arg12[%dma_start3A, %dma_start3A_1212] : memref<80x128xf32, #tpu.memory_space<vmem>> -> memref<32x128xf32, #tpu.memory_space<vmem>>
        %dma_start3A_1214 = arith.constant 0 : i32
        %dma_start3A_1215 = tpu.memref_slice %arg7[%arg0, %add3A_1211, %dma_start3A_1214] : memref<2x10240x128xf32, #tpu.memory_space<hbm>> -> memref<1x32x128xf32, #tpu.memory_space<hbm>>
        %dma_start3A_1216 = tpu.memref_squeeze %dma_start3A_1215 : memref<1x32x128xf32, #tpu.memory_space<hbm>> -> memref<32x128xf32, #tpu.memory_space<hbm>>
        %dma_start3A_1217 = arith.constant 0 : i32
        %dma_start3A_1218 = tpu.memref_slice %arg7[%arg0, %add3A_1211, %dma_start3A_1217] : memref<2x10240x128xf32, #tpu.memory_space<hbm>> -> memref<1x32x128xf32, #tpu.memory_space<hbm>>
        %dma_start3A_1219 = tpu.memref_squeeze %dma_start3A_1218 : memref<1x32x128xf32, #tpu.memory_space<hbm>> -> memref<32x128xf32, #tpu.memory_space<hbm>>
        %dma_start3A_1220 = arith.constant 0 : i32
        %dma_start3A_1221 = arith.constant 0 : i32
        %dma_start3A_1222 = tpu.memref_slice %arg12[%dma_start3A_1220, %dma_start3A_1221] : memref<80x128xf32, #tpu.memory_space<vmem>> -> memref<32x128xf32, #tpu.memory_space<vmem>>
        tpu.enqueue_dma source(%dma_start3A_1222 : memref<32x128xf32, #tpu.memory_space<vmem>>) target(%dma_start3A_1219 : memref<32x128xf32, #tpu.memory_space<hbm>>) target_semaphore(%run_scoped3A : memref<!tpu.dma_semaphore, #tpu.memory_space<semaphore_mem>>)
        %dma_wait3A = arith.constant 0 : i32
        %dma_wait3A_1223 = arith.constant 0 : i32
        %dma_wait3A_1224 = tpu.memref_slice %arg12[%dma_wait3A, %dma_wait3A_1223] : memref<80x128xf32, #tpu.memory_space<vmem>> -> memref<32x128xf32, #tpu.memory_space<vmem>>
        %dma_wait3A_1225 = arith.constant 0 : i32
        %dma_wait3A_1226 = tpu.memref_slice %arg7[%arg0, %add3A_1211, %dma_wait3A_1225] : memref<2x10240x128xf32, #tpu.memory_space<hbm>> -> memref<1x32x128xf32, #tpu.memory_space<hbm>>
        %dma_wait3A_1227 = tpu.memref_squeeze %dma_wait3A_1226 : memref<1x32x128xf32, #tpu.memory_space<hbm>> -> memref<32x128xf32, #tpu.memory_space<hbm>>
        %dma_wait3A_1228 = arith.constant 0 : i32
        %dma_wait3A_1229 = tpu.memref_slice %arg7[%arg0, %add3A_1211, %dma_wait3A_1228] : memref<2x10240x128xf32, #tpu.memory_space<hbm>> -> memref<1x32x128xf32, #tpu.memory_space<hbm>>
        %dma_wait3A_1230 = tpu.memref_squeeze %dma_wait3A_1229 : memref<1x32x128xf32, #tpu.memory_space<hbm>> -> memref<32x128xf32, #tpu.memory_space<hbm>>
        %dma_wait3A_1231 = arith.constant 0 : i32
        %dma_wait3A_1232 = arith.constant 0 : i32
        %dma_wait3A_1233 = tpu.memref_slice %arg12[%dma_wait3A_1231, %dma_wait3A_1232] : memref<80x128xf32, #tpu.memory_space<vmem>> -> memref<32x128xf32, #tpu.memory_space<vmem>>
        tpu.wait_dma2 semaphore(%run_scoped3A : memref<!tpu.dma_semaphore, #tpu.memory_space<semaphore_mem>>) src(%dma_wait3A_1233 : memref<32x128xf32, #tpu.memory_space<vmem>>) dst(%dma_wait3A_1230 : memref<32x128xf32, #tpu.memory_space<hbm>>)
        tpu.yield
      }) : () -> ()
    }
    %scan3A_1203 = arith.constant 20 : i32
    return
  }
}

#map = affine_map<(d0, d1) -> (0, 0)>
#map1 = affine_map<(d0, d1) -> (0)>
module attributes {stable_mosaic.version = 14 : i64} {
  func.func @_k2_body(%arg0: i32, %arg1: i32, %arg2: memref<10000x128xf32, #tpu.memory_space<hbm>>, %arg3: memref<10000x128xf32, #tpu.memory_space<hbm>>, %arg4: memref<320000xi32, #tpu.memory_space<hbm>>, %arg5: memref<320000xi32, #tpu.memory_space<hbm>>, %arg6: memref<320000xf32, #tpu.memory_space<hbm>>, %arg7: memref<128xf32, #tpu.memory_space<hbm>>, %arg8: memref<128xf32, #tpu.memory_space<hbm>>, %arg9: memref<320000xf32, #tpu.memory_space<hbm>>, %arg10: memref<32x16xf32, #tpu.memory_space<hbm>>, %arg11: memref<80xi32, #tpu.memory_space<vmem>>, %arg12: memref<80xi32, #tpu.memory_space<vmem>>, %arg13: memref<80xf32, #tpu.memory_space<vmem>>, %arg14: memref<80x128xf32, #tpu.memory_space<vmem>>, %arg15: memref<80x128xf32, #tpu.memory_space<vmem>>, %arg16: memref<80xf32, #tpu.memory_space<vmem>>, %arg17: memref<16x16xf32, #tpu.memory_space<vmem>>, %arg18: memref<16xf32, #tpu.memory_space<vmem>>, %arg19: memref<128xf32, #tpu.memory_space<vmem>>, %arg20: memref<128xf32, #tpu.memory_space<vmem>>, %arg21: memref<!tpu.dma_semaphore, #tpu.memory_space<semaphore_mem>>, %arg22: memref<!tpu.dma_semaphore, #tpu.memory_space<semaphore_mem>>) attributes {dimension_semantics = [#tpu.dimension_semantics<core_parallel>, #tpu.dimension_semantics<subcore_parallel>], iteration_bounds = array<i64: 2, 16>, scalar_prefetch = 0 : i64, scratch_operands = 12 : i64, tpu.core_type = #tpu.core_type<sc_vector_subcore>, window_params = [{transform_indices = #map}, {transform_indices = #map}, {transform_indices = #map1}, {transform_indices = #map1}, {transform_indices = #map1}, {transform_indices = #map1}, {transform_indices = #map1}, {transform_indices = #map1}, {transform_indices = #map}]} {
    %mul3A = arith.constant 2 : i32
    %mul3A_0 = arith.muli %arg1, %mul3A : i32
    %add3A = arith.addi %mul3A_0, %arg0 : i32
    %mul3A_1 = arith.constant 10000 : i32
    %mul3A_2 = arith.muli %add3A, %mul3A_1 : i32
    "tpu.region"() ({
      %run_scoped3A = tpu.sem_alloc : memref<!tpu.dma_semaphore, #tpu.memory_space<semaphore_mem>>
      tpu.enqueue_dma source(%arg7 : memref<128xf32, #tpu.memory_space<hbm>>) target(%arg19 : memref<128xf32, #tpu.memory_space<vmem>>) target_semaphore(%run_scoped3A : memref<!tpu.dma_semaphore, #tpu.memory_space<semaphore_mem>>)
      tpu.wait_dma2 semaphore(%run_scoped3A : memref<!tpu.dma_semaphore, #tpu.memory_space<semaphore_mem>>) src(%arg7 : memref<128xf32, #tpu.memory_space<hbm>>) dst(%arg19 : memref<128xf32, #tpu.memory_space<vmem>>)
      tpu.yield
    }) : () -> ()
    "tpu.region"() ({
      %run_scoped3A = tpu.sem_alloc : memref<!tpu.dma_semaphore, #tpu.memory_space<semaphore_mem>>
      tpu.enqueue_dma source(%arg8 : memref<128xf32, #tpu.memory_space<hbm>>) target(%arg20 : memref<128xf32, #tpu.memory_space<vmem>>) target_semaphore(%run_scoped3A : memref<!tpu.dma_semaphore, #tpu.memory_space<semaphore_mem>>)
      tpu.wait_dma2 semaphore(%run_scoped3A : memref<!tpu.dma_semaphore, #tpu.memory_space<semaphore_mem>>) src(%arg8 : memref<128xf32, #tpu.memory_space<hbm>>) dst(%arg20 : memref<128xf32, #tpu.memory_space<vmem>>)
      tpu.yield
    }) : () -> ()
    %get3A = arith.constant 0 : index
    %get3A_3 = tpu.vector_load %arg19[%get3A] {strides = array<i32>} : memref<128xf32, #tpu.memory_space<vmem>>, vector<16xf32>,
    %get3A_4 = arith.constant 16 : index
    %get3A_5 = tpu.vector_load %arg19[%get3A_4] {strides = array<i32>} : memref<128xf32, #tpu.memory_space<vmem>>, vector<16xf32>,
    %get3A_6 = arith.constant 32 : index
    %get3A_7 = tpu.vector_load %arg19[%get3A_6] {strides = array<i32>} : memref<128xf32, #tpu.memory_space<vmem>>, vector<16xf32>,
    %get3A_8 = arith.constant 48 : index
    %get3A_9 = tpu.vector_load %arg19[%get3A_8] {strides = array<i32>} : memref<128xf32, #tpu.memory_space<vmem>>, vector<16xf32>,
    %get3A_10 = arith.constant 64 : index
    %get3A_11 = tpu.vector_load %arg19[%get3A_10] {strides = array<i32>} : memref<128xf32, #tpu.memory_space<vmem>>, vector<16xf32>,
    %get3A_12 = arith.constant 80 : index
    %get3A_13 = tpu.vector_load %arg19[%get3A_12] {strides = array<i32>} : memref<128xf32, #tpu.memory_space<vmem>>, vector<16xf32>,
    %get3A_14 = arith.constant 96 : index
    %get3A_15 = tpu.vector_load %arg19[%get3A_14] {strides = array<i32>} : memref<128xf32, #tpu.memory_space<vmem>>, vector<16xf32>,
    %get3A_16 = arith.constant 112 : index
    %get3A_17 = tpu.vector_load %arg19[%get3A_16] {strides = array<i32>} : memref<128xf32, #tpu.memory_space<vmem>>, vector<16xf32>,
    %get3A_18 = arith.constant 0 : index
    %get3A_19 = tpu.vector_load %arg20[%get3A_18] {strides = array<i32>} : memref<128xf32, #tpu.memory_space<vmem>>, vector<16xf32>,
    %get3A_20 = arith.constant 16 : index
    %get3A_21 = tpu.vector_load %arg20[%get3A_20] {strides = array<i32>} : memref<128xf32, #tpu.memory_space<vmem>>, vector<16xf32>,
    %get3A_22 = arith.constant 32 : index
    %get3A_23 = tpu.vector_load %arg20[%get3A_22] {strides = array<i32>} : memref<128xf32, #tpu.memory_space<vmem>>, vector<16xf32>,
    %get3A_24 = arith.constant 48 : index
    %get3A_25 = tpu.vector_load %arg20[%get3A_24] {strides = array<i32>} : memref<128xf32, #tpu.memory_space<vmem>>, vector<16xf32>,
    %get3A_26 = arith.constant 64 : index
    %get3A_27 = tpu.vector_load %arg20[%get3A_26] {strides = array<i32>} : memref<128xf32, #tpu.memory_space<vmem>>, vector<16xf32>,
    %get3A_28 = arith.constant 80 : index
    %get3A_29 = tpu.vector_load %arg20[%get3A_28] {strides = array<i32>} : memref<128xf32, #tpu.memory_space<vmem>>, vector<16xf32>,
    %get3A_30 = arith.constant 96 : index
    %get3A_31 = tpu.vector_load %arg20[%get3A_30] {strides = array<i32>} : memref<128xf32, #tpu.memory_space<vmem>>, vector<16xf32>,
    %get3A_32 = arith.constant 112 : index
    %get3A_33 = tpu.vector_load %arg20[%get3A_32] {strides = array<i32>} : memref<128xf32, #tpu.memory_space<vmem>>, vector<16xf32>,
    %iota3A = tpu.iota {dimensions = array<i32: 0>} : vector<16xi32>
    %broadcast_in_dim3A = arith.constant -3.000000e+38 : f32
    %broadcast_in_dim3A_34 = vector.broadcast %broadcast_in_dim3A : f32 to vector<16xf32>
    %swap3A = arith.constant 0 : index
    %swap3A_35 = tpu.vector_load %arg18[%swap3A] {strides = array<i32>} : memref<16xf32, #tpu.memory_space<vmem>>, vector<16xf32>,
    tpu.vector_store %arg18[%swap3A], %broadcast_in_dim3A_34 {strides = array<i32>} : memref<16xf32, #tpu.memory_space<vmem>>, vector<16xf32>,
    %scan3A = arith.constant 0 : i32
    %scan3A_36 = arith.constant 125 : i32
    %scan3A_37 = arith.addi %scan3A, %scan3A_36 : i32
    %scan3A_38 = arith.constant 1 : i32
    scf.for %scan3A_40 = %scan3A to %scan3A_37 step %scan3A_38  : i32 {
      %mul3A_41 = arith.constant 80 : i32
      %mul3A_42 = arith.muli %scan3A_40, %mul3A_41 : i32
      %add3A_43 = arith.constant 0 : i32
      %add3A_44 = arith.addi %add3A_43, %mul3A_42 : i32
    }
    %scan3A_39 = arith.constant 125 : i32
    "tpu.region"() ({
      %run_scoped3A = tpu.sem_alloc : memref<!tpu.dma_semaphore, #tpu.memory_space<semaphore_mem>>
      %dma_start3A = arith.constant 0 : i32
      %dma_start3A_40 = tpu.memref_slice %arg10[%add3A, %dma_start3A] : memref<32x16xf32, #tpu.memory_space<hbm>> -> memref<1x16xf32, #tpu.memory_space<hbm>>
      %dma_start3A_41 = tpu.memref_squeeze %dma_start3A_40 : memref<1x16xf32, #tpu.memory_space<hbm>> -> memref<16xf32, #tpu.memory_space<hbm>>
      %dma_start3A_42 = arith.constant 0 : i32
      %dma_start3A_43 = tpu.memref_slice %arg10[%add3A, %dma_start3A_42] : memref<32x16xf32, #tpu.memory_space<hbm>> -> memref<1x16xf32, #tpu.memory_space<hbm>>
      %dma_start3A_44 = tpu.memref_squeeze %dma_start3A_43 : memref<1x16xf32, #tpu.memory_space<hbm>> -> memref<16xf32, #tpu.memory_space<hbm>>
      tpu.enqueue_dma source(%arg18 : memref<16xf32, #tpu.memory_space<vmem>>) target(%dma_start3A_44 : memref<16xf32, #tpu.memory_space<hbm>>) target_semaphore(%run_scoped3A : memref<!tpu.dma_semaphore, #tpu.memory_space<semaphore_mem>>)
      %dma_wait3A = arith.constant 0 : i32
      %dma_wait3A_45 = tpu.memref_slice %arg10[%add3A, %dma_wait3A] : memref<32x16xf32, #tpu.memory_space<hbm>> -> memref<1x16xf32, #tpu.memory_space<hbm>>
      %dma_wait3A_46 = tpu.memref_squeeze %dma_wait3A_45 : memref<1x16xf32, #tpu.memory_space<hbm>> -> memref<16xf32, #tpu.memory_space<hbm>>
      %dma_wait3A_47 = arith.constant 0 : i32
      %dma_wait3A_48 = tpu.memref_slice %arg10[%add3A, %dma_wait3A_47] : memref<32x16xf32, #tpu.memory_space<hbm>> -> memref<1x16xf32, #tpu.memory_space<hbm>>
      %dma_wait3A_49 = tpu.memref_squeeze %dma_wait3A_48 : memref<1x16xf32, #tpu.memory_space<hbm>> -> memref<16xf32, #tpu.memory_space<hbm>>
      tpu.wait_dma2 semaphore(%run_scoped3A : memref<!tpu.dma_semaphore, #tpu.memory_space<semaphore_mem>>) src(%arg18 : memref<16xf32, #tpu.memory_space<vmem>>) dst(%dma_wait3A_49 : memref<16xf32, #tpu.memory_space<hbm>>)
      tpu.yield
    }) : () -> ()
    return
  }
}

module attributes {stable_mosaic.version = 14 : i64} {
  func.func @_k4_body(%arg0: memref<2x10240x128xf32, #tpu.memory_space<vmem>>, %arg1: memref<32x10000xf32, #tpu.memory_space<vmem>>, %arg2: memref<1x128xf32, #tpu.memory_space<vmem>>, %arg3: memref<128x128xf32, #tpu.memory_space<vmem>>, %arg4: memref<1x128xf32, #tpu.memory_space<vmem>>, %arg5: memref<10000x128xf32, #tpu.memory_space<vmem>>) attributes {dimension_semantics = [], scalar_prefetch = 0 : i64, scratch_operands = 0 : i64, tpu.core_type = #tpu.core_type<tc>} {
    %get3A = arith.constant 0 : index
    %get3A_0 = arith.constant 0 : index
    %get3A_1 = arith.constant 0 : index
    %get3A_2 = vector.load %arg0[%get3A, %get3A_0, %get3A_1] : memref<2x10240x128xf32, #tpu.memory_space<vmem>>, vector<1x10000x128xf32>
    %get3A_3 = vector.shape_cast %get3A_2 : vector<1x10000x128xf32> to vector<10000x128xf32>
    %get3A_4 = arith.constant 1 : index
    %get3A_5 = arith.constant 0 : index
    %get3A_6 = arith.constant 0 : index
    %get3A_7 = vector.load %arg0[%get3A_4, %get3A_5, %get3A_6] : memref<2x10240x128xf32, #tpu.memory_space<vmem>>, vector<1x10000x128xf32>
    %get3A_8 = vector.shape_cast %get3A_7 : vector<1x10000x128xf32> to vector<10000x128xf32>
    %add3A = arith.addf %get3A_3, %get3A_8 : vector<10000x128xf32>
    %get3A_9 = arith.constant 0 : index
    %get3A_10 = arith.constant 0 : index
    %get3A_11 = vector.load %arg1[%get3A_9, %get3A_10] : memref<32x10000xf32, #tpu.memory_space<vmem>>, vector<32x10000xf32>
    %reduce_sum3A = arith.constant dense<0.000000e+00> : vector<10000xf32>
    %reduce_sum3A_12 = vector.multi_reduction <add>, %get3A_11, %reduce_sum3A [0] : vector<32x10000xf32> to vector<10000xf32>
    %broadcast_in_dim3A = vector.shape_cast %reduce_sum3A_12 : vector<10000xf32> to vector<10000x1xf32>
    %gt3A = arith.constant 0.000000e+00 : f32
    %gt3A_13 = vector.broadcast %gt3A : f32 to vector<10000x1xf32>
    %gt3A_14 = arith.cmpf ogt, %broadcast_in_dim3A, %gt3A_13 : vector<10000x1xf32>
    %jit3A = arith.constant 1.000000e+00 : f32
    %broadcast_in_dim3A_15 = vector.broadcast %jit3A : f32 to vector<10000x1xf32>
    %select_n3A = arith.select %gt3A_14, %broadcast_in_dim3A, %broadcast_in_dim3A_15 : vector<10000x1xi1>, vector<10000x1xf32>
    %div3A = vector.broadcast %select_n3A : vector<10000x1xf32> to vector<10000x128xf32>
    %div3A_16 = arith.divf %add3A, %div3A : vector<10000x128xf32>
    %jit3A_17 = arith.constant 0.000000e+00 : f32
    %broadcast_in_dim3A_18 = vector.shape_cast %gt3A_14 : vector<10000x1xi1> to vector<10000x1xi1>
    %broadcast_in_dim3A_19 = vector.broadcast %broadcast_in_dim3A_18 : vector<10000x1xi1> to vector<10000x128xi1>
    %broadcast_in_dim3A_20 = vector.broadcast %jit3A_17 : f32 to vector<10000x128xf32>
    %select_n3A_21 = arith.select %broadcast_in_dim3A_19, %div3A_16, %broadcast_in_dim3A_20 : vector<10000x128xi1>, vector<10000x128xf32>
    %get3A_22 = arith.constant 0 : index
    %get3A_23 = arith.constant 0 : index
    %get3A_24 = vector.load %arg2[%get3A_22, %get3A_23] : memref<1x128xf32, #tpu.memory_space<vmem>>, vector<1x128xf32>
    %add3A_25 = vector.broadcast %get3A_24 : vector<1x128xf32> to vector<10000x128xf32>
    %add3A_26 = arith.addf %select_n3A_21, %add3A_25 : vector<10000x128xf32>
    %get3A_27 = arith.constant 0 : index
    %get3A_28 = arith.constant 0 : index
    %get3A_29 = vector.load %arg3[%get3A_27, %get3A_28] : memref<128x128xf32, #tpu.memory_space<vmem>>, vector<128x128xf32>
    %dot_general3A = arith.constant dense<0.000000e+00> : vector<10000x128xf32>
    %dot_general3A_30 = tpu.matmul %add3A_26, %get3A_29, %dot_general3A {dimension_numbers = #tpu.dot_dimension_numbers<[1], [0], [0], [1], [0, 0, 1, 1], [], []>, transpose_lhs_hint = false} : vector<10000x128xf32>, vector<128x128xf32>, vector<10000x128xf32> -> vector<10000x128xf32>
    %get3A_31 = arith.constant 0 : index
    %get3A_32 = arith.constant 0 : index
    %get3A_33 = vector.load %arg4[%get3A_31, %get3A_32] : memref<1x128xf32, #tpu.memory_space<vmem>>, vector<1x128xf32>
    %add3A_34 = vector.broadcast %get3A_33 : vector<1x128xf32> to vector<10000x128xf32>
    %add3A_35 = arith.addf %dot_general3A_30, %add3A_34 : vector<10000x128xf32>
    %jit3A_36 = arith.constant 0.000000e+00 : f32
    %jit3A_37 = arith.constant 6.000000e+00 : f32
    %max3A = vector.broadcast %jit3A_36 : f32 to vector<10000x128xf32>
    %max3A_38 = arith.maximumf %max3A, %add3A_35 : vector<10000x128xf32>
    %min3A = vector.broadcast %jit3A_37 : f32 to vector<10000x128xf32>
    %min3A_39 = arith.minimumf %min3A, %max3A_38 : vector<10000x128xf32>
    %swap3A = arith.constant 0 : index
    %swap3A_40 = arith.constant 0 : index
    %swap3A_41 = vector.load %arg5[%swap3A, %swap3A_40] : memref<10000x128xf32, #tpu.memory_space<vmem>>, vector<10000x128xf32>
    tpu.vector_store %arg5[%swap3A, %swap3A_40], %min3A_39 {strides = array<i32>} : memref<10000x128xf32, #tpu.memory_space<vmem>>, vector<10000x128xf32>,
    return
  }
}

module attributes {stable_mosaic.version = 14 : i64} {
  func.func @_k1_body(%arg0: i32, %arg1: memref<1000x128xf32, #tpu.memory_space<vmem>>, %arg2: memref<128x128xf32, #tpu.memory_space<vmem>>, %arg3: memref<128x128xf32, #tpu.memory_space<vmem>>, %arg4: memref<1x128xf32, #tpu.memory_space<vmem>>, %arg5: memref<1x128xf32, #tpu.memory_space<vmem>>, %arg6: memref<1000x128xf32, #tpu.memory_space<vmem>>, %arg7: memref<1000x128xf32, #tpu.memory_space<vmem>>) attributes {dimension_semantics = [#tpu.dimension_semantics<arbitrary>], iteration_bounds = array<i64: 10>, scalar_prefetch = 0 : i64, scratch_operands = 0 : i64, tpu.core_type = #tpu.core_type<tc>, window_params = [{transform_indices = @transform_0, window_bounds = array<i64: 1000, 128>}, {pipeline_mode = #tpu.pipeline_mode<synchronous>, transform_indices = @transform_1, window_bounds = array<i64: 128, 128>}, {pipeline_mode = #tpu.pipeline_mode<synchronous>, transform_indices = @transform_2, window_bounds = array<i64: 128, 128>}, {pipeline_mode = #tpu.pipeline_mode<synchronous>, transform_indices = @transform_3, window_bounds = array<i64: 1, 128>}, {pipeline_mode = #tpu.pipeline_mode<synchronous>, transform_indices = @transform_4, window_bounds = array<i64: 1, 128>}, {transform_indices = @transform_5, window_bounds = array<i64: 1000, 128>}, {transform_indices = @transform_6, window_bounds = array<i64: 1000, 128>}]} {
    %get3A = arith.constant 0 : index
    %get3A_0 = arith.constant 0 : index
    %get3A_1 = vector.load %arg1[%get3A, %get3A_0] : memref<1000x128xf32, #tpu.memory_space<vmem>>, vector<1000x128xf32>
    %get3A_2 = arith.constant 0 : index
    %get3A_3 = arith.constant 0 : index
    %get3A_4 = vector.load %arg2[%get3A_2, %get3A_3] : memref<128x128xf32, #tpu.memory_space<vmem>>, vector<128x128xf32>
    %dot_general3A = arith.constant dense<0.000000e+00> : vector<1000x128xf32>
    %dot_general3A_5 = tpu.matmul %get3A_1, %get3A_4, %dot_general3A {dimension_numbers = #tpu.dot_dimension_numbers<[1], [0], [0], [1], [0, 0, 1, 1], [], []>, transpose_lhs_hint = false} : vector<1000x128xf32>, vector<128x128xf32>, vector<1000x128xf32> -> vector<1000x128xf32>
    %get3A_6 = arith.constant 0 : index
    %get3A_7 = arith.constant 0 : index
    %get3A_8 = vector.load %arg4[%get3A_6, %get3A_7] : memref<1x128xf32, #tpu.memory_space<vmem>>, vector<1x128xf32>
    %add3A = vector.broadcast %get3A_8 : vector<1x128xf32> to vector<1000x128xf32>
    %add3A_9 = arith.addf %dot_general3A_5, %add3A : vector<1000x128xf32>
    %swap3A = arith.constant 0 : index
    %swap3A_10 = arith.constant 0 : index
    %swap3A_11 = vector.load %arg6[%swap3A, %swap3A_10] : memref<1000x128xf32, #tpu.memory_space<vmem>>, vector<1000x128xf32>
    tpu.vector_store %arg6[%swap3A, %swap3A_10], %add3A_9 {strides = array<i32>} : memref<1000x128xf32, #tpu.memory_space<vmem>>, vector<1000x128xf32>,
    %get3A_12 = arith.constant 0 : index
    %get3A_13 = arith.constant 0 : index
    %get3A_14 = vector.load %arg3[%get3A_12, %get3A_13] : memref<128x128xf32, #tpu.memory_space<vmem>>, vector<128x128xf32>
    %dot_general3A_15 = arith.constant dense<0.000000e+00> : vector<1000x128xf32>
    %dot_general3A_16 = tpu.matmul %get3A_1, %get3A_14, %dot_general3A_15 {dimension_numbers = #tpu.dot_dimension_numbers<[1], [0], [0], [1], [0, 0, 1, 1], [], []>, transpose_lhs_hint = false} : vector<1000x128xf32>, vector<128x128xf32>, vector<1000x128xf32> -> vector<1000x128xf32>
    %get3A_17 = arith.constant 0 : index
    %get3A_18 = arith.constant 0 : index
    %get3A_19 = vector.load %arg5[%get3A_17, %get3A_18] : memref<1x128xf32, #tpu.memory_space<vmem>>, vector<1x128xf32>
    %add3A_20 = vector.broadcast %get3A_19 : vector<1x128xf32> to vector<1000x128xf32>
    %add3A_21 = arith.addf %dot_general3A_16, %add3A_20 : vector<1000x128xf32>
    %swap3A_22 = arith.constant 0 : index
    %swap3A_23 = arith.constant 0 : index
    %swap3A_24 = vector.load %arg7[%swap3A_22, %swap3A_23] : memref<1000x128xf32, #tpu.memory_space<vmem>>, vector<1000x128xf32>
    tpu.vector_store %arg7[%swap3A_22, %swap3A_23], %add3A_21 {strides = array<i32>} : memref<1000x128xf32, #tpu.memory_space<vmem>>, vector<1000x128xf32>,
    return
  }
  func.func @transform_0(%arg0: i32) -> (i32, i32) {
    %c0_i32 = arith.constant 0 : i32
    %c0_i32_0 = arith.constant 0 : i32
    return %arg0, %c0_i32 : i32, i32
  }
  func.func @transform_1(%arg0: i32) -> (i32, i32) {
    %c0_i32 = arith.constant 0 : i32
    %c0_i32_0 = arith.constant 0 : i32
    %c0_i32_1 = arith.constant 0 : i32
    return %c0_i32, %c0_i32_0 : i32, i32
  }
  func.func @transform_2(%arg0: i32) -> (i32, i32) {
    %c0_i32 = arith.constant 0 : i32
    %c0_i32_0 = arith.constant 0 : i32
    %c0_i32_1 = arith.constant 0 : i32
    return %c0_i32, %c0_i32_0 : i32, i32
  }
  func.func @transform_3(%arg0: i32) -> (i32, i32) {
    %c0_i32 = arith.constant 0 : i32
    %c0_i32_0 = arith.constant 0 : i32
    %c0_i32_1 = arith.constant 0 : i32
    return %c0_i32, %c0_i32_0 : i32, i32
  }
  func.func @transform_4(%arg0: i32) -> (i32, i32) {
    %c0_i32 = arith.constant 0 : i32
    %c0_i32_0 = arith.constant 0 : i32
    %c0_i32_1 = arith.constant 0 : i32
    return %c0_i32, %c0_i32_0 : i32, i32
  }
  func.func @transform_5(%arg0: i32) -> (i32, i32) {
    %c0_i32 = arith.constant 0 : i32
    %c0_i32_0 = arith.constant 0 : i32
    return %arg0, %c0_i32 : i32, i32
  }
  func.func @transform_6(%arg0: i32) -> (i32, i32) {
    %c0_i32 = arith.constant 0 : i32
    %c0_i32_0 = arith.constant 0 : i32
    return %arg0, %c0_i32 : i32, i32
  }
}

</mosaic_0001>

<sc_bundles>
// kernel: kernel.6.cloned.1.call-start
scs
__scs_entry_jumppad:
0x0: {  	(pc) =	sbr.rel $0x88, $3  }
0x1: {  	(tag) =	ssettag $0x0;
	lr =	simm.s32 $0x1  }
0x2: {  	[smem:$0x3F95] =	sst lr;
	_ =	strace $0xD0000000  }
0x3: {  	_ = 	snop  }
0x4: {  	_ = 	snop  }
0x5: {  	_ = 	snop  }
0x6: {  	_ = 	snop  }
0x7: {  	_ = 	snop  }
__scs_overlays_trampoline_lowered:
0x8: {  	[smem:$0x3FA4] =	sst s0  }
0x9: {  	[smem:$0x3FA5] =	sst s1  }
0xa: {  	[smem:$0x3FA6] =	sst s2  }
0xb: {  	[smem:$0x3FA7] =	sst s3  }
0xc: {  	[smem:$0x3FA8] =	sst s4  }
0xd: {  	[smem:$0x3FA9] =	sst s5  }
0xe: {  	[smem:$0x3FAA] =	sst s6  }
0xf: {  	[smem:$0x3FAB] =	sst s7  }
0x10: {  	[smem:$0x3FAC] =	sst s8  }
0x11: {  	[smem:$0x3FAD] =	sst s9;
	s0 =	simm.s32 @!p0 $0x0  }
0x12: {  	s1 =	sld [smem:$0x3F93];
	s0 =	simm.s32 @p0 $0x1  }
0x13: {  	[smem:$0x3FAE] =	sst s0;
	s0 =	simm.s32 @!p1 $0x0  }
0x14: {  	s2 =	sld [smem:$0x3F92];
	s0 =	simm.s32 @p1 $0x1  }
0x15: {  	[smem:$0x3FAF] =	sst s0;
	s0 =	simm.s32 @!p2 $0x0  }
0x16: {  	s3 =	sld [smem:$0x3FDB];
	s0 =	simm.s32 @p2 $0x1  }
0x17: {  	s4 =	simm.s32 $0x1BF5;
	[smem:$0x3FB1] =	sst s0  }
0x18: {  	s0 =	sld [smem:$0x3F94];
	_ =	swait.ge [sflag:s4], $0x0  }
0x19: {  	s7 =	sld [smem:$0x3F95]  }
0x1a: {  	s8 =	sadd.s32 $0xFFFFE003, lr  }
0x1b: {  	s9 =	sadd.s32 $0xFFFFFEF7, lr;
	s5 =	simm.s32 $0xFFFFFFFF;
	p2 =	slt.u32 s8, $0xFFFFF086  }
0x1c: {  	p1 =	slt.u32 s9, $0xF7A;
	s5 =	simm.s32 @!p2 $0x0  }
0x1d: {  	s5 =	simm.s32 @p1 $0x1;
	p0 =	seq.s32 s7, s2  }
0x1e: {  	s7 =	smul.u32 @!p0 $0xF7A, s2;
	p2 =	seq.s32 @!p0 s5, $0x0  }
0x1f: {  	s9 =	smul.u32 $0xF7A, s1;
	s8 =	simm.s32 @!p0 $0x1BF5;
	p2 =	por !p2, p0  }
0x20: {  	[sflag:s8] =	ssyncset.s32 @!p0 $0xFFFFF086;
	s6 =	sadd.s32 @!p0 s3, s7;
	s7 =	simm.s32 @!p0 $0x108  }
0x21: {  	s3 =	sadd.s32 s3, s9;
	s6 =	sadd.s32 @!p0 $0x88, s6;
	s7 =	simm.s32 @p2 $0x1082  }
0x22: {  	[simem:s7], [sflag:s8] =	dma.local @!p0 [hbm:s6], $0xF7A  }
0x23: {  	s9 =	sor.u32 $0xD0000000, s2;
	s6 =	simm.s32 $0x108;
	_ =	swait.ge @!p0 [sflag:s8], $0x0  }
0x24: {  	s3 =	sadd.s32 $0x88, s3;
	s6 =	simm.s32 @!p1 $0x1082;
	[sflag:s4] =	ssyncset.s32 $0xFFFFF086  }
0x25: {  	[simem:s6], [sflag:s4] =	dma.local [hbm:s3], $0xF7A  }
0x26: {  	[smem:$0x3F95] =	sst s1;
	(tag) =	ssettag s2;
	_ =	strace s9  }
0x27: {  	s1 =	sld [smem:$0x3FA5]  }
0x28: {  	s2 =	sld [smem:$0x3FA6]  }
0x29: {  	s4 =	sld [smem:$0x3FA8]  }
0x2a: {  	p0 =	seq.s32 s5, $0x0;
	s5 =	sld [smem:$0x3FA9]  }
0x2b: {  	s6 =	sld [smem:$0x3FAA]  }
0x2c: {  	s7 =	sld [smem:$0x3FAB]  }
0x2d: {  	s3 =	simm.s32 $0x108;
	s8 =	sld [smem:$0x3FAC]  }
0x2e: {  	s3 =	simm.s32 @!p0 $0x1082;
	s9 =	sld [smem:$0x3FAD]  }
0x2f: {  	lr =	sadd.s32 s0, s3;
	s0 =	sld [smem:$0x3FA4]  }
0x30: {  	s3 =	sld [smem:$0x3FA7]  }
0x31: {  	[smem:$0x3FB0] =	sst s10  }
0x32: {  	s10 =	sld [smem:$0x3FAE];
	_ =	sdelay $0x3  }
0x33: {  	p0 =	seq.s32 s10, $0x1;
	s10 =	sld [smem:$0x3FB0];
	_ =	sdelay $0x3  }
0x34: {  	[smem:$0x3FB0] =	sst s10  }
0x35: {  	s10 =	sld [smem:$0x3FAF];
	_ =	sdelay $0x3  }
0x36: {  	p1 =	seq.s32 s10, $0x1;
	s10 =	sld [smem:$0x3FB0];
	_ =	sdelay $0x3  }
0x37: {  	[smem:$0x3FB0] =	sst s10  }
0x38: {  	s10 =	sld [smem:$0x3FB1]  }
0x39: {  	_ = 	snop;
	(pc) =	sbr.ind lr, $3  }
0x3a: {  	_ = 	snop  }
0x3b: {  	_ = 	snop  }
0x3c: {  	p2 =	seq.s32 s10, $0x1;
	s10 =	sld [smem:$0x3FB0]  }
0x3d: {  	_ =	shalt  }
0x3e: {  	_ =	shalt  }
0x3f: {  	_ =	shalt  }
0x40: {  	_ =	shalt  }
0x41: {  	_ =	shalt  }
0x42: {  	_ =	shalt  }
0x43: {  	_ =	shalt  }
0x44: {  	_ =	shalt  }
0x45: {  	_ =	shalt  }
0x46: {  	_ =	shalt  }
0x47: {  	_ =	shalt  }
0x48: {  	_ =	shalt  }
0x49: {  	_ =	shalt  }
0x4a: {  	_ =	shalt  }
0x4b: {  	_ =	shalt  }
0x4c: {  	_ =	shalt  }
0x4d: {  	_ =	shalt  }
0x4e: {  	_ =	shalt  }
0x4f: {  	_ =	shalt  }
0x50: {  	_ =	shalt  }
0x51: {  	_ =	shalt  }
0x52: {  	_ =	shalt  }
0x53: {  	_ =	shalt  }
0x54: {  	_ =	shalt  }
0x55: {  	_ =	shalt  }
0x56: {  	_ =	shalt  }
0x57: {  	_ =	shalt  }
0x58: {  	_ =	shalt  }
0x59: {  	_ =	shalt  }
0x5a: {  	_ =	shalt  }
0x5b: {  	_ =	shalt  }
0x5c: {  	_ =	shalt  }
0x5d: {  	_ =	shalt  }
0x5e: {  	_ =	shalt  }
0x5f: {  	_ =	shalt  }
0x60: {  	_ =	shalt  }
0x61: {  	_ =	shalt  }
0x62: {  	_ =	shalt  }
0x63: {  	_ =	shalt  }
0x64: {  	_ =	shalt  }
0x65: {  	_ =	shalt  }
0x66: {  	_ =	shalt  }
0x67: {  	_ =	shalt  }
0x68: {  	_ =	shalt  }
0x69: {  	_ =	shalt  }
0x6a: {  	_ =	shalt  }
0x6b: {  	_ =	shalt  }
0x6c: {  	_ =	shalt  }
0x6d: {  	_ =	shalt  }
0x6e: {  	_ =	shalt  }
0x6f: {  	_ =	shalt  }
0x70: {  	_ =	shalt  }
0x71: {  	_ =	shalt  }
0x72: {  	_ =	shalt  }
0x73: {  	_ =	shalt  }
0x74: {  	_ =	shalt  }
0x75: {  	_ =	shalt  }
0x76: {  	_ =	shalt  }
0x77: {  	_ =	shalt  }
0x78: {  	_ =	shalt  }
0x79: {  	_ =	shalt  }
0x7a: {  	_ =	shalt  }
0x7b: {  	_ =	shalt  }
0x7c: {  	_ =	shalt  }
0x7d: {  	_ =	shalt  }
0x7e: {  	_ =	shalt  }
0x7f: {  	_ =	shalt  }
0x80: {  	_ =	shalt  }
0x81: {  	_ =	shalt  }
0x82: {  	_ =	shalt  }
0x83: {  	_ =	shalt  }
0x84: {  	_ =	shalt  }
0x85: {  	_ =	shalt  }
0x86: {  	_ =	shalt  }
0x87: {  	_ =	shalt  }
.Lfunc_end0:
.L_simem_size_0:
called_computation_lowered:
.L_overlay_start_0:
0x88: {  	s2 =	sld [smem:$0x3FD9]  }
0x89: {  	s3 =	sld [smem:$0x3FFE];
	_ =	sdelay $0x1  }
0x8a: {  	s1 =	srdreg.scid  }
0x8b: {  	s0 =	sand.u32 $0x1, s1  }
0x8c: {  	s17 =	sshll.u32 s0, $0xA;
	s2 =	sadd.s32 s3, s2  }
0x8d: {  	s2 =	sadd.s32 s2, s17  }
0x8e: {  	[smem:$0x3FBC] =	sst s2  }
0x8f: {  	_ = 	snop  }
0x90: {  	s2 =	sld [smem:$0x3FC2]  }
0x91: {  	s18 =	sld [smem:$0x3FC1];
	(tm) =	ssettm $0x1  }
0x92: {  	s4 =	sld [smem:$0x3FFB];
	_ =	sdelay $0x3  }
0x93: {  	_ =	strace s4  }
0x94: {  	s4 =	sld [smem:$0x3FFC];
	_ =	sdelay $0x3  }
0x95: {  	_ =	strace s4  }
0x96: {  	s4 =	sld [smem:$0x3FFD];
	_ =	sdelay $0x3  }
0x97: {  	_ =	strace s4  }
0x98: {  	_ =	strace $0x8FFFFFFF  }
0x99: {  	s19 =	sld [smem:$0x3FDB];
	_ =	sdelay $0x1  }
0x9a: {  	s5 =	simm.s32 $_scs_section_size  }
0x9b: {  	s6 =	simm.s32 $_size__tile_overlayer_lowered;
	s7 =	simm.s32 $_tile_overlayer_lowered  }
0x9c: {  	s22 =	simm.s32 $0x1BFF;
	s21 =	sshll.u32 s7, $0x1;
	s4 =	sadd.s32 s5, s19  }
0x9d: {  	s8 =	simm.s32 $0x0;
	s20 =	sshll.u32 s6, $0x1;
	s6 =	sadd.s32 s21, s4  }
0x9e: {  	[timem:s8], [sflag:s22] =	dma.local [hbm:s6], s20  }
0x9f: {  	_ =	swait.ge [sflag:s22], s20  }
0xa0: {  	s5 =	ssub.s32 $0x0, s20;
	[sflag:s22] =	ssyncset.done $0x0  }
0xa1: {  	[sflag:s22] =	ssyncadd.s32 s5;
	_ =	sdelay $0x1  }
0xa2: {  	s23 =	simm.s32 $0x1B8B  }
0xa3: {  	_ =	swait.ge [sflag:s23], $0x1  }
0xa4: {  	[sflag:s23] =	ssyncset.done $0x0  }
0xa5: {  	s25 =	simm.s32 $0x1B8E;
	s24 =	sld [smem:$0x3FFE];
	[sflag:s23] =	ssyncadd.s32 $0xFFFFFFFF  }
0xa6: {  	s26 =	simm.s32 $execute0_lowered;
	[smem:$0x3FD2] =	sst s25  }
0xa7: {  	s6 =	sshll.u32 s26, $0x1;
	_ =	strace $0x80000046;
	[dreg:$0x1] =	wrdreg $0xFFFFFFFF  }
0xa8: {  	s28 =	simm.s32 $_size_execute0_lowered;
	s4 =	sadd.s32 s4, s6;
	[dreg:$0x0] =	wrdreg $0x0  }
0xa9: {  	s6 =	sshll.u32 s28, $0x1;
	[dreg:$0x2] =	wrdreg s4  }
0xaa: {  	[dreg:$0x3] =	wrdreg s6  }
0xab: {  	[dreg:$0x4] =	wrdreg $0xC0  }
0xac: {  	_ =	task [dreg:s8], $0x5FFFF  }
0xad: {  	[dreg:$0x1] =	wrdreg $0xFFFFFFFF  }
0xae: {  	[dreg:$0x0] =	wrdreg $0x60  }
0xaf: {  	[dreg:$0x2] =	wrdreg s2  }
0xb0: {  	[dreg:$0x3] =	wrdreg s18  }
0xb1: {  	[dreg:$0x4] =	wrdreg s24  }
0xb2: {  	[dreg:$0x5] =	wrdreg $0x9  }
0xb3: {  	_ =	task.clear_ibuf [dreg:s8], $0x6FFFF;
	_ =	strace $0x90000046  }
0xb4: {  	s29 =	simm.s32 $0x9;
	_ =	strace $0x80000048  }
0xb5: {  	_ =	swait.ge [sflag:s29], $0x1  }
0xb6: {  	[sflag:s29] =	ssyncadd.s32 $0xFFFFFFFF  }
0xb7: {  	_ =	strace $0x90000048  }
0xb8: {  	_ =	sfence  }
0xb9: {  	s30 =	sld [smem:$0x0];
	_ =	sdelay $0x2  }
0xba: {  	s31 =	sshll.u32 s1, $0xD;
	s1 =	sshrl.u32 s1, $0x2  }
0xbb: {  	s3 =	sand.u32 $0x4000, s31;
	s1 =	sadd.s32 s1, s30  }
0xbc: {  	s0 =	sor.u32 s3, s0;
	s1 =	sshll.u32 s1, $0x11  }
0xbd: {  	s0 =	sor.u32 s1, s0  }
0xbe: {  	s0 =	sadd.s32 $0x8F2B, s0  }
0xbf: {  	[sflag:s0] =	ssyncadd.remote.s32 $0x1  }
0xc0: {  	_ =	sfence.sel $0xFFFF  }
0xc1: {  	[dreg:$0x0] =	wrdreg $0xFFFFFFFF;
	(pc) =	sbr.abs _section_cstart, $3  }
0xc2: {  	[dreg:$0x1] =	wrdreg $0xFFFFFFFF  }
0xc3: {  	_ =	task.clear_ibuf [dreg:s8], $0x2FFFF;
	_ =	strace $0x9FFFFFFF  }
0xc4: {  	(tm) =	ssettm $0x7FFFFFFF  }
0xc5: {  	_ =	shalt  }
tec
execute0_lowered:
.L_overlay_start_1:
0x0: {  	(tag) =	ssettag $0x1  }
0x1: {  	s1 =	rddreg [dreg:$0x0]  }
0x2: {  	s2 =	rddreg [dreg:$0x1]  }
0x3: {  	s6 =	rddreg [dreg:$0x2]  }
0x4: {  	s0 =	rddreg [dreg:$0x3];
	s3 =	simm.s32 $0x0  }
0x5: {  	s7 =	srdreg.scid;
	s5 =	simm.s32 $0x80;
	[smem:$0x7FF] =	sst s3  }
0x6: {  	s4 =	simm.s32 $0x1;
	s8 =	sand.u32 $0x1, s7;
	_ =	strace $0x80000047  }
0x7: {  	[tilespmem:s5], [sflag:$0x1] =	stream.linear.gather [hbm4b:s1+s3], $0x80, $0x38;
	[tilespmem:$0x180] =	vst v63  }
0x8: {  	s7 =	sshll.u32 s8, $0x4;
	s8 =	ssub.s32 $0x2, s8;
	_ =	swait.ge [sflag:s4], $0x80  }
0x9: {  	s9 =	sadd.s32 s7, s6;
	s10 =	sshrl.u32 s8, $0x1;
	[sflag:s4] =	ssyncset.done $0x0  }
0xa: {  	s7 =	simm.s32 $0x100;
	s10 =	ssub.s32 s8, s10;
	[sflag:s4] =	ssyncadd.s32 $0xFFFFFF80  }
0xb: {  	[tilespmem:s7], [sflag:$0x1] =	stream.linear.gather [hbm4b:s2+s3], $0x80, $0x38;
	[tilespmem:$0x180] =	vst v63  }
0xc: {  	s6 =	stileid.u32;
	s31 =	smax.u32 s10, $0x1;
	_ =	swait.ge [sflag:s4], $0x80  }
0xd: {  	s11 =	sshll.u32 s6, $0x5;
	p0 =	sne.s32 s31, $0x1;
	[sflag:s4] =	ssyncset.done $0x0  }
.Ltmp0:
0xe: {  	v0 =	vimm.f32 $-3.000000010e+38;
	s30 =	sadd.s32 s11, s9;
	[sflag:s4] =	ssyncadd.s32 $0xFFFFFF80;
	(pc) =	sbr.rel @!p0 .LBB2_2-.Ltmp0, $4  }
0xf: {  	s8 =	sadd.s32 $0x50600, s30;
	[tilespmem:$0x0] =	vst v0  }
0x10: {  	[hbm4b:s8+s3] =	stream.linear.scatter [tilespmem:s3], [sflag:$0x1], $0x80, $0x38;
	[tilespmem:$0x180] =	vst v63  }
0x11: {  	_ =	swait.ge [sflag:s4], $0x80  }
0x12: {  	s9 =	sadd.s32 $0xFFFFFFFF, s31;
	[sflag:s4] =	ssyncset.done $0x0  }
.LBB2_1:
0x13: {  	p0 =	sne.s32 s9, $0x1;
	s9 =	sadd.s32 $0xFFFFFFFF, s9;
	[sflag:s4] =	ssyncadd.s32 $0xFFFFFF80  }
0x14: {  	[tilespmem:s5], [sflag:$0x1] =	stream.linear.gather [hbm4b:s1+s3], $0x80, $0x38;
	[tilespmem:$0x180] =	vst v63  }
0x15: {  	_ =	swait.ge [sflag:s4], $0x80  }
0x16: {  	[sflag:s4] =	ssyncset.done $0x0  }
0x17: {  	[sflag:s4] =	ssyncadd.s32 $0xFFFFFF80  }
0x18: {  	[tilespmem:s7], [sflag:$0x1] =	stream.linear.gather [hbm4b:s2+s3], $0x80, $0x38;
	[tilespmem:$0x180] =	vst v63  }
0x19: {  	_ =	swait.ge [sflag:s4], $0x80  }
0x1a: {  	[sflag:s4] =	ssyncset.done $0x0  }
.Ltmp1:
0x1b: {  	[sflag:s4] =	ssyncadd.s32 $0xFFFFFF80;
	(pc) =	sbr.rel @p0 .LBB2_1-.Ltmp1, $4  }
0x1c: {  	[tilespmem:$0x0] =	vst v0  }
0x1d: {  	[hbm4b:s8+s3] =	stream.linear.scatter [tilespmem:s3], [sflag:$0x1], $0x80, $0x38;
	[tilespmem:$0x180] =	vst v63  }
0x1e: {  	_ =	swait.ge [sflag:s4], $0x80  }
0x1f: {  	[sflag:s4] =	ssyncset.done $0x0  }
.LBB2_2:
0x20: {  	[sflag:s4] =	ssyncadd.s32 $0xFFFFFF80  }
0x21: {  	_ =	sfence.sel $0x180000  }
0x22: {  	[bflag:$0x0] =	sbarrier.arrive $0xFFFF  }
0x23: {  	p0 =	sne.s32 s6, $0x0;
	_ =	strace $0x90000047  }
0x24: {  	s0 =	sadd.s32 @!p0 $0x100000, s0;
	[bflag:$0x2] =	sbarrier.arrive $0xFFFF  }
0x25: {  	[sflag:s0] =	ssyncadd.tile.s32 @!p0 $0x1;
	_ =	shalt  }
.Lfunc_end2:
_tile_overlayer_lowered:
.L_overlay_start_2:
0x26: {  	(tag) =	ssettag $0x2  }
0x27: {  	s0 =	rddreg [dreg:$0x0];
	s2 =	stileid.u32  }
0x28: {  	s1 =	rddreg [dreg:$0x1];
	p0 =	sne.s32 s2, $0x0  }
0x29: {  	s3 =	rddreg [dreg:$0x2];
	[bflag:$0x3] =	sbarrier.arrive $0xFFFF;
	s2 =	simm.s32 @!p0 $0x1C01  }
0x2a: {  	[timem:s3], [sflag:s2] =	dma.local @!p0 [hbm:s0], s1  }
0x2b: {  	s0 =	simm.s32 @!p0 $0x1  }
0x2c: {  	_ =	swait.ge @!p0 [sflag:s0], s1  }
0x2d: {  	s1 =	ssub.s32 @!p0 $0x0, s1;
	[sflag:s0] =	ssyncset.done @!p0 $0x0  }
0x2e: {  	[sflag:s0] =	ssyncadd.s32 @!p0 s1  }
0x2f: {  	[bflag:$0x3] =	sbarrier.arrive $0xFFFF  }
0x30: {  	_ =	shalt  }

// kernel: kernel.9.cloned.1.call-start
scs
__scs_entry_jumppad:
0x0: {  	(pc) =	sbr.rel $0x88, $3  }
0x1: {  	(tag) =	ssettag $0x0;
	lr =	simm.s32 $0x1  }
0x2: {  	[smem:$0x3F95] =	sst lr;
	_ =	strace $0xD0000000  }
0x3: {  	_ = 	snop  }
0x4: {  	_ = 	snop  }
0x5: {  	_ = 	snop  }
0x6: {  	_ = 	snop  }
0x7: {  	_ = 	snop  }
__scs_overlays_trampoline_lowered:
0x8: {  	[smem:$0x3FA4] =	sst s0  }
0x9: {  	[smem:$0x3FA5] =	sst s1  }
0xa: {  	[smem:$0x3FA6] =	sst s2  }
0xb: {  	[smem:$0x3FA7] =	sst s3  }
0xc: {  	[smem:$0x3FA8] =	sst s4  }
0xd: {  	[smem:$0x3FA9] =	sst s5  }
0xe: {  	[smem:$0x3FAA] =	sst s6  }
0xf: {  	[smem:$0x3FAB] =	sst s7  }
0x10: {  	[smem:$0x3FAC] =	sst s8  }
0x11: {  	[smem:$0x3FAD] =	sst s9;
	s0 =	simm.s32 @!p0 $0x0  }
0x12: {  	s1 =	sld [smem:$0x3F93];
	s0 =	simm.s32 @p0 $0x1  }
0x13: {  	[smem:$0x3FAE] =	sst s0;
	s0 =	simm.s32 @!p1 $0x0  }
0x14: {  	s2 =	sld [smem:$0x3F92];
	s0 =	simm.s32 @p1 $0x1  }
0x15: {  	[smem:$0x3FAF] =	sst s0;
	s0 =	simm.s32 @!p2 $0x0  }
0x16: {  	s3 =	sld [smem:$0x3FDB];
	s0 =	simm.s32 @p2 $0x1  }
0x17: {  	s4 =	simm.s32 $0x1BF5;
	[smem:$0x3FB1] =	sst s0  }
0x18: {  	s0 =	sld [smem:$0x3F94];
	_ =	swait.ge [sflag:s4], $0x0  }
0x19: {  	s7 =	sld [smem:$0x3F95]  }
0x1a: {  	s8 =	sadd.s32 $0xFFFFE003, lr  }
0x1b: {  	s9 =	sadd.s32 $0xFFFFFEF7, lr;
	s5 =	simm.s32 $0xFFFFFFFF;
	p2 =	slt.u32 s8, $0xFFFFF086  }
0x1c: {  	p1 =	slt.u32 s9, $0xF7A;
	s5 =	simm.s32 @!p2 $0x0  }
0x1d: {  	s5 =	simm.s32 @p1 $0x1;
	p0 =	seq.s32 s7, s2  }
0x1e: {  	s7 =	smul.u32 @!p0 $0xF7A, s2;
	p2 =	seq.s32 @!p0 s5, $0x0  }
0x1f: {  	s9 =	smul.u32 $0xF7A, s1;
	s8 =	simm.s32 @!p0 $0x1BF5;
	p2 =	por !p2, p0  }
0x20: {  	[sflag:s8] =	ssyncset.s32 @!p0 $0xFFFFF086;
	s6 =	sadd.s32 @!p0 s3, s7;
	s7 =	simm.s32 @!p0 $0x108  }
0x21: {  	s3 =	sadd.s32 s3, s9;
	s6 =	sadd.s32 @!p0 $0x88, s6;
	s7 =	simm.s32 @p2 $0x1082  }
0x22: {  	[simem:s7], [sflag:s8] =	dma.local @!p0 [hbm:s6], $0xF7A  }
0x23: {  	s9 =	sor.u32 $0xD0000000, s2;
	s6 =	simm.s32 $0x108;
	_ =	swait.ge @!p0 [sflag:s8], $0x0  }
0x24: {  	s3 =	sadd.s32 $0x88, s3;
	s6 =	simm.s32 @!p1 $0x1082;
	[sflag:s4] =	ssyncset.s32 $0xFFFFF086  }
0x25: {  	[simem:s6], [sflag:s4] =	dma.local [hbm:s3], $0xF7A  }
0x26: {  	[smem:$0x3F95] =	sst s1;
	(tag) =	ssettag s2;
	_ =	strace s9  }
0x27: {  	s1 =	sld [smem:$0x3FA5]  }
0x28: {  	s2 =	sld [smem:$0x3FA6]  }
0x29: {  	s4 =	sld [smem:$0x3FA8]  }
0x2a: {  	p0 =	seq.s32 s5, $0x0;
	s5 =	sld [smem:$0x3FA9]  }
0x2b: {  	s6 =	sld [smem:$0x3FAA]  }
0x2c: {  	s7 =	sld [smem:$0x3FAB]  }
0x2d: {  	s3 =	simm.s32 $0x108;
	s8 =	sld [smem:$0x3FAC]  }
0x2e: {  	s3 =	simm.s32 @!p0 $0x1082;
	s9 =	sld [smem:$0x3FAD]  }
0x2f: {  	lr =	sadd.s32 s0, s3;
	s0 =	sld [smem:$0x3FA4]  }
0x30: {  	s3 =	sld [smem:$0x3FA7]  }
0x31: {  	[smem:$0x3FB0] =	sst s10  }
0x32: {  	s10 =	sld [smem:$0x3FAE];
	_ =	sdelay $0x3  }
0x33: {  	p0 =	seq.s32 s10, $0x1;
	s10 =	sld [smem:$0x3FB0];
	_ =	sdelay $0x3  }
0x34: {  	[smem:$0x3FB0] =	sst s10  }
0x35: {  	s10 =	sld [smem:$0x3FAF];
	_ =	sdelay $0x3  }
0x36: {  	p1 =	seq.s32 s10, $0x1;
	s10 =	sld [smem:$0x3FB0];
	_ =	sdelay $0x3  }
0x37: {  	[smem:$0x3FB0] =	sst s10  }
0x38: {  	s10 =	sld [smem:$0x3FB1]  }
0x39: {  	_ = 	snop;
	(pc) =	sbr.ind lr, $3  }
0x3a: {  	_ = 	snop  }
0x3b: {  	_ = 	snop  }
0x3c: {  	p2 =	seq.s32 s10, $0x1;
	s10 =	sld [smem:$0x3FB0]  }
0x3d: {  	_ =	shalt  }
0x3e: {  	_ =	shalt  }
0x3f: {  	_ =	shalt  }
0x40: {  	_ =	shalt  }
0x41: {  	_ =	shalt  }
0x42: {  	_ =	shalt  }
0x43: {  	_ =	shalt  }
0x44: {  	_ =	shalt  }
0x45: {  	_ =	shalt  }
0x46: {  	_ =	shalt  }
0x47: {  	_ =	shalt  }
0x48: {  	_ =	shalt  }
0x49: {  	_ =	shalt  }
0x4a: {  	_ =	shalt  }
0x4b: {  	_ =	shalt  }
0x4c: {  	_ =	shalt  }
0x4d: {  	_ =	shalt  }
0x4e: {  	_ =	shalt  }
0x4f: {  	_ =	shalt  }
0x50: {  	_ =	shalt  }
0x51: {  	_ =	shalt  }
0x52: {  	_ =	shalt  }
0x53: {  	_ =	shalt  }
0x54: {  	_ =	shalt  }
0x55: {  	_ =	shalt  }
0x56: {  	_ =	shalt  }
0x57: {  	_ =	shalt  }
0x58: {  	_ =	shalt  }
0x59: {  	_ =	shalt  }
0x5a: {  	_ =	shalt  }
0x5b: {  	_ =	shalt  }
0x5c: {  	_ =	shalt  }
0x5d: {  	_ =	shalt  }
0x5e: {  	_ =	shalt  }
0x5f: {  	_ =	shalt  }
0x60: {  	_ =	shalt  }
0x61: {  	_ =	shalt  }
0x62: {  	_ =	shalt  }
0x63: {  	_ =	shalt  }
0x64: {  	_ =	shalt  }
0x65: {  	_ =	shalt  }
0x66: {  	_ =	shalt  }
0x67: {  	_ =	shalt  }
0x68: {  	_ =	shalt  }
0x69: {  	_ =	shalt  }
0x6a: {  	_ =	shalt  }
0x6b: {  	_ =	shalt  }
0x6c: {  	_ =	shalt  }
0x6d: {  	_ =	shalt  }
0x6e: {  	_ =	shalt  }
0x6f: {  	_ =	shalt  }
0x70: {  	_ =	shalt  }
0x71: {  	_ =	shalt  }
0x72: {  	_ =	shalt  }
0x73: {  	_ =	shalt  }
0x74: {  	_ =	shalt  }
0x75: {  	_ =	shalt  }
0x76: {  	_ =	shalt  }
0x77: {  	_ =	shalt  }
0x78: {  	_ =	shalt  }
0x79: {  	_ =	shalt  }
0x7a: {  	_ =	shalt  }
0x7b: {  	_ =	shalt  }
0x7c: {  	_ =	shalt  }
0x7d: {  	_ =	shalt  }
0x7e: {  	_ =	shalt  }
0x7f: {  	_ =	shalt  }
0x80: {  	_ =	shalt  }
0x81: {  	_ =	shalt  }
0x82: {  	_ =	shalt  }
0x83: {  	_ =	shalt  }
0x84: {  	_ =	shalt  }
0x85: {  	_ =	shalt  }
0x86: {  	_ =	shalt  }
0x87: {  	_ =	shalt  }
.Lfunc_end0:
.L_simem_size_0:
called_computation.1_lowered:
.L_overlay_start_0:
0x88: {  	s2 =	sld [smem:$0x3FD9]  }
0x89: {  	s3 =	sld [smem:$0x3FFE];
	_ =	sdelay $0x1  }
0x8a: {  	s1 =	srdreg.scid  }
0x8b: {  	s0 =	sand.u32 $0x1, s1  }
0x8c: {  	s17 =	sshll.u32 s0, $0xA;
	s2 =	sadd.s32 s3, s2  }
0x8d: {  	s2 =	sadd.s32 s2, s17  }
0x8e: {  	[smem:$0x3FBC] =	sst s2  }
0x8f: {  	_ = 	snop  }
0x90: {  	s2 =	sld [smem:$0x3FD0];
	(tm) =	ssettm $0x1  }
0x91: {  	s18 =	sld [smem:$0x3FFB];
	_ =	sdelay $0x3  }
0x92: {  	_ =	strace s18  }
0x93: {  	s3 =	sld [smem:$0x3FFC];
	_ =	sdelay $0x3  }
0x94: {  	_ =	strace s3  }
0x95: {  	s3 =	sld [smem:$0x3FFD];
	_ =	sdelay $0x3  }
0x96: {  	_ =	strace s3  }
0x97: {  	_ =	strace $0x8FFFFFFF  }
0x98: {  	s19 =	sld [smem:$0x3FDB];
	_ =	sdelay $0x1  }
0x99: {  	s4 =	simm.s32 $_scs_section_size  }
0x9a: {  	s5 =	simm.s32 $_size__tile_overlayer_lowered;
	s6 =	simm.s32 $_tile_overlayer_lowered  }
0x9b: {  	s22 =	simm.s32 $0x1BFF;
	s21 =	sshll.u32 s6, $0x1;
	s3 =	sadd.s32 s4, s19  }
0x9c: {  	s7 =	simm.s32 $0x0;
	s20 =	sshll.u32 s5, $0x1;
	s5 =	sadd.s32 s21, s3  }
0x9d: {  	[timem:s7], [sflag:s22] =	dma.local [hbm:s5], s20  }
0x9e: {  	_ =	swait.ge [sflag:s22], s20  }
0x9f: {  	s4 =	ssub.s32 $0x0, s20;
	[sflag:s22] =	ssyncset.done $0x0  }
0xa0: {  	[sflag:s22] =	ssyncadd.s32 s4;
	_ =	sdelay $0x1  }
0xa1: {  	s23 =	simm.s32 $0x1B8B  }
0xa2: {  	_ =	swait.ge [sflag:s23], $0x1  }
0xa3: {  	[sflag:s23] =	ssyncset.done $0x0  }
0xa4: {  	s25 =	simm.s32 $0x1B8E;
	s24 =	sld [smem:$0x3FFE];
	[sflag:s23] =	ssyncadd.s32 $0xFFFFFFFF  }
0xa5: {  	s26 =	simm.s32 $execute0_lowered;
	[smem:$0x3FD2] =	sst s25  }
0xa6: {  	s5 =	sshll.u32 s26, $0x1;
	_ =	strace $0x80000049;
	[dreg:$0x1] =	wrdreg $0xFFFFFFFF  }
0xa7: {  	s28 =	simm.s32 $_size_execute0_lowered;
	s3 =	sadd.s32 s3, s5;
	[dreg:$0x0] =	wrdreg $0x0  }
0xa8: {  	s5 =	sshll.u32 s28, $0x1;
	[dreg:$0x2] =	wrdreg s3  }
0xa9: {  	[dreg:$0x3] =	wrdreg s5  }
0xaa: {  	[dreg:$0x4] =	wrdreg $0xC0  }
0xab: {  	_ =	task [dreg:s7], $0x5FFFF  }
0xac: {  	[dreg:$0x1] =	wrdreg $0xFFFFFFFF  }
0xad: {  	[dreg:$0x0] =	wrdreg $0x60  }
0xae: {  	[dreg:$0x2] =	wrdreg s2  }
0xaf: {  	[dreg:$0x3] =	wrdreg s24  }
0xb0: {  	[dreg:$0x4] =	wrdreg $0x71800  }
0xb1: {  	[dreg:$0x5] =	wrdreg $0x9  }
0xb2: {  	_ =	task.clear_ibuf [dreg:s7], $0x6FFFF;
	_ =	strace $0x90000049  }
0xb3: {  	s29 =	simm.s32 $0x9;
	_ =	strace $0x8000004B  }
0xb4: {  	_ =	swait.ge [sflag:s29], $0x1  }
0xb5: {  	[sflag:s29] =	ssyncadd.s32 $0xFFFFFFFF  }
0xb6: {  	_ =	strace $0x9000004B  }
0xb7: {  	_ =	sfence  }
0xb8: {  	s30 =	sld [smem:$0x0];
	_ =	sdelay $0x2  }
0xb9: {  	s31 =	sshll.u32 s1, $0xD;
	s1 =	sshrl.u32 s1, $0x2  }
0xba: {  	s3 =	sand.u32 $0x4000, s31;
	s1 =	sadd.s32 s1, s30  }
0xbb: {  	s0 =	sor.u32 s3, s0;
	s1 =	sshll.u32 s1, $0x11  }
0xbc: {  	s0 =	sor.u32 s1, s0  }
0xbd: {  	s0 =	sadd.s32 $0x8F2B, s0  }
0xbe: {  	[sflag:s0] =	ssyncadd.remote.s32 $0x1  }
0xbf: {  	_ =	sfence.sel $0xFFFF  }
0xc0: {  	[dreg:$0x0] =	wrdreg $0xFFFFFFFF;
	(pc) =	sbr.abs _section_cstart, $3  }
0xc1: {  	[dreg:$0x1] =	wrdreg $0xFFFFFFFF  }
0xc2: {  	_ =	task.clear_ibuf [dreg:s7], $0x2FFFF;
	_ =	strace $0x9FFFFFFF  }
0xc3: {  	(tm) =	ssettm $0x7FFFFFFF  }
tec
execute0_lowered:
.L_overlay_start_1:
0x0: {  	(tag) =	ssettag $0x1  }
0x1: {  	s1 =	rddreg [dreg:$0x0]  }
0x2: {  	s0 =	rddreg [dreg:$0x1]  }
0x3: {  	s2 =	rddreg [dreg:$0x2];
	s3 =	simm.s32 $0x0;
	s4 =	srdreg.scid  }
0x4: {  	s12 =	stileid.u32;
	[smem:$0x7FF] =	sst s3;
	s4 =	sand.u32 $0x1, s4  }
0x5: {  	s5 =	sadd.s32 $0xBA00, s0;
	s6 =	sadd.s32 $0x1C00, s0;
	s9 =	smul.u32 $0x14000, s12  }
0x6: {  	s10 =	sshll.u32 s12, $0x1;
	s7 =	sadd.s32 $0x46800, s0;
	s11 =	sshrl.u32 s12, $0x2  }
0x7: {  	s13 =	sadd.s32 $0x50600, s0;
	_ =	strace $0x8000004A;
	s8 =	smul.u32 $0x140000, s4  }
0x8: {  	s10 =	sor.u32 s4, s10;
	s25 =	smul.u32 $0x13C00, s11;
	[dreg:$0x4] =	wrdreg s13  }
0x9: {  	s4 =	ssub.s32 $0x2, s4;
	s13 =	smul.u32 $0x50000, s12;
	s26 =	sshll.u32 s10, $0x7  }
0xa: {  	s14 =	sshrl.u32 s4, $0x1;
	s8 =	sadd.s32 s9, s8;
	s11 =	sand.u32 $0x380, s26  }
0xb: {  	s4 =	ssub.s32 s4, s14;
	s8 =	sshrl.u32 s8, $0x3;
	s9 =	sor.u32 s25, s11  }
0xc: {  	s11 =	sshrl.u32 s13, $0x2;
	s15 =	smax.u32 s4, $0x1;
	s9 =	sshrl.u32 s9, $0x3  }
0xd: {  	s8 =	sadd.s32 s8, s0;
	[dreg:$0x6] =	wrdreg s15;
	s0 =	sadd.s32 s9, s0  }
0xe: {  	s9 =	smul.u32 $0x2710, s10;
	s10 =	sadd.s32 s11, s2;
	s0 =	sadd.s32 $0x15800, s0  }
0xf: {  	s16 =	sadd.s32 $0x1000, s10;
	[dreg:$0x5] =	wrdreg s0  }
0x10: {  	s17 =	sadd.s32 $0x2000, s10;
	[dreg:$0x7] =	wrdreg s16  }
0x11: {  	s18 =	sadd.s32 $0x3000, s10;
	[dreg:$0x8] =	wrdreg s17  }
0x12: {  	s12 =	simm.s32 $0x80;
	s19 =	sadd.s32 $0x4000, s10;
	[dreg:$0x9] =	wrdreg s18  }
0x13: {  	s14 =	simm.s32 $0x50;
	s20 =	sadd.s32 $0x5000, s10;
	[dreg:$0xa] =	wrdreg s19  }
0x14: {  	s13 =	simm.s32 $0x100;
	s21 =	sadd.s32 $0x6000, s10;
	[dreg:$0xb] =	wrdreg s20  }
0x15: {  	s15 =	simm.s32 $0x180;
	s22 =	sadd.s32 $0x7000, s10;
	[dreg:$0xc] =	wrdreg s21  }
0x16: {  	s11 =	simm.s32 $0x2;
	s23 =	sadd.s32 $0x8000, s10;
	[dreg:$0xd] =	wrdreg s22  }
0x17: {  	s24 =	sadd.s32 $0x9000, s10;
	s25 =	sadd.s32 $0xA000, s10;
	[dreg:$0xe] =	wrdreg s23  }
0x18: {  	v0 =	vimm.f32 $0.0e+00;
	s26 =	sadd.s32 $0xB000, s10;
	s28 =	sadd.s32 $0xE000, s10;
	[dreg:$0xf] =	wrdreg s24  }
0x19: {  	v1 =	vimm.s32 $0x1;
	v2 =	vimm.s32 $0x2;
	v3 =	vimm.s32 $0x3;
	s29 =	sadd.s32 $0xF000, s10;
	s30 =	sadd.s32 $0x10000, s10;
	[dreg:$0x10] =	wrdreg s25  }
0x1a: {  	v4 =	vimm.s32 $0x4;
	v5 =	vimm.s32 $0x5;
	v6 =	vimm.s32 $0x6;
	s31 =	sadd.s32 $0x11000, s10;
	s4 =	sadd.s32 $0x13000, s10;
	[dreg:$0x11] =	wrdreg s26  }
0x1b: {  	v7 =	vimm.s32 $0x7;
	v8 =	vimm.s32 $0x8;
	v9 =	vimm.s32 $0x9;
	s24 =	sadd.s32 $0xC000, s10;
	s25 =	sadd.s32 $0x50800, s8;
	s26 =	sadd.s32 $0xD000, s10  }
0x1c: {  	v10 =	vimm.s32 $0xA;
	v11 =	vimm.s32 $0xB;
	v12 =	vimm.s32 $0xC;
	s0 =	sadd.s32 $0x12000, s10;
	s8 =	simm.s32 $0x3A00;
	s16 =	simm.s32 $0x1  }
0x1d: {  	v13 =	vimm.s32 $0xD;
	v14 =	vimm.s32 $0xE;
	v15 =	vimm.s32 $0xF;
	s17 =	simm.s32 $0x4A00;
	s18 =	simm.s32 $0x2980;
	s19 =	simm.s32 $0x0  }
.LBB2_1:
0x1e: {  	s20 =	simm.s32 $0x40;
	s21 =	simm.s32 $0x0  }
.LBB2_2:
0x1f: {  	p0 =	sne.s32 s20, $0x9C00;
	[tilespmem:s21+$0x4A00] =	vst v0;
	s21 =	smov.u32 s20;
	s20 =	sadd.s32 $0x40, s20  }
.Ltmp0:
0x20: {  	(pc) =	sbr.rel @p0 .LBB2_2-.Ltmp0, $2  }
0x21: {  	_ =	sdelay $0x2  }
0x22: {  	s21 =	sshra.s32 s21, $0x2  }
0x23: {  	[tilespmem:s21+$0x4A00] =	vst v0  }
0x24: {  	[tilespmem:$0x3A00] =	vst v0  }
0x25: {  	[tilespmem:$0x3A10] =	vst v0  }
0x26: {  	[tilespmem:$0x3A20] =	vst v0  }
0x27: {  	[tilespmem:$0x3A30] =	vst v0  }
0x28: {  	[tilespmem:$0x3A40] =	vst v0  }
0x29: {  	[tilespmem:$0x3A50] =	vst v0  }
0x2a: {  	[tilespmem:$0x3A60] =	vst v0  }
0x2b: {  	[tilespmem:$0x3A70] =	vst v0  }
0x2c: {  	[tilespmem:$0x3A80] =	vst v0  }
0x2d: {  	[tilespmem:$0x3A90] =	vst v0  }
0x2e: {  	[tilespmem:$0x3AA0] =	vst v0  }
0x2f: {  	[tilespmem:$0x3AB0] =	vst v0  }
0x30: {  	[tilespmem:$0x3AC0] =	vst v0  }
0x31: {  	[tilespmem:$0x3AD0] =	vst v0  }
0x32: {  	[tilespmem:$0x3AE0] =	vst v0  }
0x33: {  	[tilespmem:$0x3AF0] =	vst v0  }
0x34: {  	[tilespmem:$0x3B00] =	vst v0  }
0x35: {  	[tilespmem:$0x3B10] =	vst v0  }
0x36: {  	[tilespmem:$0x3B20] =	vst v0  }
0x37: {  	[tilespmem:$0x3B30] =	vst v0  }
0x38: {  	[tilespmem:$0x3B40] =	vst v0  }
0x39: {  	[tilespmem:$0x3B50] =	vst v0  }
0x3a: {  	[tilespmem:$0x3B60] =	vst v0  }
0x3b: {  	[tilespmem:$0x3B70] =	vst v0  }
0x3c: {  	[tilespmem:$0x3B80] =	vst v0  }
0x3d: {  	[tilespmem:$0x3B90] =	vst v0  }
0x3e: {  	[tilespmem:$0x3BA0] =	vst v0  }
0x3f: {  	[tilespmem:$0x3BB0] =	vst v0  }
0x40: {  	[tilespmem:$0x3BC0] =	vst v0  }
0x41: {  	[tilespmem:$0x3BD0] =	vst v0  }
0x42: {  	[tilespmem:$0x3BE0] =	vst v0  }
0x43: {  	[tilespmem:$0x3BF0] =	vst v0  }
0x44: {  	[tilespmem:$0x3C00] =	vst v0  }
0x45: {  	[tilespmem:$0x3C10] =	vst v0  }
0x46: {  	[tilespmem:$0x3C20] =	vst v0  }
0x47: {  	[tilespmem:$0x3C30] =	vst v0  }
0x48: {  	[tilespmem:$0x3C40] =	vst v0  }
0x49: {  	[tilespmem:$0x3C50] =	vst v0  }
0x4a: {  	[tilespmem:$0x3C60] =	vst v0  }
0x4b: {  	[tilespmem:$0x3C70] =	vst v0  }
0x4c: {  	[tilespmem:$0x3C80] =	vst v0  }
0x4d: {  	[tilespmem:$0x3C90] =	vst v0  }
0x4e: {  	[tilespmem:$0x3CA0] =	vst v0  }
0x4f: {  	[tilespmem:$0x3CB0] =	vst v0  }
0x50: {  	[tilespmem:$0x3CC0] =	vst v0  }
0x51: {  	[tilespmem:$0x3CD0] =	vst v0  }
0x52: {  	[tilespmem:$0x3CE0] =	vst v0  }
0x53: {  	[tilespmem:$0x3CF0] =	vst v0  }
0x54: {  	[tilespmem:$0x3D00] =	vst v0  }
0x55: {  	[tilespmem:$0x3D10] =	vst v0  }
0x56: {  	[tilespmem:$0x3D20] =	vst v0  }
0x57: {  	[tilespmem:$0x3D30] =	vst v0  }
0x58: {  	[tilespmem:$0x3D40] =	vst v0  }
0x59: {  	[tilespmem:$0x3D50] =	vst v0  }
0x5a: {  	[tilespmem:$0x3D60] =	vst v0  }
0x5b: {  	[tilespmem:$0x3D70] =	vst v0  }
0x5c: {  	[tilespmem:$0x3D80] =	vst v0  }
0x5d: {  	[tilespmem:$0x3D90] =	vst v0  }
0x5e: {  	[tilespmem:$0x3DA0] =	vst v0  }
0x5f: {  	[tilespmem:$0x3DB0] =	vst v0  }
0x60: {  	[tilespmem:$0x3DC0] =	vst v0  }
0x61: {  	[tilespmem:$0x3DD0] =	vst v0  }
0x62: {  	[tilespmem:$0x3DE0] =	vst v0  }
0x63: {  	[tilespmem:$0x3DF0] =	vst v0  }
0x64: {  	[tilespmem:$0x3E00] =	vst v0  }
0x65: {  	[tilespmem:$0x3E10] =	vst v0  }
0x66: {  	[tilespmem:$0x3E20] =	vst v0  }
0x67: {  	[tilespmem:$0x3E30] =	vst v0  }
0x68: {  	[tilespmem:$0x3E40] =	vst v0  }
0x69: {  	[tilespmem:$0x3E50] =	vst v0  }
0x6a: {  	[tilespmem:$0x3E60] =	vst v0  }
0x6b: {  	[tilespmem:$0x3E70] =	vst v0  }
0x6c: {  	[tilespmem:$0x3E80] =	vst v0  }
0x6d: {  	[tilespmem:$0x3E90] =	vst v0  }
0x6e: {  	[tilespmem:$0x3EA0] =	vst v0  }
0x6f: {  	[tilespmem:$0x3EB0] =	vst v0  }
0x70: {  	[tilespmem:$0x3EC0] =	vst v0  }
0x71: {  	[tilespmem:$0x3ED0] =	vst v0  }
0x72: {  	[tilespmem:$0x3EE0] =	vst v0  }
0x73: {  	[tilespmem:$0x3EF0] =	vst v0  }
0x74: {  	[tilespmem:$0x3F00] =	vst v0  }
0x75: {  	[tilespmem:$0x3F10] =	vst v0  }
0x76: {  	[tilespmem:$0x3F20] =	vst v0  }
0x77: {  	[tilespmem:$0x3F30] =	vst v0  }
0x78: {  	[tilespmem:$0x3F40] =	vst v0  }
0x79: {  	[tilespmem:$0x3F50] =	vst v0  }
0x7a: {  	[tilespmem:$0x3F60] =	vst v0  }
0x7b: {  	[tilespmem:$0x3F70] =	vst v0  }
0x7c: {  	[tilespmem:$0x3F80] =	vst v0  }
0x7d: {  	[tilespmem:$0x3F90] =	vst v0  }
0x7e: {  	[tilespmem:$0x3FA0] =	vst v0  }
0x7f: {  	[tilespmem:$0x3FB0] =	vst v0  }
0x80: {  	[tilespmem:$0x3FC0] =	vst v0  }
0x81: {  	[tilespmem:$0x3FD0] =	vst v0  }
0x82: {  	[tilespmem:$0x3FE0] =	vst v0  }
0x83: {  	[tilespmem:$0x3FF0] =	vst v0  }
0x84: {  	[tilespmem:$0x4000] =	vst v0  }
0x85: {  	[tilespmem:$0x4010] =	vst v0  }
0x86: {  	[tilespmem:$0x4020] =	vst v0  }
0x87: {  	[tilespmem:$0x4030] =	vst v0  }
0x88: {  	[tilespmem:$0x4040] =	vst v0  }
0x89: {  	[tilespmem:$0x4050] =	vst v0  }
0x8a: {  	[tilespmem:$0x4060] =	vst v0  }
0x8b: {  	[tilespmem:$0x4070] =	vst v0  }
0x8c: {  	[tilespmem:$0x4080] =	vst v0  }
0x8d: {  	[tilespmem:$0x4090] =	vst v0  }
0x8e: {  	[tilespmem:$0x40A0] =	vst v0  }
0x8f: {  	[tilespmem:$0x40B0] =	vst v0  }
0x90: {  	[tilespmem:$0x40C0] =	vst v0  }
0x91: {  	[tilespmem:$0x40D0] =	vst v0  }
0x92: {  	[tilespmem:$0x40E0] =	vst v0  }
0x93: {  	[tilespmem:$0x40F0] =	vst v0  }
0x94: {  	[tilespmem:$0x4100] =	vst v0  }
0x95: {  	[tilespmem:$0x4110] =	vst v0  }
0x96: {  	[tilespmem:$0x4120] =	vst v0  }
0x97: {  	[tilespmem:$0x4130] =	vst v0  }
0x98: {  	[tilespmem:$0x4140] =	vst v0  }
0x99: {  	[tilespmem:$0x4150] =	vst v0  }
0x9a: {  	[tilespmem:$0x4160] =	vst v0  }
0x9b: {  	[tilespmem:$0x4170] =	vst v0  }
0x9c: {  	[tilespmem:$0x4180] =	vst v0  }
0x9d: {  	[tilespmem:$0x4190] =	vst v0  }
0x9e: {  	[tilespmem:$0x41A0] =	vst v0  }
0x9f: {  	[tilespmem:$0x41B0] =	vst v0  }
0xa0: {  	[tilespmem:$0x41C0] =	vst v0  }
0xa1: {  	[tilespmem:$0x41D0] =	vst v0  }
0xa2: {  	[tilespmem:$0x41E0] =	vst v0  }
0xa3: {  	[tilespmem:$0x41F0] =	vst v0  }
0xa4: {  	[tilespmem:$0x4200] =	vst v0  }
0xa5: {  	[tilespmem:$0x4210] =	vst v0  }
0xa6: {  	[tilespmem:$0x4220] =	vst v0  }
0xa7: {  	[tilespmem:$0x4230] =	vst v0  }
0xa8: {  	[tilespmem:$0x4240] =	vst v0  }
0xa9: {  	[tilespmem:$0x4250] =	vst v0  }
0xaa: {  	[tilespmem:$0x4260] =	vst v0  }
0xab: {  	[tilespmem:$0x4270] =	vst v0  }
0xac: {  	[tilespmem:$0x4280] =	vst v0  }
0xad: {  	[tilespmem:$0x4290] =	vst v0  }
0xae: {  	[tilespmem:$0x42A0] =	vst v0  }
0xaf: {  	[tilespmem:$0x42B0] =	vst v0  }
0xb0: {  	[tilespmem:$0x42C0] =	vst v0  }
0xb1: {  	[tilespmem:$0x42D0] =	vst v0  }
0xb2: {  	[tilespmem:$0x42E0] =	vst v0  }
0xb3: {  	[tilespmem:$0x42F0] =	vst v0  }
0xb4: {  	[tilespmem:$0x4300] =	vst v0  }
0xb5: {  	[tilespmem:$0x4310] =	vst v0  }
0xb6: {  	[tilespmem:$0x4320] =	vst v0  }
0xb7: {  	[tilespmem:$0x4330] =	vst v0  }
0xb8: {  	[tilespmem:$0x4340] =	vst v0  }
0xb9: {  	[tilespmem:$0x4350] =	vst v0  }
0xba: {  	[tilespmem:$0x4360] =	vst v0  }
0xbb: {  	[tilespmem:$0x4370] =	vst v0  }
0xbc: {  	[tilespmem:$0x4380] =	vst v0  }
0xbd: {  	[tilespmem:$0x4390] =	vst v0  }
0xbe: {  	[tilespmem:$0x43A0] =	vst v0  }
0xbf: {  	[tilespmem:$0x43B0] =	vst v0  }
0xc0: {  	[tilespmem:$0x43C0] =	vst v0  }
0xc1: {  	[tilespmem:$0x43D0] =	vst v0  }
0xc2: {  	[tilespmem:$0x43E0] =	vst v0  }
0xc3: {  	[tilespmem:$0x43F0] =	vst v0  }
0xc4: {  	[tilespmem:$0x4400] =	vst v0  }
0xc5: {  	[tilespmem:$0x4410] =	vst v0  }
0xc6: {  	[tilespmem:$0x4420] =	vst v0  }
0xc7: {  	[tilespmem:$0x4430] =	vst v0  }
0xc8: {  	[tilespmem:$0x4440] =	vst v0  }
0xc9: {  	[tilespmem:$0x4450] =	vst v0  }
0xca: {  	[tilespmem:$0x4460] =	vst v0  }
0xcb: {  	[tilespmem:$0x4470] =	vst v0  }
0xcc: {  	[tilespmem:$0x4480] =	vst v0  }
0xcd: {  	[tilespmem:$0x4490] =	vst v0  }
0xce: {  	[tilespmem:$0x44A0] =	vst v0  }
0xcf: {  	[tilespmem:$0x44B0] =	vst v0  }
0xd0: {  	[tilespmem:$0x44C0] =	vst v0  }
0xd1: {  	[tilespmem:$0x44D0] =	vst v0  }
0xd2: {  	[tilespmem:$0x44E0] =	vst v0  }
0xd3: {  	[tilespmem:$0x44F0] =	vst v0  }
0xd4: {  	[tilespmem:$0x4500] =	vst v0  }
0xd5: {  	[tilespmem:$0x4510] =	vst v0  }
0xd6: {  	[tilespmem:$0x4520] =	vst v0  }
0xd7: {  	[tilespmem:$0x4530] =	vst v0  }
0xd8: {  	[tilespmem:$0x4540] =	vst v0  }
0xd9: {  	[tilespmem:$0x4550] =	vst v0  }
0xda: {  	[tilespmem:$0x4560] =	vst v0  }
0xdb: {  	[tilespmem:$0x4570] =	vst v0  }
0xdc: {  	[tilespmem:$0x4580] =	vst v0  }
0xdd: {  	[tilespmem:$0x4590] =	vst v0  }
0xde: {  	[tilespmem:$0x45A0] =	vst v0  }
0xdf: {  	[tilespmem:$0x45B0] =	vst v0  }
0xe0: {  	[tilespmem:$0x45C0] =	vst v0  }
0xe1: {  	[tilespmem:$0x45D0] =	vst v0  }
0xe2: {  	[tilespmem:$0x45E0] =	vst v0  }
0xe3: {  	[tilespmem:$0x45F0] =	vst v0  }
0xe4: {  	[tilespmem:$0x4600] =	vst v0  }
0xe5: {  	[tilespmem:$0x4610] =	vst v0  }
0xe6: {  	[tilespmem:$0x4620] =	vst v0  }
0xe7: {  	[tilespmem:$0x4630] =	vst v0  }
0xe8: {  	[tilespmem:$0x4640] =	vst v0  }
0xe9: {  	[tilespmem:$0x4650] =	vst v0  }
0xea: {  	[tilespmem:$0x4660] =	vst v0  }
0xeb: {  	[tilespmem:$0x4670] =	vst v0  }
0xec: {  	[tilespmem:$0x4680] =	vst v0  }
0xed: {  	[tilespmem:$0x4690] =	vst v0  }
0xee: {  	[tilespmem:$0x46A0] =	vst v0  }
0xef: {  	[tilespmem:$0x46B0] =	vst v0  }
0xf0: {  	[tilespmem:$0x46C0] =	vst v0  }
0xf1: {  	[tilespmem:$0x46D0] =	vst v0  }
0xf2: {  	[tilespmem:$0x46E0] =	vst v0  }
0xf3: {  	[tilespmem:$0x46F0] =	vst v0  }
0xf4: {  	[tilespmem:$0x4700] =	vst v0  }
0xf5: {  	[tilespmem:$0x4710] =	vst v0  }
0xf6: {  	[tilespmem:$0x4720] =	vst v0  }
0xf7: {  	[tilespmem:$0x4730] =	vst v0  }
0xf8: {  	[tilespmem:$0x4740] =	vst v0  }
0xf9: {  	[tilespmem:$0x4750] =	vst v0  }
0xfa: {  	[tilespmem:$0x4760] =	vst v0  }
0xfb: {  	[tilespmem:$0x4770] =	vst v0  }
0xfc: {  	[tilespmem:$0x4780] =	vst v0  }
0xfd: {  	[tilespmem:$0x4790] =	vst v0  }
0xfe: {  	[tilespmem:$0x47A0] =	vst v0  }
0xff: {  	[tilespmem:$0x47B0] =	vst v0  }
0x100: {  	[tilespmem:$0x47C0] =	vst v0  }
0x101: {  	[tilespmem:$0x47D0] =	vst v0  }
0x102: {  	[tilespmem:$0x47E0] =	vst v0  }
0x103: {  	[tilespmem:$0x47F0] =	vst v0  }
0x104: {  	[tilespmem:$0x4800] =	vst v0  }
0x105: {  	[tilespmem:$0x4810] =	vst v0  }
0x106: {  	[tilespmem:$0x4820] =	vst v0  }
0x107: {  	[tilespmem:$0x4830] =	vst v0  }
0x108: {  	[tilespmem:$0x4840] =	vst v0  }
0x109: {  	[tilespmem:$0x4850] =	vst v0  }
0x10a: {  	[tilespmem:$0x4860] =	vst v0  }
0x10b: {  	[tilespmem:$0x4870] =	vst v0  }
0x10c: {  	[tilespmem:$0x4880] =	vst v0  }
0x10d: {  	[tilespmem:$0x4890] =	vst v0  }
0x10e: {  	[tilespmem:$0x48A0] =	vst v0  }
0x10f: {  	[tilespmem:$0x48B0] =	vst v0  }
0x110: {  	[tilespmem:$0x48C0] =	vst v0  }
0x111: {  	[tilespmem:$0x48D0] =	vst v0  }
0x112: {  	[tilespmem:$0x48E0] =	vst v0  }
0x113: {  	[tilespmem:$0x48F0] =	vst v0  }
0x114: {  	[tilespmem:$0x4900] =	vst v0  }
0x115: {  	[tilespmem:$0x4910] =	vst v0  }
0x116: {  	[tilespmem:$0x4920] =	vst v0  }
0x117: {  	[tilespmem:$0x4930] =	vst v0  }
0x118: {  	[tilespmem:$0x4940] =	vst v0  }
0x119: {  	[tilespmem:$0x4950] =	vst v0  }
0x11a: {  	[tilespmem:$0x4960] =	vst v0  }
0x11b: {  	[tilespmem:$0x4970] =	vst v0  }
0x11c: {  	[tilespmem:$0x4980] =	vst v0  }
0x11d: {  	[tilespmem:$0x4990] =	vst v0  }
0x11e: {  	[tilespmem:$0x49A0] =	vst v0  }
0x11f: {  	[tilespmem:$0x49B0] =	vst v0  }
0x120: {  	[tilespmem:$0x49C0] =	vst v0  }
0x121: {  	[tilespmem:$0x49D0] =	vst v0  }
0x122: {  	[tilespmem:$0x49E0] =	vst v0  }
0x123: {  	[tilespmem:$0x49F0] =	vst v0  }
0x124: {  	[spmem:s10] =	stream.linear.scatter [tilespmem:s8], [sflag:$0x2], $0x1000, $0x38;
	[tilespmem:$0x1B180] =	vst v63  }
0x125: {  	_ =	swait.ge [sflag:s11], $0x1000  }
0x126: {  	[sflag:s11] =	ssyncset.done $0x0  }
0x127: {  	s20 =	rddreg [dreg:$0x7];
	[sflag:s11] =	ssyncadd.s32 $0xFFFFF000  }
0x128: {  	[spmem:s20] =	stream.linear.scatter [tilespmem:s8], [sflag:$0x2], $0x1000, $0x38;
	[tilespmem:$0x1B180] =	vst v63  }
0x129: {  	_ =	swait.ge [sflag:s11], $0x1000  }
0x12a: {  	[sflag:s11] =	ssyncset.done $0x0  }
0x12b: {  	s22 =	rddreg [dreg:$0x8];
	[sflag:s11] =	ssyncadd.s32 $0xFFFFF000  }
0x12c: {  	[spmem:s22] =	stream.linear.scatter [tilespmem:s8], [sflag:$0x2], $0x1000, $0x38;
	[tilespmem:$0x1B180] =	vst v63  }
0x12d: {  	_ =	swait.ge [sflag:s11], $0x1000  }
0x12e: {  	[sflag:s11] =	ssyncset.done $0x0  }
0x12f: {  	s23 =	rddreg [dreg:$0x9];
	[sflag:s11] =	ssyncadd.s32 $0xFFFFF000  }
0x130: {  	[spmem:s23] =	stream.linear.scatter [tilespmem:s8], [sflag:$0x2], $0x1000, $0x38;
	[tilespmem:$0x1B180] =	vst v63  }
0x131: {  	_ =	swait.ge [sflag:s11], $0x1000  }
0x132: {  	[sflag:s11] =	ssyncset.done $0x0  }
0x133: {  	s21 =	rddreg [dreg:$0xa];
	[sflag:s11] =	ssyncadd.s32 $0xFFFFF000  }
0x134: {  	[spmem:s21] =	stream.linear.scatter [tilespmem:s8], [sflag:$0x2], $0x1000, $0x38;
	[tilespmem:$0x1B180] =	vst v63  }
0x135: {  	_ =	swait.ge [sflag:s11], $0x1000  }
0x136: {  	[sflag:s11] =	ssyncset.done $0x0  }
0x137: {  	s22 =	rddreg [dreg:$0xb];
	[sflag:s11] =	ssyncadd.s32 $0xFFFFF000  }
0x138: {  	[spmem:s22] =	stream.linear.scatter [tilespmem:s8], [sflag:$0x2], $0x1000, $0x38;
	[tilespmem:$0x1B180] =	vst v63  }
0x139: {  	_ =	swait.ge [sflag:s11], $0x1000  }
0x13a: {  	[sflag:s11] =	ssyncset.done $0x0  }
0x13b: {  	s23 =	rddreg [dreg:$0xc];
	[sflag:s11] =	ssyncadd.s32 $0xFFFFF000  }
0x13c: {  	[spmem:s23] =	stream.linear.scatter [tilespmem:s8], [sflag:$0x2], $0x1000, $0x38;
	[tilespmem:$0x1B180] =	vst v63  }
0x13d: {  	_ =	swait.ge [sflag:s11], $0x1000  }
0x13e: {  	[sflag:s11] =	ssyncset.done $0x0  }
0x13f: {  	s21 =	rddreg [dreg:$0xd];
	[sflag:s11] =	ssyncadd.s32 $0xFFFFF000  }
0x140: {  	[spmem:s21] =	stream.linear.scatter [tilespmem:s8], [sflag:$0x2], $0x1000, $0x38;
	[tilespmem:$0x1B180] =	vst v63  }
0x141: {  	_ =	swait.ge [sflag:s11], $0x1000  }
0x142: {  	[sflag:s11] =	ssyncset.done $0x0  }
0x143: {  	s22 =	rddreg [dreg:$0xe];
	[sflag:s11] =	ssyncadd.s32 $0xFFFFF000  }
0x144: {  	[spmem:s22] =	stream.linear.scatter [tilespmem:s8], [sflag:$0x2], $0x1000, $0x38;
	[tilespmem:$0x1B180] =	vst v63  }
0x145: {  	_ =	swait.ge [sflag:s11], $0x1000  }
0x146: {  	[sflag:s11] =	ssyncset.done $0x0  }
0x147: {  	s23 =	rddreg [dreg:$0xf];
	[sflag:s11] =	ssyncadd.s32 $0xFFFFF000  }
0x148: {  	[spmem:s23] =	stream.linear.scatter [tilespmem:s8], [sflag:$0x2], $0x1000, $0x38;
	[tilespmem:$0x1B180] =	vst v63  }
0x149: {  	_ =	swait.ge [sflag:s11], $0x1000  }
0x14a: {  	[sflag:s11] =	ssyncset.done $0x0  }
0x14b: {  	s21 =	rddreg [dreg:$0x10];
	[sflag:s11] =	ssyncadd.s32 $0xFFFFF000  }
0x14c: {  	[spmem:s21] =	stream.linear.scatter [tilespmem:s8], [sflag:$0x2], $0x1000, $0x38;
	[tilespmem:$0x1B180] =	vst v63  }
0x14d: {  	_ =	swait.ge [sflag:s11], $0x1000  }
0x14e: {  	[sflag:s11] =	ssyncset.done $0x0  }
0x14f: {  	s22 =	rddreg [dreg:$0x11];
	[sflag:s11] =	ssyncadd.s32 $0xFFFFF000  }
0x150: {  	[spmem:s22] =	stream.linear.scatter [tilespmem:s8], [sflag:$0x2], $0x1000, $0x38;
	[tilespmem:$0x1B180] =	vst v63  }
0x151: {  	_ =	swait.ge [sflag:s11], $0x1000  }
0x152: {  	[sflag:s11] =	ssyncset.done $0x0  }
0x153: {  	[sflag:s11] =	ssyncadd.s32 $0xFFFFF000  }
0x154: {  	[spmem:s24] =	stream.linear.scatter [tilespmem:s8], [sflag:$0x2], $0x1000, $0x38;
	[tilespmem:$0x1B180] =	vst v63  }
0x155: {  	_ =	swait.ge [sflag:s11], $0x1000  }
0x156: {  	[sflag:s11] =	ssyncset.done $0x0  }
0x157: {  	[sflag:s11] =	ssyncadd.s32 $0xFFFFF000  }
0x158: {  	[spmem:s26] =	stream.linear.scatter [tilespmem:s8], [sflag:$0x2], $0x1000, $0x38;
	[tilespmem:$0x1B180] =	vst v63  }
0x159: {  	_ =	swait.ge [sflag:s11], $0x1000  }
0x15a: {  	[sflag:s11] =	ssyncset.done $0x0  }
0x15b: {  	[sflag:s11] =	ssyncadd.s32 $0xFFFFF000  }
0x15c: {  	[spmem:s28] =	stream.linear.scatter [tilespmem:s8], [sflag:$0x2], $0x1000, $0x38;
	[tilespmem:$0x1B180] =	vst v63  }
0x15d: {  	_ =	swait.ge [sflag:s11], $0x1000  }
0x15e: {  	[sflag:s11] =	ssyncset.done $0x0  }
0x15f: {  	[sflag:s11] =	ssyncadd.s32 $0xFFFFF000  }
0x160: {  	[spmem:s29] =	stream.linear.scatter [tilespmem:s8], [sflag:$0x2], $0x1000, $0x38;
	[tilespmem:$0x1B180] =	vst v63  }
0x161: {  	_ =	swait.ge [sflag:s11], $0x1000  }
0x162: {  	[sflag:s11] =	ssyncset.done $0x0  }
0x163: {  	[sflag:s11] =	ssyncadd.s32 $0xFFFFF000  }
0x164: {  	[spmem:s30] =	stream.linear.scatter [tilespmem:s8], [sflag:$0x2], $0x1000, $0x38;
	[tilespmem:$0x1B180] =	vst v63  }
0x165: {  	_ =	swait.ge [sflag:s11], $0x1000  }
0x166: {  	[sflag:s11] =	ssyncset.done $0x0  }
0x167: {  	[sflag:s11] =	ssyncadd.s32 $0xFFFFF000  }
0x168: {  	[spmem:s31] =	stream.linear.scatter [tilespmem:s8], [sflag:$0x2], $0x1000, $0x38;
	[tilespmem:$0x1B180] =	vst v63  }
0x169: {  	_ =	swait.ge [sflag:s11], $0x1000  }
0x16a: {  	[sflag:s11] =	ssyncset.done $0x0  }
0x16b: {  	[sflag:s11] =	ssyncadd.s32 $0xFFFFF000  }
0x16c: {  	[spmem:s0] =	stream.linear.scatter [tilespmem:s8], [sflag:$0x2], $0x1000, $0x38;
	[tilespmem:$0x1B180] =	vst v63  }
0x16d: {  	_ =	swait.ge [sflag:s11], $0x1000  }
0x16e: {  	[sflag:s11] =	ssyncset.done $0x0  }
0x16f: {  	[sflag:s11] =	ssyncadd.s32 $0xFFFFF000  }
0x170: {  	[spmem:s4] =	stream.linear.scatter [tilespmem:s8], [sflag:$0x2], $0x1000, $0x38;
	[tilespmem:$0x1B180] =	vst v63  }
0x171: {  	_ =	swait.ge [sflag:s11], $0x1000  }
0x172: {  	[sflag:s11] =	ssyncset.done $0x0  }
0x173: {  	[sflag:s11] =	ssyncadd.s32 $0xFFFFF000  }
0x174: {  	[bflag:$0x0] =	sbarrier.arrive $0xFFFF  }
0x175: {  	s20 =	simm.s32 $0x0;
	s22 =	simm.s32 $0x2A00;
	s23 =	rddreg [dreg:$0x4]  }
0x176: {  	[tilespmem:s22], [sflag:$0x2] =	stream.linear.gather [hbm4b:s23+s20], $0x1000, $0x38;
	[tilespmem:$0x1B180] =	vst v63  }
0x177: {  	_ =	swait.ge [sflag:s11], $0x1000  }
0x178: {  	[sflag:s11] =	ssyncset.done $0x0  }
0x179: {  	[sflag:s11] =	ssyncadd.s32 $0xFFFFF000  }
0x17a: {  	v16 =	vld [tilespmem:$0x2A00]  }
0x17b: {  	v17 =	vld [tilespmem:$0x2A80]  }
0x17c: {  	v18 =	vld [tilespmem:$0x2B00]  }
0x17d: {  	v19 =	vld [tilespmem:$0x2B80]  }
0x17e: {  	v20 =	vld [tilespmem:$0x2C00]  }
0x17f: {  	v21 =	vld [tilespmem:$0x2C80]  }
0x180: {  	v16 =	vmax.f32 v16, v17;
	v17 =	vld [tilespmem:$0x2D00]  }
0x181: {  	v16 =	vmax.f32 v16, v18;
	v18 =	vld [tilespmem:$0x2D80]  }
0x182: {  	v16 =	vmax.f32 v16, v19;
	v19 =	vld [tilespmem:$0x2E00]  }
0x183: {  	v54 =	vld [tilespmem:$0x2E80];
	v16 =	vmax.f32 v16, v20  }
0x184: {  	v55 =	vld [tilespmem:$0x2F00];
	v16 =	vmax.f32 v16, v21  }
0x185: {  	v16 =	vmax.f32 v16, v17;
	v17 =	vld [tilespmem:$0x2F80]  }
0x186: {  	v16 =	vmax.f32 v16, v18;
	v18 =	vld [tilespmem:$0x3000]  }
0x187: {  	v16 =	vmax.f32 v16, v19;
	v19 =	vld [tilespmem:$0x3080]  }
0x188: {  	v56 =	vld [tilespmem:$0x3100];
	v16 =	vmax.f32 v16, v54  }
0x189: {  	v57 =	vld [tilespmem:$0x3180];
	v16 =	vmax.f32 v16, v55  }
0x18a: {  	v16 =	vmax.f32 v16, v17;
	v17 =	vld [tilespmem:$0x3200]  }
0x18b: {  	v16 =	vmax.f32 v16, v18;
	v18 =	vld [tilespmem:$0x3280]  }
0x18c: {  	v16 =	vmax.f32 v16, v19;
	v19 =	vld [tilespmem:$0x3300]  }
0x18d: {  	v58 =	vld [tilespmem:$0x3380];
	v16 =	vmax.f32 v16, v56  }
0x18e: {  	v59 =	vld [tilespmem:$0x3400];
	v16 =	vmax.f32 v16, v57  }
0x18f: {  	v16 =	vmax.f32 v16, v17;
	v17 =	vld [tilespmem:$0x3480]  }
0x190: {  	v16 =	vmax.f32 v16, v18;
	v18 =	vld [tilespmem:$0x3500]  }
0x191: {  	v16 =	vmax.f32 v16, v19;
	v19 =	vld [tilespmem:$0x3580]  }
0x192: {  	v60 =	vld [tilespmem:$0x3600];
	v16 =	vmax.f32 v16, v58  }
0x193: {  	v61 =	vld [tilespmem:$0x3680];
	v16 =	vmax.f32 v16, v59  }
0x194: {  	v16 =	vmax.f32 v16, v17;
	v17 =	vld [tilespmem:$0x3700]  }
0x195: {  	v16 =	vmax.f32 v16, v18;
	v18 =	vld [tilespmem:$0x3780]  }
0x196: {  	v16 =	vmax.f32 v16, v19;
	v19 =	vld [tilespmem:$0x3800]  }
0x197: {  	v62 =	vld [tilespmem:$0x3880];
	v16 =	vmax.f32 v16, v60  }
0x198: {  	v63 =	vld [tilespmem:$0x3900];
	v16 =	vmax.f32 v16, v61  }
0x199: {  	v16 =	vmax.f32 v16, v17;
	v17 =	vld [tilespmem:$0x3980]  }
0x19a: {  	v16 =	vmax.f32 v16, v18  }
0x19b: {  	v16 =	vmax.f32 v16, v19  }
0x19c: {  	v16 =	vmax.f32 v16, v62  }
0x19d: {  	v16 =	vmax.f32 v16, v63  }
0x19e: {  	s21 =	simm.s32 $0x0;
	v16 =	vmax.f32 v16, v17  }
.LBB2_4:
0x19f: {  	s22 =	smul.u32 $0x50, s21;
	_ =	sdelay $0x1  }
0x1a0: {  	s22 =	sadd.s32 s9, s22  }
0x1a1: {  	s22 =	sshrl.u32 s22, $0x3  }
0x1a2: {  	s23 =	sadd.s32 s5, s22  }
0x1a3: {  	[tilespmem:s20], [sflag:$0x2] =	stream.linear.gather [hbm4b:s23+s20], $0x50, $0x38;
	[tilespmem:$0x1B180] =	vst v63  }
0x1a4: {  	_ =	swait.ge [sflag:s11], $0x50  }
0x1a5: {  	[sflag:s11] =	ssyncset.done $0x0  }
0x1a6: {  	s23 =	sadd.s32 s6, s22;
	[sflag:s11] =	ssyncadd.s32 $0xFFFFFFB0  }
0x1a7: {  	[tilespmem:s12], [sflag:$0x2] =	stream.linear.gather [hbm4b:s23+s20], $0x50, $0x38;
	[tilespmem:$0x1B180] =	vst v63  }
0x1a8: {  	_ =	swait.ge [sflag:s11], $0x50  }
0x1a9: {  	[sflag:s11] =	ssyncset.done $0x0  }
0x1aa: {  	s22 =	sadd.s32 s7, s22;
	[sflag:s11] =	ssyncadd.s32 $0xFFFFFFB0  }
0x1ab: {  	[tilespmem:s13], [sflag:$0x2] =	stream.linear.gather [hbm4b:s22+s20], $0x50, $0x38;
	[tilespmem:$0x1B180] =	vst v63  }
0x1ac: {  	_ =	swait.ge [sflag:s11], $0x50  }
0x1ad: {  	[sflag:s11] =	ssyncset.done $0x0  }
0x1ae: {  	[sflag:s11] =	ssyncadd.s32 $0xFFFFFFB0  }
0x1af: {  	[tilespmem:s15], [sflag:$0x1] =	stream.indirect.gather [hbm4b:s1+s14], $0x80, s20, s14, $0xb8;
	[tilespmem:$0x1B180] =	vst v63  }
0x1b0: {  	_ =	swait.ge [sflag:s16], $0x2800  }
0x1b1: {  	[sflag:s16] =	ssyncset.done $0x0  }
0x1b2: {  	s22 =	simm.s32 $0x0;
	[sflag:s16] =	ssyncadd.s32 $0xFFFFD800  }
.LBB2_5:
0x1b3: {  	s23 =	sshll.u32 s22, $0x4  }
0x1b4: {  	v17 =	vld [tilespmem:s23+$0x100];
	_ =	sdelay $0x4  }
0x1b5: {  	v17 =	vsub.f32 v17, v16;
	_ =	sdelay $0x1  }
0x1b6: {  	v17 =	vmul.f32 $1.442695020e+00, v17;
	_ =	sdelay $0x1  }
0x1b7: {  	(erf) = vpow2.f32 v17;
	_ =	sdelay $0x8  }
0x1b8: {  	v17 =	vpop (erf)  }
0x1b9: {  	[tilespmem:$0x2980] =	vst v17  }
0x1ba: {  	v18 =	vld [tilespmem:s23+$0x80];
	_ =	sdelay $0x7  }
0x1bb: {  	s23 =	sshll.u32 s22, $0xB;
	[tilespmem:v18+s17+$0x0] =	vst.idx.add.f32.msk $0xffff, v17  }
0x1bc: {  	s23 =	sand.u32 $0x3FFFF800, s23;
	v17 =	vld.msk [tilespmem:s18+$0x0], $0xffff  }
0x1bd: {  	v18 =	vld [tilespmem:s23+$0x180]  }
0x1be: {  	v19 =	vld [tilespmem:s23+$0x190]  }
0x1bf: {  	v20 =	vld [tilespmem:s23+$0x1A0]  }
0x1c0: {  	v21 =	vld [tilespmem:s23+$0x1B0]  }
0x1c1: {  	v22 =	vld [tilespmem:s23+$0x1C0]  }
0x1c2: {  	v23 =	vld [tilespmem:s23+$0x1D0];
	v18 =	vmul.f32 v18, v17  }
0x1c3: {  	v24 =	vld [tilespmem:s23+$0x1E0];
	v19 =	vmul.f32 v19, v17  }
0x1c4: {  	v46 =	vld [tilespmem:s23+$0x1F0];
	[tilespmem:s23+$0x180] =	vst v18;
	v18 =	vmul.f32 v20, v17  }
0x1c5: {  	[tilespmem:s23+$0x190] =	vst v19;
	v19 =	vmul.f32 v21, v17  }
0x1c6: {  	[tilespmem:s23+$0x1A0] =	vst v18;
	v18 =	vmul.f32 v22, v17  }
0x1c7: {  	[tilespmem:s23+$0x1B0] =	vst v19;
	v19 =	vmul.f32 v23, v17  }
0x1c8: {  	[tilespmem:s23+$0x1C0] =	vst v18;
	v18 =	vmul.f32 v24, v17  }
0x1c9: {  	[tilespmem:s23+$0x1D0] =	vst v19;
	v17 =	vmul.f32 v46, v17  }
0x1ca: {  	[tilespmem:s23+$0x1E0] =	vst v18  }
0x1cb: {  	[tilespmem:s23+$0x1F0] =	vst v17;
	v18 =	vld [tilespmem:s23+$0x200]  }
0x1cc: {  	v17 =	vld.idx.msk [tilespmem:v1+s18+$0x0], $0xffff  }
0x1cd: {  	v19 =	vld [tilespmem:s23+$0x210]  }
0x1ce: {  	v47 =	vld [tilespmem:s23+$0x220]  }
0x1cf: {  	v48 =	vld [tilespmem:s23+$0x230]  }
0x1d0: {  	v49 =	vld [tilespmem:s23+$0x240]  }
0x1d1: {  	v50 =	vld [tilespmem:s23+$0x250];
	v18 =	vmul.f32 v18, v17  }
0x1d2: {  	v51 =	vld [tilespmem:s23+$0x260];
	v19 =	vmul.f32 v19, v17  }
0x1d3: {  	v52 =	vld [tilespmem:s23+$0x270];
	[tilespmem:s23+$0x200] =	vst v18;
	v18 =	vmul.f32 v47, v17  }
0x1d4: {  	[tilespmem:s23+$0x210] =	vst v19;
	v19 =	vmul.f32 v48, v17  }
0x1d5: {  	[tilespmem:s23+$0x220] =	vst v18;
	v18 =	vmul.f32 v49, v17  }
0x1d6: {  	[tilespmem:s23+$0x230] =	vst v19;
	v19 =	vmul.f32 v50, v17  }
0x1d7: {  	[tilespmem:s23+$0x240] =	vst v18;
	v18 =	vmul.f32 v51, v17  }
0x1d8: {  	[tilespmem:s23+$0x250] =	vst v19;
	v17 =	vmul.f32 v52, v17  }
0x1d9: {  	[tilespmem:s23+$0x260] =	vst v18  }
0x1da: {  	[tilespmem:s23+$0x270] =	vst v17;
	v18 =	vld [tilespmem:s23+$0x280]  }
0x1db: {  	v17 =	vld.idx.msk [tilespmem:v2+s18+$0x0], $0xffff  }
0x1dc: {  	v19 =	vld [tilespmem:s23+$0x290]  }
0x1dd: {  	v53 =	vld [tilespmem:s23+$0x2A0]  }
0x1de: {  	v54 =	vld [tilespmem:s23+$0x2B0]  }
0x1df: {  	v55 =	vld [tilespmem:s23+$0x2C0]  }
0x1e0: {  	v56 =	vld [tilespmem:s23+$0x2D0];
	v18 =	vmul.f32 v18, v17  }
0x1e1: {  	v57 =	vld [tilespmem:s23+$0x2E0];
	v19 =	vmul.f32 v19, v17  }
0x1e2: {  	v58 =	vld [tilespmem:s23+$0x2F0];
	[tilespmem:s23+$0x280] =	vst v18;
	v18 =	vmul.f32 v53, v17  }
0x1e3: {  	[tilespmem:s23+$0x290] =	vst v19;
	v19 =	vmul.f32 v54, v17  }
0x1e4: {  	[tilespmem:s23+$0x2A0] =	vst v18;
	v18 =	vmul.f32 v55, v17  }
0x1e5: {  	[tilespmem:s23+$0x2B0] =	vst v19;
	v19 =	vmul.f32 v56, v17  }
0x1e6: {  	[tilespmem:s23+$0x2C0] =	vst v18;
	v18 =	vmul.f32 v57, v17  }
0x1e7: {  	[tilespmem:s23+$0x2D0] =	vst v19;
	v17 =	vmul.f32 v58, v17  }
0x1e8: {  	[tilespmem:s23+$0x2E0] =	vst v18  }
0x1e9: {  	[tilespmem:s23+$0x2F0] =	vst v17;
	v18 =	vld [tilespmem:s23+$0x300]  }
0x1ea: {  	v17 =	vld.idx.msk [tilespmem:v3+s18+$0x0], $0xffff  }
0x1eb: {  	v19 =	vld [tilespmem:s23+$0x310]  }
0x1ec: {  	v59 =	vld [tilespmem:s23+$0x320]  }
0x1ed: {  	v60 =	vld [tilespmem:s23+$0x330]  }
0x1ee: {  	v61 =	vld [tilespmem:s23+$0x340]  }
0x1ef: {  	v62 =	vld [tilespmem:s23+$0x350];
	v18 =	vmul.f32 v18, v17  }
0x1f0: {  	v63 =	vld [tilespmem:s23+$0x360];
	v19 =	vmul.f32 v19, v17  }
0x1f1: {  	v28 =	vld [tilespmem:s23+$0x370];
	[tilespmem:s23+$0x300] =	vst v18;
	v18 =	vmul.f32 v59, v17  }
0x1f2: {  	[tilespmem:s23+$0x310] =	vst v19;
	v19 =	vmul.f32 v60, v17  }
0x1f3: {  	[tilespmem:s23+$0x320] =	vst v18;
	v18 =	vmul.f32 v61, v17  }
0x1f4: {  	[tilespmem:s23+$0x330] =	vst v19;
	v19 =	vmul.f32 v62, v17  }
0x1f5: {  	[tilespmem:s23+$0x340] =	vst v18;
	v18 =	vmul.f32 v63, v17  }
0x1f6: {  	[tilespmem:s23+$0x350] =	vst v19;
	v17 =	vmul.f32 v28, v17  }
0x1f7: {  	[tilespmem:s23+$0x360] =	vst v18  }
0x1f8: {  	[tilespmem:s23+$0x370] =	vst v17;
	v18 =	vld [tilespmem:s23+$0x380]  }
0x1f9: {  	v17 =	vld.idx.msk [tilespmem:v4+s18+$0x0], $0xffff  }
0x1fa: {  	v19 =	vld [tilespmem:s23+$0x390]  }
0x1fb: {  	v29 =	vld [tilespmem:s23+$0x3A0]  }
0x1fc: {  	v30 =	vld [tilespmem:s23+$0x3B0]  }
0x1fd: {  	v31 =	vld [tilespmem:s23+$0x3C0]  }
0x1fe: {  	v32 =	vld [tilespmem:s23+$0x3D0];
	v18 =	vmul.f32 v18, v17  }
0x1ff: {  	v33 =	vld [tilespmem:s23+$0x3E0];
	v19 =	vmul.f32 v19, v17  }
0x200: {  	v34 =	vld [tilespmem:s23+$0x3F0];
	[tilespmem:s23+$0x380] =	vst v18;
	v18 =	vmul.f32 v29, v17  }
0x201: {  	[tilespmem:s23+$0x390] =	vst v19;
	v19 =	vmul.f32 v30, v17  }
0x202: {  	[tilespmem:s23+$0x3A0] =	vst v18;
	v18 =	vmul.f32 v31, v17  }
0x203: {  	[tilespmem:s23+$0x3B0] =	vst v19;
	v19 =	vmul.f32 v32, v17  }
0x204: {  	[tilespmem:s23+$0x3C0] =	vst v18;
	v18 =	vmul.f32 v33, v17  }
0x205: {  	[tilespmem:s23+$0x3D0] =	vst v19;
	v17 =	vmul.f32 v34, v17  }
0x206: {  	[tilespmem:s23+$0x3E0] =	vst v18  }
0x207: {  	[tilespmem:s23+$0x3F0] =	vst v17;
	v18 =	vld [tilespmem:s23+$0x400]  }
0x208: {  	v17 =	vld.idx.msk [tilespmem:v5+s18+$0x0], $0xffff  }
0x209: {  	v19 =	vld [tilespmem:s23+$0x410]  }
0x20a: {  	v35 =	vld [tilespmem:s23+$0x420]  }
0x20b: {  	v36 =	vld [tilespmem:s23+$0x430]  }
0x20c: {  	v37 =	vld [tilespmem:s23+$0x440]  }
0x20d: {  	v38 =	vld [tilespmem:s23+$0x450];
	v18 =	vmul.f32 v18, v17  }
0x20e: {  	v39 =	vld [tilespmem:s23+$0x460];
	v19 =	vmul.f32 v19, v17  }
0x20f: {  	v40 =	vld [tilespmem:s23+$0x470];
	[tilespmem:s23+$0x400] =	vst v18;
	v18 =	vmul.f32 v35, v17  }
0x210: {  	[tilespmem:s23+$0x410] =	vst v19;
	v19 =	vmul.f32 v36, v17  }
0x211: {  	[tilespmem:s23+$0x420] =	vst v18;
	v18 =	vmul.f32 v37, v17  }
0x212: {  	[tilespmem:s23+$0x430] =	vst v19;
	v19 =	vmul.f32 v38, v17  }
0x213: {  	[tilespmem:s23+$0x440] =	vst v18;
	v18 =	vmul.f32 v39, v17  }
0x214: {  	[tilespmem:s23+$0x450] =	vst v19;
	v17 =	vmul.f32 v40, v17  }
0x215: {  	[tilespmem:s23+$0x460] =	vst v18  }
0x216: {  	[tilespmem:s23+$0x470] =	vst v17;
	v18 =	vld [tilespmem:s23+$0x480]  }
0x217: {  	v17 =	vld.idx.msk [tilespmem:v6+s18+$0x0], $0xffff  }
0x218: {  	v19 =	vld [tilespmem:s23+$0x490]  }
0x219: {  	v41 =	vld [tilespmem:s23+$0x4A0]  }
0x21a: {  	v42 =	vld [tilespmem:s23+$0x4B0]  }
0x21b: {  	v43 =	vld [tilespmem:s23+$0x4C0]  }
0x21c: {  	v44 =	vld [tilespmem:s23+$0x4D0];
	v18 =	vmul.f32 v18, v17  }
0x21d: {  	v45 =	vld [tilespmem:s23+$0x4E0];
	v19 =	vmul.f32 v19, v17  }
0x21e: {  	v46 =	vld [tilespmem:s23+$0x4F0];
	[tilespmem:s23+$0x480] =	vst v18;
	v18 =	vmul.f32 v41, v17  }
0x21f: {  	[tilespmem:s23+$0x490] =	vst v19;
	v19 =	vmul.f32 v42, v17  }
0x220: {  	[tilespmem:s23+$0x4A0] =	vst v18;
	v18 =	vmul.f32 v43, v17  }
0x221: {  	[tilespmem:s23+$0x4B0] =	vst v19;
	v19 =	vmul.f32 v44, v17  }
0x222: {  	[tilespmem:s23+$0x4C0] =	vst v18;
	v18 =	vmul.f32 v45, v17  }
0x223: {  	[tilespmem:s23+$0x4D0] =	vst v19;
	v17 =	vmul.f32 v46, v17  }
0x224: {  	[tilespmem:s23+$0x4E0] =	vst v18  }
0x225: {  	[tilespmem:s23+$0x4F0] =	vst v17;
	v18 =	vld [tilespmem:s23+$0x500]  }
0x226: {  	v17 =	vld.idx.msk [tilespmem:v7+s18+$0x0], $0xffff  }
0x227: {  	v19 =	vld [tilespmem:s23+$0x510]  }
0x228: {  	v47 =	vld [tilespmem:s23+$0x520]  }
0x229: {  	v48 =	vld [tilespmem:s23+$0x530]  }
0x22a: {  	v49 =	vld [tilespmem:s23+$0x540]  }
0x22b: {  	v50 =	vld [tilespmem:s23+$0x550];
	v18 =	vmul.f32 v18, v17  }
0x22c: {  	v51 =	vld [tilespmem:s23+$0x560];
	v19 =	vmul.f32 v19, v17  }
0x22d: {  	v52 =	vld [tilespmem:s23+$0x570];
	[tilespmem:s23+$0x500] =	vst v18;
	v18 =	vmul.f32 v47, v17  }
0x22e: {  	[tilespmem:s23+$0x510] =	vst v19;
	v19 =	vmul.f32 v48, v17  }
0x22f: {  	[tilespmem:s23+$0x520] =	vst v18;
	v18 =	vmul.f32 v49, v17  }
0x230: {  	[tilespmem:s23+$0x530] =	vst v19;
	v19 =	vmul.f32 v50, v17  }
0x231: {  	[tilespmem:s23+$0x540] =	vst v18;
	v18 =	vmul.f32 v51, v17  }
0x232: {  	[tilespmem:s23+$0x550] =	vst v19;
	v17 =	vmul.f32 v52, v17  }
0x233: {  	[tilespmem:s23+$0x560] =	vst v18  }
0x234: {  	[tilespmem:s23+$0x570] =	vst v17;
	v18 =	vld [tilespmem:s23+$0x580]  }
0x235: {  	v17 =	vld.idx.msk [tilespmem:v8+s18+$0x0], $0xffff  }
0x236: {  	v19 =	vld [tilespmem:s23+$0x590]  }
0x237: {  	v53 =	vld [tilespmem:s23+$0x5A0]  }
0x238: {  	v54 =	vld [tilespmem:s23+$0x5B0]  }
0x239: {  	v55 =	vld [tilespmem:s23+$0x5C0]  }
0x23a: {  	v56 =	vld [tilespmem:s23+$0x5D0];
	v18 =	vmul.f32 v18, v17  }
0x23b: {  	v57 =	vld [tilespmem:s23+$0x5E0];
	v19 =	vmul.f32 v19, v17  }
0x23c: {  	v58 =	vld [tilespmem:s23+$0x5F0];
	[tilespmem:s23+$0x580] =	vst v18;
	v18 =	vmul.f32 v53, v17  }
0x23d: {  	[tilespmem:s23+$0x590] =	vst v19;
	v19 =	vmul.f32 v54, v17  }
0x23e: {  	[tilespmem:s23+$0x5A0] =	vst v18;
	v18 =	vmul.f32 v55, v17  }
0x23f: {  	[tilespmem:s23+$0x5B0] =	vst v19;
	v19 =	vmul.f32 v56, v17  }
0x240: {  	[tilespmem:s23+$0x5C0] =	vst v18;
	v18 =	vmul.f32 v57, v17  }
0x241: {  	[tilespmem:s23+$0x5D0] =	vst v19;
	v17 =	vmul.f32 v58, v17  }
0x242: {  	[tilespmem:s23+$0x5E0] =	vst v18  }
0x243: {  	[tilespmem:s23+$0x5F0] =	vst v17;
	v18 =	vld [tilespmem:s23+$0x600]  }
0x244: {  	v17 =	vld.idx.msk [tilespmem:v9+s18+$0x0], $0xffff  }
0x245: {  	v19 =	vld [tilespmem:s23+$0x610]  }
0x246: {  	v59 =	vld [tilespmem:s23+$0x620]  }
0x247: {  	v60 =	vld [tilespmem:s23+$0x630]  }
0x248: {  	v61 =	vld [tilespmem:s23+$0x640]  }
0x249: {  	v62 =	vld [tilespmem:s23+$0x650];
	v18 =	vmul.f32 v18, v17  }
0x24a: {  	v63 =	vld [tilespmem:s23+$0x660];
	v19 =	vmul.f32 v19, v17  }
0x24b: {  	v27 =	vld [tilespmem:s23+$0x670];
	[tilespmem:s23+$0x600] =	vst v18;
	v18 =	vmul.f32 v59, v17  }
0x24c: {  	[tilespmem:s23+$0x610] =	vst v19;
	v19 =	vmul.f32 v60, v17  }
0x24d: {  	[tilespmem:s23+$0x620] =	vst v18;
	v18 =	vmul.f32 v61, v17  }
0x24e: {  	[tilespmem:s23+$0x630] =	vst v19;
	v19 =	vmul.f32 v62, v17  }
0x24f: {  	[tilespmem:s23+$0x640] =	vst v18;
	v18 =	vmul.f32 v63, v17  }
0x250: {  	[tilespmem:s23+$0x650] =	vst v19;
	v17 =	vmul.f32 v27, v17  }
0x251: {  	[tilespmem:s23+$0x660] =	vst v18  }
0x252: {  	[tilespmem:s23+$0x670] =	vst v17;
	v18 =	vld [tilespmem:s23+$0x680]  }
0x253: {  	v17 =	vld.idx.msk [tilespmem:v10+s18+$0x0], $0xffff  }
0x254: {  	v19 =	vld [tilespmem:s23+$0x690]  }
0x255: {  	v28 =	vld [tilespmem:s23+$0x6A0]  }
0x256: {  	v29 =	vld [tilespmem:s23+$0x6B0]  }
0x257: {  	v30 =	vld [tilespmem:s23+$0x6C0]  }
0x258: {  	v31 =	vld [tilespmem:s23+$0x6D0];
	v18 =	vmul.f32 v18, v17  }
0x259: {  	v32 =	vld [tilespmem:s23+$0x6E0];
	v19 =	vmul.f32 v19, v17  }
0x25a: {  	v33 =	vld [tilespmem:s23+$0x6F0];
	[tilespmem:s23+$0x680] =	vst v18;
	v18 =	vmul.f32 v28, v17  }
0x25b: {  	[tilespmem:s23+$0x690] =	vst v19;
	v19 =	vmul.f32 v29, v17  }
0x25c: {  	[tilespmem:s23+$0x6A0] =	vst v18;
	v18 =	vmul.f32 v30, v17  }
0x25d: {  	[tilespmem:s23+$0x6B0] =	vst v19;
	v19 =	vmul.f32 v31, v17  }
0x25e: {  	[tilespmem:s23+$0x6C0] =	vst v18;
	v18 =	vmul.f32 v32, v17  }
0x25f: {  	[tilespmem:s23+$0x6D0] =	vst v19;
	v17 =	vmul.f32 v33, v17  }
0x260: {  	[tilespmem:s23+$0x6E0] =	vst v18  }
0x261: {  	[tilespmem:s23+$0x6F0] =	vst v17;
	v18 =	vld [tilespmem:s23+$0x700]  }
0x262: {  	v17 =	vld.idx.msk [tilespmem:v11+s18+$0x0], $0xffff  }
0x263: {  	v19 =	vld [tilespmem:s23+$0x710]  }
0x264: {  	v34 =	vld [tilespmem:s23+$0x720]  }
0x265: {  	v35 =	vld [tilespmem:s23+$0x730]  }
0x266: {  	v36 =	vld [tilespmem:s23+$0x740]  }
0x267: {  	v37 =	vld [tilespmem:s23+$0x750];
	v18 =	vmul.f32 v18, v17  }
0x268: {  	v38 =	vld [tilespmem:s23+$0x760];
	v19 =	vmul.f32 v19, v17  }
0x269: {  	v39 =	vld [tilespmem:s23+$0x770];
	[tilespmem:s23+$0x700] =	vst v18;
	v18 =	vmul.f32 v34, v17  }
0x26a: {  	[tilespmem:s23+$0x710] =	vst v19;
	v19 =	vmul.f32 v35, v17  }
0x26b: {  	[tilespmem:s23+$0x720] =	vst v18;
	v18 =	vmul.f32 v36, v17  }
0x26c: {  	[tilespmem:s23+$0x730] =	vst v19;
	v19 =	vmul.f32 v37, v17  }
0x26d: {  	[tilespmem:s23+$0x740] =	vst v18;
	v18 =	vmul.f32 v38, v17  }
0x26e: {  	[tilespmem:s23+$0x750] =	vst v19;
	v17 =	vmul.f32 v39, v17  }
0x26f: {  	[tilespmem:s23+$0x760] =	vst v18  }
0x270: {  	[tilespmem:s23+$0x770] =	vst v17;
	v18 =	vld [tilespmem:s23+$0x780]  }
0x271: {  	v17 =	vld.idx.msk [tilespmem:v12+s18+$0x0], $0xffff  }
0x272: {  	v19 =	vld [tilespmem:s23+$0x790]  }
0x273: {  	v40 =	vld [tilespmem:s23+$0x7A0]  }
0x274: {  	v41 =	vld [tilespmem:s23+$0x7B0]  }
0x275: {  	v42 =	vld [tilespmem:s23+$0x7C0]  }
0x276: {  	v43 =	vld [tilespmem:s23+$0x7D0];
	v18 =	vmul.f32 v18, v17  }
0x277: {  	v44 =	vld [tilespmem:s23+$0x7E0];
	v19 =	vmul.f32 v19, v17  }
0x278: {  	v45 =	vld [tilespmem:s23+$0x7F0];
	[tilespmem:s23+$0x780] =	vst v18;
	v18 =	vmul.f32 v40, v17  }
0x279: {  	[tilespmem:s23+$0x790] =	vst v19;
	v19 =	vmul.f32 v41, v17  }
0x27a: {  	[tilespmem:s23+$0x7A0] =	vst v18;
	v18 =	vmul.f32 v42, v17  }
0x27b: {  	[tilespmem:s23+$0x7B0] =	vst v19;
	v19 =	vmul.f32 v43, v17  }
0x27c: {  	[tilespmem:s23+$0x7C0] =	vst v18;
	v18 =	vmul.f32 v44, v17  }
0x27d: {  	[tilespmem:s23+$0x7D0] =	vst v19;
	v17 =	vmul.f32 v45, v17  }
0x27e: {  	[tilespmem:s23+$0x7E0] =	vst v18  }
0x27f: {  	[tilespmem:s23+$0x7F0] =	vst v17;
	v18 =	vld [tilespmem:s23+$0x800]  }
0x280: {  	v17 =	vld.idx.msk [tilespmem:v13+s18+$0x0], $0xffff  }
0x281: {  	v19 =	vld [tilespmem:s23+$0x810]  }
0x282: {  	v46 =	vld [tilespmem:s23+$0x820]  }
0x283: {  	v47 =	vld [tilespmem:s23+$0x830]  }
0x284: {  	v48 =	vld [tilespmem:s23+$0x840]  }
0x285: {  	v49 =	vld [tilespmem:s23+$0x850];
	v18 =	vmul.f32 v18, v17  }
0x286: {  	v50 =	vld [tilespmem:s23+$0x860];
	v19 =	vmul.f32 v19, v17  }
0x287: {  	v51 =	vld [tilespmem:s23+$0x870];
	[tilespmem:s23+$0x800] =	vst v18;
	v18 =	vmul.f32 v46, v17  }
0x288: {  	[tilespmem:s23+$0x810] =	vst v19;
	v19 =	vmul.f32 v47, v17  }
0x289: {  	[tilespmem:s23+$0x820] =	vst v18;
	v18 =	vmul.f32 v48, v17  }
0x28a: {  	[tilespmem:s23+$0x830] =	vst v19;
	v19 =	vmul.f32 v49, v17  }
0x28b: {  	[tilespmem:s23+$0x840] =	vst v18;
	v18 =	vmul.f32 v50, v17  }
0x28c: {  	[tilespmem:s23+$0x850] =	vst v19;
	v17 =	vmul.f32 v51, v17  }
0x28d: {  	[tilespmem:s23+$0x860] =	vst v18  }
0x28e: {  	[tilespmem:s23+$0x870] =	vst v17;
	v18 =	vld [tilespmem:s23+$0x880]  }
0x28f: {  	v17 =	vld.idx.msk [tilespmem:v14+s18+$0x0], $0xffff  }
0x290: {  	v19 =	vld [tilespmem:s23+$0x890]  }
0x291: {  	v52 =	vld [tilespmem:s23+$0x8A0]  }
0x292: {  	v53 =	vld [tilespmem:s23+$0x8B0]  }
0x293: {  	v54 =	vld [tilespmem:s23+$0x8C0]  }
0x294: {  	v55 =	vld [tilespmem:s23+$0x8D0];
	v18 =	vmul.f32 v18, v17  }
0x295: {  	v56 =	vld [tilespmem:s23+$0x8E0];
	v19 =	vmul.f32 v19, v17  }
0x296: {  	v57 =	vld [tilespmem:s23+$0x8F0];
	[tilespmem:s23+$0x880] =	vst v18;
	v18 =	vmul.f32 v52, v17  }
0x297: {  	[tilespmem:s23+$0x890] =	vst v19;
	v19 =	vmul.f32 v53, v17  }
0x298: {  	[tilespmem:s23+$0x8A0] =	vst v18;
	v18 =	vmul.f32 v54, v17  }
0x299: {  	[tilespmem:s23+$0x8B0] =	vst v19;
	v19 =	vmul.f32 v55, v17  }
0x29a: {  	[tilespmem:s23+$0x8C0] =	vst v18;
	v18 =	vmul.f32 v56, v17  }
0x29b: {  	[tilespmem:s23+$0x8D0] =	vst v19;
	v17 =	vmul.f32 v57, v17  }
0x29c: {  	[tilespmem:s23+$0x8E0] =	vst v18  }
0x29d: {  	[tilespmem:s23+$0x8F0] =	vst v17;
	v18 =	vld [tilespmem:s23+$0x900]  }
0x29e: {  	v17 =	vld.idx.msk [tilespmem:v15+s18+$0x0], $0xffff  }
0x29f: {  	v19 =	vld [tilespmem:s23+$0x910]  }
0x2a0: {  	v58 =	vld [tilespmem:s23+$0x920]  }
0x2a1: {  	v59 =	vld [tilespmem:s23+$0x930]  }
0x2a2: {  	v60 =	vld [tilespmem:s23+$0x940]  }
0x2a3: {  	v61 =	vld [tilespmem:s23+$0x950];
	v18 =	vmul.f32 v18, v17  }
0x2a4: {  	v62 =	vld [tilespmem:s23+$0x960];
	v19 =	vmul.f32 v19, v17  }
0x2a5: {  	v63 =	vld [tilespmem:s23+$0x970];
	[tilespmem:s23+$0x900] =	vst v18;
	v18 =	vmul.f32 v58, v17  }
0x2a6: {  	[tilespmem:s23+$0x910] =	vst v19;
	v19 =	vmul.f32 v59, v17  }
0x2a7: {  	p0 =	sne.s32 s22, $0x4;
	[tilespmem:s23+$0x920] =	vst v18;
	v18 =	vmul.f32 v60, v17  }
.Ltmp1:
0x2a8: {  	[tilespmem:s23+$0x930] =	vst v19;
	v19 =	vmul.f32 v61, v17;
	(pc) =	sbr.rel @p0 .LBB2_5-.Ltmp1, $4  }
0x2a9: {  	[tilespmem:s23+$0x940] =	vst v18;
	v18 =	vmul.f32 v62, v17  }
0x2aa: {  	[tilespmem:s23+$0x950] =	vst v19;
	v17 =	vmul.f32 v63, v17  }
0x2ab: {  	[tilespmem:s23+$0x960] =	vst v18  }
0x2ac: {  	s22 =	sadd.s32 $0x1, s22;
	[tilespmem:s23+$0x970] =	vst v17  }
0x2ad: {  	s21 =	sadd.s32 $0x1, s21  }
0x2ae: {  	p0 =	sne.s32 s21, $0x7D  }
.Ltmp2:
0x2af: {  	_ = 	snop;
	(pc) =	sbr.rel @p0 .LBB2_4-.Ltmp2, $4  }
0x2b0: {  	[spmem:s2] =	stream.indirect.scatter.add.f32 [tilespmem:s15], [sflag:$0x2], $0x80, s12, s14, $0xb8;
	[tilespmem:$0x1B180] =	vst v63  }
0x2b1: {  	_ =	swait.ge [sflag:s11], $0x2800  }
0x2b2: {  	[sflag:s11] =	ssyncset.done $0x0  }
0x2b3: {  	[sflag:s11] =	ssyncadd.s32 $0xFFFFD800  }
0x2b4: {  	[bflag:$0x0] =	sbarrier.arrive $0xFFFF  }
0x2b5: {  	s21 =	simm.s32 $0x400;
	s20 =	rddreg [dreg:$0x5]  }
0x2b6: {  	[hbm4b:s20+s12] =	stream.strided.scatter [tilespmem:s17], [sflag:$0x2], $0x2780, s21, s12, $0x38;
	[tilespmem:$0x1B180] =	vst v63  }
0x2b7: {  	_ =	swait.ge [sflag:s11], $0x2780  }
0x2b8: {  	[sflag:s11] =	ssyncset.done $0x0  }
0x2b9: {  	[sflag:s11] =	ssyncadd.s32 $0xFFFFD880  }
0x2ba: {  	[tilespmem:s15], [sflag:$0x2] =	stream.linear.gather [spmem:s10], $0x1000, $0x38;
	[tilespmem:$0x1B180] =	vst v63  }
0x2bb: {  	_ =	swait.ge [sflag:s11], $0x1000  }
0x2bc: {  	[sflag:s11] =	ssyncset.done $0x0  }
0x2bd: {  	s23 =	sadd.s32 $0x0, s25;
	[sflag:s11] =	ssyncadd.s32 $0xFFFFF000  }
0x2be: {  	[hbm4b:s23+s3] =	stream.linear.scatter [tilespmem:s15], [sflag:$0x2], $0x1000, $0x38;
	[tilespmem:$0x1B180] =	vst v63  }
0x2bf: {  	_ =	swait.ge [sflag:s11], $0x1000  }
0x2c0: {  	s20 =	simm.s32 $0x200;
	s21 =	smov.u32 s10;
	[sflag:s11] =	ssyncset.done $0x0  }
.LBB2_8:
0x2c1: {  	p0 =	sne.s32 s20, $0x2600;
	[sflag:s11] =	ssyncadd.s32 $0xFFFFF000;
	s21 =	sadd.s32 $0x1000, s21  }
0x2c2: {  	[tilespmem:s15], [sflag:$0x2] =	stream.linear.gather [spmem:s21], $0x1000, $0x38;
	[tilespmem:$0x1B180] =	vst v63  }
0x2c3: {  	s22 =	smov.u32 s20;
	s20 =	sadd.s32 $0x200, s20;
	_ =	swait.ge [sflag:s11], $0x1000  }
.Ltmp3:
0x2c4: {  	[sflag:s11] =	ssyncset.done $0x0;
	(pc) =	sbr.rel @p0 .LBB2_8-.Ltmp3, $4  }
0x2c5: {  	s22 =	sadd.s32 s22, s25;
	[sflag:s11] =	ssyncadd.s32 $0xFFFFF000  }
0x2c6: {  	[hbm4b:s22+s3] =	stream.linear.scatter [tilespmem:s15], [sflag:$0x2], $0x1000, $0x38;
	[tilespmem:$0x1B180] =	vst v63  }
0x2c7: {  	_ =	swait.ge [sflag:s11], $0x1000  }
0x2c8: {  	[sflag:s11] =	ssyncset.done $0x0  }
0x2c9: {  	s19 =	sadd.s32 $0x1, s19;
	s20 =	rddreg [dreg:$0x6]  }
0x2ca: {  	p0 =	sne.s32 s19, s20  }
.Ltmp4:
0x2cb: {  	_ = 	snop;
	(pc) =	sbr.rel @p0 .LBB2_1-.Ltmp4, $2  }
0x2cc: {  	_ =	sdelay $0x2  }
0x2cd: {  	[sflag:s11] =	ssyncadd.s32 $0xFFFFF000  }
0x2ce: {  	_ =	sfence.sel $0x180000  }
0x2cf: {  	[bflag:$0x0] =	sbarrier.arrive $0xFFFF  }
0x2d0: {  	_ =	strace $0x9000004A  }
0x2d1: {  	s0 =	stileid.u32;
	[bflag:$0x2] =	sbarrier.arrive $0xFFFF  }
0x2d2: {  	p0 =	sne.s32 s0, $0x0;
	s0 =	rddreg [dreg:$0x3]  }
0x2d3: {  	s0 =	sadd.s32 @!p0 $0x100000, s0  }
0x2d4: {  	[sflag:s0] =	ssyncadd.tile.s32 @!p0 $0x1;
	_ =	shalt  }
.Lfunc_end2:
_tile_overlayer_lowered:
.L_overlay_start_2:
0x2d5: {  	(tag) =	ssettag $0x2  }
0x2d6: {  	s0 =	rddreg [dreg:$0x0];
	s2 =	stileid.u32  }
0x2d7: {  	s1 =	rddreg [dreg:$0x1];
	p0 =	sne.s32 s2, $0x0  }
0x2d8: {  	s3 =	rddreg [dreg:$0x2];
	[bflag:$0x3] =	sbarrier.arrive $0xFFFF;
	s2 =	simm.s32 @!p0 $0x1C02  }
0x2d9: {  	[timem:s3], [sflag:s2] =	dma.local @!p0 [hbm:s0], s1  }
0x2da: {  	s0 =	simm.s32 @!p0 $0x2  }
0x2db: {  	_ =	swait.ge @!p0 [sflag:s0], s1  }
0x2dc: {  	s1 =	ssub.s32 @!p0 $0x0, s1;
	[sflag:s0] =	ssyncset.done @!p0 $0x0  }
0x2dd: {  	[sflag:s0] =	ssyncadd.s32 @!p0 s1  }
0x2de: {  	[bflag:$0x3] =	sbarrier.arrive $0xFFFF  }
0x2df: {  	_ =	shalt  }

</sc_bundles>
